<compile_context>
chip_gen: v7x
topology: tpu7x:2x2x1
jax: 0.10.2.dev20260603
libtpu: 0.0.44.dev20260713+nightly
codegen_flags: <defaults>
</compile_context>

<pallas_src>
import functools

import jax
import jax.numpy as jnp
from jax import lax
from jax.experimental import pallas as pl
from jax.experimental.pallas import tpu as pltpu
from jax.experimental.pallas import tpu_sc as plsc

HID = 768
B = 1024
L = 128
EPS = 1e-12
LANES = 16
NC = 2
NS = 16
NW = NC * NS
TPW = L // NW
CHUNK = 32
MROWS = 8
NCHUNK = B // CHUNK
NCHUNK_SHIFT = NCHUNK.bit_length() - 1
TOTAL = TPW * NCHUNK
NBUF = 4
BPW_MASK = B // NW
VECS = HID // LANES
OUT_COLS = L + L * HID


@functools.partial(
    pl.kernel,
    out_type=jax.ShapeDtypeStruct((B, OUT_COLS), jnp.float32),
    mesh=plsc.VectorSubcoreMesh(core_axis_name="c", subcore_axis_name="s"),
    compiler_params=pltpu.CompilerParams(needs_layout_passes=False),
    scratch_types=[
        pltpu.VMEM((TOTAL, CHUNK), jnp.int32),
        pltpu.VMEM((CHUNK, HID), jnp.float32),
        pltpu.VMEM((CHUNK, HID), jnp.float32),
        pltpu.VMEM((CHUNK, HID), jnp.float32),
        pltpu.VMEM((CHUNK, HID), jnp.float32),
        pltpu.VMEM((TPW, HID), jnp.float32),
        pltpu.VMEM((HID,), jnp.float32),
        pltpu.VMEM((HID,), jnp.float32),
        pltpu.VMEM((CHUNK, LANES), jnp.float32),
        pltpu.VMEM((CHUNK, LANES), jnp.float32),
        pltpu.SMEM((CHUNK,), jnp.float32),
        pltpu.SMEM((CHUNK,), jnp.float32),
        pltpu.VMEM((MROWS, L), jnp.int32),
        pltpu.VMEM((MROWS, L), jnp.float32),
        pltpu.SemaphoreType.DMA,
        pltpu.SemaphoreType.DMA,
        pltpu.SemaphoreType.DMA,
        pltpu.SemaphoreType.DMA,
        pltpu.SemaphoreType.DMA,
        pltpu.SemaphoreType.DMA,
        pltpu.SemaphoreType.DMA,
        pltpu.SemaphoreType.DMA,
    ],
)
def _embed_ln(ids_t_hbm, mask_hbm, word_hbm, base_hbm, gamma_hbm, beta_hbm,
              out_hbm, idx_v, rows0, rows1, rows2, rows3, base_v, g_v, b_v,
              st_s, st_q, av_v, cv_v, mi_v, mf_v,
              gs0, gs1, gs2, gs3, ss0, ss1, ss2, ss3):
    cid = lax.axis_index("c")
    sid = lax.axis_index("s")
    w = sid * NC + cid
    iota = jnp.arange(LANES, dtype=jnp.int32)
    ROWS = [rows0, rows1, rows2, rows3]
    GS = [gs0, gs1, gs2, gs3]
    SS = [ss0, ss1, ss2, ss3]

    mb0 = w * BPW_MASK
    for h in range(BPW_MASK // MROWS):
        pltpu.sync_copy(mask_hbm.at[pl.ds(mb0 + h * MROWS, MROWS)], mi_v)

        @plsc.parallel_loop(0, MROWS, 1)
        def _mask_row(r):
            for c in range(L // LANES):
                sl = pl.ds(c * LANES, LANES)
                mf_v[r, sl] = mi_v[r, sl].astype(jnp.float32)
        pltpu.sync_copy(
            mf_v, out_hbm.at[pl.ds(mb0 + h * MROWS, MROWS), pl.ds(0, L)])

    pltpu.sync_copy(gamma_hbm, g_v)
    pltpu.sync_copy(beta_hbm, b_v)
    pltpu.sync_copy(ids_t_hbm.at[pl.ds(w * TOTAL, TOTAL)], idx_v)
    pltpu.sync_copy(base_hbm.at[pl.ds(w * TPW, TPW)], base_v)

    def out_slab(j):
        t_loc = j >> NCHUNK_SHIFT
        ck = j & (NCHUNK - 1)
        col0 = L + (w * TPW + t_loc) * HID
        return out_hbm.at[pl.ds(ck * CHUNK, CHUNK), pl.ds(col0, HID)]

    pltpu.async_copy(rows3, out_slab(TOTAL - 1), SS[3])
    for p in range(NBUF - 1):
        pltpu.async_copy(word_hbm.at[idx_v.at[p]], ROWS[p], GS[p])

    def compute_chunk(rows_v, t_loc):
        def p1_row(r, cr):
            z = jnp.zeros((LANES,), jnp.float32)

            def _elem(c, acc):
                a0, q0 = acc
                sl = pl.ds(pl.multiple_of(c * LANES, LANES), LANES)
                x = rows_v[r, sl] + base_v[t_loc, sl]
                return (a0 + x, q0 + x * x)

            a0, q0 = plsc.parallel_loop(
                0, VECS, 1, unroll=4, carry=(z, z))(_elem)
            st_s[r, :] = a0
            st_q[r, :] = q0
            return cr

        lax.fori_loop(0, CHUNK, p1_row, 0)

        @plsc.parallel_loop(0, CHUNK // LANES, 1)
        def _stats(g):
            r0 = g * LANES
            ridx = r0 + iota
            ssum = jnp.zeros((LANES,), jnp.float32)
            qsum = jnp.zeros((LANES,), jnp.float32)
            for c in range(LANES):
                cc = jnp.full((LANES,), c, jnp.int32)
                ssum = ssum + plsc.load_gather(st_s, [ridx, cc])
                qsum = qsum + plsc.load_gather(st_q, [ridx, cc])
            m = ssum * (1.0 / HID)
            q = qsum * (1.0 / HID)
            v = q - m * m + EPS
            iv = lax.bitcast_convert_type(v, jnp.int32)
            iv = jnp.int32(0x5F3759DF) - lax.shift_right_logical(iv, 1)
            y = lax.bitcast_convert_type(iv, jnp.float32)
            for _ in range(3):
                y = y * (1.5 - 0.5 * v * y * y)
            cshift = 0.0 - m * y
            for k in range(LANES):
                av_v[r0 + k] = y[k]
                cv_v[r0 + k] = cshift[k]

        def p2_cb(cb, cc2):
            sl = pl.ds(pl.multiple_of(cb * LANES, LANES), LANES)
            bc = base_v[t_loc, sl]
            gv = g_v[sl]
            bv = b_v[sl]

            @plsc.parallel_loop(0, CHUNK, 1, unroll=4)
            def _p2_row(r):
                a = av_v[r]
                c0 = cv_v[r]
                x = rows_v[r, sl] + bc
                tt = x * a + c0
                rows_v[r, sl] = tt * gv + bv

            return cc2

        lax.fori_loop(0, VECS, p2_cb, 0)

    def outer(g, carry):
        for i in range(NBUF):
            j = g * NBUF + i
            b = i
            bp = (b + NBUF - 1) % NBUF
            pltpu.make_async_copy(
                word_hbm.at[idx_v.at[j]], ROWS[b], GS[b]).wait()
            compute_chunk(ROWS[b], j >> NCHUNK_SHIFT)
            pltpu.async_copy(ROWS[b], out_slab(j), SS[b])
            jm = (j + TOTAL - 1) & (TOTAL - 1)
            pltpu.make_async_copy(ROWS[bp], out_slab(jm), SS[bp]).wait()
            jn = jnp.minimum(j + NBUF - 1, TOTAL - 1)
            pltpu.async_copy(word_hbm.at[idx_v.at[jn]], ROWS[bp], GS[bp])
        return carry

    lax.fori_loop(0, TOTAL // NBUF, outer, 0)

    pltpu.make_async_copy(ROWS[3], out_slab(TOTAL - 1), SS[3]).wait()
    for p in range(NBUF - 1):
        pltpu.make_async_copy(
            word_hbm.at[idx_v.at[TOTAL - 1]], ROWS[p], GS[p]).wait()


def kernel(input, word_embeddings, position_embeddings, token_type_embeddings,
           ln_gamma, ln_beta):
    ids = input[:, 0, :].astype(jnp.int32)
    mask = input[:, 1, :].astype(jnp.int32)
    ids_t = ids.T.reshape(L * NCHUNK, CHUNK)
    base = position_embeddings[:L] + token_type_embeddings[0][None, :]
    return _embed_ln(ids_t, mask, word_embeddings, base, ln_gamma, ln_beta)

# --- scband reference (transcript-rebuilt; emitter-appended) ---
"""Pipeline reference for scband-client-net-87411174408813 (READ-ONLY COPY).

The authoritative reference and input builder live on the scoring server;
editing this copy changes nothing except your own understanding.
"""

import jax, jax.numpy as jnp
import numpy as np

VOCAB = 30522
MAX_POS = 512
HID = 768
B = 1024
L = 128
EPS = 1e-12


def setup_inputs(seed: int = 0) -> dict:
    key = jax.random.key(seed)
    k1, k2, k3, k4 = jax.random.split(key, 4)
    inp = jax.random.randint(k1, (B, 2, L), 0, VOCAB, dtype=jnp.int64) if jax.config.jax_enable_x64 else jax.random.randint(k1, (B, 2, L), 0, VOCAB, dtype=jnp.int32)
    word_embeddings = jax.random.normal(k2, (VOCAB, HID), dtype=jnp.float32) * 0.02
    position_embeddings = jax.random.normal(k3, (MAX_POS, HID), dtype=jnp.float32) * 0.02
    token_type_embeddings = jax.random.normal(k4, (2, HID), dtype=jnp.float32) * 0.02
    ln_gamma = jnp.ones((HID,), dtype=jnp.float32)
    ln_beta = jnp.zeros((HID,), dtype=jnp.float32)
    return {
        "input": inp,
        "word_embeddings": word_embeddings,
        "position_embeddings": position_embeddings,
        "token_type_embeddings": token_type_embeddings,
        "ln_gamma": ln_gamma,
        "ln_beta": ln_beta,
    }


def _layer_norm(x, gamma, beta):
    mean = jnp.mean(x, axis=-1, keepdims=True)
    var = jnp.mean(jnp.square(x - mean), axis=-1, keepdims=True)
    return (x - mean) / jnp.sqrt(var + EPS) * gamma + beta


def reference(input, word_embeddings, position_embeddings, token_type_embeddings, ln_gamma, ln_beta):
    input_ids = input[:, 0, :]
    attention_mask = input[:, 1, :].astype(jnp.float32)
    seq_len = input_ids.shape[1]
    # BERT embeddings: word + position + token_type (all-zero token types), then LayerNorm
    word_emb = jnp.take(word_embeddings, input_ids, axis=0)
    pos_emb = position_embeddings[:seq_len][None, :, :]
    tok_emb = token_type_embeddings[0][None, None, :]
    emb = word_emb + pos_emb + tok_emb
    emb = _layer_norm(emb, ln_gamma, ln_beta)
    # dropout is identity in eval mode
    flat = emb.reshape(emb.shape[0], -1)
    out = jnp.concatenate([attention_mask, flat], axis=1)
    return out

if __name__ == "__main__":
    import jax
    _d = setup_inputs()
    print(jax.jit(kernel)(*tuple(_d.values())))

</pallas_src>

<mosaic_0001>
#map = affine_map<(d0, d1) -> (0, 0)>
#map1 = affine_map<(d0, d1) -> (0)>
module attributes {stable_mosaic.version = 14 : i64} {
  func.func @_embed_ln(%arg0: i32, %arg1: i32, %arg2: memref<4096x32xi32, #tpu.memory_space<hbm>>, %arg3: memref<1024x128xi32, #tpu.memory_space<hbm>>, %arg4: memref<30522x768xf32, #tpu.memory_space<hbm>>, %arg5: memref<128x768xf32, #tpu.memory_space<hbm>>, %arg6: memref<768xf32, #tpu.memory_space<hbm>>, %arg7: memref<768xf32, #tpu.memory_space<hbm>>, %arg8: memref<1024x98432xf32, #tpu.memory_space<hbm>>, %arg9: memref<128x32xi32, #tpu.memory_space<vmem>>, %arg10: memref<32x768xf32, #tpu.memory_space<vmem>>, %arg11: memref<32x768xf32, #tpu.memory_space<vmem>>, %arg12: memref<32x768xf32, #tpu.memory_space<vmem>>, %arg13: memref<32x768xf32, #tpu.memory_space<vmem>>, %arg14: memref<4x768xf32, #tpu.memory_space<vmem>>, %arg15: memref<768xf32, #tpu.memory_space<vmem>>, %arg16: memref<768xf32, #tpu.memory_space<vmem>>, %arg17: memref<32x16xf32, #tpu.memory_space<vmem>>, %arg18: memref<32x16xf32, #tpu.memory_space<vmem>>, %arg19: memref<32xf32, #tpu.memory_space<smem>>, %arg20: memref<32xf32, #tpu.memory_space<smem>>, %arg21: memref<8x128xi32, #tpu.memory_space<vmem>>, %arg22: memref<8x128xf32, #tpu.memory_space<vmem>>, %arg23: memref<!tpu.dma_semaphore, #tpu.memory_space<semaphore_mem>>, %arg24: memref<!tpu.dma_semaphore, #tpu.memory_space<semaphore_mem>>, %arg25: memref<!tpu.dma_semaphore, #tpu.memory_space<semaphore_mem>>, %arg26: memref<!tpu.dma_semaphore, #tpu.memory_space<semaphore_mem>>, %arg27: memref<!tpu.dma_semaphore, #tpu.memory_space<semaphore_mem>>, %arg28: memref<!tpu.dma_semaphore, #tpu.memory_space<semaphore_mem>>, %arg29: memref<!tpu.dma_semaphore, #tpu.memory_space<semaphore_mem>>, %arg30: memref<!tpu.dma_semaphore, #tpu.memory_space<semaphore_mem>>) attributes {dimension_semantics = [#tpu.dimension_semantics<core_parallel>, #tpu.dimension_semantics<subcore_parallel>], iteration_bounds = array<i64: 2, 16>, scalar_prefetch = 0 : i64, scratch_operands = 22 : i64, tpu.core_type = #tpu.core_type<sc_vector_subcore>, window_params = [{transform_indices = #map}, {transform_indices = #map}, {transform_indices = #map}, {transform_indices = #map}, {transform_indices = #map1}, {transform_indices = #map1}, {transform_indices = #map}]} {
    %mul3A = arith.constant 2 : i32
    %mul3A_0 = arith.muli %arg1, %mul3A : i32
    %add3A = arith.addi %mul3A_0, %arg0 : i32
    %iota3A = tpu.iota {dimensions = array<i32: 0>} : vector<16xi32>
    %mul3A_1 = arith.constant 32 : i32
    %mul3A_2 = arith.muli %add3A, %mul3A_1 : i32
    %add3A_3 = arith.constant 0 : i32
    %add3A_4 = arith.addi %mul3A_2, %add3A_3 : i32
    "tpu.region"() ({
      %run_scoped3A = tpu.sem_alloc : memref<!tpu.dma_semaphore, #tpu.memory_space<semaphore_mem>>
      %dma_start3A_103 = arith.constant 0 : i32
      %dma_start3A_104 = tpu.memref_slice %arg3[%add3A_4, %dma_start3A_103] : memref<1024x128xi32, #tpu.memory_space<hbm>> -> memref<8x128xi32, #tpu.memory_space<hbm>>
      %dma_start3A_105 = arith.constant 0 : i32
      %dma_start3A_106 = tpu.memref_slice %arg3[%add3A_4, %dma_start3A_105] : memref<1024x128xi32, #tpu.memory_space<hbm>> -> memref<8x128xi32, #tpu.memory_space<hbm>>
      tpu.enqueue_dma source(%dma_start3A_106 : memref<8x128xi32, #tpu.memory_space<hbm>>) target(%arg21 : memref<8x128xi32, #tpu.memory_space<vmem>>) target_semaphore(%run_scoped3A : memref<!tpu.dma_semaphore, #tpu.memory_space<semaphore_mem>>)
      %dma_wait3A_107 = arith.constant 0 : i32
      %dma_wait3A_108 = tpu.memref_slice %arg3[%add3A_4, %dma_wait3A_107] : memref<1024x128xi32, #tpu.memory_space<hbm>> -> memref<8x128xi32, #tpu.memory_space<hbm>>
      %dma_wait3A_109 = arith.constant 0 : i32
      %dma_wait3A_110 = tpu.memref_slice %arg3[%add3A_4, %dma_wait3A_109] : memref<1024x128xi32, #tpu.memory_space<hbm>> -> memref<8x128xi32, #tpu.memory_space<hbm>>
      tpu.wait_dma2 semaphore(%run_scoped3A : memref<!tpu.dma_semaphore, #tpu.memory_space<semaphore_mem>>) src(%dma_wait3A_110 : memref<8x128xi32, #tpu.memory_space<hbm>>) dst(%arg21 : memref<8x128xi32, #tpu.memory_space<vmem>>)
      tpu.yield
    }) : () -> ()
    %parallel_loop3A = arith.constant 0 : i32
    %parallel_loop3A_5 = arith.constant 8 : i32
    %parallel_loop3A_6 = arith.constant 1 : i32
    scf.for %parallel_loop3A_103 = %parallel_loop3A to %parallel_loop3A_5 step %parallel_loop3A_6  : i32 {
      %parallel_loop3A_104 = arith.index_cast %parallel_loop3A_103 : i32 to index
      %parallel_loop3A_105 = arith.constant 0 : index
      %parallel_loop3A_106 = tpu.vector_load %arg21[%parallel_loop3A_104, %parallel_loop3A_105] {strides = array<i32>} : memref<8x128xi32, #tpu.memory_space<vmem>>, vector<16xi32>,
      %parallel_loop3A_107 = arith.sitofp %parallel_loop3A_106 : vector<16xi32> to vector<16xf32>
      %parallel_loop3A_108 = arith.index_cast %parallel_loop3A_103 : i32 to index
      %parallel_loop3A_109 = arith.constant 0 : index
      %parallel_loop3A_110 = tpu.vector_load %arg22[%parallel_loop3A_108, %parallel_loop3A_109] {strides = array<i32>} : memref<8x128xf32, #tpu.memory_space<vmem>>, vector<16xf32>,
      tpu.vector_store %arg22[%parallel_loop3A_108, %parallel_loop3A_109], %parallel_loop3A_107 {strides = array<i32>} : memref<8x128xf32, #tpu.memory_space<vmem>>, vector<16xf32>,
      %parallel_loop3A_111 = arith.index_cast %parallel_loop3A_103 : i32 to index
      %parallel_loop3A_112 = arith.constant 16 : index
      %parallel_loop3A_113 = tpu.vector_load %arg21[%parallel_loop3A_111, %parallel_loop3A_112] {strides = array<i32>} : memref<8x128xi32, #tpu.memory_space<vmem>>, vector<16xi32>,
      %parallel_loop3A_114 = arith.sitofp %parallel_loop3A_113 : vector<16xi32> to vector<16xf32>
      %parallel_loop3A_115 = arith.index_cast %parallel_loop3A_103 : i32 to index
      %parallel_loop3A_116 = arith.constant 16 : index
      %parallel_loop3A_117 = tpu.vector_load %arg22[%parallel_loop3A_115, %parallel_loop3A_116] {strides = array<i32>} : memref<8x128xf32, #tpu.memory_space<vmem>>, vector<16xf32>,
      tpu.vector_store %arg22[%parallel_loop3A_115, %parallel_loop3A_116], %parallel_loop3A_114 {strides = array<i32>} : memref<8x128xf32, #tpu.memory_space<vmem>>, vector<16xf32>,
      %parallel_loop3A_118 = arith.index_cast %parallel_loop3A_103 : i32 to index
      %parallel_loop3A_119 = arith.constant 32 : index
      %parallel_loop3A_120 = tpu.vector_load %arg21[%parallel_loop3A_118, %parallel_loop3A_119] {strides = array<i32>} : memref<8x128xi32, #tpu.memory_space<vmem>>, vector<16xi32>,
      %parallel_loop3A_121 = arith.sitofp %parallel_loop3A_120 : vector<16xi32> to vector<16xf32>
      %parallel_loop3A_122 = arith.index_cast %parallel_loop3A_103 : i32 to index
      %parallel_loop3A_123 = arith.constant 32 : index
      %parallel_loop3A_124 = tpu.vector_load %arg22[%parallel_loop3A_122, %parallel_loop3A_123] {strides = array<i32>} : memref<8x128xf32, #tpu.memory_space<vmem>>, vector<16xf32>,
      tpu.vector_store %arg22[%parallel_loop3A_122, %parallel_loop3A_123], %parallel_loop3A_121 {strides = array<i32>} : memref<8x128xf32, #tpu.memory_space<vmem>>, vector<16xf32>,
      %parallel_loop3A_125 = arith.index_cast %parallel_loop3A_103 : i32 to index
      %parallel_loop3A_126 = arith.constant 48 : index
      %parallel_loop3A_127 = tpu.vector_load %arg21[%parallel_loop3A_125, %parallel_loop3A_126] {strides = array<i32>} : memref<8x128xi32, #tpu.memory_space<vmem>>, vector<16xi32>,
      %parallel_loop3A_128 = arith.sitofp %parallel_loop3A_127 : vector<16xi32> to vector<16xf32>
      %parallel_loop3A_129 = arith.index_cast %parallel_loop3A_103 : i32 to index
      %parallel_loop3A_130 = arith.constant 48 : index
      %parallel_loop3A_131 = tpu.vector_load %arg22[%parallel_loop3A_129, %parallel_loop3A_130] {strides = array<i32>} : memref<8x128xf32, #tpu.memory_space<vmem>>, vector<16xf32>,
      tpu.vector_store %arg22[%parallel_loop3A_129, %parallel_loop3A_130], %parallel_loop3A_128 {strides = array<i32>} : memref<8x128xf32, #tpu.memory_space<vmem>>, vector<16xf32>,
      %parallel_loop3A_132 = arith.index_cast %parallel_loop3A_103 : i32 to index
      %parallel_loop3A_133 = arith.constant 64 : index
      %parallel_loop3A_134 = tpu.vector_load %arg21[%parallel_loop3A_132, %parallel_loop3A_133] {strides = array<i32>} : memref<8x128xi32, #tpu.memory_space<vmem>>, vector<16xi32>,
      %parallel_loop3A_135 = arith.sitofp %parallel_loop3A_134 : vector<16xi32> to vector<16xf32>
      %parallel_loop3A_136 = arith.index_cast %parallel_loop3A_103 : i32 to index
      %parallel_loop3A_137 = arith.constant 64 : index
      %parallel_loop3A_138 = tpu.vector_load %arg22[%parallel_loop3A_136, %parallel_loop3A_137] {strides = array<i32>} : memref<8x128xf32, #tpu.memory_space<vmem>>, vector<16xf32>,
      tpu.vector_store %arg22[%parallel_loop3A_136, %parallel_loop3A_137], %parallel_loop3A_135 {strides = array<i32>} : memref<8x128xf32, #tpu.memory_space<vmem>>, vector<16xf32>,
      %parallel_loop3A_139 = arith.index_cast %parallel_loop3A_103 : i32 to index
      %parallel_loop3A_140 = arith.constant 80 : index
      %parallel_loop3A_141 = tpu.vector_load %arg21[%parallel_loop3A_139, %parallel_loop3A_140] {strides = array<i32>} : memref<8x128xi32, #tpu.memory_space<vmem>>, vector<16xi32>,
      %parallel_loop3A_142 = arith.sitofp %parallel_loop3A_141 : vector<16xi32> to vector<16xf32>
      %parallel_loop3A_143 = arith.index_cast %parallel_loop3A_103 : i32 to index
      %parallel_loop3A_144 = arith.constant 80 : index
      %parallel_loop3A_145 = tpu.vector_load %arg22[%parallel_loop3A_143, %parallel_loop3A_144] {strides = array<i32>} : memref<8x128xf32, #tpu.memory_space<vmem>>, vector<16xf32>,
      tpu.vector_store %arg22[%parallel_loop3A_143, %parallel_loop3A_144], %parallel_loop3A_142 {strides = array<i32>} : memref<8x128xf32, #tpu.memory_space<vmem>>, vector<16xf32>,
      %parallel_loop3A_146 = arith.index_cast %parallel_loop3A_103 : i32 to index
      %parallel_loop3A_147 = arith.constant 96 : index
      %parallel_loop3A_148 = tpu.vector_load %arg21[%parallel_loop3A_146, %parallel_loop3A_147] {strides = array<i32>} : memref<8x128xi32, #tpu.memory_space<vmem>>, vector<16xi32>,
      %parallel_loop3A_149 = arith.sitofp %parallel_loop3A_148 : vector<16xi32> to vector<16xf32>
      %parallel_loop3A_150 = arith.index_cast %parallel_loop3A_103 : i32 to index
      %parallel_loop3A_151 = arith.constant 96 : index
      %parallel_loop3A_152 = tpu.vector_load %arg22[%parallel_loop3A_150, %parallel_loop3A_151] {strides = array<i32>} : memref<8x128xf32, #tpu.memory_space<vmem>>, vector<16xf32>,
      tpu.vector_store %arg22[%parallel_loop3A_150, %parallel_loop3A_151], %parallel_loop3A_149 {strides = array<i32>} : memref<8x128xf32, #tpu.memory_space<vmem>>, vector<16xf32>,
      %parallel_loop3A_153 = arith.index_cast %parallel_loop3A_103 : i32 to index
      %parallel_loop3A_154 = arith.constant 112 : index
      %parallel_loop3A_155 = tpu.vector_load %arg21[%parallel_loop3A_153, %parallel_loop3A_154] {strides = array<i32>} : memref<8x128xi32, #tpu.memory_space<vmem>>, vector<16xi32>,
      %parallel_loop3A_156 = arith.sitofp %parallel_loop3A_155 : vector<16xi32> to vector<16xf32>
      %parallel_loop3A_157 = arith.index_cast %parallel_loop3A_103 : i32 to index
      %parallel_loop3A_158 = arith.constant 112 : index
      %parallel_loop3A_159 = tpu.vector_load %arg22[%parallel_loop3A_157, %parallel_loop3A_158] {strides = array<i32>} : memref<8x128xf32, #tpu.memory_space<vmem>>, vector<16xf32>,
      tpu.vector_store %arg22[%parallel_loop3A_157, %parallel_loop3A_158], %parallel_loop3A_156 {strides = array<i32>} : memref<8x128xf32, #tpu.memory_space<vmem>>, vector<16xf32>,
    } {sc.loop_unroll_factor = 1 : i64, sc.parallel_access}
    %add3A_7 = arith.constant 0 : i32
    %add3A_8 = arith.addi %mul3A_2, %add3A_7 : i32
    "tpu.region"() ({
      %run_scoped3A = tpu.sem_alloc : memref<!tpu.dma_semaphore, #tpu.memory_space<semaphore_mem>>
      %dma_start3A_103 = arith.constant 0 : i32
      %dma_start3A_104 = tpu.memref_slice %arg8[%add3A_8, %dma_start3A_103] : memref<1024x98432xf32, #tpu.memory_space<hbm>> -> memref<8x128xf32, #tpu.memory_space<hbm>>
      %dma_start3A_105 = arith.constant 0 : i32
      %dma_start3A_106 = tpu.memref_slice %arg8[%add3A_8, %dma_start3A_105] : memref<1024x98432xf32, #tpu.memory_space<hbm>> -> memref<8x128xf32, #tpu.memory_space<hbm>>
      tpu.enqueue_dma source(%arg22 : memref<8x128xf32, #tpu.memory_space<vmem>>) target(%dma_start3A_106 : memref<8x128xf32, #tpu.memory_space<hbm>>) target_semaphore(%run_scoped3A : memref<!tpu.dma_semaphore, #tpu.memory_space<semaphore_mem>>)
      %dma_wait3A_107 = arith.constant 0 : i32
      %dma_wait3A_108 = tpu.memref_slice %arg8[%add3A_8, %dma_wait3A_107] : memref<1024x98432xf32, #tpu.memory_space<hbm>> -> memref<8x128xf32, #tpu.memory_space<hbm>>
      %dma_wait3A_109 = arith.constant 0 : i32
      %dma_wait3A_110 = tpu.memref_slice %arg8[%add3A_8, %dma_wait3A_109] : memref<1024x98432xf32, #tpu.memory_space<hbm>> -> memref<8x128xf32, #tpu.memory_space<hbm>>
      tpu.wait_dma2 semaphore(%run_scoped3A : memref<!tpu.dma_semaphore, #tpu.memory_space<semaphore_mem>>) src(%arg22 : memref<8x128xf32, #tpu.memory_space<vmem>>) dst(%dma_wait3A_110 : memref<8x128xf32, #tpu.memory_space<hbm>>)
      tpu.yield
    }) : () -> ()
    %add3A_9 = arith.constant 8 : i32
    %add3A_10 = arith.addi %mul3A_2, %add3A_9 : i32
    "tpu.region"() ({
      %run_scoped3A = tpu.sem_alloc : memref<!tpu.dma_semaphore, #tpu.memory_space<semaphore_mem>>
      %dma_start3A_103 = arith.constant 0 : i32
      %dma_start3A_104 = tpu.memref_slice %arg3[%add3A_10, %dma_start3A_103] : memref<1024x128xi32, #tpu.memory_space<hbm>> -> memref<8x128xi32, #tpu.memory_space<hbm>>
      %dma_start3A_105 = arith.constant 0 : i32
      %dma_start3A_106 = tpu.memref_slice %arg3[%add3A_10, %dma_start3A_105] : memref<1024x128xi32, #tpu.memory_space<hbm>> -> memref<8x128xi32, #tpu.memory_space<hbm>>
      tpu.enqueue_dma source(%dma_start3A_106 : memref<8x128xi32, #tpu.memory_space<hbm>>) target(%arg21 : memref<8x128xi32, #tpu.memory_space<vmem>>) target_semaphore(%run_scoped3A : memref<!tpu.dma_semaphore, #tpu.memory_space<semaphore_mem>>)
      %dma_wait3A_107 = arith.constant 0 : i32
      %dma_wait3A_108 = tpu.memref_slice %arg3[%add3A_10, %dma_wait3A_107] : memref<1024x128xi32, #tpu.memory_space<hbm>> -> memref<8x128xi32, #tpu.memory_space<hbm>>
      %dma_wait3A_109 = arith.constant 0 : i32
      %dma_wait3A_110 = tpu.memref_slice %arg3[%add3A_10, %dma_wait3A_109] : memref<1024x128xi32, #tpu.memory_space<hbm>> -> memref<8x128xi32, #tpu.memory_space<hbm>>
      tpu.wait_dma2 semaphore(%run_scoped3A : memref<!tpu.dma_semaphore, #tpu.memory_space<semaphore_mem>>) src(%dma_wait3A_110 : memref<8x128xi32, #tpu.memory_space<hbm>>) dst(%arg21 : memref<8x128xi32, #tpu.memory_space<vmem>>)
      tpu.yield
    }) : () -> ()
    %parallel_loop3A_11 = arith.constant 0 : i32
    %parallel_loop3A_12 = arith.constant 8 : i32
    %parallel_loop3A_13 = arith.constant 1 : i32
    scf.for %parallel_loop3A_103 = %parallel_loop3A_11 to %parallel_loop3A_12 step %parallel_loop3A_13  : i32 {
      %parallel_loop3A_104 = arith.index_cast %parallel_loop3A_103 : i32 to index
      %parallel_loop3A_105 = arith.constant 0 : index
      %parallel_loop3A_106 = tpu.vector_load %arg21[%parallel_loop3A_104, %parallel_loop3A_105] {strides = array<i32>} : memref<8x128xi32, #tpu.memory_space<vmem>>, vector<16xi32>,
      %parallel_loop3A_107 = arith.sitofp %parallel_loop3A_106 : vector<16xi32> to vector<16xf32>
      %parallel_loop3A_108 = arith.index_cast %parallel_loop3A_103 : i32 to index
      %parallel_loop3A_109 = arith.constant 0 : index
      %parallel_loop3A_110 = tpu.vector_load %arg22[%parallel_loop3A_108, %parallel_loop3A_109] {strides = array<i32>} : memref<8x128xf32, #tpu.memory_space<vmem>>, vector<16xf32>,
      tpu.vector_store %arg22[%parallel_loop3A_108, %parallel_loop3A_109], %parallel_loop3A_107 {strides = array<i32>} : memref<8x128xf32, #tpu.memory_space<vmem>>, vector<16xf32>,
      %parallel_loop3A_111 = arith.index_cast %parallel_loop3A_103 : i32 to index
      %parallel_loop3A_112 = arith.constant 16 : index
      %parallel_loop3A_113 = tpu.vector_load %arg21[%parallel_loop3A_111, %parallel_loop3A_112] {strides = array<i32>} : memref<8x128xi32, #tpu.memory_space<vmem>>, vector<16xi32>,
      %parallel_loop3A_114 = arith.sitofp %parallel_loop3A_113 : vector<16xi32> to vector<16xf32>
      %parallel_loop3A_115 = arith.index_cast %parallel_loop3A_103 : i32 to index
      %parallel_loop3A_116 = arith.constant 16 : index
      %parallel_loop3A_117 = tpu.vector_load %arg22[%parallel_loop3A_115, %parallel_loop3A_116] {strides = array<i32>} : memref<8x128xf32, #tpu.memory_space<vmem>>, vector<16xf32>,
      tpu.vector_store %arg22[%parallel_loop3A_115, %parallel_loop3A_116], %parallel_loop3A_114 {strides = array<i32>} : memref<8x128xf32, #tpu.memory_space<vmem>>, vector<16xf32>,
      %parallel_loop3A_118 = arith.index_cast %parallel_loop3A_103 : i32 to index
      %parallel_loop3A_119 = arith.constant 32 : index
      %parallel_loop3A_120 = tpu.vector_load %arg21[%parallel_loop3A_118, %parallel_loop3A_119] {strides = array<i32>} : memref<8x128xi32, #tpu.memory_space<vmem>>, vector<16xi32>,
      %parallel_loop3A_121 = arith.sitofp %parallel_loop3A_120 : vector<16xi32> to vector<16xf32>
      %parallel_loop3A_122 = arith.index_cast %parallel_loop3A_103 : i32 to index
      %parallel_loop3A_123 = arith.constant 32 : index
      %parallel_loop3A_124 = tpu.vector_load %arg22[%parallel_loop3A_122, %parallel_loop3A_123] {strides = array<i32>} : memref<8x128xf32, #tpu.memory_space<vmem>>, vector<16xf32>,
      tpu.vector_store %arg22[%parallel_loop3A_122, %parallel_loop3A_123], %parallel_loop3A_121 {strides = array<i32>} : memref<8x128xf32, #tpu.memory_space<vmem>>, vector<16xf32>,
      %parallel_loop3A_125 = arith.index_cast %parallel_loop3A_103 : i32 to index
      %parallel_loop3A_126 = arith.constant 48 : index
      %parallel_loop3A_127 = tpu.vector_load %arg21[%parallel_loop3A_125, %parallel_loop3A_126] {strides = array<i32>} : memref<8x128xi32, #tpu.memory_space<vmem>>, vector<16xi32>,
      %parallel_loop3A_128 = arith.sitofp %parallel_loop3A_127 : vector<16xi32> to vector<16xf32>
      %parallel_loop3A_129 = arith.index_cast %parallel_loop3A_103 : i32 to index
      %parallel_loop3A_130 = arith.constant 48 : index
      %parallel_loop3A_131 = tpu.vector_load %arg22[%parallel_loop3A_129, %parallel_loop3A_130] {strides = array<i32>} : memref<8x128xf32, #tpu.memory_space<vmem>>, vector<16xf32>,
      tpu.vector_store %arg22[%parallel_loop3A_129, %parallel_loop3A_130], %parallel_loop3A_128 {strides = array<i32>} : memref<8x128xf32, #tpu.memory_space<vmem>>, vector<16xf32>,
      %parallel_loop3A_132 = arith.index_cast %parallel_loop3A_103 : i32 to index
      %parallel_loop3A_133 = arith.constant 64 : index
      %parallel_loop3A_134 = tpu.vector_load %arg21[%parallel_loop3A_132, %parallel_loop3A_133] {strides = array<i32>} : memref<8x128xi32, #tpu.memory_space<vmem>>, vector<16xi32>,
      %parallel_loop3A_135 = arith.sitofp %parallel_loop3A_134 : vector<16xi32> to vector<16xf32>
      %parallel_loop3A_136 = arith.index_cast %parallel_loop3A_103 : i32 to index
      %parallel_loop3A_137 = arith.constant 64 : index
      %parallel_loop3A_138 = tpu.vector_load %arg22[%parallel_loop3A_136, %parallel_loop3A_137] {strides = array<i32>} : memref<8x128xf32, #tpu.memory_space<vmem>>, vector<16xf32>,
      tpu.vector_store %arg22[%parallel_loop3A_136, %parallel_loop3A_137], %parallel_loop3A_135 {strides = array<i32>} : memref<8x128xf32, #tpu.memory_space<vmem>>, vector<16xf32>,
      %parallel_loop3A_139 = arith.index_cast %parallel_loop3A_103 : i32 to index
      %parallel_loop3A_140 = arith.constant 80 : index
      %parallel_loop3A_141 = tpu.vector_load %arg21[%parallel_loop3A_139, %parallel_loop3A_140] {strides = array<i32>} : memref<8x128xi32, #tpu.memory_space<vmem>>, vector<16xi32>,
      %parallel_loop3A_142 = arith.sitofp %parallel_loop3A_141 : vector<16xi32> to vector<16xf32>
      %parallel_loop3A_143 = arith.index_cast %parallel_loop3A_103 : i32 to index
      %parallel_loop3A_144 = arith.constant 80 : index
      %parallel_loop3A_145 = tpu.vector_load %arg22[%parallel_loop3A_143, %parallel_loop3A_144] {strides = array<i32>} : memref<8x128xf32, #tpu.memory_space<vmem>>, vector<16xf32>,
      tpu.vector_store %arg22[%parallel_loop3A_143, %parallel_loop3A_144], %parallel_loop3A_142 {strides = array<i32>} : memref<8x128xf32, #tpu.memory_space<vmem>>, vector<16xf32>,
      %parallel_loop3A_146 = arith.index_cast %parallel_loop3A_103 : i32 to index
      %parallel_loop3A_147 = arith.constant 96 : index
      %parallel_loop3A_148 = tpu.vector_load %arg21[%parallel_loop3A_146, %parallel_loop3A_147] {strides = array<i32>} : memref<8x128xi32, #tpu.memory_space<vmem>>, vector<16xi32>,
      %parallel_loop3A_149 = arith.sitofp %parallel_loop3A_148 : vector<16xi32> to vector<16xf32>
      %parallel_loop3A_150 = arith.index_cast %parallel_loop3A_103 : i32 to index
      %parallel_loop3A_151 = arith.constant 96 : index
      %parallel_loop3A_152 = tpu.vector_load %arg22[%parallel_loop3A_150, %parallel_loop3A_151] {strides = array<i32>} : memref<8x128xf32, #tpu.memory_space<vmem>>, vector<16xf32>,
      tpu.vector_store %arg22[%parallel_loop3A_150, %parallel_loop3A_151], %parallel_loop3A_149 {strides = array<i32>} : memref<8x128xf32, #tpu.memory_space<vmem>>, vector<16xf32>,
      %parallel_loop3A_153 = arith.index_cast %parallel_loop3A_103 : i32 to index
      %parallel_loop3A_154 = arith.constant 112 : index
      %parallel_loop3A_155 = tpu.vector_load %arg21[%parallel_loop3A_153, %parallel_loop3A_154] {strides = array<i32>} : memref<8x128xi32, #tpu.memory_space<vmem>>, vector<16xi32>,
      %parallel_loop3A_156 = arith.sitofp %parallel_loop3A_155 : vector<16xi32> to vector<16xf32>
      %parallel_loop3A_157 = arith.index_cast %parallel_loop3A_103 : i32 to index
      %parallel_loop3A_158 = arith.constant 112 : index
      %parallel_loop3A_159 = tpu.vector_load %arg22[%parallel_loop3A_157, %parallel_loop3A_158] {strides = array<i32>} : memref<8x128xf32, #tpu.memory_space<vmem>>, vector<16xf32>,
      tpu.vector_store %arg22[%parallel_loop3A_157, %parallel_loop3A_158], %parallel_loop3A_156 {strides = array<i32>} : memref<8x128xf32, #tpu.memory_space<vmem>>, vector<16xf32>,
    } {sc.loop_unroll_factor = 1 : i64, sc.parallel_access}
    %add3A_14 = arith.constant 8 : i32
    %add3A_15 = arith.addi %mul3A_2, %add3A_14 : i32
    "tpu.region"() ({
      %run_scoped3A = tpu.sem_alloc : memref<!tpu.dma_semaphore, #tpu.memory_space<semaphore_mem>>
      %dma_start3A_103 = arith.constant 0 : i32
      %dma_start3A_104 = tpu.memref_slice %arg8[%add3A_15, %dma_start3A_103] : memref<1024x98432xf32, #tpu.memory_space<hbm>> -> memref<8x128xf32, #tpu.memory_space<hbm>>
      %dma_start3A_105 = arith.constant 0 : i32
      %dma_start3A_106 = tpu.memref_slice %arg8[%add3A_15, %dma_start3A_105] : memref<1024x98432xf32, #tpu.memory_space<hbm>> -> memref<8x128xf32, #tpu.memory_space<hbm>>
      tpu.enqueue_dma source(%arg22 : memref<8x128xf32, #tpu.memory_space<vmem>>) target(%dma_start3A_106 : memref<8x128xf32, #tpu.memory_space<hbm>>) target_semaphore(%run_scoped3A : memref<!tpu.dma_semaphore, #tpu.memory_space<semaphore_mem>>)
      %dma_wait3A_107 = arith.constant 0 : i32
      %dma_wait3A_108 = tpu.memref_slice %arg8[%add3A_15, %dma_wait3A_107] : memref<1024x98432xf32, #tpu.memory_space<hbm>> -> memref<8x128xf32, #tpu.memory_space<hbm>>
      %dma_wait3A_109 = arith.constant 0 : i32
      %dma_wait3A_110 = tpu.memref_slice %arg8[%add3A_15, %dma_wait3A_109] : memref<1024x98432xf32, #tpu.memory_space<hbm>> -> memref<8x128xf32, #tpu.memory_space<hbm>>
      tpu.wait_dma2 semaphore(%run_scoped3A : memref<!tpu.dma_semaphore, #tpu.memory_space<semaphore_mem>>) src(%arg22 : memref<8x128xf32, #tpu.memory_space<vmem>>) dst(%dma_wait3A_110 : memref<8x128xf32, #tpu.memory_space<hbm>>)
      tpu.yield
    }) : () -> ()
    %add3A_16 = arith.constant 16 : i32
    %add3A_17 = arith.addi %mul3A_2, %add3A_16 : i32
    "tpu.region"() ({
      %run_scoped3A = tpu.sem_alloc : memref<!tpu.dma_semaphore, #tpu.memory_space<semaphore_mem>>
      %dma_start3A_103 = arith.constant 0 : i32
      %dma_start3A_104 = tpu.memref_slice %arg3[%add3A_17, %dma_start3A_103] : memref<1024x128xi32, #tpu.memory_space<hbm>> -> memref<8x128xi32, #tpu.memory_space<hbm>>
      %dma_start3A_105 = arith.constant 0 : i32
      %dma_start3A_106 = tpu.memref_slice %arg3[%add3A_17, %dma_start3A_105] : memref<1024x128xi32, #tpu.memory_space<hbm>> -> memref<8x128xi32, #tpu.memory_space<hbm>>
      tpu.enqueue_dma source(%dma_start3A_106 : memref<8x128xi32, #tpu.memory_space<hbm>>) target(%arg21 : memref<8x128xi32, #tpu.memory_space<vmem>>) target_semaphore(%run_scoped3A : memref<!tpu.dma_semaphore, #tpu.memory_space<semaphore_mem>>)
      %dma_wait3A_107 = arith.constant 0 : i32
      %dma_wait3A_108 = tpu.memref_slice %arg3[%add3A_17, %dma_wait3A_107] : memref<1024x128xi32, #tpu.memory_space<hbm>> -> memref<8x128xi32, #tpu.memory_space<hbm>>
      %dma_wait3A_109 = arith.constant 0 : i32
      %dma_wait3A_110 = tpu.memref_slice %arg3[%add3A_17, %dma_wait3A_109] : memref<1024x128xi32, #tpu.memory_space<hbm>> -> memref<8x128xi32, #tpu.memory_space<hbm>>
      tpu.wait_dma2 semaphore(%run_scoped3A : memref<!tpu.dma_semaphore, #tpu.memory_space<semaphore_mem>>) src(%dma_wait3A_110 : memref<8x128xi32, #tpu.memory_space<hbm>>) dst(%arg21 : memref<8x128xi32, #tpu.memory_space<vmem>>)
      tpu.yield
    }) : () -> ()
    %parallel_loop3A_18 = arith.constant 0 : i32
    %parallel_loop3A_19 = arith.constant 8 : i32
    %parallel_loop3A_20 = arith.constant 1 : i32
    scf.for %parallel_loop3A_103 = %parallel_loop3A_18 to %parallel_loop3A_19 step %parallel_loop3A_20  : i32 {
      %parallel_loop3A_104 = arith.index_cast %parallel_loop3A_103 : i32 to index
      %parallel_loop3A_105 = arith.constant 0 : index
      %parallel_loop3A_106 = tpu.vector_load %arg21[%parallel_loop3A_104, %parallel_loop3A_105] {strides = array<i32>} : memref<8x128xi32, #tpu.memory_space<vmem>>, vector<16xi32>,
      %parallel_loop3A_107 = arith.sitofp %parallel_loop3A_106 : vector<16xi32> to vector<16xf32>
      %parallel_loop3A_108 = arith.index_cast %parallel_loop3A_103 : i32 to index
      %parallel_loop3A_109 = arith.constant 0 : index
      %parallel_loop3A_110 = tpu.vector_load %arg22[%parallel_loop3A_108, %parallel_loop3A_109] {strides = array<i32>} : memref<8x128xf32, #tpu.memory_space<vmem>>, vector<16xf32>,
      tpu.vector_store %arg22[%parallel_loop3A_108, %parallel_loop3A_109], %parallel_loop3A_107 {strides = array<i32>} : memref<8x128xf32, #tpu.memory_space<vmem>>, vector<16xf32>,
      %parallel_loop3A_111 = arith.index_cast %parallel_loop3A_103 : i32 to index
      %parallel_loop3A_112 = arith.constant 16 : index
      %parallel_loop3A_113 = tpu.vector_load %arg21[%parallel_loop3A_111, %parallel_loop3A_112] {strides = array<i32>} : memref<8x128xi32, #tpu.memory_space<vmem>>, vector<16xi32>,
      %parallel_loop3A_114 = arith.sitofp %parallel_loop3A_113 : vector<16xi32> to vector<16xf32>
      %parallel_loop3A_115 = arith.index_cast %parallel_loop3A_103 : i32 to index
      %parallel_loop3A_116 = arith.constant 16 : index
      %parallel_loop3A_117 = tpu.vector_load %arg22[%parallel_loop3A_115, %parallel_loop3A_116] {strides = array<i32>} : memref<8x128xf32, #tpu.memory_space<vmem>>, vector<16xf32>,
      tpu.vector_store %arg22[%parallel_loop3A_115, %parallel_loop3A_116], %parallel_loop3A_114 {strides = array<i32>} : memref<8x128xf32, #tpu.memory_space<vmem>>, vector<16xf32>,
      %parallel_loop3A_118 = arith.index_cast %parallel_loop3A_103 : i32 to index
      %parallel_loop3A_119 = arith.constant 32 : index
      %parallel_loop3A_120 = tpu.vector_load %arg21[%parallel_loop3A_118, %parallel_loop3A_119] {strides = array<i32>} : memref<8x128xi32, #tpu.memory_space<vmem>>, vector<16xi32>,
      %parallel_loop3A_121 = arith.sitofp %parallel_loop3A_120 : vector<16xi32> to vector<16xf32>
      %parallel_loop3A_122 = arith.index_cast %parallel_loop3A_103 : i32 to index
      %parallel_loop3A_123 = arith.constant 32 : index
      %parallel_loop3A_124 = tpu.vector_load %arg22[%parallel_loop3A_122, %parallel_loop3A_123] {strides = array<i32>} : memref<8x128xf32, #tpu.memory_space<vmem>>, vector<16xf32>,
      tpu.vector_store %arg22[%parallel_loop3A_122, %parallel_loop3A_123], %parallel_loop3A_121 {strides = array<i32>} : memref<8x128xf32, #tpu.memory_space<vmem>>, vector<16xf32>,
      %parallel_loop3A_125 = arith.index_cast %parallel_loop3A_103 : i32 to index
      %parallel_loop3A_126 = arith.constant 48 : index
      %parallel_loop3A_127 = tpu.vector_load %arg21[%parallel_loop3A_125, %parallel_loop3A_126] {strides = array<i32>} : memref<8x128xi32, #tpu.memory_space<vmem>>, vector<16xi32>,
      %parallel_loop3A_128 = arith.sitofp %parallel_loop3A_127 : vector<16xi32> to vector<16xf32>
      %parallel_loop3A_129 = arith.index_cast %parallel_loop3A_103 : i32 to index
      %parallel_loop3A_130 = arith.constant 48 : index
      %parallel_loop3A_131 = tpu.vector_load %arg22[%parallel_loop3A_129, %parallel_loop3A_130] {strides = array<i32>} : memref<8x128xf32, #tpu.memory_space<vmem>>, vector<16xf32>,
      tpu.vector_store %arg22[%parallel_loop3A_129, %parallel_loop3A_130], %parallel_loop3A_128 {strides = array<i32>} : memref<8x128xf32, #tpu.memory_space<vmem>>, vector<16xf32>,
      %parallel_loop3A_132 = arith.index_cast %parallel_loop3A_103 : i32 to index
      %parallel_loop3A_133 = arith.constant 64 : index
      %parallel_loop3A_134 = tpu.vector_load %arg21[%parallel_loop3A_132, %parallel_loop3A_133] {strides = array<i32>} : memref<8x128xi32, #tpu.memory_space<vmem>>, vector<16xi32>,
      %parallel_loop3A_135 = arith.sitofp %parallel_loop3A_134 : vector<16xi32> to vector<16xf32>
      %parallel_loop3A_136 = arith.index_cast %parallel_loop3A_103 : i32 to index
      %parallel_loop3A_137 = arith.constant 64 : index
      %parallel_loop3A_138 = tpu.vector_load %arg22[%parallel_loop3A_136, %parallel_loop3A_137] {strides = array<i32>} : memref<8x128xf32, #tpu.memory_space<vmem>>, vector<16xf32>,
      tpu.vector_store %arg22[%parallel_loop3A_136, %parallel_loop3A_137], %parallel_loop3A_135 {strides = array<i32>} : memref<8x128xf32, #tpu.memory_space<vmem>>, vector<16xf32>,
      %parallel_loop3A_139 = arith.index_cast %parallel_loop3A_103 : i32 to index
      %parallel_loop3A_140 = arith.constant 80 : index
      %parallel_loop3A_141 = tpu.vector_load %arg21[%parallel_loop3A_139, %parallel_loop3A_140] {strides = array<i32>} : memref<8x128xi32, #tpu.memory_space<vmem>>, vector<16xi32>,
      %parallel_loop3A_142 = arith.sitofp %parallel_loop3A_141 : vector<16xi32> to vector<16xf32>
      %parallel_loop3A_143 = arith.index_cast %parallel_loop3A_103 : i32 to index
      %parallel_loop3A_144 = arith.constant 80 : index
      %parallel_loop3A_145 = tpu.vector_load %arg22[%parallel_loop3A_143, %parallel_loop3A_144] {strides = array<i32>} : memref<8x128xf32, #tpu.memory_space<vmem>>, vector<16xf32>,
      tpu.vector_store %arg22[%parallel_loop3A_143, %parallel_loop3A_144], %parallel_loop3A_142 {strides = array<i32>} : memref<8x128xf32, #tpu.memory_space<vmem>>, vector<16xf32>,
      %parallel_loop3A_146 = arith.index_cast %parallel_loop3A_103 : i32 to index
      %parallel_loop3A_147 = arith.constant 96 : index
      %parallel_loop3A_148 = tpu.vector_load %arg21[%parallel_loop3A_146, %parallel_loop3A_147] {strides = array<i32>} : memref<8x128xi32, #tpu.memory_space<vmem>>, vector<16xi32>,
      %parallel_loop3A_149 = arith.sitofp %parallel_loop3A_148 : vector<16xi32> to vector<16xf32>
      %parallel_loop3A_150 = arith.index_cast %parallel_loop3A_103 : i32 to index
      %parallel_loop3A_151 = arith.constant 96 : index
      %parallel_loop3A_152 = tpu.vector_load %arg22[%parallel_loop3A_150, %parallel_loop3A_151] {strides = array<i32>} : memref<8x128xf32, #tpu.memory_space<vmem>>, vector<16xf32>,
      tpu.vector_store %arg22[%parallel_loop3A_150, %parallel_loop3A_151], %parallel_loop3A_149 {strides = array<i32>} : memref<8x128xf32, #tpu.memory_space<vmem>>, vector<16xf32>,
      %parallel_loop3A_153 = arith.index_cast %parallel_loop3A_103 : i32 to index
      %parallel_loop3A_154 = arith.constant 112 : index
      %parallel_loop3A_155 = tpu.vector_load %arg21[%parallel_loop3A_153, %parallel_loop3A_154] {strides = array<i32>} : memref<8x128xi32, #tpu.memory_space<vmem>>, vector<16xi32>,
      %parallel_loop3A_156 = arith.sitofp %parallel_loop3A_155 : vector<16xi32> to vector<16xf32>
      %parallel_loop3A_157 = arith.index_cast %parallel_loop3A_103 : i32 to index
      %parallel_loop3A_158 = arith.constant 112 : index
      %parallel_loop3A_159 = tpu.vector_load %arg22[%parallel_loop3A_157, %parallel_loop3A_158] {strides = array<i32>} : memref<8x128xf32, #tpu.memory_space<vmem>>, vector<16xf32>,
      tpu.vector_store %arg22[%parallel_loop3A_157, %parallel_loop3A_158], %parallel_loop3A_156 {strides = array<i32>} : memref<8x128xf32, #tpu.memory_space<vmem>>, vector<16xf32>,
    } {sc.loop_unroll_factor = 1 : i64, sc.parallel_access}
    %add3A_21 = arith.constant 16 : i32
    %add3A_22 = arith.addi %mul3A_2, %add3A_21 : i32
    "tpu.region"() ({
      %run_scoped3A = tpu.sem_alloc : memref<!tpu.dma_semaphore, #tpu.memory_space<semaphore_mem>>
      %dma_start3A_103 = arith.constant 0 : i32
      %dma_start3A_104 = tpu.memref_slice %arg8[%add3A_22, %dma_start3A_103] : memref<1024x98432xf32, #tpu.memory_space<hbm>> -> memref<8x128xf32, #tpu.memory_space<hbm>>
      %dma_start3A_105 = arith.constant 0 : i32
      %dma_start3A_106 = tpu.memref_slice %arg8[%add3A_22, %dma_start3A_105] : memref<1024x98432xf32, #tpu.memory_space<hbm>> -> memref<8x128xf32, #tpu.memory_space<hbm>>
      tpu.enqueue_dma source(%arg22 : memref<8x128xf32, #tpu.memory_space<vmem>>) target(%dma_start3A_106 : memref<8x128xf32, #tpu.memory_space<hbm>>) target_semaphore(%run_scoped3A : memref<!tpu.dma_semaphore, #tpu.memory_space<semaphore_mem>>)
      %dma_wait3A_107 = arith.constant 0 : i32
      %dma_wait3A_108 = tpu.memref_slice %arg8[%add3A_22, %dma_wait3A_107] : memref<1024x98432xf32, #tpu.memory_space<hbm>> -> memref<8x128xf32, #tpu.memory_space<hbm>>
      %dma_wait3A_109 = arith.constant 0 : i32
      %dma_wait3A_110 = tpu.memref_slice %arg8[%add3A_22, %dma_wait3A_109] : memref<1024x98432xf32, #tpu.memory_space<hbm>> -> memref<8x128xf32, #tpu.memory_space<hbm>>
      tpu.wait_dma2 semaphore(%run_scoped3A : memref<!tpu.dma_semaphore, #tpu.memory_space<semaphore_mem>>) src(%arg22 : memref<8x128xf32, #tpu.memory_space<vmem>>) dst(%dma_wait3A_110 : memref<8x128xf32, #tpu.memory_space<hbm>>)
      tpu.yield
    }) : () -> ()
    %add3A_23 = arith.constant 24 : i32
    %add3A_24 = arith.addi %mul3A_2, %add3A_23 : i32
    "tpu.region"() ({
      %run_scoped3A = tpu.sem_alloc : memref<!tpu.dma_semaphore, #tpu.memory_space<semaphore_mem>>
      %dma_start3A_103 = arith.constant 0 : i32
      %dma_start3A_104 = tpu.memref_slice %arg3[%add3A_24, %dma_start3A_103] : memref<1024x128xi32, #tpu.memory_space<hbm>> -> memref<8x128xi32, #tpu.memory_space<hbm>>
      %dma_start3A_105 = arith.constant 0 : i32
      %dma_start3A_106 = tpu.memref_slice %arg3[%add3A_24, %dma_start3A_105] : memref<1024x128xi32, #tpu.memory_space<hbm>> -> memref<8x128xi32, #tpu.memory_space<hbm>>
      tpu.enqueue_dma source(%dma_start3A_106 : memref<8x128xi32, #tpu.memory_space<hbm>>) target(%arg21 : memref<8x128xi32, #tpu.memory_space<vmem>>) target_semaphore(%run_scoped3A : memref<!tpu.dma_semaphore, #tpu.memory_space<semaphore_mem>>)
      %dma_wait3A_107 = arith.constant 0 : i32
      %dma_wait3A_108 = tpu.memref_slice %arg3[%add3A_24, %dma_wait3A_107] : memref<1024x128xi32, #tpu.memory_space<hbm>> -> memref<8x128xi32, #tpu.memory_space<hbm>>
      %dma_wait3A_109 = arith.constant 0 : i32
      %dma_wait3A_110 = tpu.memref_slice %arg3[%add3A_24, %dma_wait3A_109] : memref<1024x128xi32, #tpu.memory_space<hbm>> -> memref<8x128xi32, #tpu.memory_space<hbm>>
      tpu.wait_dma2 semaphore(%run_scoped3A : memref<!tpu.dma_semaphore, #tpu.memory_space<semaphore_mem>>) src(%dma_wait3A_110 : memref<8x128xi32, #tpu.memory_space<hbm>>) dst(%arg21 : memref<8x128xi32, #tpu.memory_space<vmem>>)
      tpu.yield
    }) : () -> ()
    %parallel_loop3A_25 = arith.constant 0 : i32
    %parallel_loop3A_26 = arith.constant 8 : i32
    %parallel_loop3A_27 = arith.constant 1 : i32
    scf.for %parallel_loop3A_103 = %parallel_loop3A_25 to %parallel_loop3A_26 step %parallel_loop3A_27  : i32 {
      %parallel_loop3A_104 = arith.index_cast %parallel_loop3A_103 : i32 to index
      %parallel_loop3A_105 = arith.constant 0 : index
      %parallel_loop3A_106 = tpu.vector_load %arg21[%parallel_loop3A_104, %parallel_loop3A_105] {strides = array<i32>} : memref<8x128xi32, #tpu.memory_space<vmem>>, vector<16xi32>,
      %parallel_loop3A_107 = arith.sitofp %parallel_loop3A_106 : vector<16xi32> to vector<16xf32>
      %parallel_loop3A_108 = arith.index_cast %parallel_loop3A_103 : i32 to index
      %parallel_loop3A_109 = arith.constant 0 : index
      %parallel_loop3A_110 = tpu.vector_load %arg22[%parallel_loop3A_108, %parallel_loop3A_109] {strides = array<i32>} : memref<8x128xf32, #tpu.memory_space<vmem>>, vector<16xf32>,
      tpu.vector_store %arg22[%parallel_loop3A_108, %parallel_loop3A_109], %parallel_loop3A_107 {strides = array<i32>} : memref<8x128xf32, #tpu.memory_space<vmem>>, vector<16xf32>,
      %parallel_loop3A_111 = arith.index_cast %parallel_loop3A_103 : i32 to index
      %parallel_loop3A_112 = arith.constant 16 : index
      %parallel_loop3A_113 = tpu.vector_load %arg21[%parallel_loop3A_111, %parallel_loop3A_112] {strides = array<i32>} : memref<8x128xi32, #tpu.memory_space<vmem>>, vector<16xi32>,
      %parallel_loop3A_114 = arith.sitofp %parallel_loop3A_113 : vector<16xi32> to vector<16xf32>
      %parallel_loop3A_115 = arith.index_cast %parallel_loop3A_103 : i32 to index
      %parallel_loop3A_116 = arith.constant 16 : index
      %parallel_loop3A_117 = tpu.vector_load %arg22[%parallel_loop3A_115, %parallel_loop3A_116] {strides = array<i32>} : memref<8x128xf32, #tpu.memory_space<vmem>>, vector<16xf32>,
      tpu.vector_store %arg22[%parallel_loop3A_115, %parallel_loop3A_116], %parallel_loop3A_114 {strides = array<i32>} : memref<8x128xf32, #tpu.memory_space<vmem>>, vector<16xf32>,
      %parallel_loop3A_118 = arith.index_cast %parallel_loop3A_103 : i32 to index
      %parallel_loop3A_119 = arith.constant 32 : index
      %parallel_loop3A_120 = tpu.vector_load %arg21[%parallel_loop3A_118, %parallel_loop3A_119] {strides = array<i32>} : memref<8x128xi32, #tpu.memory_space<vmem>>, vector<16xi32>,
      %parallel_loop3A_121 = arith.sitofp %parallel_loop3A_120 : vector<16xi32> to vector<16xf32>
      %parallel_loop3A_122 = arith.index_cast %parallel_loop3A_103 : i32 to index
      %parallel_loop3A_123 = arith.constant 32 : index
      %parallel_loop3A_124 = tpu.vector_load %arg22[%parallel_loop3A_122, %parallel_loop3A_123] {strides = array<i32>} : memref<8x128xf32, #tpu.memory_space<vmem>>, vector<16xf32>,
      tpu.vector_store %arg22[%parallel_loop3A_122, %parallel_loop3A_123], %parallel_loop3A_121 {strides = array<i32>} : memref<8x128xf32, #tpu.memory_space<vmem>>, vector<16xf32>,
      %parallel_loop3A_125 = arith.index_cast %parallel_loop3A_103 : i32 to index
      %parallel_loop3A_126 = arith.constant 48 : index
      %parallel_loop3A_127 = tpu.vector_load %arg21[%parallel_loop3A_125, %parallel_loop3A_126] {strides = array<i32>} : memref<8x128xi32, #tpu.memory_space<vmem>>, vector<16xi32>,
      %parallel_loop3A_128 = arith.sitofp %parallel_loop3A_127 : vector<16xi32> to vector<16xf32>
      %parallel_loop3A_129 = arith.index_cast %parallel_loop3A_103 : i32 to index
      %parallel_loop3A_130 = arith.constant 48 : index
      %parallel_loop3A_131 = tpu.vector_load %arg22[%parallel_loop3A_129, %parallel_loop3A_130] {strides = array<i32>} : memref<8x128xf32, #tpu.memory_space<vmem>>, vector<16xf32>,
      tpu.vector_store %arg22[%parallel_loop3A_129, %parallel_loop3A_130], %parallel_loop3A_128 {strides = array<i32>} : memref<8x128xf32, #tpu.memory_space<vmem>>, vector<16xf32>,
      %parallel_loop3A_132 = arith.index_cast %parallel_loop3A_103 : i32 to index
      %parallel_loop3A_133 = arith.constant 64 : index
      %parallel_loop3A_134 = tpu.vector_load %arg21[%parallel_loop3A_132, %parallel_loop3A_133] {strides = array<i32>} : memref<8x128xi32, #tpu.memory_space<vmem>>, vector<16xi32>,
      %parallel_loop3A_135 = arith.sitofp %parallel_loop3A_134 : vector<16xi32> to vector<16xf32>
      %parallel_loop3A_136 = arith.index_cast %parallel_loop3A_103 : i32 to index
      %parallel_loop3A_137 = arith.constant 64 : index
      %parallel_loop3A_138 = tpu.vector_load %arg22[%parallel_loop3A_136, %parallel_loop3A_137] {strides = array<i32>} : memref<8x128xf32, #tpu.memory_space<vmem>>, vector<16xf32>,
      tpu.vector_store %arg22[%parallel_loop3A_136, %parallel_loop3A_137], %parallel_loop3A_135 {strides = array<i32>} : memref<8x128xf32, #tpu.memory_space<vmem>>, vector<16xf32>,
      %parallel_loop3A_139 = arith.index_cast %parallel_loop3A_103 : i32 to index
      %parallel_loop3A_140 = arith.constant 80 : index
      %parallel_loop3A_141 = tpu.vector_load %arg21[%parallel_loop3A_139, %parallel_loop3A_140] {strides = array<i32>} : memref<8x128xi32, #tpu.memory_space<vmem>>, vector<16xi32>,
      %parallel_loop3A_142 = arith.sitofp %parallel_loop3A_141 : vector<16xi32> to vector<16xf32>
      %parallel_loop3A_143 = arith.index_cast %parallel_loop3A_103 : i32 to index
      %parallel_loop3A_144 = arith.constant 80 : index
      %parallel_loop3A_145 = tpu.vector_load %arg22[%parallel_loop3A_143, %parallel_loop3A_144] {strides = array<i32>} : memref<8x128xf32, #tpu.memory_space<vmem>>, vector<16xf32>,
      tpu.vector_store %arg22[%parallel_loop3A_143, %parallel_loop3A_144], %parallel_loop3A_142 {strides = array<i32>} : memref<8x128xf32, #tpu.memory_space<vmem>>, vector<16xf32>,
      %parallel_loop3A_146 = arith.index_cast %parallel_loop3A_103 : i32 to index
      %parallel_loop3A_147 = arith.constant 96 : index
      %parallel_loop3A_148 = tpu.vector_load %arg21[%parallel_loop3A_146, %parallel_loop3A_147] {strides = array<i32>} : memref<8x128xi32, #tpu.memory_space<vmem>>, vector<16xi32>,
      %parallel_loop3A_149 = arith.sitofp %parallel_loop3A_148 : vector<16xi32> to vector<16xf32>
      %parallel_loop3A_150 = arith.index_cast %parallel_loop3A_103 : i32 to index
      %parallel_loop3A_151 = arith.constant 96 : index
      %parallel_loop3A_152 = tpu.vector_load %arg22[%parallel_loop3A_150, %parallel_loop3A_151] {strides = array<i32>} : memref<8x128xf32, #tpu.memory_space<vmem>>, vector<16xf32>,
      tpu.vector_store %arg22[%parallel_loop3A_150, %parallel_loop3A_151], %parallel_loop3A_149 {strides = array<i32>} : memref<8x128xf32, #tpu.memory_space<vmem>>, vector<16xf32>,
      %parallel_loop3A_153 = arith.index_cast %parallel_loop3A_103 : i32 to index
      %parallel_loop3A_154 = arith.constant 112 : index
      %parallel_loop3A_155 = tpu.vector_load %arg21[%parallel_loop3A_153, %parallel_loop3A_154] {strides = array<i32>} : memref<8x128xi32, #tpu.memory_space<vmem>>, vector<16xi32>,
      %parallel_loop3A_156 = arith.sitofp %parallel_loop3A_155 : vector<16xi32> to vector<16xf32>
      %parallel_loop3A_157 = arith.index_cast %parallel_loop3A_103 : i32 to index
      %parallel_loop3A_158 = arith.constant 112 : index
      %parallel_loop3A_159 = tpu.vector_load %arg22[%parallel_loop3A_157, %parallel_loop3A_158] {strides = array<i32>} : memref<8x128xf32, #tpu.memory_space<vmem>>, vector<16xf32>,
      tpu.vector_store %arg22[%parallel_loop3A_157, %parallel_loop3A_158], %parallel_loop3A_156 {strides = array<i32>} : memref<8x128xf32, #tpu.memory_space<vmem>>, vector<16xf32>,
    } {sc.loop_unroll_factor = 1 : i64, sc.parallel_access}
    %add3A_28 = arith.constant 24 : i32
    %add3A_29 = arith.addi %mul3A_2, %add3A_28 : i32
    "tpu.region"() ({
      %run_scoped3A = tpu.sem_alloc : memref<!tpu.dma_semaphore, #tpu.memory_space<semaphore_mem>>
      %dma_start3A_103 = arith.constant 0 : i32
      %dma_start3A_104 = tpu.memref_slice %arg8[%add3A_29, %dma_start3A_103] : memref<1024x98432xf32, #tpu.memory_space<hbm>> -> memref<8x128xf32, #tpu.memory_space<hbm>>
      %dma_start3A_105 = arith.constant 0 : i32
      %dma_start3A_106 = tpu.memref_slice %arg8[%add3A_29, %dma_start3A_105] : memref<1024x98432xf32, #tpu.memory_space<hbm>> -> memref<8x128xf32, #tpu.memory_space<hbm>>
      tpu.enqueue_dma source(%arg22 : memref<8x128xf32, #tpu.memory_space<vmem>>) target(%dma_start3A_106 : memref<8x128xf32, #tpu.memory_space<hbm>>) target_semaphore(%run_scoped3A : memref<!tpu.dma_semaphore, #tpu.memory_space<semaphore_mem>>)
      %dma_wait3A_107 = arith.constant 0 : i32
      %dma_wait3A_108 = tpu.memref_slice %arg8[%add3A_29, %dma_wait3A_107] : memref<1024x98432xf32, #tpu.memory_space<hbm>> -> memref<8x128xf32, #tpu.memory_space<hbm>>
      %dma_wait3A_109 = arith.constant 0 : i32
      %dma_wait3A_110 = tpu.memref_slice %arg8[%add3A_29, %dma_wait3A_109] : memref<1024x98432xf32, #tpu.memory_space<hbm>> -> memref<8x128xf32, #tpu.memory_space<hbm>>
      tpu.wait_dma2 semaphore(%run_scoped3A : memref<!tpu.dma_semaphore, #tpu.memory_space<semaphore_mem>>) src(%arg22 : memref<8x128xf32, #tpu.memory_space<vmem>>) dst(%dma_wait3A_110 : memref<8x128xf32, #tpu.memory_space<hbm>>)
      tpu.yield
    }) : () -> ()
    "tpu.region"() ({
      %run_scoped3A = tpu.sem_alloc : memref<!tpu.dma_semaphore, #tpu.memory_space<semaphore_mem>>
      tpu.enqueue_dma source(%arg6 : memref<768xf32, #tpu.memory_space<hbm>>) target(%arg15 : memref<768xf32, #tpu.memory_space<vmem>>) target_semaphore(%run_scoped3A : memref<!tpu.dma_semaphore, #tpu.memory_space<semaphore_mem>>)
      tpu.wait_dma2 semaphore(%run_scoped3A : memref<!tpu.dma_semaphore, #tpu.memory_space<semaphore_mem>>) src(%arg6 : memref<768xf32, #tpu.memory_space<hbm>>) dst(%arg15 : memref<768xf32, #tpu.memory_space<vmem>>)
      tpu.yield
    }) : () -> ()
    "tpu.region"() ({
      %run_scoped3A = tpu.sem_alloc : memref<!tpu.dma_semaphore, #tpu.memory_space<semaphore_mem>>
      tpu.enqueue_dma source(%arg7 : memref<768xf32, #tpu.memory_space<hbm>>) target(%arg16 : memref<768xf32, #tpu.memory_space<vmem>>) target_semaphore(%run_scoped3A : memref<!tpu.dma_semaphore, #tpu.memory_space<semaphore_mem>>)
      tpu.wait_dma2 semaphore(%run_scoped3A : memref<!tpu.dma_semaphore, #tpu.memory_space<semaphore_mem>>) src(%arg7 : memref<768xf32, #tpu.memory_space<hbm>>) dst(%arg16 : memref<768xf32, #tpu.memory_space<vmem>>)
      tpu.yield
    }) : () -> ()
    %mul3A_30 = arith.constant 128 : i32
    %mul3A_31 = arith.muli %add3A, %mul3A_30 : i32
    "tpu.region"() ({
      %run_scoped3A = tpu.sem_alloc : memref<!tpu.dma_semaphore, #tpu.memory_space<semaphore_mem>>
      %dma_start3A_103 = arith.constant 0 : i32
      %dma_start3A_104 = tpu.memref_slice %arg2[%mul3A_31, %dma_start3A_103] : memref<4096x32xi32, #tpu.memory_space<hbm>> -> memref<128x32xi32, #tpu.memory_space<hbm>>
      %dma_start3A_105 = arith.constant 0 : i32
      %dma_start3A_106 = tpu.memref_slice %arg2[%mul3A_31, %dma_start3A_105] : memref<4096x32xi32, #tpu.memory_space<hbm>> -> memref<128x32xi32, #tpu.memory_space<hbm>>
      tpu.enqueue_dma source(%dma_start3A_106 : memref<128x32xi32, #tpu.memory_space<hbm>>) target(%arg9 : memref<128x32xi32, #tpu.memory_space<vmem>>) target_semaphore(%run_scoped3A : memref<!tpu.dma_semaphore, #tpu.memory_space<semaphore_mem>>)
      %dma_wait3A_107 = arith.constant 0 : i32
      %dma_wait3A_108 = tpu.memref_slice %arg2[%mul3A_31, %dma_wait3A_107] : memref<4096x32xi32, #tpu.memory_space<hbm>> -> memref<128x32xi32, #tpu.memory_space<hbm>>
      %dma_wait3A_109 = arith.constant 0 : i32
      %dma_wait3A_110 = tpu.memref_slice %arg2[%mul3A_31, %dma_wait3A_109] : memref<4096x32xi32, #tpu.memory_space<hbm>> -> memref<128x32xi32, #tpu.memory_space<hbm>>
      tpu.wait_dma2 semaphore(%run_scoped3A : memref<!tpu.dma_semaphore, #tpu.memory_space<semaphore_mem>>) src(%dma_wait3A_110 : memref<128x32xi32, #tpu.memory_space<hbm>>) dst(%arg9 : memref<128x32xi32, #tpu.memory_space<vmem>>)
      tpu.yield
    }) : () -> ()
    %mul3A_32 = arith.constant 4 : i32
    %mul3A_33 = arith.muli %add3A, %mul3A_32 : i32
    "tpu.region"() ({
      %run_scoped3A = tpu.sem_alloc : memref<!tpu.dma_semaphore, #tpu.memory_space<semaphore_mem>>
      %dma_start3A_103 = arith.constant 0 : i32
      %dma_start3A_104 = tpu.memref_slice %arg5[%mul3A_33, %dma_start3A_103] : memref<128x768xf32, #tpu.memory_space<hbm>> -> memref<4x768xf32, #tpu.memory_space<hbm>>
      %dma_start3A_105 = arith.constant 0 : i32
      %dma_start3A_106 = tpu.memref_slice %arg5[%mul3A_33, %dma_start3A_105] : memref<128x768xf32, #tpu.memory_space<hbm>> -> memref<4x768xf32, #tpu.memory_space<hbm>>
      tpu.enqueue_dma source(%dma_start3A_106 : memref<4x768xf32, #tpu.memory_space<hbm>>) target(%arg14 : memref<4x768xf32, #tpu.memory_space<vmem>>) target_semaphore(%run_scoped3A : memref<!tpu.dma_semaphore, #tpu.memory_space<semaphore_mem>>)
      %dma_wait3A_107 = arith.constant 0 : i32
      %dma_wait3A_108 = tpu.memref_slice %arg5[%mul3A_33, %dma_wait3A_107] : memref<128x768xf32, #tpu.memory_space<hbm>> -> memref<4x768xf32, #tpu.memory_space<hbm>>
      %dma_wait3A_109 = arith.constant 0 : i32
      %dma_wait3A_110 = tpu.memref_slice %arg5[%mul3A_33, %dma_wait3A_109] : memref<128x768xf32, #tpu.memory_space<hbm>> -> memref<4x768xf32, #tpu.memory_space<hbm>>
      tpu.wait_dma2 semaphore(%run_scoped3A : memref<!tpu.dma_semaphore, #tpu.memory_space<semaphore_mem>>) src(%dma_wait3A_110 : memref<4x768xf32, #tpu.memory_space<hbm>>) dst(%arg14 : memref<4x768xf32, #tpu.memory_space<vmem>>)
      tpu.yield
    }) : () -> ()
    %mul3A_34 = arith.constant 4 : i32
    %mul3A_35 = arith.muli %add3A, %mul3A_34 : i32
    %add3A_36 = arith.constant 3 : i32
    %add3A_37 = arith.addi %mul3A_35, %add3A_36 : i32
    %mul3A_38 = arith.constant 768 : i32
    %mul3A_39 = arith.muli %add3A_37, %mul3A_38 : i32
    %add3A_40 = arith.constant 128 : i32
    %add3A_41 = arith.addi %add3A_40, %mul3A_39 : i32
    %dma_start3A = arith.constant 992 : i32
    %dma_start3A_42 = tpu.memref_slice %arg8[%dma_start3A, %add3A_41] : memref<1024x98432xf32, #tpu.memory_space<hbm>> -> memref<32x768xf32, #tpu.memory_space<hbm>>
    %dma_start3A_43 = arith.constant 992 : i32
    %dma_start3A_44 = tpu.memref_slice %arg8[%dma_start3A_43, %add3A_41] : memref<1024x98432xf32, #tpu.memory_space<hbm>> -> memref<32x768xf32, #tpu.memory_space<hbm>>
    tpu.enqueue_dma source(%arg13 : memref<32x768xf32, #tpu.memory_space<vmem>>) target(%dma_start3A_44 : memref<32x768xf32, #tpu.memory_space<hbm>>) target_semaphore(%arg30 : memref<!tpu.dma_semaphore, #tpu.memory_space<semaphore_mem>>)
    %dma_start3A_45 = arith.constant 0 : i32
    %dma_start3A_46 = arith.constant 0 : i32
    %dma_start3A_47 = tpu.memref_slice %arg9[%dma_start3A_45, %dma_start3A_46] : memref<128x32xi32, #tpu.memory_space<vmem>> -> memref<1x32xi32, #tpu.memory_space<vmem>>
    %dma_start3A_48 = tpu.memref_squeeze %dma_start3A_47 : memref<1x32xi32, #tpu.memory_space<vmem>> -> memref<32xi32, #tpu.memory_space<vmem>>
    %dma_start3A_49 = arith.constant 0 : i32
    %dma_start3A_50 = arith.constant 0 : i32
    %dma_start3A_51 = tpu.memref_slice %arg4[%dma_start3A_49, %dma_start3A_50] : memref<30522x768xf32, #tpu.memory_space<hbm>> -> memref<30522x768xf32, #tpu.memory_space<hbm>>
    tpu.enqueue_indirect_dma source(%dma_start3A_51 : memref<30522x768xf32, #tpu.memory_space<hbm>>) target(%arg10 : memref<32x768xf32, #tpu.memory_space<vmem>>) offsets(%dma_start3A_48 : memref<32xi32, #tpu.memory_space<vmem>>) semaphore(%arg23 : memref<!tpu.dma_semaphore, #tpu.memory_space<semaphore_mem>>)
    %dma_start3A_52 = arith.constant 1 : i32
    %dma_start3A_53 = arith.constant 0 : i32
    %dma_start3A_54 = tpu.memref_slice %arg9[%dma_start3A_52, %dma_start3A_53] : memref<128x32xi32, #tpu.memory_space<vmem>> -> memref<1x32xi32, #tpu.memory_space<vmem>>
    %dma_start3A_55 = tpu.memref_squeeze %dma_start3A_54 : memref<1x32xi32, #tpu.memory_space<vmem>> -> memref<32xi32, #tpu.memory_space<vmem>>
    %dma_start3A_56 = arith.constant 0 : i32
    %dma_start3A_57 = arith.constant 0 : i32
    %dma_start3A_58 = tpu.memref_slice %arg4[%dma_start3A_56, %dma_start3A_57] : memref<30522x768xf32, #tpu.memory_space<hbm>> -> memref<30522x768xf32, #tpu.memory_space<hbm>>
    tpu.enqueue_indirect_dma source(%dma_start3A_58 : memref<30522x768xf32, #tpu.memory_space<hbm>>) target(%arg11 : memref<32x768xf32, #tpu.memory_space<vmem>>) offsets(%dma_start3A_55 : memref<32xi32, #tpu.memory_space<vmem>>) semaphore(%arg24 : memref<!tpu.dma_semaphore, #tpu.memory_space<semaphore_mem>>)
    %dma_start3A_59 = arith.constant 2 : i32
    %dma_start3A_60 = arith.constant 0 : i32
    %dma_start3A_61 = tpu.memref_slice %arg9[%dma_start3A_59, %dma_start3A_60] : memref<128x32xi32, #tpu.memory_space<vmem>> -> memref<1x32xi32, #tpu.memory_space<vmem>>
    %dma_start3A_62 = tpu.memref_squeeze %dma_start3A_61 : memref<1x32xi32, #tpu.memory_space<vmem>> -> memref<32xi32, #tpu.memory_space<vmem>>
    %dma_start3A_63 = arith.constant 0 : i32
    %dma_start3A_64 = arith.constant 0 : i32
    %dma_start3A_65 = tpu.memref_slice %arg4[%dma_start3A_63, %dma_start3A_64] : memref<30522x768xf32, #tpu.memory_space<hbm>> -> memref<30522x768xf32, #tpu.memory_space<hbm>>
    tpu.enqueue_indirect_dma source(%dma_start3A_65 : memref<30522x768xf32, #tpu.memory_space<hbm>>) target(%arg12 : memref<32x768xf32, #tpu.memory_space<vmem>>) offsets(%dma_start3A_62 : memref<32xi32, #tpu.memory_space<vmem>>) semaphore(%arg25 : memref<!tpu.dma_semaphore, #tpu.memory_space<semaphore_mem>>)
    %scan3A = arith.constant 0 : i32
    %scan3A_66 = arith.constant 0 : i32
    %scan3A_67 = arith.constant 32 : i32
    %scan3A_68 = arith.addi %scan3A_66, %scan3A_67 : i32
    %scan3A_69 = arith.constant 1 : i32
    scf.for %scan3A_103 = %scan3A_66 to %scan3A_68 step %scan3A_69  : i32 {
      %mul3A_104 = arith.constant 4 : i32
      %mul3A_105 = arith.muli %scan3A_103, %mul3A_104 : i32
      %add3A_106 = arith.constant 0 : i32
      %add3A_107 = arith.addi %mul3A_105, %add3A_106 : i32
      %dma_wait3A_108 = arith.constant 0 : i32
      %dma_wait3A_109 = tpu.memref_slice %arg9[%add3A_107, %dma_wait3A_108] : memref<128x32xi32, #tpu.memory_space<vmem>> -> memref<1x32xi32, #tpu.memory_space<vmem>>
      %dma_wait3A_110 = tpu.memref_squeeze %dma_wait3A_109 : memref<1x32xi32, #tpu.memory_space<vmem>> -> memref<32xi32, #tpu.memory_space<vmem>>
      %dma_wait3A_111 = arith.constant 0 : i32
      %dma_wait3A_112 = arith.constant 0 : i32
      %dma_wait3A_113 = tpu.memref_slice %arg4[%dma_wait3A_111, %dma_wait3A_112] : memref<30522x768xf32, #tpu.memory_space<hbm>> -> memref<30522x768xf32, #tpu.memory_space<hbm>>
      tpu.wait_indirect_dma semaphore(%arg23 : memref<!tpu.dma_semaphore, #tpu.memory_space<semaphore_mem>>) src(%dma_wait3A_113 : memref<30522x768xf32, #tpu.memory_space<hbm>>) dst(%arg10 : memref<32x768xf32, #tpu.memory_space<vmem>>)
      %shift_right_arithmetic3A = arith.constant 5 : i32
      %shift_right_arithmetic3A_114 = arith.shrsi %add3A_107, %shift_right_arithmetic3A : i32
      %scan3A_115 = arith.constant 0 : i32
      %scan3A_116 = arith.constant 0 : i32
      %scan3A_117 = arith.constant 32 : i32
      %scan3A_118 = arith.addi %scan3A_116, %scan3A_117 : i32
      %scan3A_119 = arith.constant 1 : i32
      scf.for %scan3A_400 = %scan3A_116 to %scan3A_118 step %scan3A_119  : i32 {
        %broadcast_in_dim3A = arith.constant 0.000000e+00 : f32
        %broadcast_in_dim3A_401 = vector.broadcast %broadcast_in_dim3A : f32 to vector<16xf32>
        %parallel_loop3A_402 = arith.constant 0 : i32
        %parallel_loop3A_403 = arith.constant 48 : i32
        %parallel_loop3A_404 = arith.constant 1 : i32
        %parallel_loop3A_405:2 = scf.for %parallel_loop3A_411 = %parallel_loop3A_402 to %parallel_loop3A_403 step %parallel_loop3A_404 iter_args(%parallel_loop3A_412 = %broadcast_in_dim3A_401, %parallel_loop3A_413 = %broadcast_in_dim3A_401) -> (vector<16xf32>, vector<16xf32>)  : i32 {
          %parallel_loop3A_414 = arith.constant 16 : i32
          %parallel_loop3A_415 = arith.muli %parallel_loop3A_411, %parallel_loop3A_414 : i32
          %parallel_loop3A_416 = tpu.assume_multiple %parallel_loop3A_415, 16 : i32
          %parallel_loop3A_417 = arith.index_cast %scan3A_400 : i32 to index
          %parallel_loop3A_418 = arith.index_cast %parallel_loop3A_416 : i32 to index
          %parallel_loop3A_419 = tpu.vector_load %arg10[%parallel_loop3A_417, %parallel_loop3A_418] {strides = array<i32>} : memref<32x768xf32, #tpu.memory_space<vmem>>, vector<16xf32>,
          %parallel_loop3A_420 = arith.index_cast %shift_right_arithmetic3A_114 : i32 to index
          %parallel_loop3A_421 = arith.index_cast %parallel_loop3A_416 : i32 to index
          %parallel_loop3A_422 = tpu.vector_load %arg14[%parallel_loop3A_420, %parallel_loop3A_421] {strides = array<i32>} : memref<4x768xf32, #tpu.memory_space<vmem>>, vector<16xf32>,
          %parallel_loop3A_423 = arith.addf %parallel_loop3A_419, %parallel_loop3A_422 : vector<16xf32>
          %parallel_loop3A_424 = arith.addf %parallel_loop3A_412, %parallel_loop3A_423 : vector<16xf32>
          %parallel_loop3A_425 = arith.mulf %parallel_loop3A_423, %parallel_loop3A_423 : vector<16xf32>
          %parallel_loop3A_426 = arith.addf %parallel_loop3A_413, %parallel_loop3A_425 : vector<16xf32>
          scf.yield %parallel_loop3A_424, %parallel_loop3A_426 : vector<16xf32>, vector<16xf32>
        } {sc.loop_unroll_factor = 4 : i64, sc.parallel_access}
        %swap3A = arith.index_cast %scan3A_400 : i32 to index
        %swap3A_406 = arith.constant 0 : index
        %swap3A_407 = tpu.vector_load %arg17[%swap3A, %swap3A_406] {strides = array<i32>} : memref<32x16xf32, #tpu.memory_space<vmem>>, vector<16xf32>,
        tpu.vector_store %arg17[%swap3A, %swap3A_406], %parallel_loop3A_405#0 {strides = array<i32>} : memref<32x16xf32, #tpu.memory_space<vmem>>, vector<16xf32>,
        %swap3A_408 = arith.index_cast %scan3A_400 : i32 to index
        %swap3A_409 = arith.constant 0 : index
        %swap3A_410 = tpu.vector_load %arg18[%swap3A_408, %swap3A_409] {strides = array<i32>} : memref<32x16xf32, #tpu.memory_space<vmem>>, vector<16xf32>,
        tpu.vector_store %arg18[%swap3A_408, %swap3A_409], %parallel_loop3A_405#1 {strides = array<i32>} : memref<32x16xf32, #tpu.memory_space<vmem>>, vector<16xf32>,
      }
      %scan3A_120 = arith.constant 32 : i32
      %parallel_loop3A_121 = arith.constant 0 : i32
      %parallel_loop3A_122 = arith.constant 2 : i32
      %parallel_loop3A_123 = arith.constant 1 : i32
      scf.for %parallel_loop3A_400 = %parallel_loop3A_121 to %parallel_loop3A_122 step %parallel_loop3A_123  : i32 {
        %parallel_loop3A_401 = arith.constant 16 : i32
        %parallel_loop3A_402 = arith.muli %parallel_loop3A_400, %parallel_loop3A_401 : i32
        %parallel_loop3A_403 = vector.broadcast %parallel_loop3A_402 : i32 to vector<16xi32>
        %parallel_loop3A_404 = arith.addi %parallel_loop3A_403, %iota3A : vector<16xi32>
        %parallel_loop3A_405 = arith.constant 0.000000e+00 : f32
        %parallel_loop3A_406 = vector.broadcast %parallel_loop3A_405 : f32 to vector<16xf32>
        %parallel_loop3A_407 = arith.constant 0.000000e+00 : f32
        %parallel_loop3A_408 = vector.broadcast %parallel_loop3A_407 : f32 to vector<16xf32>
        %parallel_loop3A_409 = arith.constant 0 : i32
        %parallel_loop3A_410 = vector.broadcast %parallel_loop3A_409 : i32 to vector<16xi32>
        %parallel_loop3A_411 = tpu.vector_load_idx %arg17[%parallel_loop3A_404, %parallel_loop3A_410] : memref<32x16xf32, #tpu.memory_space<vmem>>[vector<16xi32>, vector<16xi32>], vector<16xf32>,
        %parallel_loop3A_412 = arith.addf %parallel_loop3A_406, %parallel_loop3A_411 : vector<16xf32>
        %parallel_loop3A_413 = tpu.vector_load_idx %arg18[%parallel_loop3A_404, %parallel_loop3A_410] : memref<32x16xf32, #tpu.memory_space<vmem>>[vector<16xi32>, vector<16xi32>], vector<16xf32>,
        %parallel_loop3A_414 = arith.addf %parallel_loop3A_408, %parallel_loop3A_413 : vector<16xf32>
        %parallel_loop3A_415 = arith.constant 1 : i32
        %parallel_loop3A_416 = vector.broadcast %parallel_loop3A_415 : i32 to vector<16xi32>
        %parallel_loop3A_417 = tpu.vector_load_idx %arg17[%parallel_loop3A_404, %parallel_loop3A_416] : memref<32x16xf32, #tpu.memory_space<vmem>>[vector<16xi32>, vector<16xi32>], vector<16xf32>,
        %parallel_loop3A_418 = arith.addf %parallel_loop3A_412, %parallel_loop3A_417 : vector<16xf32>
        %parallel_loop3A_419 = tpu.vector_load_idx %arg18[%parallel_loop3A_404, %parallel_loop3A_416] : memref<32x16xf32, #tpu.memory_space<vmem>>[vector<16xi32>, vector<16xi32>], vector<16xf32>,
        %parallel_loop3A_420 = arith.addf %parallel_loop3A_414, %parallel_loop3A_419 : vector<16xf32>
        %parallel_loop3A_421 = arith.constant 2 : i32
        %parallel_loop3A_422 = vector.broadcast %parallel_loop3A_421 : i32 to vector<16xi32>
        %parallel_loop3A_423 = tpu.vector_load_idx %arg17[%parallel_loop3A_404, %parallel_loop3A_422] : memref<32x16xf32, #tpu.memory_space<vmem>>[vector<16xi32>, vector<16xi32>], vector<16xf32>,
        %parallel_loop3A_424 = arith.addf %parallel_loop3A_418, %parallel_loop3A_423 : vector<16xf32>
        %parallel_loop3A_425 = tpu.vector_load_idx %arg18[%parallel_loop3A_404, %parallel_loop3A_422] : memref<32x16xf32, #tpu.memory_space<vmem>>[vector<16xi32>, vector<16xi32>], vector<16xf32>,
        %parallel_loop3A_426 = arith.addf %parallel_loop3A_420, %parallel_loop3A_425 : vector<16xf32>
        %parallel_loop3A_427 = arith.constant 3 : i32
        %parallel_loop3A_428 = vector.broadcast %parallel_loop3A_427 : i32 to vector<16xi32>
        %parallel_loop3A_429 = tpu.vector_load_idx %arg17[%parallel_loop3A_404, %parallel_loop3A_428] : memref<32x16xf32, #tpu.memory_space<vmem>>[vector<16xi32>, vector<16xi32>], vector<16xf32>,
        %parallel_loop3A_430 = arith.addf %parallel_loop3A_424, %parallel_loop3A_429 : vector<16xf32>
        %parallel_loop3A_431 = tpu.vector_load_idx %arg18[%parallel_loop3A_404, %parallel_loop3A_428] : memref<32x16xf32, #tpu.memory_space<vmem>>[vector<16xi32>, vector<16xi32>], vector<16xf32>,
        %parallel_loop3A_432 = arith.addf %parallel_loop3A_426, %parallel_loop3A_431 : vector<16xf32>
        %parallel_loop3A_433 = arith.constant 4 : i32
        %parallel_loop3A_434 = vector.broadcast %parallel_loop3A_433 : i32 to vector<16xi32>
        %parallel_loop3A_435 = tpu.vector_load_idx %arg17[%parallel_loop3A_404, %parallel_loop3A_434] : memref<32x16xf32, #tpu.memory_space<vmem>>[vector<16xi32>, vector<16xi32>], vector<16xf32>,
        %parallel_loop3A_436 = arith.addf %parallel_loop3A_430, %parallel_loop3A_435 : vector<16xf32>
        %parallel_loop3A_437 = tpu.vector_load_idx %arg18[%parallel_loop3A_404, %parallel_loop3A_434] : memref<32x16xf32, #tpu.memory_space<vmem>>[vector<16xi32>, vector<16xi32>], vector<16xf32>,
        %parallel_loop3A_438 = arith.addf %parallel_loop3A_432, %parallel_loop3A_437 : vector<16xf32>
        %parallel_loop3A_439 = arith.constant 5 : i32
        %parallel_loop3A_440 = vector.broadcast %parallel_loop3A_439 : i32 to vector<16xi32>
        %parallel_loop3A_441 = tpu.vector_load_idx %arg17[%parallel_loop3A_404, %parallel_loop3A_440] : memref<32x16xf32, #tpu.memory_space<vmem>>[vector<16xi32>, vector<16xi32>], vector<16xf32>,
        %parallel_loop3A_442 = arith.addf %parallel_loop3A_436, %parallel_loop3A_441 : vector<16xf32>
        %parallel_loop3A_443 = tpu.vector_load_idx %arg18[%parallel_loop3A_404, %parallel_loop3A_440] : memref<32x16xf32, #tpu.memory_space<vmem>>[vector<16xi32>, vector<16xi32>], vector<16xf32>,
        %parallel_loop3A_444 = arith.addf %parallel_loop3A_438, %parallel_loop3A_443 : vector<16xf32>
        %parallel_loop3A_445 = arith.constant 6 : i32
        %parallel_loop3A_446 = vector.broadcast %parallel_loop3A_445 : i32 to vector<16xi32>
        %parallel_loop3A_447 = tpu.vector_load_idx %arg17[%parallel_loop3A_404, %parallel_loop3A_446] : memref<32x16xf32, #tpu.memory_space<vmem>>[vector<16xi32>, vector<16xi32>], vector<16xf32>,
        %parallel_loop3A_448 = arith.addf %parallel_loop3A_442, %parallel_loop3A_447 : vector<16xf32>
        %parallel_loop3A_449 = tpu.vector_load_idx %arg18[%parallel_loop3A_404, %parallel_loop3A_446] : memref<32x16xf32, #tpu.memory_space<vmem>>[vector<16xi32>, vector<16xi32>], vector<16xf32>,
        %parallel_loop3A_450 = arith.addf %parallel_loop3A_444, %parallel_loop3A_449 : vector<16xf32>
        %parallel_loop3A_451 = arith.constant 7 : i32
        %parallel_loop3A_452 = vector.broadcast %parallel_loop3A_451 : i32 to vector<16xi32>
        %parallel_loop3A_453 = tpu.vector_load_idx %arg17[%parallel_loop3A_404, %parallel_loop3A_452] : memref<32x16xf32, #tpu.memory_space<vmem>>[vector<16xi32>, vector<16xi32>], vector<16xf32>,
        %parallel_loop3A_454 = arith.addf %parallel_loop3A_448, %parallel_loop3A_453 : vector<16xf32>
        %parallel_loop3A_455 = tpu.vector_load_idx %arg18[%parallel_loop3A_404, %parallel_loop3A_452] : memref<32x16xf32, #tpu.memory_space<vmem>>[vector<16xi32>, vector<16xi32>], vector<16xf32>,
        %parallel_loop3A_456 = arith.addf %parallel_loop3A_450, %parallel_loop3A_455 : vector<16xf32>
        %parallel_loop3A_457 = arith.constant 8 : i32
        %parallel_loop3A_458 = vector.broadcast %parallel_loop3A_457 : i32 to vector<16xi32>
        %parallel_loop3A_459 = tpu.vector_load_idx %arg17[%parallel_loop3A_404, %parallel_loop3A_458] : memref<32x16xf32, #tpu.memory_space<vmem>>[vector<16xi32>, vector<16xi32>], vector<16xf32>,
        %parallel_loop3A_460 = arith.addf %parallel_loop3A_454, %parallel_loop3A_459 : vector<16xf32>
        %parallel_loop3A_461 = tpu.vector_load_idx %arg18[%parallel_loop3A_404, %parallel_loop3A_458] : memref<32x16xf32, #tpu.memory_space<vmem>>[vector<16xi32>, vector<16xi32>], vector<16xf32>,
        %parallel_loop3A_462 = arith.addf %parallel_loop3A_456, %parallel_loop3A_461 : vector<16xf32>
        %parallel_loop3A_463 = arith.constant 9 : i32
        %parallel_loop3A_464 = vector.broadcast %parallel_loop3A_463 : i32 to vector<16xi32>
        %parallel_loop3A_465 = tpu.vector_load_idx %arg17[%parallel_loop3A_404, %parallel_loop3A_464] : memref<32x16xf32, #tpu.memory_space<vmem>>[vector<16xi32>, vector<16xi32>], vector<16xf32>,
        %parallel_loop3A_466 = arith.addf %parallel_loop3A_460, %parallel_loop3A_465 : vector<16xf32>
        %parallel_loop3A_467 = tpu.vector_load_idx %arg18[%parallel_loop3A_404, %parallel_loop3A_464] : memref<32x16xf32, #tpu.memory_space<vmem>>[vector<16xi32>, vector<16xi32>], vector<16xf32>,
        %parallel_loop3A_468 = arith.addf %parallel_loop3A_462, %parallel_loop3A_467 : vector<16xf32>
        %parallel_loop3A_469 = arith.constant 10 : i32
        %parallel_loop3A_470 = vector.broadcast %parallel_loop3A_469 : i32 to vector<16xi32>
        %parallel_loop3A_471 = tpu.vector_load_idx %arg17[%parallel_loop3A_404, %parallel_loop3A_470] : memref<32x16xf32, #tpu.memory_space<vmem>>[vector<16xi32>, vector<16xi32>], vector<16xf32>,
        %parallel_loop3A_472 = arith.addf %parallel_loop3A_466, %parallel_loop3A_471 : vector<16xf32>
        %parallel_loop3A_473 = tpu.vector_load_idx %arg18[%parallel_loop3A_404, %parallel_loop3A_470] : memref<32x16xf32, #tpu.memory_space<vmem>>[vector<16xi32>, vector<16xi32>], vector<16xf32>,
        %parallel_loop3A_474 = arith.addf %parallel_loop3A_468, %parallel_loop3A_473 : vector<16xf32>
        %parallel_loop3A_475 = arith.constant 11 : i32
        %parallel_loop3A_476 = vector.broadcast %parallel_loop3A_475 : i32 to vector<16xi32>
        %parallel_loop3A_477 = tpu.vector_load_idx %arg17[%parallel_loop3A_404, %parallel_loop3A_476] : memref<32x16xf32, #tpu.memory_space<vmem>>[vector<16xi32>, vector<16xi32>], vector<16xf32>,
        %parallel_loop3A_478 = arith.addf %parallel_loop3A_472, %parallel_loop3A_477 : vector<16xf32>
        %parallel_loop3A_479 = tpu.vector_load_idx %arg18[%parallel_loop3A_404, %parallel_loop3A_476] : memref<32x16xf32, #tpu.memory_space<vmem>>[vector<16xi32>, vector<16xi32>], vector<16xf32>,
        %parallel_loop3A_480 = arith.addf %parallel_loop3A_474, %parallel_loop3A_479 : vector<16xf32>
        %parallel_loop3A_481 = arith.constant 12 : i32
        %parallel_loop3A_482 = vector.broadcast %parallel_loop3A_481 : i32 to vector<16xi32>
        %parallel_loop3A_483 = tpu.vector_load_idx %arg17[%parallel_loop3A_404, %parallel_loop3A_482] : memref<32x16xf32, #tpu.memory_space<vmem>>[vector<16xi32>, vector<16xi32>], vector<16xf32>,
        %parallel_loop3A_484 = arith.addf %parallel_loop3A_478, %parallel_loop3A_483 : vector<16xf32>
        %parallel_loop3A_485 = tpu.vector_load_idx %arg18[%parallel_loop3A_404, %parallel_loop3A_482] : memref<32x16xf32, #tpu.memory_space<vmem>>[vector<16xi32>, vector<16xi32>], vector<16xf32>,
        %parallel_loop3A_486 = arith.addf %parallel_loop3A_480, %parallel_loop3A_485 : vector<16xf32>
        %parallel_loop3A_487 = arith.constant 13 : i32
        %parallel_loop3A_488 = vector.broadcast %parallel_loop3A_487 : i32 to vector<16xi32>
        %parallel_loop3A_489 = tpu.vector_load_idx %arg17[%parallel_loop3A_404, %parallel_loop3A_488] : memref<32x16xf32, #tpu.memory_space<vmem>>[vector<16xi32>, vector<16xi32>], vector<16xf32>,
        %parallel_loop3A_490 = arith.addf %parallel_loop3A_484, %parallel_loop3A_489 : vector<16xf32>
        %parallel_loop3A_491 = tpu.vector_load_idx %arg18[%parallel_loop3A_404, %parallel_loop3A_488] : memref<32x16xf32, #tpu.memory_space<vmem>>[vector<16xi32>, vector<16xi32>], vector<16xf32>,
        %parallel_loop3A_492 = arith.addf %parallel_loop3A_486, %parallel_loop3A_491 : vector<16xf32>
        %parallel_loop3A_493 = arith.constant 14 : i32
        %parallel_loop3A_494 = vector.broadcast %parallel_loop3A_493 : i32 to vector<16xi32>
        %parallel_loop3A_495 = tpu.vector_load_idx %arg17[%parallel_loop3A_404, %parallel_loop3A_494] : memref<32x16xf32, #tpu.memory_space<vmem>>[vector<16xi32>, vector<16xi32>], vector<16xf32>,
        %parallel_loop3A_496 = arith.addf %parallel_loop3A_490, %parallel_loop3A_495 : vector<16xf32>
        %parallel_loop3A_497 = tpu.vector_load_idx %arg18[%parallel_loop3A_404, %parallel_loop3A_494] : memref<32x16xf32, #tpu.memory_space<vmem>>[vector<16xi32>, vector<16xi32>], vector<16xf32>,
        %parallel_loop3A_498 = arith.addf %parallel_loop3A_492, %parallel_loop3A_497 : vector<16xf32>
        %parallel_loop3A_499 = arith.constant 15 : i32
        %parallel_loop3A_500 = vector.broadcast %parallel_loop3A_499 : i32 to vector<16xi32>
        %parallel_loop3A_501 = tpu.vector_load_idx %arg17[%parallel_loop3A_404, %parallel_loop3A_500] : memref<32x16xf32, #tpu.memory_space<vmem>>[vector<16xi32>, vector<16xi32>], vector<16xf32>,
        %parallel_loop3A_502 = arith.addf %parallel_loop3A_496, %parallel_loop3A_501 : vector<16xf32>
        %parallel_loop3A_503 = tpu.vector_load_idx %arg18[%parallel_loop3A_404, %parallel_loop3A_500] : memref<32x16xf32, #tpu.memory_space<vmem>>[vector<16xi32>, vector<16xi32>], vector<16xf32>,
        %parallel_loop3A_504 = arith.addf %parallel_loop3A_498, %parallel_loop3A_503 : vector<16xf32>
        %parallel_loop3A_505 = arith.constant 0.00130208337 : f32
        %parallel_loop3A_506 = vector.broadcast %parallel_loop3A_505 : f32 to vector<16xf32>
        %parallel_loop3A_507 = arith.mulf %parallel_loop3A_502, %parallel_loop3A_506 : vector<16xf32>
        %parallel_loop3A_508 = arith.constant 0.00130208337 : f32
        %parallel_loop3A_509 = vector.broadcast %parallel_loop3A_508 : f32 to vector<16xf32>
        %parallel_loop3A_510 = arith.mulf %parallel_loop3A_504, %parallel_loop3A_509 : vector<16xf32>
        %parallel_loop3A_511 = arith.mulf %parallel_loop3A_507, %parallel_loop3A_507 : vector<16xf32>
        %parallel_loop3A_512 = arith.subf %parallel_loop3A_510, %parallel_loop3A_511 : vector<16xf32>
        %parallel_loop3A_513 = arith.constant 9.99999996E-13 : f32
        %parallel_loop3A_514 = vector.broadcast %parallel_loop3A_513 : f32 to vector<16xf32>
        %parallel_loop3A_515 = arith.addf %parallel_loop3A_512, %parallel_loop3A_514 : vector<16xf32>
        %parallel_loop3A_516 = tpu.bitcast %parallel_loop3A_515 : vector<16xf32> -> vector<16xi32>
        %parallel_loop3A_517 = arith.constant 1 : i32
        %parallel_loop3A_518 = vector.broadcast %parallel_loop3A_517 : i32 to vector<16xi32>
        %parallel_loop3A_519 = arith.shrui %parallel_loop3A_516, %parallel_loop3A_518 : vector<16xi32>
        %parallel_loop3A_520 = arith.constant 1597463007 : i32
        %parallel_loop3A_521 = vector.broadcast %parallel_loop3A_520 : i32 to vector<16xi32>
        %parallel_loop3A_522 = arith.subi %parallel_loop3A_521, %parallel_loop3A_519 : vector<16xi32>
        %parallel_loop3A_523 = tpu.bitcast %parallel_loop3A_522 : vector<16xi32> -> vector<16xf32>
        %parallel_loop3A_524 = arith.constant 5.000000e-01 : f32
        %parallel_loop3A_525 = vector.broadcast %parallel_loop3A_524 : f32 to vector<16xf32>
        %parallel_loop3A_526 = arith.mulf %parallel_loop3A_525, %parallel_loop3A_515 : vector<16xf32>
        %parallel_loop3A_527 = arith.mulf %parallel_loop3A_526, %parallel_loop3A_523 : vector<16xf32>
        %parallel_loop3A_528 = arith.mulf %parallel_loop3A_527, %parallel_loop3A_523 : vector<16xf32>
        %parallel_loop3A_529 = arith.constant 1.500000e+00 : f32
        %parallel_loop3A_530 = vector.broadcast %parallel_loop3A_529 : f32 to vector<16xf32>
        %parallel_loop3A_531 = arith.subf %parallel_loop3A_530, %parallel_loop3A_528 : vector<16xf32>
        %parallel_loop3A_532 = arith.mulf %parallel_loop3A_523, %parallel_loop3A_531 : vector<16xf32>
        %parallel_loop3A_533 = arith.constant 5.000000e-01 : f32
        %parallel_loop3A_534 = vector.broadcast %parallel_loop3A_533 : f32 to vector<16xf32>
        %parallel_loop3A_535 = arith.mulf %parallel_loop3A_534, %parallel_loop3A_515 : vector<16xf32>
        %parallel_loop3A_536 = arith.mulf %parallel_loop3A_535, %parallel_loop3A_532 : vector<16xf32>
        %parallel_loop3A_537 = arith.mulf %parallel_loop3A_536, %parallel_loop3A_532 : vector<16xf32>
        %parallel_loop3A_538 = arith.constant 1.500000e+00 : f32
        %parallel_loop3A_539 = vector.broadcast %parallel_loop3A_538 : f32 to vector<16xf32>
        %parallel_loop3A_540 = arith.subf %parallel_loop3A_539, %parallel_loop3A_537 : vector<16xf32>
        %parallel_loop3A_541 = arith.mulf %parallel_loop3A_532, %parallel_loop3A_540 : vector<16xf32>
        %parallel_loop3A_542 = arith.constant 5.000000e-01 : f32
        %parallel_loop3A_543 = vector.broadcast %parallel_loop3A_542 : f32 to vector<16xf32>
        %parallel_loop3A_544 = arith.mulf %parallel_loop3A_543, %parallel_loop3A_515 : vector<16xf32>
        %parallel_loop3A_545 = arith.mulf %parallel_loop3A_544, %parallel_loop3A_541 : vector<16xf32>
        %parallel_loop3A_546 = arith.mulf %parallel_loop3A_545, %parallel_loop3A_541 : vector<16xf32>
        %parallel_loop3A_547 = arith.constant 1.500000e+00 : f32
        %parallel_loop3A_548 = vector.broadcast %parallel_loop3A_547 : f32 to vector<16xf32>
        %parallel_loop3A_549 = arith.subf %parallel_loop3A_548, %parallel_loop3A_546 : vector<16xf32>
        %parallel_loop3A_550 = arith.mulf %parallel_loop3A_541, %parallel_loop3A_549 : vector<16xf32>
        %parallel_loop3A_551 = arith.mulf %parallel_loop3A_507, %parallel_loop3A_550 : vector<16xf32>
        %parallel_loop3A_552 = arith.constant 0.000000e+00 : f32
        %parallel_loop3A_553 = vector.broadcast %parallel_loop3A_552 : f32 to vector<16xf32>
        %parallel_loop3A_554 = arith.subf %parallel_loop3A_553, %parallel_loop3A_551 : vector<16xf32>
        %parallel_loop3A_555 = vector.extract_strided_slice %parallel_loop3A_550 {offsets = [0], sizes = [1], strides = [1]} : vector<16xf32> to vector<1xf32>
        %parallel_loop3A_556 = vector.extract %parallel_loop3A_555[0] : f32 from vector<1xf32>
        %parallel_loop3A_557 = arith.constant 0 : i32
        %parallel_loop3A_558 = arith.addi %parallel_loop3A_402, %parallel_loop3A_557 : i32
        %parallel_loop3A_559 = arith.index_cast %parallel_loop3A_558 : i32 to index
        %parallel_loop3A_560 = memref.load %arg19[%parallel_loop3A_559] : memref<32xf32, #tpu.memory_space<smem>>
        memref.store %parallel_loop3A_556, %arg19[%parallel_loop3A_559] : memref<32xf32, #tpu.memory_space<smem>>
        %parallel_loop3A_561 = vector.extract_strided_slice %parallel_loop3A_554 {offsets = [0], sizes = [1], strides = [1]} : vector<16xf32> to vector<1xf32>
        %parallel_loop3A_562 = vector.extract %parallel_loop3A_561[0] : f32 from vector<1xf32>
        %parallel_loop3A_563 = arith.constant 0 : i32
        %parallel_loop3A_564 = arith.addi %parallel_loop3A_402, %parallel_loop3A_563 : i32
        %parallel_loop3A_565 = arith.index_cast %parallel_loop3A_564 : i32 to index
        %parallel_loop3A_566 = memref.load %arg20[%parallel_loop3A_565] : memref<32xf32, #tpu.memory_space<smem>>
        memref.store %parallel_loop3A_562, %arg20[%parallel_loop3A_565] : memref<32xf32, #tpu.memory_space<smem>>
        %parallel_loop3A_567 = vector.extract_strided_slice %parallel_loop3A_550 {offsets = [1], sizes = [1], strides = [1]} : vector<16xf32> to vector<1xf32>
        %parallel_loop3A_568 = vector.extract %parallel_loop3A_567[0] : f32 from vector<1xf32>
        %parallel_loop3A_569 = arith.constant 1 : i32
        %parallel_loop3A_570 = arith.addi %parallel_loop3A_402, %parallel_loop3A_569 : i32
        %parallel_loop3A_571 = arith.index_cast %parallel_loop3A_570 : i32 to index
        %parallel_loop3A_572 = memref.load %arg19[%parallel_loop3A_571] : memref<32xf32, #tpu.memory_space<smem>>
        memref.store %parallel_loop3A_568, %arg19[%parallel_loop3A_571] : memref<32xf32, #tpu.memory_space<smem>>
        %parallel_loop3A_573 = vector.extract_strided_slice %parallel_loop3A_554 {offsets = [1], sizes = [1], strides = [1]} : vector<16xf32> to vector<1xf32>
        %parallel_loop3A_574 = vector.extract %parallel_loop3A_573[0] : f32 from vector<1xf32>
        %parallel_loop3A_575 = arith.constant 1 : i32
        %parallel_loop3A_576 = arith.addi %parallel_loop3A_402, %parallel_loop3A_575 : i32
        %parallel_loop3A_577 = arith.index_cast %parallel_loop3A_576 : i32 to index
        %parallel_loop3A_578 = memref.load %arg20[%parallel_loop3A_577] : memref<32xf32, #tpu.memory_space<smem>>
        memref.store %parallel_loop3A_574, %arg20[%parallel_loop3A_577] : memref<32xf32, #tpu.memory_space<smem>>
        %parallel_loop3A_579 = vector.extract_strided_slice %parallel_loop3A_550 {offsets = [2], sizes = [1], strides = [1]} : vector<16xf32> to vector<1xf32>
        %parallel_loop3A_580 = vector.extract %parallel_loop3A_579[0] : f32 from vector<1xf32>
        %parallel_loop3A_581 = arith.constant 2 : i32
        %parallel_loop3A_582 = arith.addi %parallel_loop3A_402, %parallel_loop3A_581 : i32
        %parallel_loop3A_583 = arith.index_cast %parallel_loop3A_582 : i32 to index
        %parallel_loop3A_584 = memref.load %arg19[%parallel_loop3A_583] : memref<32xf32, #tpu.memory_space<smem>>
        memref.store %parallel_loop3A_580, %arg19[%parallel_loop3A_583] : memref<32xf32, #tpu.memory_space<smem>>
        %parallel_loop3A_585 = vector.extract_strided_slice %parallel_loop3A_554 {offsets = [2], sizes = [1], strides = [1]} : vector<16xf32> to vector<1xf32>
        %parallel_loop3A_586 = vector.extract %parallel_loop3A_585[0] : f32 from vector<1xf32>
        %parallel_loop3A_587 = arith.constant 2 : i32
        %parallel_loop3A_588 = arith.addi %parallel_loop3A_402, %parallel_loop3A_587 : i32
        %parallel_loop3A_589 = arith.index_cast %parallel_loop3A_588 : i32 to index
        %parallel_loop3A_590 = memref.load %arg20[%parallel_loop3A_589] : memref<32xf32, #tpu.memory_space<smem>>
        memref.store %parallel_loop3A_586, %arg20[%parallel_loop3A_589] : memref<32xf32, #tpu.memory_space<smem>>
        %parallel_loop3A_591 = vector.extract_strided_slice %parallel_loop3A_550 {offsets = [3], sizes = [1], strides = [1]} : vector<16xf32> to vector<1xf32>
        %parallel_loop3A_592 = vector.extract %parallel_loop3A_591[0] : f32 from vector<1xf32>
        %parallel_loop3A_593 = arith.constant 3 : i32
        %parallel_loop3A_594 = arith.addi %parallel_loop3A_402, %parallel_loop3A_593 : i32
        %parallel_loop3A_595 = arith.index_cast %parallel_loop3A_594 : i32 to index
        %parallel_loop3A_596 = memref.load %arg19[%parallel_loop3A_595] : memref<32xf32, #tpu.memory_space<smem>>
        memref.store %parallel_loop3A_592, %arg19[%parallel_loop3A_595] : memref<32xf32, #tpu.memory_space<smem>>
        %parallel_loop3A_597 = vector.extract_strided_slice %parallel_loop3A_554 {offsets = [3], sizes = [1], strides = [1]} : vector<16xf32> to vector<1xf32>
        %parallel_loop3A_598 = vector.extract %parallel_loop3A_597[0] : f32 from vector<1xf32>
        %parallel_loop3A_599 = arith.constant 3 : i32
        %parallel_loop3A_600 = arith.addi %parallel_loop3A_402, %parallel_loop3A_599 : i32
        %parallel_loop3A_601 = arith.index_cast %parallel_loop3A_600 : i32 to index
        %parallel_loop3A_602 = memref.load %arg20[%parallel_loop3A_601] : memref<32xf32, #tpu.memory_space<smem>>
        memref.store %parallel_loop3A_598, %arg20[%parallel_loop3A_601] : memref<32xf32, #tpu.memory_space<smem>>
        %parallel_loop3A_603 = vector.extract_strided_slice %parallel_loop3A_550 {offsets = [4], sizes = [1], strides = [1]} : vector<16xf32> to vector<1xf32>
        %parallel_loop3A_604 = vector.extract %parallel_loop3A_603[0] : f32 from vector<1xf32>
        %parallel_loop3A_605 = arith.constant 4 : i32
        %parallel_loop3A_606 = arith.addi %parallel_loop3A_402, %parallel_loop3A_605 : i32
        %parallel_loop3A_607 = arith.index_cast %parallel_loop3A_606 : i32 to index
        %parallel_loop3A_608 = memref.load %arg19[%parallel_loop3A_607] : memref<32xf32, #tpu.memory_space<smem>>
        memref.store %parallel_loop3A_604, %arg19[%parallel_loop3A_607] : memref<32xf32, #tpu.memory_space<smem>>
        %parallel_loop3A_609 = vector.extract_strided_slice %parallel_loop3A_554 {offsets = [4], sizes = [1], strides = [1]} : vector<16xf32> to vector<1xf32>
        %parallel_loop3A_610 = vector.extract %parallel_loop3A_609[0] : f32 from vector<1xf32>
        %parallel_loop3A_611 = arith.constant 4 : i32
        %parallel_loop3A_612 = arith.addi %parallel_loop3A_402, %parallel_loop3A_611 : i32
        %parallel_loop3A_613 = arith.index_cast %parallel_loop3A_612 : i32 to index
        %parallel_loop3A_614 = memref.load %arg20[%parallel_loop3A_613] : memref<32xf32, #tpu.memory_space<smem>>
        memref.store %parallel_loop3A_610, %arg20[%parallel_loop3A_613] : memref<32xf32, #tpu.memory_space<smem>>
        %parallel_loop3A_615 = vector.extract_strided_slice %parallel_loop3A_550 {offsets = [5], sizes = [1], strides = [1]} : vector<16xf32> to vector<1xf32>
        %parallel_loop3A_616 = vector.extract %parallel_loop3A_615[0] : f32 from vector<1xf32>
        %parallel_loop3A_617 = arith.constant 5 : i32
        %parallel_loop3A_618 = arith.addi %parallel_loop3A_402, %parallel_loop3A_617 : i32
        %parallel_loop3A_619 = arith.index_cast %parallel_loop3A_618 : i32 to index
        %parallel_loop3A_620 = memref.load %arg19[%parallel_loop3A_619] : memref<32xf32, #tpu.memory_space<smem>>
        memref.store %parallel_loop3A_616, %arg19[%parallel_loop3A_619] : memref<32xf32, #tpu.memory_space<smem>>
        %parallel_loop3A_621 = vector.extract_strided_slice %parallel_loop3A_554 {offsets = [5], sizes = [1], strides = [1]} : vector<16xf32> to vector<1xf32>
        %parallel_loop3A_622 = vector.extract %parallel_loop3A_621[0] : f32 from vector<1xf32>
        %parallel_loop3A_623 = arith.constant 5 : i32
        %parallel_loop3A_624 = arith.addi %parallel_loop3A_402, %parallel_loop3A_623 : i32
        %parallel_loop3A_625 = arith.index_cast %parallel_loop3A_624 : i32 to index
        %parallel_loop3A_626 = memref.load %arg20[%parallel_loop3A_625] : memref<32xf32, #tpu.memory_space<smem>>
        memref.store %parallel_loop3A_622, %arg20[%parallel_loop3A_625] : memref<32xf32, #tpu.memory_space<smem>>
        %parallel_loop3A_627 = vector.extract_strided_slice %parallel_loop3A_550 {offsets = [6], sizes = [1], strides = [1]} : vector<16xf32> to vector<1xf32>
        %parallel_loop3A_628 = vector.extract %parallel_loop3A_627[0] : f32 from vector<1xf32>
        %parallel_loop3A_629 = arith.constant 6 : i32
        %parallel_loop3A_630 = arith.addi %parallel_loop3A_402, %parallel_loop3A_629 : i32
        %parallel_loop3A_631 = arith.index_cast %parallel_loop3A_630 : i32 to index
        %parallel_loop3A_632 = memref.load %arg19[%parallel_loop3A_631] : memref<32xf32, #tpu.memory_space<smem>>
        memref.store %parallel_loop3A_628, %arg19[%parallel_loop3A_631] : memref<32xf32, #tpu.memory_space<smem>>
        %parallel_loop3A_633 = vector.extract_strided_slice %parallel_loop3A_554 {offsets = [6], sizes = [1], strides = [1]} : vector<16xf32> to vector<1xf32>
        %parallel_loop3A_634 = vector.extract %parallel_loop3A_633[0] : f32 from vector<1xf32>
        %parallel_loop3A_635 = arith.constant 6 : i32
        %parallel_loop3A_636 = arith.addi %parallel_loop3A_402, %parallel_loop3A_635 : i32
        %parallel_loop3A_637 = arith.index_cast %parallel_loop3A_636 : i32 to index
        %parallel_loop3A_638 = memref.load %arg20[%parallel_loop3A_637] : memref<32xf32, #tpu.memory_space<smem>>
        memref.store %parallel_loop3A_634, %arg20[%parallel_loop3A_637] : memref<32xf32, #tpu.memory_space<smem>>
        %parallel_loop3A_639 = vector.extract_strided_slice %parallel_loop3A_550 {offsets = [7], sizes = [1], strides = [1]} : vector<16xf32> to vector<1xf32>
        %parallel_loop3A_640 = vector.extract %parallel_loop3A_639[0] : f32 from vector<1xf32>
        %parallel_loop3A_641 = arith.constant 7 : i32
        %parallel_loop3A_642 = arith.addi %parallel_loop3A_402, %parallel_loop3A_641 : i32
        %parallel_loop3A_643 = arith.index_cast %parallel_loop3A_642 : i32 to index
        %parallel_loop3A_644 = memref.load %arg19[%parallel_loop3A_643] : memref<32xf32, #tpu.memory_space<smem>>
        memref.store %parallel_loop3A_640, %arg19[%parallel_loop3A_643] : memref<32xf32, #tpu.memory_space<smem>>
        %parallel_loop3A_645 = vector.extract_strided_slice %parallel_loop3A_554 {offsets = [7], sizes = [1], strides = [1]} : vector<16xf32> to vector<1xf32>
        %parallel_loop3A_646 = vector.extract %parallel_loop3A_645[0] : f32 from vector<1xf32>
        %parallel_loop3A_647 = arith.constant 7 : i32
        %parallel_loop3A_648 = arith.addi %parallel_loop3A_402, %parallel_loop3A_647 : i32
        %parallel_loop3A_649 = arith.index_cast %parallel_loop3A_648 : i32 to index
        %parallel_loop3A_650 = memref.load %arg20[%parallel_loop3A_649] : memref<32xf32, #tpu.memory_space<smem>>
        memref.store %parallel_loop3A_646, %arg20[%parallel_loop3A_649] : memref<32xf32, #tpu.memory_space<smem>>
        %parallel_loop3A_651 = vector.extract_strided_slice %parallel_loop3A_550 {offsets = [8], sizes = [1], strides = [1]} : vector<16xf32> to vector<1xf32>
        %parallel_loop3A_652 = vector.extract %parallel_loop3A_651[0] : f32 from vector<1xf32>
        %parallel_loop3A_653 = arith.constant 8 : i32
        %parallel_loop3A_654 = arith.addi %parallel_loop3A_402, %parallel_loop3A_653 : i32
        %parallel_loop3A_655 = arith.index_cast %parallel_loop3A_654 : i32 to index
        %parallel_loop3A_656 = memref.load %arg19[%parallel_loop3A_655] : memref<32xf32, #tpu.memory_space<smem>>
        memref.store %parallel_loop3A_652, %arg19[%parallel_loop3A_655] : memref<32xf32, #tpu.memory_space<smem>>
        %parallel_loop3A_657 = vector.extract_strided_slice %parallel_loop3A_554 {offsets = [8], sizes = [1], strides = [1]} : vector<16xf32> to vector<1xf32>
        %parallel_loop3A_658 = vector.extract %parallel_loop3A_657[0] : f32 from vector<1xf32>
        %parallel_loop3A_659 = arith.constant 8 : i32
        %parallel_loop3A_660 = arith.addi %parallel_loop3A_402, %parallel_loop3A_659 : i32
        %parallel_loop3A_661 = arith.index_cast %parallel_loop3A_660 : i32 to index
        %parallel_loop3A_662 = memref.load %arg20[%parallel_loop3A_661] : memref<32xf32, #tpu.memory_space<smem>>
        memref.store %parallel_loop3A_658, %arg20[%parallel_loop3A_661] : memref<32xf32, #tpu.memory_space<smem>>
        %parallel_loop3A_663 = vector.extract_strided_slice %parallel_loop3A_550 {offsets = [9], sizes = [1], strides = [1]} : vector<16xf32> to vector<1xf32>
        %parallel_loop3A_664 = vector.extract %parallel_loop3A_663[0] : f32 from vector<1xf32>
        %parallel_loop3A_665 = arith.constant 9 : i32
        %parallel_loop3A_666 = arith.addi %parallel_loop3A_402, %parallel_loop3A_665 : i32
        %parallel_loop3A_667 = arith.index_cast %parallel_loop3A_666 : i32 to index
        %parallel_loop3A_668 = memref.load %arg19[%parallel_loop3A_667] : memref<32xf32, #tpu.memory_space<smem>>
        memref.store %parallel_loop3A_664, %arg19[%parallel_loop3A_667] : memref<32xf32, #tpu.memory_space<smem>>
        %parallel_loop3A_669 = vector.extract_strided_slice %parallel_loop3A_554 {offsets = [9], sizes = [1], strides = [1]} : vector<16xf32> to vector<1xf32>
        %parallel_loop3A_670 = vector.extract %parallel_loop3A_669[0] : f32 from vector<1xf32>
        %parallel_loop3A_671 = arith.constant 9 : i32
        %parallel_loop3A_672 = arith.addi %parallel_loop3A_402, %parallel_loop3A_671 : i32
        %parallel_loop3A_673 = arith.index_cast %parallel_loop3A_672 : i32 to index
        %parallel_loop3A_674 = memref.load %arg20[%parallel_loop3A_673] : memref<32xf32, #tpu.memory_space<smem>>
        memref.store %parallel_loop3A_670, %arg20[%parallel_loop3A_673] : memref<32xf32, #tpu.memory_space<smem>>
        %parallel_loop3A_675 = vector.extract_strided_slice %parallel_loop3A_550 {offsets = [10], sizes = [1], strides = [1]} : vector<16xf32> to vector<1xf32>
        %parallel_loop3A_676 = vector.extract %parallel_loop3A_675[0] : f32 from vector<1xf32>
        %parallel_loop3A_677 = arith.constant 10 : i32
        %parallel_loop3A_678 = arith.addi %parallel_loop3A_402, %parallel_loop3A_677 : i32
        %parallel_loop3A_679 = arith.index_cast %parallel_loop3A_678 : i32 to index
        %parallel_loop3A_680 = memref.load %arg19[%parallel_loop3A_679] : memref<32xf32, #tpu.memory_space<smem>>
        memref.store %parallel_loop3A_676, %arg19[%parallel_loop3A_679] : memref<32xf32, #tpu.memory_space<smem>>
        %parallel_loop3A_681 = vector.extract_strided_slice %parallel_loop3A_554 {offsets = [10], sizes = [1], strides = [1]} : vector<16xf32> to vector<1xf32>
        %parallel_loop3A_682 = vector.extract %parallel_loop3A_681[0] : f32 from vector<1xf32>
        %parallel_loop3A_683 = arith.constant 10 : i32
        %parallel_loop3A_684 = arith.addi %parallel_loop3A_402, %parallel_loop3A_683 : i32
        %parallel_loop3A_685 = arith.index_cast %parallel_loop3A_684 : i32 to index
        %parallel_loop3A_686 = memref.load %arg20[%parallel_loop3A_685] : memref<32xf32, #tpu.memory_space<smem>>
        memref.store %parallel_loop3A_682, %arg20[%parallel_loop3A_685] : memref<32xf32, #tpu.memory_space<smem>>
        %parallel_loop3A_687 = vector.extract_strided_slice %parallel_loop3A_550 {offsets = [11], sizes = [1], strides = [1]} : vector<16xf32> to vector<1xf32>
        %parallel_loop3A_688 = vector.extract %parallel_loop3A_687[0] : f32 from vector<1xf32>
        %parallel_loop3A_689 = arith.constant 11 : i32
        %parallel_loop3A_690 = arith.addi %parallel_loop3A_402, %parallel_loop3A_689 : i32
        %parallel_loop3A_691 = arith.index_cast %parallel_loop3A_690 : i32 to index
        %parallel_loop3A_692 = memref.load %arg19[%parallel_loop3A_691] : memref<32xf32, #tpu.memory_space<smem>>
        memref.store %parallel_loop3A_688, %arg19[%parallel_loop3A_691] : memref<32xf32, #tpu.memory_space<smem>>
        %parallel_loop3A_693 = vector.extract_strided_slice %parallel_loop3A_554 {offsets = [11], sizes = [1], strides = [1]} : vector<16xf32> to vector<1xf32>
        %parallel_loop3A_694 = vector.extract %parallel_loop3A_693[0] : f32 from vector<1xf32>
        %parallel_loop3A_695 = arith.constant 11 : i32
        %parallel_loop3A_696 = arith.addi %parallel_loop3A_402, %parallel_loop3A_695 : i32
        %parallel_loop3A_697 = arith.index_cast %parallel_loop3A_696 : i32 to index
        %parallel_loop3A_698 = memref.load %arg20[%parallel_loop3A_697] : memref<32xf32, #tpu.memory_space<smem>>
        memref.store %parallel_loop3A_694, %arg20[%parallel_loop3A_697] : memref<32xf32, #tpu.memory_space<smem>>
        %parallel_loop3A_699 = vector.extract_strided_slice %parallel_loop3A_550 {offsets = [12], sizes = [1], strides = [1]} : vector<16xf32> to vector<1xf32>
        %parallel_loop3A_700 = vector.extract %parallel_loop3A_699[0] : f32 from vector<1xf32>
        %parallel_loop3A_701 = arith.constant 12 : i32
        %parallel_loop3A_702 = arith.addi %parallel_loop3A_402, %parallel_loop3A_701 : i32
        %parallel_loop3A_703 = arith.index_cast %parallel_loop3A_702 : i32 to index
        %parallel_loop3A_704 = memref.load %arg19[%parallel_loop3A_703] : memref<32xf32, #tpu.memory_space<smem>>
        memref.store %parallel_loop3A_700, %arg19[%parallel_loop3A_703] : memref<32xf32, #tpu.memory_space<smem>>
        %parallel_loop3A_705 = vector.extract_strided_slice %parallel_loop3A_554 {offsets = [12], sizes = [1], strides = [1]} : vector<16xf32> to vector<1xf32>
        %parallel_loop3A_706 = vector.extract %parallel_loop3A_705[0] : f32 from vector<1xf32>
        %parallel_loop3A_707 = arith.constant 12 : i32
        %parallel_loop3A_708 = arith.addi %parallel_loop3A_402, %parallel_loop3A_707 : i32
        %parallel_loop3A_709 = arith.index_cast %parallel_loop3A_708 : i32 to index
        %parallel_loop3A_710 = memref.load %arg20[%parallel_loop3A_709] : memref<32xf32, #tpu.memory_space<smem>>
        memref.store %parallel_loop3A_706, %arg20[%parallel_loop3A_709] : memref<32xf32, #tpu.memory_space<smem>>
        %parallel_loop3A_711 = vector.extract_strided_slice %parallel_loop3A_550 {offsets = [13], sizes = [1], strides = [1]} : vector<16xf32> to vector<1xf32>
        %parallel_loop3A_712 = vector.extract %parallel_loop3A_711[0] : f32 from vector<1xf32>
        %parallel_loop3A_713 = arith.constant 13 : i32
        %parallel_loop3A_714 = arith.addi %parallel_loop3A_402, %parallel_loop3A_713 : i32
        %parallel_loop3A_715 = arith.index_cast %parallel_loop3A_714 : i32 to index
        %parallel_loop3A_716 = memref.load %arg19[%parallel_loop3A_715] : memref<32xf32, #tpu.memory_space<smem>>
        memref.store %parallel_loop3A_712, %arg19[%parallel_loop3A_715] : memref<32xf32, #tpu.memory_space<smem>>
        %parallel_loop3A_717 = vector.extract_strided_slice %parallel_loop3A_554 {offsets = [13], sizes = [1], strides = [1]} : vector<16xf32> to vector<1xf32>
        %parallel_loop3A_718 = vector.extract %parallel_loop3A_717[0] : f32 from vector<1xf32>
        %parallel_loop3A_719 = arith.constant 13 : i32
        %parallel_loop3A_720 = arith.addi %parallel_loop3A_402, %parallel_loop3A_719 : i32
        %parallel_loop3A_721 = arith.index_cast %parallel_loop3A_720 : i32 to index
        %parallel_loop3A_722 = memref.load %arg20[%parallel_loop3A_721] : memref<32xf32, #tpu.memory_space<smem>>
        memref.store %parallel_loop3A_718, %arg20[%parallel_loop3A_721] : memref<32xf32, #tpu.memory_space<smem>>
        %parallel_loop3A_723 = vector.extract_strided_slice %parallel_loop3A_550 {offsets = [14], sizes = [1], strides = [1]} : vector<16xf32> to vector<1xf32>
        %parallel_loop3A_724 = vector.extract %parallel_loop3A_723[0] : f32 from vector<1xf32>
        %parallel_loop3A_725 = arith.constant 14 : i32
        %parallel_loop3A_726 = arith.addi %parallel_loop3A_402, %parallel_loop3A_725 : i32
        %parallel_loop3A_727 = arith.index_cast %parallel_loop3A_726 : i32 to index
        %parallel_loop3A_728 = memref.load %arg19[%parallel_loop3A_727] : memref<32xf32, #tpu.memory_space<smem>>
        memref.store %parallel_loop3A_724, %arg19[%parallel_loop3A_727] : memref<32xf32, #tpu.memory_space<smem>>
        %parallel_loop3A_729 = vector.extract_strided_slice %parallel_loop3A_554 {offsets = [14], sizes = [1], strides = [1]} : vector<16xf32> to vector<1xf32>
        %parallel_loop3A_730 = vector.extract %parallel_loop3A_729[0] : f32 from vector<1xf32>
        %parallel_loop3A_731 = arith.constant 14 : i32
        %parallel_loop3A_732 = arith.addi %parallel_loop3A_402, %parallel_loop3A_731 : i32
        %parallel_loop3A_733 = arith.index_cast %parallel_loop3A_732 : i32 to index
        %parallel_loop3A_734 = memref.load %arg20[%parallel_loop3A_733] : memref<32xf32, #tpu.memory_space<smem>>
        memref.store %parallel_loop3A_730, %arg20[%parallel_loop3A_733] : memref<32xf32, #tpu.memory_space<smem>>
        %parallel_loop3A_735 = vector.extract_strided_slice %parallel_loop3A_550 {offsets = [15], sizes = [1], strides = [1]} : vector<16xf32> to vector<1xf32>
        %parallel_loop3A_736 = vector.extract %parallel_loop3A_735[0] : f32 from vector<1xf32>
        %parallel_loop3A_737 = arith.constant 15 : i32
        %parallel_loop3A_738 = arith.addi %parallel_loop3A_402, %parallel_loop3A_737 : i32
        %parallel_loop3A_739 = arith.index_cast %parallel_loop3A_738 : i32 to index
        %parallel_loop3A_740 = memref.load %arg19[%parallel_loop3A_739] : memref<32xf32, #tpu.memory_space<smem>>
        memref.store %parallel_loop3A_736, %arg19[%parallel_loop3A_739] : memref<32xf32, #tpu.memory_space<smem>>
        %parallel_loop3A_741 = vector.extract_strided_slice %parallel_loop3A_554 {offsets = [15], sizes = [1], strides = [1]} : vector<16xf32> to vector<1xf32>
        %parallel_loop3A_742 = vector.extract %parallel_loop3A_741[0] : f32 from vector<1xf32>
        %parallel_loop3A_743 = arith.constant 15 : i32
        %parallel_loop3A_744 = arith.addi %parallel_loop3A_402, %parallel_loop3A_743 : i32
        %parallel_loop3A_745 = arith.index_cast %parallel_loop3A_744 : i32 to index
        %parallel_loop3A_746 = memref.load %arg20[%parallel_loop3A_745] : memref<32xf32, #tpu.memory_space<smem>>
        memref.store %parallel_loop3A_742, %arg20[%parallel_loop3A_745] : memref<32xf32, #tpu.memory_space<smem>>
      } {sc.loop_unroll_factor = 1 : i64, sc.parallel_access}
      %scan3A_124 = arith.constant 0 : i32
      %scan3A_125 = arith.constant 0 : i32
      %scan3A_126 = arith.constant 48 : i32
      %scan3A_127 = arith.addi %scan3A_125, %scan3A_126 : i32
      %scan3A_128 = arith.constant 1 : i32
      scf.for %scan3A_400 = %scan3A_125 to %scan3A_127 step %scan3A_128  : i32 {
        %mul3A_401 = arith.constant 16 : i32
        %mul3A_402 = arith.muli %scan3A_400, %mul3A_401 : i32
        %multiple_of3A = tpu.assume_multiple %mul3A_402, 16 : i32
        %get3A = arith.index_cast %shift_right_arithmetic3A_114 : i32 to index
        %get3A_403 = arith.index_cast %multiple_of3A : i32 to index
        %get3A_404 = tpu.vector_load %arg14[%get3A, %get3A_403] {strides = array<i32>} : memref<4x768xf32, #tpu.memory_space<vmem>>, vector<16xf32>,
        %get3A_405 = arith.index_cast %multiple_of3A : i32 to index
        %get3A_406 = tpu.vector_load %arg15[%get3A_405] {strides = array<i32>} : memref<768xf32, #tpu.memory_space<vmem>>, vector<16xf32>,
        %get3A_407 = arith.index_cast %multiple_of3A : i32 to index
        %get3A_408 = tpu.vector_load %arg16[%get3A_407] {strides = array<i32>} : memref<768xf32, #tpu.memory_space<vmem>>, vector<16xf32>,
        %parallel_loop3A_409 = arith.constant 0 : i32
        %parallel_loop3A_410 = arith.constant 32 : i32
        %parallel_loop3A_411 = arith.constant 1 : i32
        scf.for %parallel_loop3A_412 = %parallel_loop3A_409 to %parallel_loop3A_410 step %parallel_loop3A_411  : i32 {
          %parallel_loop3A_413 = arith.index_cast %parallel_loop3A_412 : i32 to index
          %parallel_loop3A_414 = memref.load %arg19[%parallel_loop3A_413] : memref<32xf32, #tpu.memory_space<smem>>
          %parallel_loop3A_415 = arith.index_cast %parallel_loop3A_412 : i32 to index
          %parallel_loop3A_416 = memref.load %arg20[%parallel_loop3A_415] : memref<32xf32, #tpu.memory_space<smem>>
          %parallel_loop3A_417 = arith.index_cast %parallel_loop3A_412 : i32 to index
          %parallel_loop3A_418 = arith.index_cast %multiple_of3A : i32 to index
          %parallel_loop3A_419 = tpu.vector_load %arg10[%parallel_loop3A_417, %parallel_loop3A_418] {strides = array<i32>} : memref<32x768xf32, #tpu.memory_space<vmem>>, vector<16xf32>,
          %parallel_loop3A_420 = arith.addf %parallel_loop3A_419, %get3A_404 : vector<16xf32>
          %parallel_loop3A_421 = vector.broadcast %parallel_loop3A_414 : f32 to vector<16xf32>
          %parallel_loop3A_422 = arith.mulf %parallel_loop3A_420, %parallel_loop3A_421 : vector<16xf32>
          %parallel_loop3A_423 = vector.broadcast %parallel_loop3A_416 : f32 to vector<16xf32>
          %parallel_loop3A_424 = arith.addf %parallel_loop3A_422, %parallel_loop3A_423 : vector<16xf32>
          %parallel_loop3A_425 = arith.mulf %parallel_loop3A_424, %get3A_406 : vector<16xf32>
          %parallel_loop3A_426 = arith.addf %parallel_loop3A_425, %get3A_408 : vector<16xf32>
          %parallel_loop3A_427 = arith.index_cast %parallel_loop3A_412 : i32 to index
          %parallel_loop3A_428 = arith.index_cast %multiple_of3A : i32 to index
          %parallel_loop3A_429 = tpu.vector_load %arg10[%parallel_loop3A_427, %parallel_loop3A_428] {strides = array<i32>} : memref<32x768xf32, #tpu.memory_space<vmem>>, vector<16xf32>,
          tpu.vector_store %arg10[%parallel_loop3A_427, %parallel_loop3A_428], %parallel_loop3A_426 {strides = array<i32>} : memref<32x768xf32, #tpu.memory_space<vmem>>, vector<16xf32>,
        } {sc.loop_unroll_factor = 4 : i64, sc.parallel_access}
      }
      %scan3A_129 = arith.constant 48 : i32
      %shift_right_arithmetic3A_130 = arith.constant 5 : i32
      %shift_right_arithmetic3A_131 = arith.shrsi %add3A_107, %shift_right_arithmetic3A_130 : i32
      %and3A = arith.constant 31 : i32
      %and3A_132 = arith.andi %add3A_107, %and3A : i32
      %mul3A_133 = arith.constant 4 : i32
      %mul3A_134 = arith.muli %add3A, %mul3A_133 : i32
      %add3A_135 = arith.addi %mul3A_134, %shift_right_arithmetic3A_131 : i32
      %mul3A_136 = arith.constant 768 : i32
      %mul3A_137 = arith.muli %add3A_135, %mul3A_136 : i32
      %add3A_138 = arith.constant 128 : i32
      %add3A_139 = arith.addi %add3A_138, %mul3A_137 : i32
      %mul3A_140 = arith.constant 32 : i32
      %mul3A_141 = arith.muli %and3A_132, %mul3A_140 : i32
      %dma_start3A_142 = tpu.memref_slice %arg8[%mul3A_141, %add3A_139] : memref<1024x98432xf32, #tpu.memory_space<hbm>> -> memref<32x768xf32, #tpu.memory_space<hbm>>
      %dma_start3A_143 = tpu.memref_slice %arg8[%mul3A_141, %add3A_139] : memref<1024x98432xf32, #tpu.memory_space<hbm>> -> memref<32x768xf32, #tpu.memory_space<hbm>>
      tpu.enqueue_dma source(%arg10 : memref<32x768xf32, #tpu.memory_space<vmem>>) target(%dma_start3A_143 : memref<32x768xf32, #tpu.memory_space<hbm>>) target_semaphore(%arg27 : memref<!tpu.dma_semaphore, #tpu.memory_space<semaphore_mem>>)
      %add3A_144 = arith.constant 128 : i32
      %add3A_145 = arith.addi %add3A_107, %add3A_144 : i32
      %sub3A = arith.constant 1 : i32
      %sub3A_146 = arith.subi %add3A_145, %sub3A : i32
      %and3A_147 = arith.constant 127 : i32
      %and3A_148 = arith.andi %sub3A_146, %and3A_147 : i32
      %shift_right_arithmetic3A_149 = arith.constant 5 : i32
      %shift_right_arithmetic3A_150 = arith.shrsi %and3A_148, %shift_right_arithmetic3A_149 : i32
      %and3A_151 = arith.constant 31 : i32
      %and3A_152 = arith.andi %and3A_148, %and3A_151 : i32
      %mul3A_153 = arith.constant 4 : i32
      %mul3A_154 = arith.muli %add3A, %mul3A_153 : i32
      %add3A_155 = arith.addi %mul3A_154, %shift_right_arithmetic3A_150 : i32
      %mul3A_156 = arith.constant 768 : i32
      %mul3A_157 = arith.muli %add3A_155, %mul3A_156 : i32
      %add3A_158 = arith.constant 128 : i32
      %add3A_159 = arith.addi %add3A_158, %mul3A_157 : i32
      %mul3A_160 = arith.constant 32 : i32
      %mul3A_161 = arith.muli %and3A_152, %mul3A_160 : i32
      %dma_wait3A_162 = tpu.memref_slice %arg8[%mul3A_161, %add3A_159] : memref<1024x98432xf32, #tpu.memory_space<hbm>> -> memref<32x768xf32, #tpu.memory_space<hbm>>
      %dma_wait3A_163 = tpu.memref_slice %arg8[%mul3A_161, %add3A_159] : memref<1024x98432xf32, #tpu.memory_space<hbm>> -> memref<32x768xf32, #tpu.memory_space<hbm>>
      tpu.wait_dma2 semaphore(%arg30 : memref<!tpu.dma_semaphore, #tpu.memory_space<semaphore_mem>>) src(%arg13 : memref<32x768xf32, #tpu.memory_space<vmem>>) dst(%dma_wait3A_163 : memref<32x768xf32, #tpu.memory_space<hbm>>)
      %add3A_164 = arith.constant 4 : i32
      %add3A_165 = arith.addi %add3A_107, %add3A_164 : i32
      %sub3A_166 = arith.constant 1 : i32
      %sub3A_167 = arith.subi %add3A_165, %sub3A_166 : i32
      %min3A = arith.constant 127 : i32
      %min3A_168 = arith.minsi %sub3A_167, %min3A : i32
      %dma_start3A_169 = arith.constant 0 : i32
      %dma_start3A_170 = tpu.memref_slice %arg9[%min3A_168, %dma_start3A_169] : memref<128x32xi32, #tpu.memory_space<vmem>> -> memref<1x32xi32, #tpu.memory_space<vmem>>
      %dma_start3A_171 = tpu.memref_squeeze %dma_start3A_170 : memref<1x32xi32, #tpu.memory_space<vmem>> -> memref<32xi32, #tpu.memory_space<vmem>>
      %dma_start3A_172 = arith.constant 0 : i32
      %dma_start3A_173 = arith.constant 0 : i32
      %dma_start3A_174 = tpu.memref_slice %arg4[%dma_start3A_172, %dma_start3A_173] : memref<30522x768xf32, #tpu.memory_space<hbm>> -> memref<30522x768xf32, #tpu.memory_space<hbm>>
      tpu.enqueue_indirect_dma source(%dma_start3A_174 : memref<30522x768xf32, #tpu.memory_space<hbm>>) target(%arg13 : memref<32x768xf32, #tpu.memory_space<vmem>>) offsets(%dma_start3A_171 : memref<32xi32, #tpu.memory_space<vmem>>) semaphore(%arg26 : memref<!tpu.dma_semaphore, #tpu.memory_space<semaphore_mem>>)
      %mul3A_175 = arith.constant 4 : i32
      %mul3A_176 = arith.muli %scan3A_103, %mul3A_175 : i32
      %add3A_177 = arith.constant 1 : i32
      %add3A_178 = arith.addi %mul3A_176, %add3A_177 : i32
      %dma_wait3A_179 = arith.constant 0 : i32
      %dma_wait3A_180 = tpu.memref_slice %arg9[%add3A_178, %dma_wait3A_179] : memref<128x32xi32, #tpu.memory_space<vmem>> -> memref<1x32xi32, #tpu.memory_space<vmem>>
      %dma_wait3A_181 = tpu.memref_squeeze %dma_wait3A_180 : memref<1x32xi32, #tpu.memory_space<vmem>> -> memref<32xi32, #tpu.memory_space<vmem>>
      %dma_wait3A_182 = arith.constant 0 : i32
      %dma_wait3A_183 = arith.constant 0 : i32
      %dma_wait3A_184 = tpu.memref_slice %arg4[%dma_wait3A_182, %dma_wait3A_183] : memref<30522x768xf32, #tpu.memory_space<hbm>> -> memref<30522x768xf32, #tpu.memory_space<hbm>>
      tpu.wait_indirect_dma semaphore(%arg24 : memref<!tpu.dma_semaphore, #tpu.memory_space<semaphore_mem>>) src(%dma_wait3A_184 : memref<30522x768xf32, #tpu.memory_space<hbm>>) dst(%arg11 : memref<32x768xf32, #tpu.memory_space<vmem>>)
      %shift_right_arithmetic3A_185 = arith.constant 5 : i32
      %shift_right_arithmetic3A_186 = arith.shrsi %add3A_178, %shift_right_arithmetic3A_185 : i32
      %scan3A_187 = arith.constant 0 : i32
      %scan3A_188 = arith.constant 0 : i32
      %scan3A_189 = arith.constant 32 : i32
      %scan3A_190 = arith.addi %scan3A_188, %scan3A_189 : i32
      %scan3A_191 = arith.constant 1 : i32
      scf.for %scan3A_400 = %scan3A_188 to %scan3A_190 step %scan3A_191  : i32 {
        %broadcast_in_dim3A = arith.constant 0.000000e+00 : f32
        %broadcast_in_dim3A_401 = vector.broadcast %broadcast_in_dim3A : f32 to vector<16xf32>
        %parallel_loop3A_402 = arith.constant 0 : i32
        %parallel_loop3A_403 = arith.constant 48 : i32
        %parallel_loop3A_404 = arith.constant 1 : i32
        %parallel_loop3A_405:2 = scf.for %parallel_loop3A_411 = %parallel_loop3A_402 to %parallel_loop3A_403 step %parallel_loop3A_404 iter_args(%parallel_loop3A_412 = %broadcast_in_dim3A_401, %parallel_loop3A_413 = %broadcast_in_dim3A_401) -> (vector<16xf32>, vector<16xf32>)  : i32 {
          %parallel_loop3A_414 = arith.constant 16 : i32
          %parallel_loop3A_415 = arith.muli %parallel_loop3A_411, %parallel_loop3A_414 : i32
          %parallel_loop3A_416 = tpu.assume_multiple %parallel_loop3A_415, 16 : i32
          %parallel_loop3A_417 = arith.index_cast %scan3A_400 : i32 to index
          %parallel_loop3A_418 = arith.index_cast %parallel_loop3A_416 : i32 to index
          %parallel_loop3A_419 = tpu.vector_load %arg11[%parallel_loop3A_417, %parallel_loop3A_418] {strides = array<i32>} : memref<32x768xf32, #tpu.memory_space<vmem>>, vector<16xf32>,
          %parallel_loop3A_420 = arith.index_cast %shift_right_arithmetic3A_186 : i32 to index
          %parallel_loop3A_421 = arith.index_cast %parallel_loop3A_416 : i32 to index
          %parallel_loop3A_422 = tpu.vector_load %arg14[%parallel_loop3A_420, %parallel_loop3A_421] {strides = array<i32>} : memref<4x768xf32, #tpu.memory_space<vmem>>, vector<16xf32>,
          %parallel_loop3A_423 = arith.addf %parallel_loop3A_419, %parallel_loop3A_422 : vector<16xf32>
          %parallel_loop3A_424 = arith.addf %parallel_loop3A_412, %parallel_loop3A_423 : vector<16xf32>
          %parallel_loop3A_425 = arith.mulf %parallel_loop3A_423, %parallel_loop3A_423 : vector<16xf32>
          %parallel_loop3A_426 = arith.addf %parallel_loop3A_413, %parallel_loop3A_425 : vector<16xf32>
          scf.yield %parallel_loop3A_424, %parallel_loop3A_426 : vector<16xf32>, vector<16xf32>
        } {sc.loop_unroll_factor = 4 : i64, sc.parallel_access}
        %swap3A = arith.index_cast %scan3A_400 : i32 to index
        %swap3A_406 = arith.constant 0 : index
        %swap3A_407 = tpu.vector_load %arg17[%swap3A, %swap3A_406] {strides = array<i32>} : memref<32x16xf32, #tpu.memory_space<vmem>>, vector<16xf32>,
        tpu.vector_store %arg17[%swap3A, %swap3A_406], %parallel_loop3A_405#0 {strides = array<i32>} : memref<32x16xf32, #tpu.memory_space<vmem>>, vector<16xf32>,
        %swap3A_408 = arith.index_cast %scan3A_400 : i32 to index
        %swap3A_409 = arith.constant 0 : index
        %swap3A_410 = tpu.vector_load %arg18[%swap3A_408, %swap3A_409] {strides = array<i32>} : memref<32x16xf32, #tpu.memory_space<vmem>>, vector<16xf32>,
        tpu.vector_store %arg18[%swap3A_408, %swap3A_409], %parallel_loop3A_405#1 {strides = array<i32>} : memref<32x16xf32, #tpu.memory_space<vmem>>, vector<16xf32>,
      }
      %scan3A_192 = arith.constant 32 : i32
      %parallel_loop3A_193 = arith.constant 0 : i32
      %parallel_loop3A_194 = arith.constant 2 : i32
      %parallel_loop3A_195 = arith.constant 1 : i32
      scf.for %parallel_loop3A_400 = %parallel_loop3A_193 to %parallel_loop3A_194 step %parallel_loop3A_195  : i32 {
        %parallel_loop3A_401 = arith.constant 16 : i32
        %parallel_loop3A_402 = arith.muli %parallel_loop3A_400, %parallel_loop3A_401 : i32
        %parallel_loop3A_403 = vector.broadcast %parallel_loop3A_402 : i32 to vector<16xi32>
        %parallel_loop3A_404 = arith.addi %parallel_loop3A_403, %iota3A : vector<16xi32>
        %parallel_loop3A_405 = arith.constant 0.000000e+00 : f32
        %parallel_loop3A_406 = vector.broadcast %parallel_loop3A_405 : f32 to vector<16xf32>
        %parallel_loop3A_407 = arith.constant 0.000000e+00 : f32
        %parallel_loop3A_408 = vector.broadcast %parallel_loop3A_407 : f32 to vector<16xf32>
        %parallel_loop3A_409 = arith.constant 0 : i32
        %parallel_loop3A_410 = vector.broadcast %parallel_loop3A_409 : i32 to vector<16xi32>
        %parallel_loop3A_411 = tpu.vector_load_idx %arg17[%parallel_loop3A_404, %parallel_loop3A_410] : memref<32x16xf32, #tpu.memory_space<vmem>>[vector<16xi32>, vector<16xi32>], vector<16xf32>,
        %parallel_loop3A_412 = arith.addf %parallel_loop3A_406, %parallel_loop3A_411 : vector<16xf32>
        %parallel_loop3A_413 = tpu.vector_load_idx %arg18[%parallel_loop3A_404, %parallel_loop3A_410] : memref<32x16xf32, #tpu.memory_space<vmem>>[vector<16xi32>, vector<16xi32>], vector<16xf32>,
        %parallel_loop3A_414 = arith.addf %parallel_loop3A_408, %parallel_loop3A_413 : vector<16xf32>
        %parallel_loop3A_415 = arith.constant 1 : i32
        %parallel_loop3A_416 = vector.broadcast %parallel_loop3A_415 : i32 to vector<16xi32>
        %parallel_loop3A_417 = tpu.vector_load_idx %arg17[%parallel_loop3A_404, %parallel_loop3A_416] : memref<32x16xf32, #tpu.memory_space<vmem>>[vector<16xi32>, vector<16xi32>], vector<16xf32>,
        %parallel_loop3A_418 = arith.addf %parallel_loop3A_412, %parallel_loop3A_417 : vector<16xf32>
        %parallel_loop3A_419 = tpu.vector_load_idx %arg18[%parallel_loop3A_404, %parallel_loop3A_416] : memref<32x16xf32, #tpu.memory_space<vmem>>[vector<16xi32>, vector<16xi32>], vector<16xf32>,
        %parallel_loop3A_420 = arith.addf %parallel_loop3A_414, %parallel_loop3A_419 : vector<16xf32>
        %parallel_loop3A_421 = arith.constant 2 : i32
        %parallel_loop3A_422 = vector.broadcast %parallel_loop3A_421 : i32 to vector<16xi32>
        %parallel_loop3A_423 = tpu.vector_load_idx %arg17[%parallel_loop3A_404, %parallel_loop3A_422] : memref<32x16xf32, #tpu.memory_space<vmem>>[vector<16xi32>, vector<16xi32>], vector<16xf32>,
        %parallel_loop3A_424 = arith.addf %parallel_loop3A_418, %parallel_loop3A_423 : vector<16xf32>
        %parallel_loop3A_425 = tpu.vector_load_idx %arg18[%parallel_loop3A_404, %parallel_loop3A_422] : memref<32x16xf32, #tpu.memory_space<vmem>>[vector<16xi32>, vector<16xi32>], vector<16xf32>,
        %parallel_loop3A_426 = arith.addf %parallel_loop3A_420, %parallel_loop3A_425 : vector<16xf32>
        %parallel_loop3A_427 = arith.constant 3 : i32
        %parallel_loop3A_428 = vector.broadcast %parallel_loop3A_427 : i32 to vector<16xi32>
        %parallel_loop3A_429 = tpu.vector_load_idx %arg17[%parallel_loop3A_404, %parallel_loop3A_428] : memref<32x16xf32, #tpu.memory_space<vmem>>[vector<16xi32>, vector<16xi32>], vector<16xf32>,
        %parallel_loop3A_430 = arith.addf %parallel_loop3A_424, %parallel_loop3A_429 : vector<16xf32>
        %parallel_loop3A_431 = tpu.vector_load_idx %arg18[%parallel_loop3A_404, %parallel_loop3A_428] : memref<32x16xf32, #tpu.memory_space<vmem>>[vector<16xi32>, vector<16xi32>], vector<16xf32>,
        %parallel_loop3A_432 = arith.addf %parallel_loop3A_426, %parallel_loop3A_431 : vector<16xf32>
        %parallel_loop3A_433 = arith.constant 4 : i32
        %parallel_loop3A_434 = vector.broadcast %parallel_loop3A_433 : i32 to vector<16xi32>
        %parallel_loop3A_435 = tpu.vector_load_idx %arg17[%parallel_loop3A_404, %parallel_loop3A_434] : memref<32x16xf32, #tpu.memory_space<vmem>>[vector<16xi32>, vector<16xi32>], vector<16xf32>,
        %parallel_loop3A_436 = arith.addf %parallel_loop3A_430, %parallel_loop3A_435 : vector<16xf32>
        %parallel_loop3A_437 = tpu.vector_load_idx %arg18[%parallel_loop3A_404, %parallel_loop3A_434] : memref<32x16xf32, #tpu.memory_space<vmem>>[vector<16xi32>, vector<16xi32>], vector<16xf32>,
        %parallel_loop3A_438 = arith.addf %parallel_loop3A_432, %parallel_loop3A_437 : vector<16xf32>
        %parallel_loop3A_439 = arith.constant 5 : i32
        %parallel_loop3A_440 = vector.broadcast %parallel_loop3A_439 : i32 to vector<16xi32>
        %parallel_loop3A_441 = tpu.vector_load_idx %arg17[%parallel_loop3A_404, %parallel_loop3A_440] : memref<32x16xf32, #tpu.memory_space<vmem>>[vector<16xi32>, vector<16xi32>], vector<16xf32>,
        %parallel_loop3A_442 = arith.addf %parallel_loop3A_436, %parallel_loop3A_441 : vector<16xf32>
        %parallel_loop3A_443 = tpu.vector_load_idx %arg18[%parallel_loop3A_404, %parallel_loop3A_440] : memref<32x16xf32, #tpu.memory_space<vmem>>[vector<16xi32>, vector<16xi32>], vector<16xf32>,
        %parallel_loop3A_444 = arith.addf %parallel_loop3A_438, %parallel_loop3A_443 : vector<16xf32>
        %parallel_loop3A_445 = arith.constant 6 : i32
        %parallel_loop3A_446 = vector.broadcast %parallel_loop3A_445 : i32 to vector<16xi32>
        %parallel_loop3A_447 = tpu.vector_load_idx %arg17[%parallel_loop3A_404, %parallel_loop3A_446] : memref<32x16xf32, #tpu.memory_space<vmem>>[vector<16xi32>, vector<16xi32>], vector<16xf32>,
        %parallel_loop3A_448 = arith.addf %parallel_loop3A_442, %parallel_loop3A_447 : vector<16xf32>
        %parallel_loop3A_449 = tpu.vector_load_idx %arg18[%parallel_loop3A_404, %parallel_loop3A_446] : memref<32x16xf32, #tpu.memory_space<vmem>>[vector<16xi32>, vector<16xi32>], vector<16xf32>,
        %parallel_loop3A_450 = arith.addf %parallel_loop3A_444, %parallel_loop3A_449 : vector<16xf32>
        %parallel_loop3A_451 = arith.constant 7 : i32
        %parallel_loop3A_452 = vector.broadcast %parallel_loop3A_451 : i32 to vector<16xi32>
        %parallel_loop3A_453 = tpu.vector_load_idx %arg17[%parallel_loop3A_404, %parallel_loop3A_452] : memref<32x16xf32, #tpu.memory_space<vmem>>[vector<16xi32>, vector<16xi32>], vector<16xf32>,
        %parallel_loop3A_454 = arith.addf %parallel_loop3A_448, %parallel_loop3A_453 : vector<16xf32>
        %parallel_loop3A_455 = tpu.vector_load_idx %arg18[%parallel_loop3A_404, %parallel_loop3A_452] : memref<32x16xf32, #tpu.memory_space<vmem>>[vector<16xi32>, vector<16xi32>], vector<16xf32>,
        %parallel_loop3A_456 = arith.addf %parallel_loop3A_450, %parallel_loop3A_455 : vector<16xf32>
        %parallel_loop3A_457 = arith.constant 8 : i32
        %parallel_loop3A_458 = vector.broadcast %parallel_loop3A_457 : i32 to vector<16xi32>
        %parallel_loop3A_459 = tpu.vector_load_idx %arg17[%parallel_loop3A_404, %parallel_loop3A_458] : memref<32x16xf32, #tpu.memory_space<vmem>>[vector<16xi32>, vector<16xi32>], vector<16xf32>,
        %parallel_loop3A_460 = arith.addf %parallel_loop3A_454, %parallel_loop3A_459 : vector<16xf32>
        %parallel_loop3A_461 = tpu.vector_load_idx %arg18[%parallel_loop3A_404, %parallel_loop3A_458] : memref<32x16xf32, #tpu.memory_space<vmem>>[vector<16xi32>, vector<16xi32>], vector<16xf32>,
        %parallel_loop3A_462 = arith.addf %parallel_loop3A_456, %parallel_loop3A_461 : vector<16xf32>
        %parallel_loop3A_463 = arith.constant 9 : i32
        %parallel_loop3A_464 = vector.broadcast %parallel_loop3A_463 : i32 to vector<16xi32>
        %parallel_loop3A_465 = tpu.vector_load_idx %arg17[%parallel_loop3A_404, %parallel_loop3A_464] : memref<32x16xf32, #tpu.memory_space<vmem>>[vector<16xi32>, vector<16xi32>], vector<16xf32>,
        %parallel_loop3A_466 = arith.addf %parallel_loop3A_460, %parallel_loop3A_465 : vector<16xf32>
        %parallel_loop3A_467 = tpu.vector_load_idx %arg18[%parallel_loop3A_404, %parallel_loop3A_464] : memref<32x16xf32, #tpu.memory_space<vmem>>[vector<16xi32>, vector<16xi32>], vector<16xf32>,
        %parallel_loop3A_468 = arith.addf %parallel_loop3A_462, %parallel_loop3A_467 : vector<16xf32>
        %parallel_loop3A_469 = arith.constant 10 : i32
        %parallel_loop3A_470 = vector.broadcast %parallel_loop3A_469 : i32 to vector<16xi32>
        %parallel_loop3A_471 = tpu.vector_load_idx %arg17[%parallel_loop3A_404, %parallel_loop3A_470] : memref<32x16xf32, #tpu.memory_space<vmem>>[vector<16xi32>, vector<16xi32>], vector<16xf32>,
        %parallel_loop3A_472 = arith.addf %parallel_loop3A_466, %parallel_loop3A_471 : vector<16xf32>
        %parallel_loop3A_473 = tpu.vector_load_idx %arg18[%parallel_loop3A_404, %parallel_loop3A_470] : memref<32x16xf32, #tpu.memory_space<vmem>>[vector<16xi32>, vector<16xi32>], vector<16xf32>,
        %parallel_loop3A_474 = arith.addf %parallel_loop3A_468, %parallel_loop3A_473 : vector<16xf32>
        %parallel_loop3A_475 = arith.constant 11 : i32
        %parallel_loop3A_476 = vector.broadcast %parallel_loop3A_475 : i32 to vector<16xi32>
        %parallel_loop3A_477 = tpu.vector_load_idx %arg17[%parallel_loop3A_404, %parallel_loop3A_476] : memref<32x16xf32, #tpu.memory_space<vmem>>[vector<16xi32>, vector<16xi32>], vector<16xf32>,
        %parallel_loop3A_478 = arith.addf %parallel_loop3A_472, %parallel_loop3A_477 : vector<16xf32>
        %parallel_loop3A_479 = tpu.vector_load_idx %arg18[%parallel_loop3A_404, %parallel_loop3A_476] : memref<32x16xf32, #tpu.memory_space<vmem>>[vector<16xi32>, vector<16xi32>], vector<16xf32>,
        %parallel_loop3A_480 = arith.addf %parallel_loop3A_474, %parallel_loop3A_479 : vector<16xf32>
        %parallel_loop3A_481 = arith.constant 12 : i32
        %parallel_loop3A_482 = vector.broadcast %parallel_loop3A_481 : i32 to vector<16xi32>
        %parallel_loop3A_483 = tpu.vector_load_idx %arg17[%parallel_loop3A_404, %parallel_loop3A_482] : memref<32x16xf32, #tpu.memory_space<vmem>>[vector<16xi32>, vector<16xi32>], vector<16xf32>,
        %parallel_loop3A_484 = arith.addf %parallel_loop3A_478, %parallel_loop3A_483 : vector<16xf32>
        %parallel_loop3A_485 = tpu.vector_load_idx %arg18[%parallel_loop3A_404, %parallel_loop3A_482] : memref<32x16xf32, #tpu.memory_space<vmem>>[vector<16xi32>, vector<16xi32>], vector<16xf32>,
        %parallel_loop3A_486 = arith.addf %parallel_loop3A_480, %parallel_loop3A_485 : vector<16xf32>
        %parallel_loop3A_487 = arith.constant 13 : i32
        %parallel_loop3A_488 = vector.broadcast %parallel_loop3A_487 : i32 to vector<16xi32>
        %parallel_loop3A_489 = tpu.vector_load_idx %arg17[%parallel_loop3A_404, %parallel_loop3A_488] : memref<32x16xf32, #tpu.memory_space<vmem>>[vector<16xi32>, vector<16xi32>], vector<16xf32>,
        %parallel_loop3A_490 = arith.addf %parallel_loop3A_484, %parallel_loop3A_489 : vector<16xf32>
        %parallel_loop3A_491 = tpu.vector_load_idx %arg18[%parallel_loop3A_404, %parallel_loop3A_488] : memref<32x16xf32, #tpu.memory_space<vmem>>[vector<16xi32>, vector<16xi32>], vector<16xf32>,
        %parallel_loop3A_492 = arith.addf %parallel_loop3A_486, %parallel_loop3A_491 : vector<16xf32>
        %parallel_loop3A_493 = arith.constant 14 : i32
        %parallel_loop3A_494 = vector.broadcast %parallel_loop3A_493 : i32 to vector<16xi32>
        %parallel_loop3A_495 = tpu.vector_load_idx %arg17[%parallel_loop3A_404, %parallel_loop3A_494] : memref<32x16xf32, #tpu.memory_space<vmem>>[vector<16xi32>, vector<16xi32>], vector<16xf32>,
        %parallel_loop3A_496 = arith.addf %parallel_loop3A_490, %parallel_loop3A_495 : vector<16xf32>
        %parallel_loop3A_497 = tpu.vector_load_idx %arg18[%parallel_loop3A_404, %parallel_loop3A_494] : memref<32x16xf32, #tpu.memory_space<vmem>>[vector<16xi32>, vector<16xi32>], vector<16xf32>,
        %parallel_loop3A_498 = arith.addf %parallel_loop3A_492, %parallel_loop3A_497 : vector<16xf32>
        %parallel_loop3A_499 = arith.constant 15 : i32
        %parallel_loop3A_500 = vector.broadcast %parallel_loop3A_499 : i32 to vector<16xi32>
        %parallel_loop3A_501 = tpu.vector_load_idx %arg17[%parallel_loop3A_404, %parallel_loop3A_500] : memref<32x16xf32, #tpu.memory_space<vmem>>[vector<16xi32>, vector<16xi32>], vector<16xf32>,
        %parallel_loop3A_502 = arith.addf %parallel_loop3A_496, %parallel_loop3A_501 : vector<16xf32>
        %parallel_loop3A_503 = tpu.vector_load_idx %arg18[%parallel_loop3A_404, %parallel_loop3A_500] : memref<32x16xf32, #tpu.memory_space<vmem>>[vector<16xi32>, vector<16xi32>], vector<16xf32>,
        %parallel_loop3A_504 = arith.addf %parallel_loop3A_498, %parallel_loop3A_503 : vector<16xf32>
        %parallel_loop3A_505 = arith.constant 0.00130208337 : f32
        %parallel_loop3A_506 = vector.broadcast %parallel_loop3A_505 : f32 to vector<16xf32>
        %parallel_loop3A_507 = arith.mulf %parallel_loop3A_502, %parallel_loop3A_506 : vector<16xf32>
        %parallel_loop3A_508 = arith.constant 0.00130208337 : f32
        %parallel_loop3A_509 = vector.broadcast %parallel_loop3A_508 : f32 to vector<16xf32>
        %parallel_loop3A_510 = arith.mulf %parallel_loop3A_504, %parallel_loop3A_509 : vector<16xf32>
        %parallel_loop3A_511 = arith.mulf %parallel_loop3A_507, %parallel_loop3A_507 : vector<16xf32>
        %parallel_loop3A_512 = arith.subf %parallel_loop3A_510, %parallel_loop3A_511 : vector<16xf32>
        %parallel_loop3A_513 = arith.constant 9.99999996E-13 : f32
        %parallel_loop3A_514 = vector.broadcast %parallel_loop3A_513 : f32 to vector<16xf32>
        %parallel_loop3A_515 = arith.addf %parallel_loop3A_512, %parallel_loop3A_514 : vector<16xf32>
        %parallel_loop3A_516 = tpu.bitcast %parallel_loop3A_515 : vector<16xf32> -> vector<16xi32>
        %parallel_loop3A_517 = arith.constant 1 : i32
        %parallel_loop3A_518 = vector.broadcast %parallel_loop3A_517 : i32 to vector<16xi32>
        %parallel_loop3A_519 = arith.shrui %parallel_loop3A_516, %parallel_loop3A_518 : vector<16xi32>
        %parallel_loop3A_520 = arith.constant 1597463007 : i32
        %parallel_loop3A_521 = vector.broadcast %parallel_loop3A_520 : i32 to vector<16xi32>
        %parallel_loop3A_522 = arith.subi %parallel_loop3A_521, %parallel_loop3A_519 : vector<16xi32>
        %parallel_loop3A_523 = tpu.bitcast %parallel_loop3A_522 : vector<16xi32> -> vector<16xf32>
        %parallel_loop3A_524 = arith.constant 5.000000e-01 : f32
        %parallel_loop3A_525 = vector.broadcast %parallel_loop3A_524 : f32 to vector<16xf32>
        %parallel_loop3A_526 = arith.mulf %parallel_loop3A_525, %parallel_loop3A_515 : vector<16xf32>
        %parallel_loop3A_527 = arith.mulf %parallel_loop3A_526, %parallel_loop3A_523 : vector<16xf32>
        %parallel_loop3A_528 = arith.mulf %parallel_loop3A_527, %parallel_loop3A_523 : vector<16xf32>
        %parallel_loop3A_529 = arith.constant 1.500000e+00 : f32
        %parallel_loop3A_530 = vector.broadcast %parallel_loop3A_529 : f32 to vector<16xf32>
        %parallel_loop3A_531 = arith.subf %parallel_loop3A_530, %parallel_loop3A_528 : vector<16xf32>
        %parallel_loop3A_532 = arith.mulf %parallel_loop3A_523, %parallel_loop3A_531 : vector<16xf32>
        %parallel_loop3A_533 = arith.constant 5.000000e-01 : f32
        %parallel_loop3A_534 = vector.broadcast %parallel_loop3A_533 : f32 to vector<16xf32>
        %parallel_loop3A_535 = arith.mulf %parallel_loop3A_534, %parallel_loop3A_515 : vector<16xf32>
        %parallel_loop3A_536 = arith.mulf %parallel_loop3A_535, %parallel_loop3A_532 : vector<16xf32>
        %parallel_loop3A_537 = arith.mulf %parallel_loop3A_536, %parallel_loop3A_532 : vector<16xf32>
        %parallel_loop3A_538 = arith.constant 1.500000e+00 : f32
        %parallel_loop3A_539 = vector.broadcast %parallel_loop3A_538 : f32 to vector<16xf32>
        %parallel_loop3A_540 = arith.subf %parallel_loop3A_539, %parallel_loop3A_537 : vector<16xf32>
        %parallel_loop3A_541 = arith.mulf %parallel_loop3A_532, %parallel_loop3A_540 : vector<16xf32>
        %parallel_loop3A_542 = arith.constant 5.000000e-01 : f32
        %parallel_loop3A_543 = vector.broadcast %parallel_loop3A_542 : f32 to vector<16xf32>
        %parallel_loop3A_544 = arith.mulf %parallel_loop3A_543, %parallel_loop3A_515 : vector<16xf32>
        %parallel_loop3A_545 = arith.mulf %parallel_loop3A_544, %parallel_loop3A_541 : vector<16xf32>
        %parallel_loop3A_546 = arith.mulf %parallel_loop3A_545, %parallel_loop3A_541 : vector<16xf32>
        %parallel_loop3A_547 = arith.constant 1.500000e+00 : f32
        %parallel_loop3A_548 = vector.broadcast %parallel_loop3A_547 : f32 to vector<16xf32>
        %parallel_loop3A_549 = arith.subf %parallel_loop3A_548, %parallel_loop3A_546 : vector<16xf32>
        %parallel_loop3A_550 = arith.mulf %parallel_loop3A_541, %parallel_loop3A_549 : vector<16xf32>
        %parallel_loop3A_551 = arith.mulf %parallel_loop3A_507, %parallel_loop3A_550 : vector<16xf32>
        %parallel_loop3A_552 = arith.constant 0.000000e+00 : f32
        %parallel_loop3A_553 = vector.broadcast %parallel_loop3A_552 : f32 to vector<16xf32>
        %parallel_loop3A_554 = arith.subf %parallel_loop3A_553, %parallel_loop3A_551 : vector<16xf32>
        %parallel_loop3A_555 = vector.extract_strided_slice %parallel_loop3A_550 {offsets = [0], sizes = [1], strides = [1]} : vector<16xf32> to vector<1xf32>
        %parallel_loop3A_556 = vector.extract %parallel_loop3A_555[0] : f32 from vector<1xf32>
        %parallel_loop3A_557 = arith.constant 0 : i32
        %parallel_loop3A_558 = arith.addi %parallel_loop3A_402, %parallel_loop3A_557 : i32
        %parallel_loop3A_559 = arith.index_cast %parallel_loop3A_558 : i32 to index
        %parallel_loop3A_560 = memref.load %arg19[%parallel_loop3A_559] : memref<32xf32, #tpu.memory_space<smem>>
        memref.store %parallel_loop3A_556, %arg19[%parallel_loop3A_559] : memref<32xf32, #tpu.memory_space<smem>>
        %parallel_loop3A_561 = vector.extract_strided_slice %parallel_loop3A_554 {offsets = [0], sizes = [1], strides = [1]} : vector<16xf32> to vector<1xf32>
        %parallel_loop3A_562 = vector.extract %parallel_loop3A_561[0] : f32 from vector<1xf32>
        %parallel_loop3A_563 = arith.constant 0 : i32
        %parallel_loop3A_564 = arith.addi %parallel_loop3A_402, %parallel_loop3A_563 : i32
        %parallel_loop3A_565 = arith.index_cast %parallel_loop3A_564 : i32 to index
        %parallel_loop3A_566 = memref.load %arg20[%parallel_loop3A_565] : memref<32xf32, #tpu.memory_space<smem>>
        memref.store %parallel_loop3A_562, %arg20[%parallel_loop3A_565] : memref<32xf32, #tpu.memory_space<smem>>
        %parallel_loop3A_567 = vector.extract_strided_slice %parallel_loop3A_550 {offsets = [1], sizes = [1], strides = [1]} : vector<16xf32> to vector<1xf32>
        %parallel_loop3A_568 = vector.extract %parallel_loop3A_567[0] : f32 from vector<1xf32>
        %parallel_loop3A_569 = arith.constant 1 : i32
        %parallel_loop3A_570 = arith.addi %parallel_loop3A_402, %parallel_loop3A_569 : i32
        %parallel_loop3A_571 = arith.index_cast %parallel_loop3A_570 : i32 to index
        %parallel_loop3A_572 = memref.load %arg19[%parallel_loop3A_571] : memref<32xf32, #tpu.memory_space<smem>>
        memref.store %parallel_loop3A_568, %arg19[%parallel_loop3A_571] : memref<32xf32, #tpu.memory_space<smem>>
        %parallel_loop3A_573 = vector.extract_strided_slice %parallel_loop3A_554 {offsets = [1], sizes = [1], strides = [1]} : vector<16xf32> to vector<1xf32>
        %parallel_loop3A_574 = vector.extract %parallel_loop3A_573[0] : f32 from vector<1xf32>
        %parallel_loop3A_575 = arith.constant 1 : i32
        %parallel_loop3A_576 = arith.addi %parallel_loop3A_402, %parallel_loop3A_575 : i32
        %parallel_loop3A_577 = arith.index_cast %parallel_loop3A_576 : i32 to index
        %parallel_loop3A_578 = memref.load %arg20[%parallel_loop3A_577] : memref<32xf32, #tpu.memory_space<smem>>
        memref.store %parallel_loop3A_574, %arg20[%parallel_loop3A_577] : memref<32xf32, #tpu.memory_space<smem>>
        %parallel_loop3A_579 = vector.extract_strided_slice %parallel_loop3A_550 {offsets = [2], sizes = [1], strides = [1]} : vector<16xf32> to vector<1xf32>
        %parallel_loop3A_580 = vector.extract %parallel_loop3A_579[0] : f32 from vector<1xf32>
        %parallel_loop3A_581 = arith.constant 2 : i32
        %parallel_loop3A_582 = arith.addi %parallel_loop3A_402, %parallel_loop3A_581 : i32
        %parallel_loop3A_583 = arith.index_cast %parallel_loop3A_582 : i32 to index
        %parallel_loop3A_584 = memref.load %arg19[%parallel_loop3A_583] : memref<32xf32, #tpu.memory_space<smem>>
        memref.store %parallel_loop3A_580, %arg19[%parallel_loop3A_583] : memref<32xf32, #tpu.memory_space<smem>>
        %parallel_loop3A_585 = vector.extract_strided_slice %parallel_loop3A_554 {offsets = [2], sizes = [1], strides = [1]} : vector<16xf32> to vector<1xf32>
        %parallel_loop3A_586 = vector.extract %parallel_loop3A_585[0] : f32 from vector<1xf32>
        %parallel_loop3A_587 = arith.constant 2 : i32
        %parallel_loop3A_588 = arith.addi %parallel_loop3A_402, %parallel_loop3A_587 : i32
        %parallel_loop3A_589 = arith.index_cast %parallel_loop3A_588 : i32 to index
        %parallel_loop3A_590 = memref.load %arg20[%parallel_loop3A_589] : memref<32xf32, #tpu.memory_space<smem>>
        memref.store %parallel_loop3A_586, %arg20[%parallel_loop3A_589] : memref<32xf32, #tpu.memory_space<smem>>
        %parallel_loop3A_591 = vector.extract_strided_slice %parallel_loop3A_550 {offsets = [3], sizes = [1], strides = [1]} : vector<16xf32> to vector<1xf32>
        %parallel_loop3A_592 = vector.extract %parallel_loop3A_591[0] : f32 from vector<1xf32>
        %parallel_loop3A_593 = arith.constant 3 : i32
        %parallel_loop3A_594 = arith.addi %parallel_loop3A_402, %parallel_loop3A_593 : i32
        %parallel_loop3A_595 = arith.index_cast %parallel_loop3A_594 : i32 to index
        %parallel_loop3A_596 = memref.load %arg19[%parallel_loop3A_595] : memref<32xf32, #tpu.memory_space<smem>>
        memref.store %parallel_loop3A_592, %arg19[%parallel_loop3A_595] : memref<32xf32, #tpu.memory_space<smem>>
        %parallel_loop3A_597 = vector.extract_strided_slice %parallel_loop3A_554 {offsets = [3], sizes = [1], strides = [1]} : vector<16xf32> to vector<1xf32>
        %parallel_loop3A_598 = vector.extract %parallel_loop3A_597[0] : f32 from vector<1xf32>
        %parallel_loop3A_599 = arith.constant 3 : i32
        %parallel_loop3A_600 = arith.addi %parallel_loop3A_402, %parallel_loop3A_599 : i32
        %parallel_loop3A_601 = arith.index_cast %parallel_loop3A_600 : i32 to index
        %parallel_loop3A_602 = memref.load %arg20[%parallel_loop3A_601] : memref<32xf32, #tpu.memory_space<smem>>
        memref.store %parallel_loop3A_598, %arg20[%parallel_loop3A_601] : memref<32xf32, #tpu.memory_space<smem>>
        %parallel_loop3A_603 = vector.extract_strided_slice %parallel_loop3A_550 {offsets = [4], sizes = [1], strides = [1]} : vector<16xf32> to vector<1xf32>
        %parallel_loop3A_604 = vector.extract %parallel_loop3A_603[0] : f32 from vector<1xf32>
        %parallel_loop3A_605 = arith.constant 4 : i32
        %parallel_loop3A_606 = arith.addi %parallel_loop3A_402, %parallel_loop3A_605 : i32
        %parallel_loop3A_607 = arith.index_cast %parallel_loop3A_606 : i32 to index
        %parallel_loop3A_608 = memref.load %arg19[%parallel_loop3A_607] : memref<32xf32, #tpu.memory_space<smem>>
        memref.store %parallel_loop3A_604, %arg19[%parallel_loop3A_607] : memref<32xf32, #tpu.memory_space<smem>>
        %parallel_loop3A_609 = vector.extract_strided_slice %parallel_loop3A_554 {offsets = [4], sizes = [1], strides = [1]} : vector<16xf32> to vector<1xf32>
        %parallel_loop3A_610 = vector.extract %parallel_loop3A_609[0] : f32 from vector<1xf32>
        %parallel_loop3A_611 = arith.constant 4 : i32
        %parallel_loop3A_612 = arith.addi %parallel_loop3A_402, %parallel_loop3A_611 : i32
        %parallel_loop3A_613 = arith.index_cast %parallel_loop3A_612 : i32 to index
        %parallel_loop3A_614 = memref.load %arg20[%parallel_loop3A_613] : memref<32xf32, #tpu.memory_space<smem>>
        memref.store %parallel_loop3A_610, %arg20[%parallel_loop3A_613] : memref<32xf32, #tpu.memory_space<smem>>
        %parallel_loop3A_615 = vector.extract_strided_slice %parallel_loop3A_550 {offsets = [5], sizes = [1], strides = [1]} : vector<16xf32> to vector<1xf32>
        %parallel_loop3A_616 = vector.extract %parallel_loop3A_615[0] : f32 from vector<1xf32>
        %parallel_loop3A_617 = arith.constant 5 : i32
        %parallel_loop3A_618 = arith.addi %parallel_loop3A_402, %parallel_loop3A_617 : i32
        %parallel_loop3A_619 = arith.index_cast %parallel_loop3A_618 : i32 to index
        %parallel_loop3A_620 = memref.load %arg19[%parallel_loop3A_619] : memref<32xf32, #tpu.memory_space<smem>>
        memref.store %parallel_loop3A_616, %arg19[%parallel_loop3A_619] : memref<32xf32, #tpu.memory_space<smem>>
        %parallel_loop3A_621 = vector.extract_strided_slice %parallel_loop3A_554 {offsets = [5], sizes = [1], strides = [1]} : vector<16xf32> to vector<1xf32>
        %parallel_loop3A_622 = vector.extract %parallel_loop3A_621[0] : f32 from vector<1xf32>
        %parallel_loop3A_623 = arith.constant 5 : i32
        %parallel_loop3A_624 = arith.addi %parallel_loop3A_402, %parallel_loop3A_623 : i32
        %parallel_loop3A_625 = arith.index_cast %parallel_loop3A_624 : i32 to index
        %parallel_loop3A_626 = memref.load %arg20[%parallel_loop3A_625] : memref<32xf32, #tpu.memory_space<smem>>
        memref.store %parallel_loop3A_622, %arg20[%parallel_loop3A_625] : memref<32xf32, #tpu.memory_space<smem>>
        %parallel_loop3A_627 = vector.extract_strided_slice %parallel_loop3A_550 {offsets = [6], sizes = [1], strides = [1]} : vector<16xf32> to vector<1xf32>
        %parallel_loop3A_628 = vector.extract %parallel_loop3A_627[0] : f32 from vector<1xf32>
        %parallel_loop3A_629 = arith.constant 6 : i32
        %parallel_loop3A_630 = arith.addi %parallel_loop3A_402, %parallel_loop3A_629 : i32
        %parallel_loop3A_631 = arith.index_cast %parallel_loop3A_630 : i32 to index
        %parallel_loop3A_632 = memref.load %arg19[%parallel_loop3A_631] : memref<32xf32, #tpu.memory_space<smem>>
        memref.store %parallel_loop3A_628, %arg19[%parallel_loop3A_631] : memref<32xf32, #tpu.memory_space<smem>>
        %parallel_loop3A_633 = vector.extract_strided_slice %parallel_loop3A_554 {offsets = [6], sizes = [1], strides = [1]} : vector<16xf32> to vector<1xf32>
        %parallel_loop3A_634 = vector.extract %parallel_loop3A_633[0] : f32 from vector<1xf32>
        %parallel_loop3A_635 = arith.constant 6 : i32
        %parallel_loop3A_636 = arith.addi %parallel_loop3A_402, %parallel_loop3A_635 : i32
        %parallel_loop3A_637 = arith.index_cast %parallel_loop3A_636 : i32 to index
        %parallel_loop3A_638 = memref.load %arg20[%parallel_loop3A_637] : memref<32xf32, #tpu.memory_space<smem>>
        memref.store %parallel_loop3A_634, %arg20[%parallel_loop3A_637] : memref<32xf32, #tpu.memory_space<smem>>
        %parallel_loop3A_639 = vector.extract_strided_slice %parallel_loop3A_550 {offsets = [7], sizes = [1], strides = [1]} : vector<16xf32> to vector<1xf32>
        %parallel_loop3A_640 = vector.extract %parallel_loop3A_639[0] : f32 from vector<1xf32>
        %parallel_loop3A_641 = arith.constant 7 : i32
        %parallel_loop3A_642 = arith.addi %parallel_loop3A_402, %parallel_loop3A_641 : i32
        %parallel_loop3A_643 = arith.index_cast %parallel_loop3A_642 : i32 to index
        %parallel_loop3A_644 = memref.load %arg19[%parallel_loop3A_643] : memref<32xf32, #tpu.memory_space<smem>>
        memref.store %parallel_loop3A_640, %arg19[%parallel_loop3A_643] : memref<32xf32, #tpu.memory_space<smem>>
        %parallel_loop3A_645 = vector.extract_strided_slice %parallel_loop3A_554 {offsets = [7], sizes = [1], strides = [1]} : vector<16xf32> to vector<1xf32>
        %parallel_loop3A_646 = vector.extract %parallel_loop3A_645[0] : f32 from vector<1xf32>
        %parallel_loop3A_647 = arith.constant 7 : i32
        %parallel_loop3A_648 = arith.addi %parallel_loop3A_402, %parallel_loop3A_647 : i32
        %parallel_loop3A_649 = arith.index_cast %parallel_loop3A_648 : i32 to index
        %parallel_loop3A_650 = memref.load %arg20[%parallel_loop3A_649] : memref<32xf32, #tpu.memory_space<smem>>
        memref.store %parallel_loop3A_646, %arg20[%parallel_loop3A_649] : memref<32xf32, #tpu.memory_space<smem>>
        %parallel_loop3A_651 = vector.extract_strided_slice %parallel_loop3A_550 {offsets = [8], sizes = [1], strides = [1]} : vector<16xf32> to vector<1xf32>
        %parallel_loop3A_652 = vector.extract %parallel_loop3A_651[0] : f32 from vector<1xf32>
        %parallel_loop3A_653 = arith.constant 8 : i32
        %parallel_loop3A_654 = arith.addi %parallel_loop3A_402, %parallel_loop3A_653 : i32
        %parallel_loop3A_655 = arith.index_cast %parallel_loop3A_654 : i32 to index
        %parallel_loop3A_656 = memref.load %arg19[%parallel_loop3A_655] : memref<32xf32, #tpu.memory_space<smem>>
        memref.store %parallel_loop3A_652, %arg19[%parallel_loop3A_655] : memref<32xf32, #tpu.memory_space<smem>>
        %parallel_loop3A_657 = vector.extract_strided_slice %parallel_loop3A_554 {offsets = [8], sizes = [1], strides = [1]} : vector<16xf32> to vector<1xf32>
        %parallel_loop3A_658 = vector.extract %parallel_loop3A_657[0] : f32 from vector<1xf32>
        %parallel_loop3A_659 = arith.constant 8 : i32
        %parallel_loop3A_660 = arith.addi %parallel_loop3A_402, %parallel_loop3A_659 : i32
        %parallel_loop3A_661 = arith.index_cast %parallel_loop3A_660 : i32 to index
        %parallel_loop3A_662 = memref.load %arg20[%parallel_loop3A_661] : memref<32xf32, #tpu.memory_space<smem>>
        memref.store %parallel_loop3A_658, %arg20[%parallel_loop3A_661] : memref<32xf32, #tpu.memory_space<smem>>
        %parallel_loop3A_663 = vector.extract_strided_slice %parallel_loop3A_550 {offsets = [9], sizes = [1], strides = [1]} : vector<16xf32> to vector<1xf32>
        %parallel_loop3A_664 = vector.extract %parallel_loop3A_663[0] : f32 from vector<1xf32>
        %parallel_loop3A_665 = arith.constant 9 : i32
        %parallel_loop3A_666 = arith.addi %parallel_loop3A_402, %parallel_loop3A_665 : i32
        %parallel_loop3A_667 = arith.index_cast %parallel_loop3A_666 : i32 to index
        %parallel_loop3A_668 = memref.load %arg19[%parallel_loop3A_667] : memref<32xf32, #tpu.memory_space<smem>>
        memref.store %parallel_loop3A_664, %arg19[%parallel_loop3A_667] : memref<32xf32, #tpu.memory_space<smem>>
        %parallel_loop3A_669 = vector.extract_strided_slice %parallel_loop3A_554 {offsets = [9], sizes = [1], strides = [1]} : vector<16xf32> to vector<1xf32>
        %parallel_loop3A_670 = vector.extract %parallel_loop3A_669[0] : f32 from vector<1xf32>
        %parallel_loop3A_671 = arith.constant 9 : i32
        %parallel_loop3A_672 = arith.addi %parallel_loop3A_402, %parallel_loop3A_671 : i32
        %parallel_loop3A_673 = arith.index_cast %parallel_loop3A_672 : i32 to index
        %parallel_loop3A_674 = memref.load %arg20[%parallel_loop3A_673] : memref<32xf32, #tpu.memory_space<smem>>
        memref.store %parallel_loop3A_670, %arg20[%parallel_loop3A_673] : memref<32xf32, #tpu.memory_space<smem>>
        %parallel_loop3A_675 = vector.extract_strided_slice %parallel_loop3A_550 {offsets = [10], sizes = [1], strides = [1]} : vector<16xf32> to vector<1xf32>
        %parallel_loop3A_676 = vector.extract %parallel_loop3A_675[0] : f32 from vector<1xf32>
        %parallel_loop3A_677 = arith.constant 10 : i32
        %parallel_loop3A_678 = arith.addi %parallel_loop3A_402, %parallel_loop3A_677 : i32
        %parallel_loop3A_679 = arith.index_cast %parallel_loop3A_678 : i32 to index
        %parallel_loop3A_680 = memref.load %arg19[%parallel_loop3A_679] : memref<32xf32, #tpu.memory_space<smem>>
        memref.store %parallel_loop3A_676, %arg19[%parallel_loop3A_679] : memref<32xf32, #tpu.memory_space<smem>>
        %parallel_loop3A_681 = vector.extract_strided_slice %parallel_loop3A_554 {offsets = [10], sizes = [1], strides = [1]} : vector<16xf32> to vector<1xf32>
        %parallel_loop3A_682 = vector.extract %parallel_loop3A_681[0] : f32 from vector<1xf32>
        %parallel_loop3A_683 = arith.constant 10 : i32
        %parallel_loop3A_684 = arith.addi %parallel_loop3A_402, %parallel_loop3A_683 : i32
        %parallel_loop3A_685 = arith.index_cast %parallel_loop3A_684 : i32 to index
        %parallel_loop3A_686 = memref.load %arg20[%parallel_loop3A_685] : memref<32xf32, #tpu.memory_space<smem>>
        memref.store %parallel_loop3A_682, %arg20[%parallel_loop3A_685] : memref<32xf32, #tpu.memory_space<smem>>
        %parallel_loop3A_687 = vector.extract_strided_slice %parallel_loop3A_550 {offsets = [11], sizes = [1], strides = [1]} : vector<16xf32> to vector<1xf32>
        %parallel_loop3A_688 = vector.extract %parallel_loop3A_687[0] : f32 from vector<1xf32>
        %parallel_loop3A_689 = arith.constant 11 : i32
        %parallel_loop3A_690 = arith.addi %parallel_loop3A_402, %parallel_loop3A_689 : i32
        %parallel_loop3A_691 = arith.index_cast %parallel_loop3A_690 : i32 to index
        %parallel_loop3A_692 = memref.load %arg19[%parallel_loop3A_691] : memref<32xf32, #tpu.memory_space<smem>>
        memref.store %parallel_loop3A_688, %arg19[%parallel_loop3A_691] : memref<32xf32, #tpu.memory_space<smem>>
        %parallel_loop3A_693 = vector.extract_strided_slice %parallel_loop3A_554 {offsets = [11], sizes = [1], strides = [1]} : vector<16xf32> to vector<1xf32>
        %parallel_loop3A_694 = vector.extract %parallel_loop3A_693[0] : f32 from vector<1xf32>
        %parallel_loop3A_695 = arith.constant 11 : i32
        %parallel_loop3A_696 = arith.addi %parallel_loop3A_402, %parallel_loop3A_695 : i32
        %parallel_loop3A_697 = arith.index_cast %parallel_loop3A_696 : i32 to index
        %parallel_loop3A_698 = memref.load %arg20[%parallel_loop3A_697] : memref<32xf32, #tpu.memory_space<smem>>
        memref.store %parallel_loop3A_694, %arg20[%parallel_loop3A_697] : memref<32xf32, #tpu.memory_space<smem>>
        %parallel_loop3A_699 = vector.extract_strided_slice %parallel_loop3A_550 {offsets = [12], sizes = [1], strides = [1]} : vector<16xf32> to vector<1xf32>
        %parallel_loop3A_700 = vector.extract %parallel_loop3A_699[0] : f32 from vector<1xf32>
        %parallel_loop3A_701 = arith.constant 12 : i32
        %parallel_loop3A_702 = arith.addi %parallel_loop3A_402, %parallel_loop3A_701 : i32
        %parallel_loop3A_703 = arith.index_cast %parallel_loop3A_702 : i32 to index
        %parallel_loop3A_704 = memref.load %arg19[%parallel_loop3A_703] : memref<32xf32, #tpu.memory_space<smem>>
        memref.store %parallel_loop3A_700, %arg19[%parallel_loop3A_703] : memref<32xf32, #tpu.memory_space<smem>>
        %parallel_loop3A_705 = vector.extract_strided_slice %parallel_loop3A_554 {offsets = [12], sizes = [1], strides = [1]} : vector<16xf32> to vector<1xf32>
        %parallel_loop3A_706 = vector.extract %parallel_loop3A_705[0] : f32 from vector<1xf32>
        %parallel_loop3A_707 = arith.constant 12 : i32
        %parallel_loop3A_708 = arith.addi %parallel_loop3A_402, %parallel_loop3A_707 : i32
        %parallel_loop3A_709 = arith.index_cast %parallel_loop3A_708 : i32 to index
        %parallel_loop3A_710 = memref.load %arg20[%parallel_loop3A_709] : memref<32xf32, #tpu.memory_space<smem>>
        memref.store %parallel_loop3A_706, %arg20[%parallel_loop3A_709] : memref<32xf32, #tpu.memory_space<smem>>
        %parallel_loop3A_711 = vector.extract_strided_slice %parallel_loop3A_550 {offsets = [13], sizes = [1], strides = [1]} : vector<16xf32> to vector<1xf32>
        %parallel_loop3A_712 = vector.extract %parallel_loop3A_711[0] : f32 from vector<1xf32>
        %parallel_loop3A_713 = arith.constant 13 : i32
        %parallel_loop3A_714 = arith.addi %parallel_loop3A_402, %parallel_loop3A_713 : i32
        %parallel_loop3A_715 = arith.index_cast %parallel_loop3A_714 : i32 to index
        %parallel_loop3A_716 = memref.load %arg19[%parallel_loop3A_715] : memref<32xf32, #tpu.memory_space<smem>>
        memref.store %parallel_loop3A_712, %arg19[%parallel_loop3A_715] : memref<32xf32, #tpu.memory_space<smem>>
        %parallel_loop3A_717 = vector.extract_strided_slice %parallel_loop3A_554 {offsets = [13], sizes = [1], strides = [1]} : vector<16xf32> to vector<1xf32>
        %parallel_loop3A_718 = vector.extract %parallel_loop3A_717[0] : f32 from vector<1xf32>
        %parallel_loop3A_719 = arith.constant 13 : i32
        %parallel_loop3A_720 = arith.addi %parallel_loop3A_402, %parallel_loop3A_719 : i32
        %parallel_loop3A_721 = arith.index_cast %parallel_loop3A_720 : i32 to index
        %parallel_loop3A_722 = memref.load %arg20[%parallel_loop3A_721] : memref<32xf32, #tpu.memory_space<smem>>
        memref.store %parallel_loop3A_718, %arg20[%parallel_loop3A_721] : memref<32xf32, #tpu.memory_space<smem>>
        %parallel_loop3A_723 = vector.extract_strided_slice %parallel_loop3A_550 {offsets = [14], sizes = [1], strides = [1]} : vector<16xf32> to vector<1xf32>
        %parallel_loop3A_724 = vector.extract %parallel_loop3A_723[0] : f32 from vector<1xf32>
        %parallel_loop3A_725 = arith.constant 14 : i32
        %parallel_loop3A_726 = arith.addi %parallel_loop3A_402, %parallel_loop3A_725 : i32
        %parallel_loop3A_727 = arith.index_cast %parallel_loop3A_726 : i32 to index
        %parallel_loop3A_728 = memref.load %arg19[%parallel_loop3A_727] : memref<32xf32, #tpu.memory_space<smem>>
        memref.store %parallel_loop3A_724, %arg19[%parallel_loop3A_727] : memref<32xf32, #tpu.memory_space<smem>>
        %parallel_loop3A_729 = vector.extract_strided_slice %parallel_loop3A_554 {offsets = [14], sizes = [1], strides = [1]} : vector<16xf32> to vector<1xf32>
        %parallel_loop3A_730 = vector.extract %parallel_loop3A_729[0] : f32 from vector<1xf32>
        %parallel_loop3A_731 = arith.constant 14 : i32
        %parallel_loop3A_732 = arith.addi %parallel_loop3A_402, %parallel_loop3A_731 : i32
        %parallel_loop3A_733 = arith.index_cast %parallel_loop3A_732 : i32 to index
        %parallel_loop3A_734 = memref.load %arg20[%parallel_loop3A_733] : memref<32xf32, #tpu.memory_space<smem>>
        memref.store %parallel_loop3A_730, %arg20[%parallel_loop3A_733] : memref<32xf32, #tpu.memory_space<smem>>
        %parallel_loop3A_735 = vector.extract_strided_slice %parallel_loop3A_550 {offsets = [15], sizes = [1], strides = [1]} : vector<16xf32> to vector<1xf32>
        %parallel_loop3A_736 = vector.extract %parallel_loop3A_735[0] : f32 from vector<1xf32>
        %parallel_loop3A_737 = arith.constant 15 : i32
        %parallel_loop3A_738 = arith.addi %parallel_loop3A_402, %parallel_loop3A_737 : i32
        %parallel_loop3A_739 = arith.index_cast %parallel_loop3A_738 : i32 to index
        %parallel_loop3A_740 = memref.load %arg19[%parallel_loop3A_739] : memref<32xf32, #tpu.memory_space<smem>>
        memref.store %parallel_loop3A_736, %arg19[%parallel_loop3A_739] : memref<32xf32, #tpu.memory_space<smem>>
        %parallel_loop3A_741 = vector.extract_strided_slice %parallel_loop3A_554 {offsets = [15], sizes = [1], strides = [1]} : vector<16xf32> to vector<1xf32>
        %parallel_loop3A_742 = vector.extract %parallel_loop3A_741[0] : f32 from vector<1xf32>
        %parallel_loop3A_743 = arith.constant 15 : i32
        %parallel_loop3A_744 = arith.addi %parallel_loop3A_402, %parallel_loop3A_743 : i32
        %parallel_loop3A_745 = arith.index_cast %parallel_loop3A_744 : i32 to index
        %parallel_loop3A_746 = memref.load %arg20[%parallel_loop3A_745] : memref<32xf32, #tpu.memory_space<smem>>
        memref.store %parallel_loop3A_742, %arg20[%parallel_loop3A_745] : memref<32xf32, #tpu.memory_space<smem>>
      } {sc.loop_unroll_factor = 1 : i64, sc.parallel_access}
      %scan3A_196 = arith.constant 0 : i32
      %scan3A_197 = arith.constant 0 : i32
      %scan3A_198 = arith.constant 48 : i32
      %scan3A_199 = arith.addi %scan3A_197, %scan3A_198 : i32
      %scan3A_200 = arith.constant 1 : i32
      scf.for %scan3A_400 = %scan3A_197 to %scan3A_199 step %scan3A_200  : i32 {
        %mul3A_401 = arith.constant 16 : i32
        %mul3A_402 = arith.muli %scan3A_400, %mul3A_401 : i32
        %multiple_of3A = tpu.assume_multiple %mul3A_402, 16 : i32
        %get3A = arith.index_cast %shift_right_arithmetic3A_186 : i32 to index
        %get3A_403 = arith.index_cast %multiple_of3A : i32 to index
        %get3A_404 = tpu.vector_load %arg14[%get3A, %get3A_403] {strides = array<i32>} : memref<4x768xf32, #tpu.memory_space<vmem>>, vector<16xf32>,
        %get3A_405 = arith.index_cast %multiple_of3A : i32 to index
        %get3A_406 = tpu.vector_load %arg15[%get3A_405] {strides = array<i32>} : memref<768xf32, #tpu.memory_space<vmem>>, vector<16xf32>,
        %get3A_407 = arith.index_cast %multiple_of3A : i32 to index
        %get3A_408 = tpu.vector_load %arg16[%get3A_407] {strides = array<i32>} : memref<768xf32, #tpu.memory_space<vmem>>, vector<16xf32>,
        %parallel_loop3A_409 = arith.constant 0 : i32
        %parallel_loop3A_410 = arith.constant 32 : i32
        %parallel_loop3A_411 = arith.constant 1 : i32
        scf.for %parallel_loop3A_412 = %parallel_loop3A_409 to %parallel_loop3A_410 step %parallel_loop3A_411  : i32 {
          %parallel_loop3A_413 = arith.index_cast %parallel_loop3A_412 : i32 to index
          %parallel_loop3A_414 = memref.load %arg19[%parallel_loop3A_413] : memref<32xf32, #tpu.memory_space<smem>>
          %parallel_loop3A_415 = arith.index_cast %parallel_loop3A_412 : i32 to index
          %parallel_loop3A_416 = memref.load %arg20[%parallel_loop3A_415] : memref<32xf32, #tpu.memory_space<smem>>
          %parallel_loop3A_417 = arith.index_cast %parallel_loop3A_412 : i32 to index
          %parallel_loop3A_418 = arith.index_cast %multiple_of3A : i32 to index
          %parallel_loop3A_419 = tpu.vector_load %arg11[%parallel_loop3A_417, %parallel_loop3A_418] {strides = array<i32>} : memref<32x768xf32, #tpu.memory_space<vmem>>, vector<16xf32>,
          %parallel_loop3A_420 = arith.addf %parallel_loop3A_419, %get3A_404 : vector<16xf32>
          %parallel_loop3A_421 = vector.broadcast %parallel_loop3A_414 : f32 to vector<16xf32>
          %parallel_loop3A_422 = arith.mulf %parallel_loop3A_420, %parallel_loop3A_421 : vector<16xf32>
          %parallel_loop3A_423 = vector.broadcast %parallel_loop3A_416 : f32 to vector<16xf32>
          %parallel_loop3A_424 = arith.addf %parallel_loop3A_422, %parallel_loop3A_423 : vector<16xf32>
          %parallel_loop3A_425 = arith.mulf %parallel_loop3A_424, %get3A_406 : vector<16xf32>
          %parallel_loop3A_426 = arith.addf %parallel_loop3A_425, %get3A_408 : vector<16xf32>
          %parallel_loop3A_427 = arith.index_cast %parallel_loop3A_412 : i32 to index
          %parallel_loop3A_428 = arith.index_cast %multiple_of3A : i32 to index
          %parallel_loop3A_429 = tpu.vector_load %arg11[%parallel_loop3A_427, %parallel_loop3A_428] {strides = array<i32>} : memref<32x768xf32, #tpu.memory_space<vmem>>, vector<16xf32>,
          tpu.vector_store %arg11[%parallel_loop3A_427, %parallel_loop3A_428], %parallel_loop3A_426 {strides = array<i32>} : memref<32x768xf32, #tpu.memory_space<vmem>>, vector<16xf32>,
        } {sc.loop_unroll_factor = 4 : i64, sc.parallel_access}
      }
      %scan3A_201 = arith.constant 48 : i32
      %shift_right_arithmetic3A_202 = arith.constant 5 : i32
      %shift_right_arithmetic3A_203 = arith.shrsi %add3A_178, %shift_right_arithmetic3A_202 : i32
      %and3A_204 = arith.constant 31 : i32
      %and3A_205 = arith.andi %add3A_178, %and3A_204 : i32
      %mul3A_206 = arith.constant 4 : i32
      %mul3A_207 = arith.muli %add3A, %mul3A_206 : i32
      %add3A_208 = arith.addi %mul3A_207, %shift_right_arithmetic3A_203 : i32
      %mul3A_209 = arith.constant 768 : i32
      %mul3A_210 = arith.muli %add3A_208, %mul3A_209 : i32
      %add3A_211 = arith.constant 128 : i32
      %add3A_212 = arith.addi %add3A_211, %mul3A_210 : i32
      %mul3A_213 = arith.constant 32 : i32
      %mul3A_214 = arith.muli %and3A_205, %mul3A_213 : i32
      %dma_start3A_215 = tpu.memref_slice %arg8[%mul3A_214, %add3A_212] : memref<1024x98432xf32, #tpu.memory_space<hbm>> -> memref<32x768xf32, #tpu.memory_space<hbm>>
      %dma_start3A_216 = tpu.memref_slice %arg8[%mul3A_214, %add3A_212] : memref<1024x98432xf32, #tpu.memory_space<hbm>> -> memref<32x768xf32, #tpu.memory_space<hbm>>
      tpu.enqueue_dma source(%arg11 : memref<32x768xf32, #tpu.memory_space<vmem>>) target(%dma_start3A_216 : memref<32x768xf32, #tpu.memory_space<hbm>>) target_semaphore(%arg28 : memref<!tpu.dma_semaphore, #tpu.memory_space<semaphore_mem>>)
      %add3A_217 = arith.constant 128 : i32
      %add3A_218 = arith.addi %add3A_178, %add3A_217 : i32
      %sub3A_219 = arith.constant 1 : i32
      %sub3A_220 = arith.subi %add3A_218, %sub3A_219 : i32
      %and3A_221 = arith.constant 127 : i32
      %and3A_222 = arith.andi %sub3A_220, %and3A_221 : i32
      %shift_right_arithmetic3A_223 = arith.constant 5 : i32
      %shift_right_arithmetic3A_224 = arith.shrsi %and3A_222, %shift_right_arithmetic3A_223 : i32
      %and3A_225 = arith.constant 31 : i32
      %and3A_226 = arith.andi %and3A_222, %and3A_225 : i32
      %mul3A_227 = arith.constant 4 : i32
      %mul3A_228 = arith.muli %add3A, %mul3A_227 : i32
      %add3A_229 = arith.addi %mul3A_228, %shift_right_arithmetic3A_224 : i32
      %mul3A_230 = arith.constant 768 : i32
      %mul3A_231 = arith.muli %add3A_229, %mul3A_230 : i32
      %add3A_232 = arith.constant 128 : i32
      %add3A_233 = arith.addi %add3A_232, %mul3A_231 : i32
      %mul3A_234 = arith.constant 32 : i32
      %mul3A_235 = arith.muli %and3A_226, %mul3A_234 : i32
      %dma_wait3A_236 = tpu.memref_slice %arg8[%mul3A_235, %add3A_233] : memref<1024x98432xf32, #tpu.memory_space<hbm>> -> memref<32x768xf32, #tpu.memory_space<hbm>>
      %dma_wait3A_237 = tpu.memref_slice %arg8[%mul3A_235, %add3A_233] : memref<1024x98432xf32, #tpu.memory_space<hbm>> -> memref<32x768xf32, #tpu.memory_space<hbm>>
      tpu.wait_dma2 semaphore(%arg27 : memref<!tpu.dma_semaphore, #tpu.memory_space<semaphore_mem>>) src(%arg10 : memref<32x768xf32, #tpu.memory_space<vmem>>) dst(%dma_wait3A_237 : memref<32x768xf32, #tpu.memory_space<hbm>>)
      %add3A_238 = arith.constant 4 : i32
      %add3A_239 = arith.addi %add3A_178, %add3A_238 : i32
      %sub3A_240 = arith.constant 1 : i32
      %sub3A_241 = arith.subi %add3A_239, %sub3A_240 : i32
      %min3A_242 = arith.constant 127 : i32
      %min3A_243 = arith.minsi %sub3A_241, %min3A_242 : i32
      %dma_start3A_244 = arith.constant 0 : i32
      %dma_start3A_245 = tpu.memref_slice %arg9[%min3A_243, %dma_start3A_244] : memref<128x32xi32, #tpu.memory_space<vmem>> -> memref<1x32xi32, #tpu.memory_space<vmem>>
      %dma_start3A_246 = tpu.memref_squeeze %dma_start3A_245 : memref<1x32xi32, #tpu.memory_space<vmem>> -> memref<32xi32, #tpu.memory_space<vmem>>
      %dma_start3A_247 = arith.constant 0 : i32
      %dma_start3A_248 = arith.constant 0 : i32
      %dma_start3A_249 = tpu.memref_slice %arg4[%dma_start3A_247, %dma_start3A_248] : memref<30522x768xf32, #tpu.memory_space<hbm>> -> memref<30522x768xf32, #tpu.memory_space<hbm>>
      tpu.enqueue_indirect_dma source(%dma_start3A_249 : memref<30522x768xf32, #tpu.memory_space<hbm>>) target(%arg10 : memref<32x768xf32, #tpu.memory_space<vmem>>) offsets(%dma_start3A_246 : memref<32xi32, #tpu.memory_space<vmem>>) semaphore(%arg23 : memref<!tpu.dma_semaphore, #tpu.memory_space<semaphore_mem>>)
      %mul3A_250 = arith.constant 4 : i32
      %mul3A_251 = arith.muli %scan3A_103, %mul3A_250 : i32
      %add3A_252 = arith.constant 2 : i32
      %add3A_253 = arith.addi %mul3A_251, %add3A_252 : i32
      %dma_wait3A_254 = arith.constant 0 : i32
      %dma_wait3A_255 = tpu.memref_slice %arg9[%add3A_253, %dma_wait3A_254] : memref<128x32xi32, #tpu.memory_space<vmem>> -> memref<1x32xi32, #tpu.memory_space<vmem>>
      %dma_wait3A_256 = tpu.memref_squeeze %dma_wait3A_255 : memref<1x32xi32, #tpu.memory_space<vmem>> -> memref<32xi32, #tpu.memory_space<vmem>>
      %dma_wait3A_257 = arith.constant 0 : i32
      %dma_wait3A_258 = arith.constant 0 : i32
      %dma_wait3A_259 = tpu.memref_slice %arg4[%dma_wait3A_257, %dma_wait3A_258] : memref<30522x768xf32, #tpu.memory_space<hbm>> -> memref<30522x768xf32, #tpu.memory_space<hbm>>
      tpu.wait_indirect_dma semaphore(%arg25 : memref<!tpu.dma_semaphore, #tpu.memory_space<semaphore_mem>>) src(%dma_wait3A_259 : memref<30522x768xf32, #tpu.memory_space<hbm>>) dst(%arg12 : memref<32x768xf32, #tpu.memory_space<vmem>>)
      %shift_right_arithmetic3A_260 = arith.constant 5 : i32
      %shift_right_arithmetic3A_261 = arith.shrsi %add3A_253, %shift_right_arithmetic3A_260 : i32
      %scan3A_262 = arith.constant 0 : i32
      %scan3A_263 = arith.constant 0 : i32
      %scan3A_264 = arith.constant 32 : i32
      %scan3A_265 = arith.addi %scan3A_263, %scan3A_264 : i32
      %scan3A_266 = arith.constant 1 : i32
      scf.for %scan3A_400 = %scan3A_263 to %scan3A_265 step %scan3A_266  : i32 {
        %broadcast_in_dim3A = arith.constant 0.000000e+00 : f32
        %broadcast_in_dim3A_401 = vector.broadcast %broadcast_in_dim3A : f32 to vector<16xf32>
        %parallel_loop3A_402 = arith.constant 0 : i32
        %parallel_loop3A_403 = arith.constant 48 : i32
        %parallel_loop3A_404 = arith.constant 1 : i32
        %parallel_loop3A_405:2 = scf.for %parallel_loop3A_411 = %parallel_loop3A_402 to %parallel_loop3A_403 step %parallel_loop3A_404 iter_args(%parallel_loop3A_412 = %broadcast_in_dim3A_401, %parallel_loop3A_413 = %broadcast_in_dim3A_401) -> (vector<16xf32>, vector<16xf32>)  : i32 {
          %parallel_loop3A_414 = arith.constant 16 : i32
          %parallel_loop3A_415 = arith.muli %parallel_loop3A_411, %parallel_loop3A_414 : i32
          %parallel_loop3A_416 = tpu.assume_multiple %parallel_loop3A_415, 16 : i32
          %parallel_loop3A_417 = arith.index_cast %scan3A_400 : i32 to index
          %parallel_loop3A_418 = arith.index_cast %parallel_loop3A_416 : i32 to index
          %parallel_loop3A_419 = tpu.vector_load %arg12[%parallel_loop3A_417, %parallel_loop3A_418] {strides = array<i32>} : memref<32x768xf32, #tpu.memory_space<vmem>>, vector<16xf32>,
          %parallel_loop3A_420 = arith.index_cast %shift_right_arithmetic3A_261 : i32 to index
          %parallel_loop3A_421 = arith.index_cast %parallel_loop3A_416 : i32 to index
          %parallel_loop3A_422 = tpu.vector_load %arg14[%parallel_loop3A_420, %parallel_loop3A_421] {strides = array<i32>} : memref<4x768xf32, #tpu.memory_space<vmem>>, vector<16xf32>,
          %parallel_loop3A_423 = arith.addf %parallel_loop3A_419, %parallel_loop3A_422 : vector<16xf32>
          %parallel_loop3A_424 = arith.addf %parallel_loop3A_412, %parallel_loop3A_423 : vector<16xf32>
          %parallel_loop3A_425 = arith.mulf %parallel_loop3A_423, %parallel_loop3A_423 : vector<16xf32>
          %parallel_loop3A_426 = arith.addf %parallel_loop3A_413, %parallel_loop3A_425 : vector<16xf32>
          scf.yield %parallel_loop3A_424, %parallel_loop3A_426 : vector<16xf32>, vector<16xf32>
        } {sc.loop_unroll_factor = 4 : i64, sc.parallel_access}
        %swap3A = arith.index_cast %scan3A_400 : i32 to index
        %swap3A_406 = arith.constant 0 : index
        %swap3A_407 = tpu.vector_load %arg17[%swap3A, %swap3A_406] {strides = array<i32>} : memref<32x16xf32, #tpu.memory_space<vmem>>, vector<16xf32>,
        tpu.vector_store %arg17[%swap3A, %swap3A_406], %parallel_loop3A_405#0 {strides = array<i32>} : memref<32x16xf32, #tpu.memory_space<vmem>>, vector<16xf32>,
        %swap3A_408 = arith.index_cast %scan3A_400 : i32 to index
        %swap3A_409 = arith.constant 0 : index
        %swap3A_410 = tpu.vector_load %arg18[%swap3A_408, %swap3A_409] {strides = array<i32>} : memref<32x16xf32, #tpu.memory_space<vmem>>, vector<16xf32>,
        tpu.vector_store %arg18[%swap3A_408, %swap3A_409], %parallel_loop3A_405#1 {strides = array<i32>} : memref<32x16xf32, #tpu.memory_space<vmem>>, vector<16xf32>,
      }
      %scan3A_267 = arith.constant 32 : i32
      %parallel_loop3A_268 = arith.constant 0 : i32
      %parallel_loop3A_269 = arith.constant 2 : i32
      %parallel_loop3A_270 = arith.constant 1 : i32
      scf.for %parallel_loop3A_400 = %parallel_loop3A_268 to %parallel_loop3A_269 step %parallel_loop3A_270  : i32 {
        %parallel_loop3A_401 = arith.constant 16 : i32
        %parallel_loop3A_402 = arith.muli %parallel_loop3A_400, %parallel_loop3A_401 : i32
        %parallel_loop3A_403 = vector.broadcast %parallel_loop3A_402 : i32 to vector<16xi32>
        %parallel_loop3A_404 = arith.addi %parallel_loop3A_403, %iota3A : vector<16xi32>
        %parallel_loop3A_405 = arith.constant 0.000000e+00 : f32
        %parallel_loop3A_406 = vector.broadcast %parallel_loop3A_405 : f32 to vector<16xf32>
        %parallel_loop3A_407 = arith.constant 0.000000e+00 : f32
        %parallel_loop3A_408 = vector.broadcast %parallel_loop3A_407 : f32 to vector<16xf32>
        %parallel_loop3A_409 = arith.constant 0 : i32
        %parallel_loop3A_410 = vector.broadcast %parallel_loop3A_409 : i32 to vector<16xi32>
        %parallel_loop3A_411 = tpu.vector_load_idx %arg17[%parallel_loop3A_404, %parallel_loop3A_410] : memref<32x16xf32, #tpu.memory_space<vmem>>[vector<16xi32>, vector<16xi32>], vector<16xf32>,
        %parallel_loop3A_412 = arith.addf %parallel_loop3A_406, %parallel_loop3A_411 : vector<16xf32>
        %parallel_loop3A_413 = tpu.vector_load_idx %arg18[%parallel_loop3A_404, %parallel_loop3A_410] : memref<32x16xf32, #tpu.memory_space<vmem>>[vector<16xi32>, vector<16xi32>], vector<16xf32>,
        %parallel_loop3A_414 = arith.addf %parallel_loop3A_408, %parallel_loop3A_413 : vector<16xf32>
        %parallel_loop3A_415 = arith.constant 1 : i32
        %parallel_loop3A_416 = vector.broadcast %parallel_loop3A_415 : i32 to vector<16xi32>
        %parallel_loop3A_417 = tpu.vector_load_idx %arg17[%parallel_loop3A_404, %parallel_loop3A_416] : memref<32x16xf32, #tpu.memory_space<vmem>>[vector<16xi32>, vector<16xi32>], vector<16xf32>,
        %parallel_loop3A_418 = arith.addf %parallel_loop3A_412, %parallel_loop3A_417 : vector<16xf32>
        %parallel_loop3A_419 = tpu.vector_load_idx %arg18[%parallel_loop3A_404, %parallel_loop3A_416] : memref<32x16xf32, #tpu.memory_space<vmem>>[vector<16xi32>, vector<16xi32>], vector<16xf32>,
        %parallel_loop3A_420 = arith.addf %parallel_loop3A_414, %parallel_loop3A_419 : vector<16xf32>
        %parallel_loop3A_421 = arith.constant 2 : i32
        %parallel_loop3A_422 = vector.broadcast %parallel_loop3A_421 : i32 to vector<16xi32>
        %parallel_loop3A_423 = tpu.vector_load_idx %arg17[%parallel_loop3A_404, %parallel_loop3A_422] : memref<32x16xf32, #tpu.memory_space<vmem>>[vector<16xi32>, vector<16xi32>], vector<16xf32>,
        %parallel_loop3A_424 = arith.addf %parallel_loop3A_418, %parallel_loop3A_423 : vector<16xf32>
        %parallel_loop3A_425 = tpu.vector_load_idx %arg18[%parallel_loop3A_404, %parallel_loop3A_422] : memref<32x16xf32, #tpu.memory_space<vmem>>[vector<16xi32>, vector<16xi32>], vector<16xf32>,
        %parallel_loop3A_426 = arith.addf %parallel_loop3A_420, %parallel_loop3A_425 : vector<16xf32>
        %parallel_loop3A_427 = arith.constant 3 : i32
        %parallel_loop3A_428 = vector.broadcast %parallel_loop3A_427 : i32 to vector<16xi32>
        %parallel_loop3A_429 = tpu.vector_load_idx %arg17[%parallel_loop3A_404, %parallel_loop3A_428] : memref<32x16xf32, #tpu.memory_space<vmem>>[vector<16xi32>, vector<16xi32>], vector<16xf32>,
        %parallel_loop3A_430 = arith.addf %parallel_loop3A_424, %parallel_loop3A_429 : vector<16xf32>
        %parallel_loop3A_431 = tpu.vector_load_idx %arg18[%parallel_loop3A_404, %parallel_loop3A_428] : memref<32x16xf32, #tpu.memory_space<vmem>>[vector<16xi32>, vector<16xi32>], vector<16xf32>,
        %parallel_loop3A_432 = arith.addf %parallel_loop3A_426, %parallel_loop3A_431 : vector<16xf32>
        %parallel_loop3A_433 = arith.constant 4 : i32
        %parallel_loop3A_434 = vector.broadcast %parallel_loop3A_433 : i32 to vector<16xi32>
        %parallel_loop3A_435 = tpu.vector_load_idx %arg17[%parallel_loop3A_404, %parallel_loop3A_434] : memref<32x16xf32, #tpu.memory_space<vmem>>[vector<16xi32>, vector<16xi32>], vector<16xf32>,
        %parallel_loop3A_436 = arith.addf %parallel_loop3A_430, %parallel_loop3A_435 : vector<16xf32>
        %parallel_loop3A_437 = tpu.vector_load_idx %arg18[%parallel_loop3A_404, %parallel_loop3A_434] : memref<32x16xf32, #tpu.memory_space<vmem>>[vector<16xi32>, vector<16xi32>], vector<16xf32>,
        %parallel_loop3A_438 = arith.addf %parallel_loop3A_432, %parallel_loop3A_437 : vector<16xf32>
        %parallel_loop3A_439 = arith.constant 5 : i32
        %parallel_loop3A_440 = vector.broadcast %parallel_loop3A_439 : i32 to vector<16xi32>
        %parallel_loop3A_441 = tpu.vector_load_idx %arg17[%parallel_loop3A_404, %parallel_loop3A_440] : memref<32x16xf32, #tpu.memory_space<vmem>>[vector<16xi32>, vector<16xi32>], vector<16xf32>,
        %parallel_loop3A_442 = arith.addf %parallel_loop3A_436, %parallel_loop3A_441 : vector<16xf32>
        %parallel_loop3A_443 = tpu.vector_load_idx %arg18[%parallel_loop3A_404, %parallel_loop3A_440] : memref<32x16xf32, #tpu.memory_space<vmem>>[vector<16xi32>, vector<16xi32>], vector<16xf32>,
        %parallel_loop3A_444 = arith.addf %parallel_loop3A_438, %parallel_loop3A_443 : vector<16xf32>
        %parallel_loop3A_445 = arith.constant 6 : i32
        %parallel_loop3A_446 = vector.broadcast %parallel_loop3A_445 : i32 to vector<16xi32>
        %parallel_loop3A_447 = tpu.vector_load_idx %arg17[%parallel_loop3A_404, %parallel_loop3A_446] : memref<32x16xf32, #tpu.memory_space<vmem>>[vector<16xi32>, vector<16xi32>], vector<16xf32>,
        %parallel_loop3A_448 = arith.addf %parallel_loop3A_442, %parallel_loop3A_447 : vector<16xf32>
        %parallel_loop3A_449 = tpu.vector_load_idx %arg18[%parallel_loop3A_404, %parallel_loop3A_446] : memref<32x16xf32, #tpu.memory_space<vmem>>[vector<16xi32>, vector<16xi32>], vector<16xf32>,
        %parallel_loop3A_450 = arith.addf %parallel_loop3A_444, %parallel_loop3A_449 : vector<16xf32>
        %parallel_loop3A_451 = arith.constant 7 : i32
        %parallel_loop3A_452 = vector.broadcast %parallel_loop3A_451 : i32 to vector<16xi32>
        %parallel_loop3A_453 = tpu.vector_load_idx %arg17[%parallel_loop3A_404, %parallel_loop3A_452] : memref<32x16xf32, #tpu.memory_space<vmem>>[vector<16xi32>, vector<16xi32>], vector<16xf32>,
        %parallel_loop3A_454 = arith.addf %parallel_loop3A_448, %parallel_loop3A_453 : vector<16xf32>
        %parallel_loop3A_455 = tpu.vector_load_idx %arg18[%parallel_loop3A_404, %parallel_loop3A_452] : memref<32x16xf32, #tpu.memory_space<vmem>>[vector<16xi32>, vector<16xi32>], vector<16xf32>,
        %parallel_loop3A_456 = arith.addf %parallel_loop3A_450, %parallel_loop3A_455 : vector<16xf32>
        %parallel_loop3A_457 = arith.constant 8 : i32
        %parallel_loop3A_458 = vector.broadcast %parallel_loop3A_457 : i32 to vector<16xi32>
        %parallel_loop3A_459 = tpu.vector_load_idx %arg17[%parallel_loop3A_404, %parallel_loop3A_458] : memref<32x16xf32, #tpu.memory_space<vmem>>[vector<16xi32>, vector<16xi32>], vector<16xf32>,
        %parallel_loop3A_460 = arith.addf %parallel_loop3A_454, %parallel_loop3A_459 : vector<16xf32>
        %parallel_loop3A_461 = tpu.vector_load_idx %arg18[%parallel_loop3A_404, %parallel_loop3A_458] : memref<32x16xf32, #tpu.memory_space<vmem>>[vector<16xi32>, vector<16xi32>], vector<16xf32>,
        %parallel_loop3A_462 = arith.addf %parallel_loop3A_456, %parallel_loop3A_461 : vector<16xf32>
        %parallel_loop3A_463 = arith.constant 9 : i32
        %parallel_loop3A_464 = vector.broadcast %parallel_loop3A_463 : i32 to vector<16xi32>
        %parallel_loop3A_465 = tpu.vector_load_idx %arg17[%parallel_loop3A_404, %parallel_loop3A_464] : memref<32x16xf32, #tpu.memory_space<vmem>>[vector<16xi32>, vector<16xi32>], vector<16xf32>,
        %parallel_loop3A_466 = arith.addf %parallel_loop3A_460, %parallel_loop3A_465 : vector<16xf32>
        %parallel_loop3A_467 = tpu.vector_load_idx %arg18[%parallel_loop3A_404, %parallel_loop3A_464] : memref<32x16xf32, #tpu.memory_space<vmem>>[vector<16xi32>, vector<16xi32>], vector<16xf32>,
        %parallel_loop3A_468 = arith.addf %parallel_loop3A_462, %parallel_loop3A_467 : vector<16xf32>
        %parallel_loop3A_469 = arith.constant 10 : i32
        %parallel_loop3A_470 = vector.broadcast %parallel_loop3A_469 : i32 to vector<16xi32>
        %parallel_loop3A_471 = tpu.vector_load_idx %arg17[%parallel_loop3A_404, %parallel_loop3A_470] : memref<32x16xf32, #tpu.memory_space<vmem>>[vector<16xi32>, vector<16xi32>], vector<16xf32>,
        %parallel_loop3A_472 = arith.addf %parallel_loop3A_466, %parallel_loop3A_471 : vector<16xf32>
        %parallel_loop3A_473 = tpu.vector_load_idx %arg18[%parallel_loop3A_404, %parallel_loop3A_470] : memref<32x16xf32, #tpu.memory_space<vmem>>[vector<16xi32>, vector<16xi32>], vector<16xf32>,
        %parallel_loop3A_474 = arith.addf %parallel_loop3A_468, %parallel_loop3A_473 : vector<16xf32>
        %parallel_loop3A_475 = arith.constant 11 : i32
        %parallel_loop3A_476 = vector.broadcast %parallel_loop3A_475 : i32 to vector<16xi32>
        %parallel_loop3A_477 = tpu.vector_load_idx %arg17[%parallel_loop3A_404, %parallel_loop3A_476] : memref<32x16xf32, #tpu.memory_space<vmem>>[vector<16xi32>, vector<16xi32>], vector<16xf32>,
        %parallel_loop3A_478 = arith.addf %parallel_loop3A_472, %parallel_loop3A_477 : vector<16xf32>
        %parallel_loop3A_479 = tpu.vector_load_idx %arg18[%parallel_loop3A_404, %parallel_loop3A_476] : memref<32x16xf32, #tpu.memory_space<vmem>>[vector<16xi32>, vector<16xi32>], vector<16xf32>,
        %parallel_loop3A_480 = arith.addf %parallel_loop3A_474, %parallel_loop3A_479 : vector<16xf32>
        %parallel_loop3A_481 = arith.constant 12 : i32
        %parallel_loop3A_482 = vector.broadcast %parallel_loop3A_481 : i32 to vector<16xi32>
        %parallel_loop3A_483 = tpu.vector_load_idx %arg17[%parallel_loop3A_404, %parallel_loop3A_482] : memref<32x16xf32, #tpu.memory_space<vmem>>[vector<16xi32>, vector<16xi32>], vector<16xf32>,
        %parallel_loop3A_484 = arith.addf %parallel_loop3A_478, %parallel_loop3A_483 : vector<16xf32>
        %parallel_loop3A_485 = tpu.vector_load_idx %arg18[%parallel_loop3A_404, %parallel_loop3A_482] : memref<32x16xf32, #tpu.memory_space<vmem>>[vector<16xi32>, vector<16xi32>], vector<16xf32>,
        %parallel_loop3A_486 = arith.addf %parallel_loop3A_480, %parallel_loop3A_485 : vector<16xf32>
        %parallel_loop3A_487 = arith.constant 13 : i32
        %parallel_loop3A_488 = vector.broadcast %parallel_loop3A_487 : i32 to vector<16xi32>
        %parallel_loop3A_489 = tpu.vector_load_idx %arg17[%parallel_loop3A_404, %parallel_loop3A_488] : memref<32x16xf32, #tpu.memory_space<vmem>>[vector<16xi32>, vector<16xi32>], vector<16xf32>,
        %parallel_loop3A_490 = arith.addf %parallel_loop3A_484, %parallel_loop3A_489 : vector<16xf32>
        %parallel_loop3A_491 = tpu.vector_load_idx %arg18[%parallel_loop3A_404, %parallel_loop3A_488] : memref<32x16xf32, #tpu.memory_space<vmem>>[vector<16xi32>, vector<16xi32>], vector<16xf32>,
        %parallel_loop3A_492 = arith.addf %parallel_loop3A_486, %parallel_loop3A_491 : vector<16xf32>
        %parallel_loop3A_493 = arith.constant 14 : i32
        %parallel_loop3A_494 = vector.broadcast %parallel_loop3A_493 : i32 to vector<16xi32>
        %parallel_loop3A_495 = tpu.vector_load_idx %arg17[%parallel_loop3A_404, %parallel_loop3A_494] : memref<32x16xf32, #tpu.memory_space<vmem>>[vector<16xi32>, vector<16xi32>], vector<16xf32>,
        %parallel_loop3A_496 = arith.addf %parallel_loop3A_490, %parallel_loop3A_495 : vector<16xf32>
        %parallel_loop3A_497 = tpu.vector_load_idx %arg18[%parallel_loop3A_404, %parallel_loop3A_494] : memref<32x16xf32, #tpu.memory_space<vmem>>[vector<16xi32>, vector<16xi32>], vector<16xf32>,
        %parallel_loop3A_498 = arith.addf %parallel_loop3A_492, %parallel_loop3A_497 : vector<16xf32>
        %parallel_loop3A_499 = arith.constant 15 : i32
        %parallel_loop3A_500 = vector.broadcast %parallel_loop3A_499 : i32 to vector<16xi32>
        %parallel_loop3A_501 = tpu.vector_load_idx %arg17[%parallel_loop3A_404, %parallel_loop3A_500] : memref<32x16xf32, #tpu.memory_space<vmem>>[vector<16xi32>, vector<16xi32>], vector<16xf32>,
        %parallel_loop3A_502 = arith.addf %parallel_loop3A_496, %parallel_loop3A_501 : vector<16xf32>
        %parallel_loop3A_503 = tpu.vector_load_idx %arg18[%parallel_loop3A_404, %parallel_loop3A_500] : memref<32x16xf32, #tpu.memory_space<vmem>>[vector<16xi32>, vector<16xi32>], vector<16xf32>,
        %parallel_loop3A_504 = arith.addf %parallel_loop3A_498, %parallel_loop3A_503 : vector<16xf32>
        %parallel_loop3A_505 = arith.constant 0.00130208337 : f32
        %parallel_loop3A_506 = vector.broadcast %parallel_loop3A_505 : f32 to vector<16xf32>
        %parallel_loop3A_507 = arith.mulf %parallel_loop3A_502, %parallel_loop3A_506 : vector<16xf32>
        %parallel_loop3A_508 = arith.constant 0.00130208337 : f32
        %parallel_loop3A_509 = vector.broadcast %parallel_loop3A_508 : f32 to vector<16xf32>
        %parallel_loop3A_510 = arith.mulf %parallel_loop3A_504, %parallel_loop3A_509 : vector<16xf32>
        %parallel_loop3A_511 = arith.mulf %parallel_loop3A_507, %parallel_loop3A_507 : vector<16xf32>
        %parallel_loop3A_512 = arith.subf %parallel_loop3A_510, %parallel_loop3A_511 : vector<16xf32>
        %parallel_loop3A_513 = arith.constant 9.99999996E-13 : f32
        %parallel_loop3A_514 = vector.broadcast %parallel_loop3A_513 : f32 to vector<16xf32>
        %parallel_loop3A_515 = arith.addf %parallel_loop3A_512, %parallel_loop3A_514 : vector<16xf32>
        %parallel_loop3A_516 = tpu.bitcast %parallel_loop3A_515 : vector<16xf32> -> vector<16xi32>
        %parallel_loop3A_517 = arith.constant 1 : i32
        %parallel_loop3A_518 = vector.broadcast %parallel_loop3A_517 : i32 to vector<16xi32>
        %parallel_loop3A_519 = arith.shrui %parallel_loop3A_516, %parallel_loop3A_518 : vector<16xi32>
        %parallel_loop3A_520 = arith.constant 1597463007 : i32
        %parallel_loop3A_521 = vector.broadcast %parallel_loop3A_520 : i32 to vector<16xi32>
        %parallel_loop3A_522 = arith.subi %parallel_loop3A_521, %parallel_loop3A_519 : vector<16xi32>
        %parallel_loop3A_523 = tpu.bitcast %parallel_loop3A_522 : vector<16xi32> -> vector<16xf32>
        %parallel_loop3A_524 = arith.constant 5.000000e-01 : f32
        %parallel_loop3A_525 = vector.broadcast %parallel_loop3A_524 : f32 to vector<16xf32>
        %parallel_loop3A_526 = arith.mulf %parallel_loop3A_525, %parallel_loop3A_515 : vector<16xf32>
        %parallel_loop3A_527 = arith.mulf %parallel_loop3A_526, %parallel_loop3A_523 : vector<16xf32>
        %parallel_loop3A_528 = arith.mulf %parallel_loop3A_527, %parallel_loop3A_523 : vector<16xf32>
        %parallel_loop3A_529 = arith.constant 1.500000e+00 : f32
        %parallel_loop3A_530 = vector.broadcast %parallel_loop3A_529 : f32 to vector<16xf32>
        %parallel_loop3A_531 = arith.subf %parallel_loop3A_530, %parallel_loop3A_528 : vector<16xf32>
        %parallel_loop3A_532 = arith.mulf %parallel_loop3A_523, %parallel_loop3A_531 : vector<16xf32>
        %parallel_loop3A_533 = arith.constant 5.000000e-01 : f32
        %parallel_loop3A_534 = vector.broadcast %parallel_loop3A_533 : f32 to vector<16xf32>
        %parallel_loop3A_535 = arith.mulf %parallel_loop3A_534, %parallel_loop3A_515 : vector<16xf32>
        %parallel_loop3A_536 = arith.mulf %parallel_loop3A_535, %parallel_loop3A_532 : vector<16xf32>
        %parallel_loop3A_537 = arith.mulf %parallel_loop3A_536, %parallel_loop3A_532 : vector<16xf32>
        %parallel_loop3A_538 = arith.constant 1.500000e+00 : f32
        %parallel_loop3A_539 = vector.broadcast %parallel_loop3A_538 : f32 to vector<16xf32>
        %parallel_loop3A_540 = arith.subf %parallel_loop3A_539, %parallel_loop3A_537 : vector<16xf32>
        %parallel_loop3A_541 = arith.mulf %parallel_loop3A_532, %parallel_loop3A_540 : vector<16xf32>
        %parallel_loop3A_542 = arith.constant 5.000000e-01 : f32
        %parallel_loop3A_543 = vector.broadcast %parallel_loop3A_542 : f32 to vector<16xf32>
        %parallel_loop3A_544 = arith.mulf %parallel_loop3A_543, %parallel_loop3A_515 : vector<16xf32>
        %parallel_loop3A_545 = arith.mulf %parallel_loop3A_544, %parallel_loop3A_541 : vector<16xf32>
        %parallel_loop3A_546 = arith.mulf %parallel_loop3A_545, %parallel_loop3A_541 : vector<16xf32>
        %parallel_loop3A_547 = arith.constant 1.500000e+00 : f32
        %parallel_loop3A_548 = vector.broadcast %parallel_loop3A_547 : f32 to vector<16xf32>
        %parallel_loop3A_549 = arith.subf %parallel_loop3A_548, %parallel_loop3A_546 : vector<16xf32>
        %parallel_loop3A_550 = arith.mulf %parallel_loop3A_541, %parallel_loop3A_549 : vector<16xf32>
        %parallel_loop3A_551 = arith.mulf %parallel_loop3A_507, %parallel_loop3A_550 : vector<16xf32>
        %parallel_loop3A_552 = arith.constant 0.000000e+00 : f32
        %parallel_loop3A_553 = vector.broadcast %parallel_loop3A_552 : f32 to vector<16xf32>
        %parallel_loop3A_554 = arith.subf %parallel_loop3A_553, %parallel_loop3A_551 : vector<16xf32>
        %parallel_loop3A_555 = vector.extract_strided_slice %parallel_loop3A_550 {offsets = [0], sizes = [1], strides = [1]} : vector<16xf32> to vector<1xf32>
        %parallel_loop3A_556 = vector.extract %parallel_loop3A_555[0] : f32 from vector<1xf32>
        %parallel_loop3A_557 = arith.constant 0 : i32
        %parallel_loop3A_558 = arith.addi %parallel_loop3A_402, %parallel_loop3A_557 : i32
        %parallel_loop3A_559 = arith.index_cast %parallel_loop3A_558 : i32 to index
        %parallel_loop3A_560 = memref.load %arg19[%parallel_loop3A_559] : memref<32xf32, #tpu.memory_space<smem>>
        memref.store %parallel_loop3A_556, %arg19[%parallel_loop3A_559] : memref<32xf32, #tpu.memory_space<smem>>
        %parallel_loop3A_561 = vector.extract_strided_slice %parallel_loop3A_554 {offsets = [0], sizes = [1], strides = [1]} : vector<16xf32> to vector<1xf32>
        %parallel_loop3A_562 = vector.extract %parallel_loop3A_561[0] : f32 from vector<1xf32>
        %parallel_loop3A_563 = arith.constant 0 : i32
        %parallel_loop3A_564 = arith.addi %parallel_loop3A_402, %parallel_loop3A_563 : i32
        %parallel_loop3A_565 = arith.index_cast %parallel_loop3A_564 : i32 to index
        %parallel_loop3A_566 = memref.load %arg20[%parallel_loop3A_565] : memref<32xf32, #tpu.memory_space<smem>>
        memref.store %parallel_loop3A_562, %arg20[%parallel_loop3A_565] : memref<32xf32, #tpu.memory_space<smem>>
        %parallel_loop3A_567 = vector.extract_strided_slice %parallel_loop3A_550 {offsets = [1], sizes = [1], strides = [1]} : vector<16xf32> to vector<1xf32>
        %parallel_loop3A_568 = vector.extract %parallel_loop3A_567[0] : f32 from vector<1xf32>
        %parallel_loop3A_569 = arith.constant 1 : i32
        %parallel_loop3A_570 = arith.addi %parallel_loop3A_402, %parallel_loop3A_569 : i32
        %parallel_loop3A_571 = arith.index_cast %parallel_loop3A_570 : i32 to index
        %parallel_loop3A_572 = memref.load %arg19[%parallel_loop3A_571] : memref<32xf32, #tpu.memory_space<smem>>
        memref.store %parallel_loop3A_568, %arg19[%parallel_loop3A_571] : memref<32xf32, #tpu.memory_space<smem>>
        %parallel_loop3A_573 = vector.extract_strided_slice %parallel_loop3A_554 {offsets = [1], sizes = [1], strides = [1]} : vector<16xf32> to vector<1xf32>
        %parallel_loop3A_574 = vector.extract %parallel_loop3A_573[0] : f32 from vector<1xf32>
        %parallel_loop3A_575 = arith.constant 1 : i32
        %parallel_loop3A_576 = arith.addi %parallel_loop3A_402, %parallel_loop3A_575 : i32
        %parallel_loop3A_577 = arith.index_cast %parallel_loop3A_576 : i32 to index
        %parallel_loop3A_578 = memref.load %arg20[%parallel_loop3A_577] : memref<32xf32, #tpu.memory_space<smem>>
        memref.store %parallel_loop3A_574, %arg20[%parallel_loop3A_577] : memref<32xf32, #tpu.memory_space<smem>>
        %parallel_loop3A_579 = vector.extract_strided_slice %parallel_loop3A_550 {offsets = [2], sizes = [1], strides = [1]} : vector<16xf32> to vector<1xf32>
        %parallel_loop3A_580 = vector.extract %parallel_loop3A_579[0] : f32 from vector<1xf32>
        %parallel_loop3A_581 = arith.constant 2 : i32
        %parallel_loop3A_582 = arith.addi %parallel_loop3A_402, %parallel_loop3A_581 : i32
        %parallel_loop3A_583 = arith.index_cast %parallel_loop3A_582 : i32 to index
        %parallel_loop3A_584 = memref.load %arg19[%parallel_loop3A_583] : memref<32xf32, #tpu.memory_space<smem>>
        memref.store %parallel_loop3A_580, %arg19[%parallel_loop3A_583] : memref<32xf32, #tpu.memory_space<smem>>
        %parallel_loop3A_585 = vector.extract_strided_slice %parallel_loop3A_554 {offsets = [2], sizes = [1], strides = [1]} : vector<16xf32> to vector<1xf32>
        %parallel_loop3A_586 = vector.extract %parallel_loop3A_585[0] : f32 from vector<1xf32>
        %parallel_loop3A_587 = arith.constant 2 : i32
        %parallel_loop3A_588 = arith.addi %parallel_loop3A_402, %parallel_loop3A_587 : i32
        %parallel_loop3A_589 = arith.index_cast %parallel_loop3A_588 : i32 to index
        %parallel_loop3A_590 = memref.load %arg20[%parallel_loop3A_589] : memref<32xf32, #tpu.memory_space<smem>>
        memref.store %parallel_loop3A_586, %arg20[%parallel_loop3A_589] : memref<32xf32, #tpu.memory_space<smem>>
        %parallel_loop3A_591 = vector.extract_strided_slice %parallel_loop3A_550 {offsets = [3], sizes = [1], strides = [1]} : vector<16xf32> to vector<1xf32>
        %parallel_loop3A_592 = vector.extract %parallel_loop3A_591[0] : f32 from vector<1xf32>
        %parallel_loop3A_593 = arith.constant 3 : i32
        %parallel_loop3A_594 = arith.addi %parallel_loop3A_402, %parallel_loop3A_593 : i32
        %parallel_loop3A_595 = arith.index_cast %parallel_loop3A_594 : i32 to index
        %parallel_loop3A_596 = memref.load %arg19[%parallel_loop3A_595] : memref<32xf32, #tpu.memory_space<smem>>
        memref.store %parallel_loop3A_592, %arg19[%parallel_loop3A_595] : memref<32xf32, #tpu.memory_space<smem>>
        %parallel_loop3A_597 = vector.extract_strided_slice %parallel_loop3A_554 {offsets = [3], sizes = [1], strides = [1]} : vector<16xf32> to vector<1xf32>
        %parallel_loop3A_598 = vector.extract %parallel_loop3A_597[0] : f32 from vector<1xf32>
        %parallel_loop3A_599 = arith.constant 3 : i32
        %parallel_loop3A_600 = arith.addi %parallel_loop3A_402, %parallel_loop3A_599 : i32
        %parallel_loop3A_601 = arith.index_cast %parallel_loop3A_600 : i32 to index
        %parallel_loop3A_602 = memref.load %arg20[%parallel_loop3A_601] : memref<32xf32, #tpu.memory_space<smem>>
        memref.store %parallel_loop3A_598, %arg20[%parallel_loop3A_601] : memref<32xf32, #tpu.memory_space<smem>>
        %parallel_loop3A_603 = vector.extract_strided_slice %parallel_loop3A_550 {offsets = [4], sizes = [1], strides = [1]} : vector<16xf32> to vector<1xf32>
        %parallel_loop3A_604 = vector.extract %parallel_loop3A_603[0] : f32 from vector<1xf32>
        %parallel_loop3A_605 = arith.constant 4 : i32
        %parallel_loop3A_606 = arith.addi %parallel_loop3A_402, %parallel_loop3A_605 : i32
        %parallel_loop3A_607 = arith.index_cast %parallel_loop3A_606 : i32 to index
        %parallel_loop3A_608 = memref.load %arg19[%parallel_loop3A_607] : memref<32xf32, #tpu.memory_space<smem>>
        memref.store %parallel_loop3A_604, %arg19[%parallel_loop3A_607] : memref<32xf32, #tpu.memory_space<smem>>
        %parallel_loop3A_609 = vector.extract_strided_slice %parallel_loop3A_554 {offsets = [4], sizes = [1], strides = [1]} : vector<16xf32> to vector<1xf32>
        %parallel_loop3A_610 = vector.extract %parallel_loop3A_609[0] : f32 from vector<1xf32>
        %parallel_loop3A_611 = arith.constant 4 : i32
        %parallel_loop3A_612 = arith.addi %parallel_loop3A_402, %parallel_loop3A_611 : i32
        %parallel_loop3A_613 = arith.index_cast %parallel_loop3A_612 : i32 to index
        %parallel_loop3A_614 = memref.load %arg20[%parallel_loop3A_613] : memref<32xf32, #tpu.memory_space<smem>>
        memref.store %parallel_loop3A_610, %arg20[%parallel_loop3A_613] : memref<32xf32, #tpu.memory_space<smem>>
        %parallel_loop3A_615 = vector.extract_strided_slice %parallel_loop3A_550 {offsets = [5], sizes = [1], strides = [1]} : vector<16xf32> to vector<1xf32>
        %parallel_loop3A_616 = vector.extract %parallel_loop3A_615[0] : f32 from vector<1xf32>
        %parallel_loop3A_617 = arith.constant 5 : i32
        %parallel_loop3A_618 = arith.addi %parallel_loop3A_402, %parallel_loop3A_617 : i32
        %parallel_loop3A_619 = arith.index_cast %parallel_loop3A_618 : i32 to index
        %parallel_loop3A_620 = memref.load %arg19[%parallel_loop3A_619] : memref<32xf32, #tpu.memory_space<smem>>
        memref.store %parallel_loop3A_616, %arg19[%parallel_loop3A_619] : memref<32xf32, #tpu.memory_space<smem>>
        %parallel_loop3A_621 = vector.extract_strided_slice %parallel_loop3A_554 {offsets = [5], sizes = [1], strides = [1]} : vector<16xf32> to vector<1xf32>
        %parallel_loop3A_622 = vector.extract %parallel_loop3A_621[0] : f32 from vector<1xf32>
        %parallel_loop3A_623 = arith.constant 5 : i32
        %parallel_loop3A_624 = arith.addi %parallel_loop3A_402, %parallel_loop3A_623 : i32
        %parallel_loop3A_625 = arith.index_cast %parallel_loop3A_624 : i32 to index
        %parallel_loop3A_626 = memref.load %arg20[%parallel_loop3A_625] : memref<32xf32, #tpu.memory_space<smem>>
        memref.store %parallel_loop3A_622, %arg20[%parallel_loop3A_625] : memref<32xf32, #tpu.memory_space<smem>>
        %parallel_loop3A_627 = vector.extract_strided_slice %parallel_loop3A_550 {offsets = [6], sizes = [1], strides = [1]} : vector<16xf32> to vector<1xf32>
        %parallel_loop3A_628 = vector.extract %parallel_loop3A_627[0] : f32 from vector<1xf32>
        %parallel_loop3A_629 = arith.constant 6 : i32
        %parallel_loop3A_630 = arith.addi %parallel_loop3A_402, %parallel_loop3A_629 : i32
        %parallel_loop3A_631 = arith.index_cast %parallel_loop3A_630 : i32 to index
        %parallel_loop3A_632 = memref.load %arg19[%parallel_loop3A_631] : memref<32xf32, #tpu.memory_space<smem>>
        memref.store %parallel_loop3A_628, %arg19[%parallel_loop3A_631] : memref<32xf32, #tpu.memory_space<smem>>
        %parallel_loop3A_633 = vector.extract_strided_slice %parallel_loop3A_554 {offsets = [6], sizes = [1], strides = [1]} : vector<16xf32> to vector<1xf32>
        %parallel_loop3A_634 = vector.extract %parallel_loop3A_633[0] : f32 from vector<1xf32>
        %parallel_loop3A_635 = arith.constant 6 : i32
        %parallel_loop3A_636 = arith.addi %parallel_loop3A_402, %parallel_loop3A_635 : i32
        %parallel_loop3A_637 = arith.index_cast %parallel_loop3A_636 : i32 to index
        %parallel_loop3A_638 = memref.load %arg20[%parallel_loop3A_637] : memref<32xf32, #tpu.memory_space<smem>>
        memref.store %parallel_loop3A_634, %arg20[%parallel_loop3A_637] : memref<32xf32, #tpu.memory_space<smem>>
        %parallel_loop3A_639 = vector.extract_strided_slice %parallel_loop3A_550 {offsets = [7], sizes = [1], strides = [1]} : vector<16xf32> to vector<1xf32>
        %parallel_loop3A_640 = vector.extract %parallel_loop3A_639[0] : f32 from vector<1xf32>
        %parallel_loop3A_641 = arith.constant 7 : i32
        %parallel_loop3A_642 = arith.addi %parallel_loop3A_402, %parallel_loop3A_641 : i32
        %parallel_loop3A_643 = arith.index_cast %parallel_loop3A_642 : i32 to index
        %parallel_loop3A_644 = memref.load %arg19[%parallel_loop3A_643] : memref<32xf32, #tpu.memory_space<smem>>
        memref.store %parallel_loop3A_640, %arg19[%parallel_loop3A_643] : memref<32xf32, #tpu.memory_space<smem>>
        %parallel_loop3A_645 = vector.extract_strided_slice %parallel_loop3A_554 {offsets = [7], sizes = [1], strides = [1]} : vector<16xf32> to vector<1xf32>
        %parallel_loop3A_646 = vector.extract %parallel_loop3A_645[0] : f32 from vector<1xf32>
        %parallel_loop3A_647 = arith.constant 7 : i32
        %parallel_loop3A_648 = arith.addi %parallel_loop3A_402, %parallel_loop3A_647 : i32
        %parallel_loop3A_649 = arith.index_cast %parallel_loop3A_648 : i32 to index
        %parallel_loop3A_650 = memref.load %arg20[%parallel_loop3A_649] : memref<32xf32, #tpu.memory_space<smem>>
        memref.store %parallel_loop3A_646, %arg20[%parallel_loop3A_649] : memref<32xf32, #tpu.memory_space<smem>>
        %parallel_loop3A_651 = vector.extract_strided_slice %parallel_loop3A_550 {offsets = [8], sizes = [1], strides = [1]} : vector<16xf32> to vector<1xf32>
        %parallel_loop3A_652 = vector.extract %parallel_loop3A_651[0] : f32 from vector<1xf32>
        %parallel_loop3A_653 = arith.constant 8 : i32
        %parallel_loop3A_654 = arith.addi %parallel_loop3A_402, %parallel_loop3A_653 : i32
        %parallel_loop3A_655 = arith.index_cast %parallel_loop3A_654 : i32 to index
        %parallel_loop3A_656 = memref.load %arg19[%parallel_loop3A_655] : memref<32xf32, #tpu.memory_space<smem>>
        memref.store %parallel_loop3A_652, %arg19[%parallel_loop3A_655] : memref<32xf32, #tpu.memory_space<smem>>
        %parallel_loop3A_657 = vector.extract_strided_slice %parallel_loop3A_554 {offsets = [8], sizes = [1], strides = [1]} : vector<16xf32> to vector<1xf32>
        %parallel_loop3A_658 = vector.extract %parallel_loop3A_657[0] : f32 from vector<1xf32>
        %parallel_loop3A_659 = arith.constant 8 : i32
        %parallel_loop3A_660 = arith.addi %parallel_loop3A_402, %parallel_loop3A_659 : i32
        %parallel_loop3A_661 = arith.index_cast %parallel_loop3A_660 : i32 to index
        %parallel_loop3A_662 = memref.load %arg20[%parallel_loop3A_661] : memref<32xf32, #tpu.memory_space<smem>>
        memref.store %parallel_loop3A_658, %arg20[%parallel_loop3A_661] : memref<32xf32, #tpu.memory_space<smem>>
        %parallel_loop3A_663 = vector.extract_strided_slice %parallel_loop3A_550 {offsets = [9], sizes = [1], strides = [1]} : vector<16xf32> to vector<1xf32>
        %parallel_loop3A_664 = vector.extract %parallel_loop3A_663[0] : f32 from vector<1xf32>
        %parallel_loop3A_665 = arith.constant 9 : i32
        %parallel_loop3A_666 = arith.addi %parallel_loop3A_402, %parallel_loop3A_665 : i32
        %parallel_loop3A_667 = arith.index_cast %parallel_loop3A_666 : i32 to index
        %parallel_loop3A_668 = memref.load %arg19[%parallel_loop3A_667] : memref<32xf32, #tpu.memory_space<smem>>
        memref.store %parallel_loop3A_664, %arg19[%parallel_loop3A_667] : memref<32xf32, #tpu.memory_space<smem>>
        %parallel_loop3A_669 = vector.extract_strided_slice %parallel_loop3A_554 {offsets = [9], sizes = [1], strides = [1]} : vector<16xf32> to vector<1xf32>
        %parallel_loop3A_670 = vector.extract %parallel_loop3A_669[0] : f32 from vector<1xf32>
        %parallel_loop3A_671 = arith.constant 9 : i32
        %parallel_loop3A_672 = arith.addi %parallel_loop3A_402, %parallel_loop3A_671 : i32
        %parallel_loop3A_673 = arith.index_cast %parallel_loop3A_672 : i32 to index
        %parallel_loop3A_674 = memref.load %arg20[%parallel_loop3A_673] : memref<32xf32, #tpu.memory_space<smem>>
        memref.store %parallel_loop3A_670, %arg20[%parallel_loop3A_673] : memref<32xf32, #tpu.memory_space<smem>>
        %parallel_loop3A_675 = vector.extract_strided_slice %parallel_loop3A_550 {offsets = [10], sizes = [1], strides = [1]} : vector<16xf32> to vector<1xf32>
        %parallel_loop3A_676 = vector.extract %parallel_loop3A_675[0] : f32 from vector<1xf32>
        %parallel_loop3A_677 = arith.constant 10 : i32
        %parallel_loop3A_678 = arith.addi %parallel_loop3A_402, %parallel_loop3A_677 : i32
        %parallel_loop3A_679 = arith.index_cast %parallel_loop3A_678 : i32 to index
        %parallel_loop3A_680 = memref.load %arg19[%parallel_loop3A_679] : memref<32xf32, #tpu.memory_space<smem>>
        memref.store %parallel_loop3A_676, %arg19[%parallel_loop3A_679] : memref<32xf32, #tpu.memory_space<smem>>
        %parallel_loop3A_681 = vector.extract_strided_slice %parallel_loop3A_554 {offsets = [10], sizes = [1], strides = [1]} : vector<16xf32> to vector<1xf32>
        %parallel_loop3A_682 = vector.extract %parallel_loop3A_681[0] : f32 from vector<1xf32>
        %parallel_loop3A_683 = arith.constant 10 : i32
        %parallel_loop3A_684 = arith.addi %parallel_loop3A_402, %parallel_loop3A_683 : i32
        %parallel_loop3A_685 = arith.index_cast %parallel_loop3A_684 : i32 to index
        %parallel_loop3A_686 = memref.load %arg20[%parallel_loop3A_685] : memref<32xf32, #tpu.memory_space<smem>>
        memref.store %parallel_loop3A_682, %arg20[%parallel_loop3A_685] : memref<32xf32, #tpu.memory_space<smem>>
        %parallel_loop3A_687 = vector.extract_strided_slice %parallel_loop3A_550 {offsets = [11], sizes = [1], strides = [1]} : vector<16xf32> to vector<1xf32>
        %parallel_loop3A_688 = vector.extract %parallel_loop3A_687[0] : f32 from vector<1xf32>
        %parallel_loop3A_689 = arith.constant 11 : i32
        %parallel_loop3A_690 = arith.addi %parallel_loop3A_402, %parallel_loop3A_689 : i32
        %parallel_loop3A_691 = arith.index_cast %parallel_loop3A_690 : i32 to index
        %parallel_loop3A_692 = memref.load %arg19[%parallel_loop3A_691] : memref<32xf32, #tpu.memory_space<smem>>
        memref.store %parallel_loop3A_688, %arg19[%parallel_loop3A_691] : memref<32xf32, #tpu.memory_space<smem>>
        %parallel_loop3A_693 = vector.extract_strided_slice %parallel_loop3A_554 {offsets = [11], sizes = [1], strides = [1]} : vector<16xf32> to vector<1xf32>
        %parallel_loop3A_694 = vector.extract %parallel_loop3A_693[0] : f32 from vector<1xf32>
        %parallel_loop3A_695 = arith.constant 11 : i32
        %parallel_loop3A_696 = arith.addi %parallel_loop3A_402, %parallel_loop3A_695 : i32
        %parallel_loop3A_697 = arith.index_cast %parallel_loop3A_696 : i32 to index
        %parallel_loop3A_698 = memref.load %arg20[%parallel_loop3A_697] : memref<32xf32, #tpu.memory_space<smem>>
        memref.store %parallel_loop3A_694, %arg20[%parallel_loop3A_697] : memref<32xf32, #tpu.memory_space<smem>>
        %parallel_loop3A_699 = vector.extract_strided_slice %parallel_loop3A_550 {offsets = [12], sizes = [1], strides = [1]} : vector<16xf32> to vector<1xf32>
        %parallel_loop3A_700 = vector.extract %parallel_loop3A_699[0] : f32 from vector<1xf32>
        %parallel_loop3A_701 = arith.constant 12 : i32
        %parallel_loop3A_702 = arith.addi %parallel_loop3A_402, %parallel_loop3A_701 : i32
        %parallel_loop3A_703 = arith.index_cast %parallel_loop3A_702 : i32 to index
        %parallel_loop3A_704 = memref.load %arg19[%parallel_loop3A_703] : memref<32xf32, #tpu.memory_space<smem>>
        memref.store %parallel_loop3A_700, %arg19[%parallel_loop3A_703] : memref<32xf32, #tpu.memory_space<smem>>
        %parallel_loop3A_705 = vector.extract_strided_slice %parallel_loop3A_554 {offsets = [12], sizes = [1], strides = [1]} : vector<16xf32> to vector<1xf32>
        %parallel_loop3A_706 = vector.extract %parallel_loop3A_705[0] : f32 from vector<1xf32>
        %parallel_loop3A_707 = arith.constant 12 : i32
        %parallel_loop3A_708 = arith.addi %parallel_loop3A_402, %parallel_loop3A_707 : i32
        %parallel_loop3A_709 = arith.index_cast %parallel_loop3A_708 : i32 to index
        %parallel_loop3A_710 = memref.load %arg20[%parallel_loop3A_709] : memref<32xf32, #tpu.memory_space<smem>>
        memref.store %parallel_loop3A_706, %arg20[%parallel_loop3A_709] : memref<32xf32, #tpu.memory_space<smem>>
        %parallel_loop3A_711 = vector.extract_strided_slice %parallel_loop3A_550 {offsets = [13], sizes = [1], strides = [1]} : vector<16xf32> to vector<1xf32>
        %parallel_loop3A_712 = vector.extract %parallel_loop3A_711[0] : f32 from vector<1xf32>
        %parallel_loop3A_713 = arith.constant 13 : i32
        %parallel_loop3A_714 = arith.addi %parallel_loop3A_402, %parallel_loop3A_713 : i32
        %parallel_loop3A_715 = arith.index_cast %parallel_loop3A_714 : i32 to index
        %parallel_loop3A_716 = memref.load %arg19[%parallel_loop3A_715] : memref<32xf32, #tpu.memory_space<smem>>
        memref.store %parallel_loop3A_712, %arg19[%parallel_loop3A_715] : memref<32xf32, #tpu.memory_space<smem>>
        %parallel_loop3A_717 = vector.extract_strided_slice %parallel_loop3A_554 {offsets = [13], sizes = [1], strides = [1]} : vector<16xf32> to vector<1xf32>
        %parallel_loop3A_718 = vector.extract %parallel_loop3A_717[0] : f32 from vector<1xf32>
        %parallel_loop3A_719 = arith.constant 13 : i32
        %parallel_loop3A_720 = arith.addi %parallel_loop3A_402, %parallel_loop3A_719 : i32
        %parallel_loop3A_721 = arith.index_cast %parallel_loop3A_720 : i32 to index
        %parallel_loop3A_722 = memref.load %arg20[%parallel_loop3A_721] : memref<32xf32, #tpu.memory_space<smem>>
        memref.store %parallel_loop3A_718, %arg20[%parallel_loop3A_721] : memref<32xf32, #tpu.memory_space<smem>>
        %parallel_loop3A_723 = vector.extract_strided_slice %parallel_loop3A_550 {offsets = [14], sizes = [1], strides = [1]} : vector<16xf32> to vector<1xf32>
        %parallel_loop3A_724 = vector.extract %parallel_loop3A_723[0] : f32 from vector<1xf32>
        %parallel_loop3A_725 = arith.constant 14 : i32
        %parallel_loop3A_726 = arith.addi %parallel_loop3A_402, %parallel_loop3A_725 : i32
        %parallel_loop3A_727 = arith.index_cast %parallel_loop3A_726 : i32 to index
        %parallel_loop3A_728 = memref.load %arg19[%parallel_loop3A_727] : memref<32xf32, #tpu.memory_space<smem>>
        memref.store %parallel_loop3A_724, %arg19[%parallel_loop3A_727] : memref<32xf32, #tpu.memory_space<smem>>
        %parallel_loop3A_729 = vector.extract_strided_slice %parallel_loop3A_554 {offsets = [14], sizes = [1], strides = [1]} : vector<16xf32> to vector<1xf32>
        %parallel_loop3A_730 = vector.extract %parallel_loop3A_729[0] : f32 from vector<1xf32>
        %parallel_loop3A_731 = arith.constant 14 : i32
        %parallel_loop3A_732 = arith.addi %parallel_loop3A_402, %parallel_loop3A_731 : i32
        %parallel_loop3A_733 = arith.index_cast %parallel_loop3A_732 : i32 to index
        %parallel_loop3A_734 = memref.load %arg20[%parallel_loop3A_733] : memref<32xf32, #tpu.memory_space<smem>>
        memref.store %parallel_loop3A_730, %arg20[%parallel_loop3A_733] : memref<32xf32, #tpu.memory_space<smem>>
        %parallel_loop3A_735 = vector.extract_strided_slice %parallel_loop3A_550 {offsets = [15], sizes = [1], strides = [1]} : vector<16xf32> to vector<1xf32>
        %parallel_loop3A_736 = vector.extract %parallel_loop3A_735[0] : f32 from vector<1xf32>
        %parallel_loop3A_737 = arith.constant 15 : i32
        %parallel_loop3A_738 = arith.addi %parallel_loop3A_402, %parallel_loop3A_737 : i32
        %parallel_loop3A_739 = arith.index_cast %parallel_loop3A_738 : i32 to index
        %parallel_loop3A_740 = memref.load %arg19[%parallel_loop3A_739] : memref<32xf32, #tpu.memory_space<smem>>
        memref.store %parallel_loop3A_736, %arg19[%parallel_loop3A_739] : memref<32xf32, #tpu.memory_space<smem>>
        %parallel_loop3A_741 = vector.extract_strided_slice %parallel_loop3A_554 {offsets = [15], sizes = [1], strides = [1]} : vector<16xf32> to vector<1xf32>
        %parallel_loop3A_742 = vector.extract %parallel_loop3A_741[0] : f32 from vector<1xf32>
        %parallel_loop3A_743 = arith.constant 15 : i32
        %parallel_loop3A_744 = arith.addi %parallel_loop3A_402, %parallel_loop3A_743 : i32
        %parallel_loop3A_745 = arith.index_cast %parallel_loop3A_744 : i32 to index
        %parallel_loop3A_746 = memref.load %arg20[%parallel_loop3A_745] : memref<32xf32, #tpu.memory_space<smem>>
        memref.store %parallel_loop3A_742, %arg20[%parallel_loop3A_745] : memref<32xf32, #tpu.memory_space<smem>>
      } {sc.loop_unroll_factor = 1 : i64, sc.parallel_access}
      %scan3A_271 = arith.constant 0 : i32
      %scan3A_272 = arith.constant 0 : i32
      %scan3A_273 = arith.constant 48 : i32
      %scan3A_274 = arith.addi %scan3A_272, %scan3A_273 : i32
      %scan3A_275 = arith.constant 1 : i32
      scf.for %scan3A_400 = %scan3A_272 to %scan3A_274 step %scan3A_275  : i32 {
        %mul3A_401 = arith.constant 16 : i32
        %mul3A_402 = arith.muli %scan3A_400, %mul3A_401 : i32
        %multiple_of3A = tpu.assume_multiple %mul3A_402, 16 : i32
        %get3A = arith.index_cast %shift_right_arithmetic3A_261 : i32 to index
        %get3A_403 = arith.index_cast %multiple_of3A : i32 to index
        %get3A_404 = tpu.vector_load %arg14[%get3A, %get3A_403] {strides = array<i32>} : memref<4x768xf32, #tpu.memory_space<vmem>>, vector<16xf32>,
        %get3A_405 = arith.index_cast %multiple_of3A : i32 to index
        %get3A_406 = tpu.vector_load %arg15[%get3A_405] {strides = array<i32>} : memref<768xf32, #tpu.memory_space<vmem>>, vector<16xf32>,
        %get3A_407 = arith.index_cast %multiple_of3A : i32 to index
        %get3A_408 = tpu.vector_load %arg16[%get3A_407] {strides = array<i32>} : memref<768xf32, #tpu.memory_space<vmem>>, vector<16xf32>,
        %parallel_loop3A_409 = arith.constant 0 : i32
        %parallel_loop3A_410 = arith.constant 32 : i32
        %parallel_loop3A_411 = arith.constant 1 : i32
        scf.for %parallel_loop3A_412 = %parallel_loop3A_409 to %parallel_loop3A_410 step %parallel_loop3A_411  : i32 {
          %parallel_loop3A_413 = arith.index_cast %parallel_loop3A_412 : i32 to index
          %parallel_loop3A_414 = memref.load %arg19[%parallel_loop3A_413] : memref<32xf32, #tpu.memory_space<smem>>
          %parallel_loop3A_415 = arith.index_cast %parallel_loop3A_412 : i32 to index
          %parallel_loop3A_416 = memref.load %arg20[%parallel_loop3A_415] : memref<32xf32, #tpu.memory_space<smem>>
          %parallel_loop3A_417 = arith.index_cast %parallel_loop3A_412 : i32 to index
          %parallel_loop3A_418 = arith.index_cast %multiple_of3A : i32 to index
          %parallel_loop3A_419 = tpu.vector_load %arg12[%parallel_loop3A_417, %parallel_loop3A_418] {strides = array<i32>} : memref<32x768xf32, #tpu.memory_space<vmem>>, vector<16xf32>,
          %parallel_loop3A_420 = arith.addf %parallel_loop3A_419, %get3A_404 : vector<16xf32>
          %parallel_loop3A_421 = vector.broadcast %parallel_loop3A_414 : f32 to vector<16xf32>
          %parallel_loop3A_422 = arith.mulf %parallel_loop3A_420, %parallel_loop3A_421 : vector<16xf32>
          %parallel_loop3A_423 = vector.broadcast %parallel_loop3A_416 : f32 to vector<16xf32>
          %parallel_loop3A_424 = arith.addf %parallel_loop3A_422, %parallel_loop3A_423 : vector<16xf32>
          %parallel_loop3A_425 = arith.mulf %parallel_loop3A_424, %get3A_406 : vector<16xf32>
          %parallel_loop3A_426 = arith.addf %parallel_loop3A_425, %get3A_408 : vector<16xf32>
          %parallel_loop3A_427 = arith.index_cast %parallel_loop3A_412 : i32 to index
          %parallel_loop3A_428 = arith.index_cast %multiple_of3A : i32 to index
          %parallel_loop3A_429 = tpu.vector_load %arg12[%parallel_loop3A_427, %parallel_loop3A_428] {strides = array<i32>} : memref<32x768xf32, #tpu.memory_space<vmem>>, vector<16xf32>,
          tpu.vector_store %arg12[%parallel_loop3A_427, %parallel_loop3A_428], %parallel_loop3A_426 {strides = array<i32>} : memref<32x768xf32, #tpu.memory_space<vmem>>, vector<16xf32>,
        } {sc.loop_unroll_factor = 4 : i64, sc.parallel_access}
      }
      %scan3A_276 = arith.constant 48 : i32
      %shift_right_arithmetic3A_277 = arith.constant 5 : i32
      %shift_right_arithmetic3A_278 = arith.shrsi %add3A_253, %shift_right_arithmetic3A_277 : i32
      %and3A_279 = arith.constant 31 : i32
      %and3A_280 = arith.andi %add3A_253, %and3A_279 : i32
      %mul3A_281 = arith.constant 4 : i32
      %mul3A_282 = arith.muli %add3A, %mul3A_281 : i32
      %add3A_283 = arith.addi %mul3A_282, %shift_right_arithmetic3A_278 : i32
      %mul3A_284 = arith.constant 768 : i32
      %mul3A_285 = arith.muli %add3A_283, %mul3A_284 : i32
      %add3A_286 = arith.constant 128 : i32
      %add3A_287 = arith.addi %add3A_286, %mul3A_285 : i32
      %mul3A_288 = arith.constant 32 : i32
      %mul3A_289 = arith.muli %and3A_280, %mul3A_288 : i32
      %dma_start3A_290 = tpu.memref_slice %arg8[%mul3A_289, %add3A_287] : memref<1024x98432xf32, #tpu.memory_space<hbm>> -> memref<32x768xf32, #tpu.memory_space<hbm>>
      %dma_start3A_291 = tpu.memref_slice %arg8[%mul3A_289, %add3A_287] : memref<1024x98432xf32, #tpu.memory_space<hbm>> -> memref<32x768xf32, #tpu.memory_space<hbm>>
      tpu.enqueue_dma source(%arg12 : memref<32x768xf32, #tpu.memory_space<vmem>>) target(%dma_start3A_291 : memref<32x768xf32, #tpu.memory_space<hbm>>) target_semaphore(%arg29 : memref<!tpu.dma_semaphore, #tpu.memory_space<semaphore_mem>>)
      %add3A_292 = arith.constant 128 : i32
      %add3A_293 = arith.addi %add3A_253, %add3A_292 : i32
      %sub3A_294 = arith.constant 1 : i32
      %sub3A_295 = arith.subi %add3A_293, %sub3A_294 : i32
      %and3A_296 = arith.constant 127 : i32
      %and3A_297 = arith.andi %sub3A_295, %and3A_296 : i32
      %shift_right_arithmetic3A_298 = arith.constant 5 : i32
      %shift_right_arithmetic3A_299 = arith.shrsi %and3A_297, %shift_right_arithmetic3A_298 : i32
      %and3A_300 = arith.constant 31 : i32
      %and3A_301 = arith.andi %and3A_297, %and3A_300 : i32
      %mul3A_302 = arith.constant 4 : i32
      %mul3A_303 = arith.muli %add3A, %mul3A_302 : i32
      %add3A_304 = arith.addi %mul3A_303, %shift_right_arithmetic3A_299 : i32
      %mul3A_305 = arith.constant 768 : i32
      %mul3A_306 = arith.muli %add3A_304, %mul3A_305 : i32
      %add3A_307 = arith.constant 128 : i32
      %add3A_308 = arith.addi %add3A_307, %mul3A_306 : i32
      %mul3A_309 = arith.constant 32 : i32
      %mul3A_310 = arith.muli %and3A_301, %mul3A_309 : i32
      %dma_wait3A_311 = tpu.memref_slice %arg8[%mul3A_310, %add3A_308] : memref<1024x98432xf32, #tpu.memory_space<hbm>> -> memref<32x768xf32, #tpu.memory_space<hbm>>
      %dma_wait3A_312 = tpu.memref_slice %arg8[%mul3A_310, %add3A_308] : memref<1024x98432xf32, #tpu.memory_space<hbm>> -> memref<32x768xf32, #tpu.memory_space<hbm>>
      tpu.wait_dma2 semaphore(%arg28 : memref<!tpu.dma_semaphore, #tpu.memory_space<semaphore_mem>>) src(%arg11 : memref<32x768xf32, #tpu.memory_space<vmem>>) dst(%dma_wait3A_312 : memref<32x768xf32, #tpu.memory_space<hbm>>)
      %add3A_313 = arith.constant 4 : i32
      %add3A_314 = arith.addi %add3A_253, %add3A_313 : i32
      %sub3A_315 = arith.constant 1 : i32
      %sub3A_316 = arith.subi %add3A_314, %sub3A_315 : i32
      %min3A_317 = arith.constant 127 : i32
      %min3A_318 = arith.minsi %sub3A_316, %min3A_317 : i32
      %dma_start3A_319 = arith.constant 0 : i32
      %dma_start3A_320 = tpu.memref_slice %arg9[%min3A_318, %dma_start3A_319] : memref<128x32xi32, #tpu.memory_space<vmem>> -> memref<1x32xi32, #tpu.memory_space<vmem>>
      %dma_start3A_321 = tpu.memref_squeeze %dma_start3A_320 : memref<1x32xi32, #tpu.memory_space<vmem>> -> memref<32xi32, #tpu.memory_space<vmem>>
      %dma_start3A_322 = arith.constant 0 : i32
      %dma_start3A_323 = arith.constant 0 : i32
      %dma_start3A_324 = tpu.memref_slice %arg4[%dma_start3A_322, %dma_start3A_323] : memref<30522x768xf32, #tpu.memory_space<hbm>> -> memref<30522x768xf32, #tpu.memory_space<hbm>>
      tpu.enqueue_indirect_dma source(%dma_start3A_324 : memref<30522x768xf32, #tpu.memory_space<hbm>>) target(%arg11 : memref<32x768xf32, #tpu.memory_space<vmem>>) offsets(%dma_start3A_321 : memref<32xi32, #tpu.memory_space<vmem>>) semaphore(%arg24 : memref<!tpu.dma_semaphore, #tpu.memory_space<semaphore_mem>>)
      %mul3A_325 = arith.constant 4 : i32
      %mul3A_326 = arith.muli %scan3A_103, %mul3A_325 : i32
      %add3A_327 = arith.constant 3 : i32
      %add3A_328 = arith.addi %mul3A_326, %add3A_327 : i32
      %dma_wait3A_329 = arith.constant 0 : i32
      %dma_wait3A_330 = tpu.memref_slice %arg9[%add3A_328, %dma_wait3A_329] : memref<128x32xi32, #tpu.memory_space<vmem>> -> memref<1x32xi32, #tpu.memory_space<vmem>>
      %dma_wait3A_331 = tpu.memref_squeeze %dma_wait3A_330 : memref<1x32xi32, #tpu.memory_space<vmem>> -> memref<32xi32, #tpu.memory_space<vmem>>
      %dma_wait3A_332 = arith.constant 0 : i32
      %dma_wait3A_333 = arith.constant 0 : i32
      %dma_wait3A_334 = tpu.memref_slice %arg4[%dma_wait3A_332, %dma_wait3A_333] : memref<30522x768xf32, #tpu.memory_space<hbm>> -> memref<30522x768xf32, #tpu.memory_space<hbm>>
      tpu.wait_indirect_dma semaphore(%arg26 : memref<!tpu.dma_semaphore, #tpu.memory_space<semaphore_mem>>) src(%dma_wait3A_334 : memref<30522x768xf32, #tpu.memory_space<hbm>>) dst(%arg13 : memref<32x768xf32, #tpu.memory_space<vmem>>)
      %shift_right_arithmetic3A_335 = arith.constant 5 : i32
      %shift_right_arithmetic3A_336 = arith.shrsi %add3A_328, %shift_right_arithmetic3A_335 : i32
      %scan3A_337 = arith.constant 0 : i32
      %scan3A_338 = arith.constant 0 : i32
      %scan3A_339 = arith.constant 32 : i32
      %scan3A_340 = arith.addi %scan3A_338, %scan3A_339 : i32
      %scan3A_341 = arith.constant 1 : i32
      scf.for %scan3A_400 = %scan3A_338 to %scan3A_340 step %scan3A_341  : i32 {
        %broadcast_in_dim3A = arith.constant 0.000000e+00 : f32
        %broadcast_in_dim3A_401 = vector.broadcast %broadcast_in_dim3A : f32 to vector<16xf32>
        %parallel_loop3A_402 = arith.constant 0 : i32
        %parallel_loop3A_403 = arith.constant 48 : i32
        %parallel_loop3A_404 = arith.constant 1 : i32
        %parallel_loop3A_405:2 = scf.for %parallel_loop3A_411 = %parallel_loop3A_402 to %parallel_loop3A_403 step %parallel_loop3A_404 iter_args(%parallel_loop3A_412 = %broadcast_in_dim3A_401, %parallel_loop3A_413 = %broadcast_in_dim3A_401) -> (vector<16xf32>, vector<16xf32>)  : i32 {
          %parallel_loop3A_414 = arith.constant 16 : i32
          %parallel_loop3A_415 = arith.muli %parallel_loop3A_411, %parallel_loop3A_414 : i32
          %parallel_loop3A_416 = tpu.assume_multiple %parallel_loop3A_415, 16 : i32
          %parallel_loop3A_417 = arith.index_cast %scan3A_400 : i32 to index
          %parallel_loop3A_418 = arith.index_cast %parallel_loop3A_416 : i32 to index
          %parallel_loop3A_419 = tpu.vector_load %arg13[%parallel_loop3A_417, %parallel_loop3A_418] {strides = array<i32>} : memref<32x768xf32, #tpu.memory_space<vmem>>, vector<16xf32>,
          %parallel_loop3A_420 = arith.index_cast %shift_right_arithmetic3A_336 : i32 to index
          %parallel_loop3A_421 = arith.index_cast %parallel_loop3A_416 : i32 to index
          %parallel_loop3A_422 = tpu.vector_load %arg14[%parallel_loop3A_420, %parallel_loop3A_421] {strides = array<i32>} : memref<4x768xf32, #tpu.memory_space<vmem>>, vector<16xf32>,
          %parallel_loop3A_423 = arith.addf %parallel_loop3A_419, %parallel_loop3A_422 : vector<16xf32>
          %parallel_loop3A_424 = arith.addf %parallel_loop3A_412, %parallel_loop3A_423 : vector<16xf32>
          %parallel_loop3A_425 = arith.mulf %parallel_loop3A_423, %parallel_loop3A_423 : vector<16xf32>
          %parallel_loop3A_426 = arith.addf %parallel_loop3A_413, %parallel_loop3A_425 : vector<16xf32>
          scf.yield %parallel_loop3A_424, %parallel_loop3A_426 : vector<16xf32>, vector<16xf32>
        } {sc.loop_unroll_factor = 4 : i64, sc.parallel_access}
        %swap3A = arith.index_cast %scan3A_400 : i32 to index
        %swap3A_406 = arith.constant 0 : index
        %swap3A_407 = tpu.vector_load %arg17[%swap3A, %swap3A_406] {strides = array<i32>} : memref<32x16xf32, #tpu.memory_space<vmem>>, vector<16xf32>,
        tpu.vector_store %arg17[%swap3A, %swap3A_406], %parallel_loop3A_405#0 {strides = array<i32>} : memref<32x16xf32, #tpu.memory_space<vmem>>, vector<16xf32>,
        %swap3A_408 = arith.index_cast %scan3A_400 : i32 to index
        %swap3A_409 = arith.constant 0 : index
        %swap3A_410 = tpu.vector_load %arg18[%swap3A_408, %swap3A_409] {strides = array<i32>} : memref<32x16xf32, #tpu.memory_space<vmem>>, vector<16xf32>,
        tpu.vector_store %arg18[%swap3A_408, %swap3A_409], %parallel_loop3A_405#1 {strides = array<i32>} : memref<32x16xf32, #tpu.memory_space<vmem>>, vector<16xf32>,
      }
      %scan3A_342 = arith.constant 32 : i32
      %parallel_loop3A_343 = arith.constant 0 : i32
      %parallel_loop3A_344 = arith.constant 2 : i32
      %parallel_loop3A_345 = arith.constant 1 : i32
      scf.for %parallel_loop3A_400 = %parallel_loop3A_343 to %parallel_loop3A_344 step %parallel_loop3A_345  : i32 {
        %parallel_loop3A_401 = arith.constant 16 : i32
        %parallel_loop3A_402 = arith.muli %parallel_loop3A_400, %parallel_loop3A_401 : i32
        %parallel_loop3A_403 = vector.broadcast %parallel_loop3A_402 : i32 to vector<16xi32>
        %parallel_loop3A_404 = arith.addi %parallel_loop3A_403, %iota3A : vector<16xi32>
        %parallel_loop3A_405 = arith.constant 0.000000e+00 : f32
        %parallel_loop3A_406 = vector.broadcast %parallel_loop3A_405 : f32 to vector<16xf32>
        %parallel_loop3A_407 = arith.constant 0.000000e+00 : f32
        %parallel_loop3A_408 = vector.broadcast %parallel_loop3A_407 : f32 to vector<16xf32>
        %parallel_loop3A_409 = arith.constant 0 : i32
        %parallel_loop3A_410 = vector.broadcast %parallel_loop3A_409 : i32 to vector<16xi32>
        %parallel_loop3A_411 = tpu.vector_load_idx %arg17[%parallel_loop3A_404, %parallel_loop3A_410] : memref<32x16xf32, #tpu.memory_space<vmem>>[vector<16xi32>, vector<16xi32>], vector<16xf32>,
        %parallel_loop3A_412 = arith.addf %parallel_loop3A_406, %parallel_loop3A_411 : vector<16xf32>
        %parallel_loop3A_413 = tpu.vector_load_idx %arg18[%parallel_loop3A_404, %parallel_loop3A_410] : memref<32x16xf32, #tpu.memory_space<vmem>>[vector<16xi32>, vector<16xi32>], vector<16xf32>,
        %parallel_loop3A_414 = arith.addf %parallel_loop3A_408, %parallel_loop3A_413 : vector<16xf32>
        %parallel_loop3A_415 = arith.constant 1 : i32
        %parallel_loop3A_416 = vector.broadcast %parallel_loop3A_415 : i32 to vector<16xi32>
        %parallel_loop3A_417 = tpu.vector_load_idx %arg17[%parallel_loop3A_404, %parallel_loop3A_416] : memref<32x16xf32, #tpu.memory_space<vmem>>[vector<16xi32>, vector<16xi32>], vector<16xf32>,
        %parallel_loop3A_418 = arith.addf %parallel_loop3A_412, %parallel_loop3A_417 : vector<16xf32>
        %parallel_loop3A_419 = tpu.vector_load_idx %arg18[%parallel_loop3A_404, %parallel_loop3A_416] : memref<32x16xf32, #tpu.memory_space<vmem>>[vector<16xi32>, vector<16xi32>], vector<16xf32>,
        %parallel_loop3A_420 = arith.addf %parallel_loop3A_414, %parallel_loop3A_419 : vector<16xf32>
        %parallel_loop3A_421 = arith.constant 2 : i32
        %parallel_loop3A_422 = vector.broadcast %parallel_loop3A_421 : i32 to vector<16xi32>
        %parallel_loop3A_423 = tpu.vector_load_idx %arg17[%parallel_loop3A_404, %parallel_loop3A_422] : memref<32x16xf32, #tpu.memory_space<vmem>>[vector<16xi32>, vector<16xi32>], vector<16xf32>,
        %parallel_loop3A_424 = arith.addf %parallel_loop3A_418, %parallel_loop3A_423 : vector<16xf32>
        %parallel_loop3A_425 = tpu.vector_load_idx %arg18[%parallel_loop3A_404, %parallel_loop3A_422] : memref<32x16xf32, #tpu.memory_space<vmem>>[vector<16xi32>, vector<16xi32>], vector<16xf32>,
        %parallel_loop3A_426 = arith.addf %parallel_loop3A_420, %parallel_loop3A_425 : vector<16xf32>
        %parallel_loop3A_427 = arith.constant 3 : i32
        %parallel_loop3A_428 = vector.broadcast %parallel_loop3A_427 : i32 to vector<16xi32>
        %parallel_loop3A_429 = tpu.vector_load_idx %arg17[%parallel_loop3A_404, %parallel_loop3A_428] : memref<32x16xf32, #tpu.memory_space<vmem>>[vector<16xi32>, vector<16xi32>], vector<16xf32>,
        %parallel_loop3A_430 = arith.addf %parallel_loop3A_424, %parallel_loop3A_429 : vector<16xf32>
        %parallel_loop3A_431 = tpu.vector_load_idx %arg18[%parallel_loop3A_404, %parallel_loop3A_428] : memref<32x16xf32, #tpu.memory_space<vmem>>[vector<16xi32>, vector<16xi32>], vector<16xf32>,
        %parallel_loop3A_432 = arith.addf %parallel_loop3A_426, %parallel_loop3A_431 : vector<16xf32>
        %parallel_loop3A_433 = arith.constant 4 : i32
        %parallel_loop3A_434 = vector.broadcast %parallel_loop3A_433 : i32 to vector<16xi32>
        %parallel_loop3A_435 = tpu.vector_load_idx %arg17[%parallel_loop3A_404, %parallel_loop3A_434] : memref<32x16xf32, #tpu.memory_space<vmem>>[vector<16xi32>, vector<16xi32>], vector<16xf32>,
        %parallel_loop3A_436 = arith.addf %parallel_loop3A_430, %parallel_loop3A_435 : vector<16xf32>
        %parallel_loop3A_437 = tpu.vector_load_idx %arg18[%parallel_loop3A_404, %parallel_loop3A_434] : memref<32x16xf32, #tpu.memory_space<vmem>>[vector<16xi32>, vector<16xi32>], vector<16xf32>,
        %parallel_loop3A_438 = arith.addf %parallel_loop3A_432, %parallel_loop3A_437 : vector<16xf32>
        %parallel_loop3A_439 = arith.constant 5 : i32
        %parallel_loop3A_440 = vector.broadcast %parallel_loop3A_439 : i32 to vector<16xi32>
        %parallel_loop3A_441 = tpu.vector_load_idx %arg17[%parallel_loop3A_404, %parallel_loop3A_440] : memref<32x16xf32, #tpu.memory_space<vmem>>[vector<16xi32>, vector<16xi32>], vector<16xf32>,
        %parallel_loop3A_442 = arith.addf %parallel_loop3A_436, %parallel_loop3A_441 : vector<16xf32>
        %parallel_loop3A_443 = tpu.vector_load_idx %arg18[%parallel_loop3A_404, %parallel_loop3A_440] : memref<32x16xf32, #tpu.memory_space<vmem>>[vector<16xi32>, vector<16xi32>], vector<16xf32>,
        %parallel_loop3A_444 = arith.addf %parallel_loop3A_438, %parallel_loop3A_443 : vector<16xf32>
        %parallel_loop3A_445 = arith.constant 6 : i32
        %parallel_loop3A_446 = vector.broadcast %parallel_loop3A_445 : i32 to vector<16xi32>
        %parallel_loop3A_447 = tpu.vector_load_idx %arg17[%parallel_loop3A_404, %parallel_loop3A_446] : memref<32x16xf32, #tpu.memory_space<vmem>>[vector<16xi32>, vector<16xi32>], vector<16xf32>,
        %parallel_loop3A_448 = arith.addf %parallel_loop3A_442, %parallel_loop3A_447 : vector<16xf32>
        %parallel_loop3A_449 = tpu.vector_load_idx %arg18[%parallel_loop3A_404, %parallel_loop3A_446] : memref<32x16xf32, #tpu.memory_space<vmem>>[vector<16xi32>, vector<16xi32>], vector<16xf32>,
        %parallel_loop3A_450 = arith.addf %parallel_loop3A_444, %parallel_loop3A_449 : vector<16xf32>
        %parallel_loop3A_451 = arith.constant 7 : i32
        %parallel_loop3A_452 = vector.broadcast %parallel_loop3A_451 : i32 to vector<16xi32>
        %parallel_loop3A_453 = tpu.vector_load_idx %arg17[%parallel_loop3A_404, %parallel_loop3A_452] : memref<32x16xf32, #tpu.memory_space<vmem>>[vector<16xi32>, vector<16xi32>], vector<16xf32>,
        %parallel_loop3A_454 = arith.addf %parallel_loop3A_448, %parallel_loop3A_453 : vector<16xf32>
        %parallel_loop3A_455 = tpu.vector_load_idx %arg18[%parallel_loop3A_404, %parallel_loop3A_452] : memref<32x16xf32, #tpu.memory_space<vmem>>[vector<16xi32>, vector<16xi32>], vector<16xf32>,
        %parallel_loop3A_456 = arith.addf %parallel_loop3A_450, %parallel_loop3A_455 : vector<16xf32>
        %parallel_loop3A_457 = arith.constant 8 : i32
        %parallel_loop3A_458 = vector.broadcast %parallel_loop3A_457 : i32 to vector<16xi32>
        %parallel_loop3A_459 = tpu.vector_load_idx %arg17[%parallel_loop3A_404, %parallel_loop3A_458] : memref<32x16xf32, #tpu.memory_space<vmem>>[vector<16xi32>, vector<16xi32>], vector<16xf32>,
        %parallel_loop3A_460 = arith.addf %parallel_loop3A_454, %parallel_loop3A_459 : vector<16xf32>
        %parallel_loop3A_461 = tpu.vector_load_idx %arg18[%parallel_loop3A_404, %parallel_loop3A_458] : memref<32x16xf32, #tpu.memory_space<vmem>>[vector<16xi32>, vector<16xi32>], vector<16xf32>,
        %parallel_loop3A_462 = arith.addf %parallel_loop3A_456, %parallel_loop3A_461 : vector<16xf32>
        %parallel_loop3A_463 = arith.constant 9 : i32
        %parallel_loop3A_464 = vector.broadcast %parallel_loop3A_463 : i32 to vector<16xi32>
        %parallel_loop3A_465 = tpu.vector_load_idx %arg17[%parallel_loop3A_404, %parallel_loop3A_464] : memref<32x16xf32, #tpu.memory_space<vmem>>[vector<16xi32>, vector<16xi32>], vector<16xf32>,
        %parallel_loop3A_466 = arith.addf %parallel_loop3A_460, %parallel_loop3A_465 : vector<16xf32>
        %parallel_loop3A_467 = tpu.vector_load_idx %arg18[%parallel_loop3A_404, %parallel_loop3A_464] : memref<32x16xf32, #tpu.memory_space<vmem>>[vector<16xi32>, vector<16xi32>], vector<16xf32>,
        %parallel_loop3A_468 = arith.addf %parallel_loop3A_462, %parallel_loop3A_467 : vector<16xf32>
        %parallel_loop3A_469 = arith.constant 10 : i32
        %parallel_loop3A_470 = vector.broadcast %parallel_loop3A_469 : i32 to vector<16xi32>
        %parallel_loop3A_471 = tpu.vector_load_idx %arg17[%parallel_loop3A_404, %parallel_loop3A_470] : memref<32x16xf32, #tpu.memory_space<vmem>>[vector<16xi32>, vector<16xi32>], vector<16xf32>,
        %parallel_loop3A_472 = arith.addf %parallel_loop3A_466, %parallel_loop3A_471 : vector<16xf32>
        %parallel_loop3A_473 = tpu.vector_load_idx %arg18[%parallel_loop3A_404, %parallel_loop3A_470] : memref<32x16xf32, #tpu.memory_space<vmem>>[vector<16xi32>, vector<16xi32>], vector<16xf32>,
        %parallel_loop3A_474 = arith.addf %parallel_loop3A_468, %parallel_loop3A_473 : vector<16xf32>
        %parallel_loop3A_475 = arith.constant 11 : i32
        %parallel_loop3A_476 = vector.broadcast %parallel_loop3A_475 : i32 to vector<16xi32>
        %parallel_loop3A_477 = tpu.vector_load_idx %arg17[%parallel_loop3A_404, %parallel_loop3A_476] : memref<32x16xf32, #tpu.memory_space<vmem>>[vector<16xi32>, vector<16xi32>], vector<16xf32>,
        %parallel_loop3A_478 = arith.addf %parallel_loop3A_472, %parallel_loop3A_477 : vector<16xf32>
        %parallel_loop3A_479 = tpu.vector_load_idx %arg18[%parallel_loop3A_404, %parallel_loop3A_476] : memref<32x16xf32, #tpu.memory_space<vmem>>[vector<16xi32>, vector<16xi32>], vector<16xf32>,
        %parallel_loop3A_480 = arith.addf %parallel_loop3A_474, %parallel_loop3A_479 : vector<16xf32>
        %parallel_loop3A_481 = arith.constant 12 : i32
        %parallel_loop3A_482 = vector.broadcast %parallel_loop3A_481 : i32 to vector<16xi32>
        %parallel_loop3A_483 = tpu.vector_load_idx %arg17[%parallel_loop3A_404, %parallel_loop3A_482] : memref<32x16xf32, #tpu.memory_space<vmem>>[vector<16xi32>, vector<16xi32>], vector<16xf32>,
        %parallel_loop3A_484 = arith.addf %parallel_loop3A_478, %parallel_loop3A_483 : vector<16xf32>
        %parallel_loop3A_485 = tpu.vector_load_idx %arg18[%parallel_loop3A_404, %parallel_loop3A_482] : memref<32x16xf32, #tpu.memory_space<vmem>>[vector<16xi32>, vector<16xi32>], vector<16xf32>,
        %parallel_loop3A_486 = arith.addf %parallel_loop3A_480, %parallel_loop3A_485 : vector<16xf32>
        %parallel_loop3A_487 = arith.constant 13 : i32
        %parallel_loop3A_488 = vector.broadcast %parallel_loop3A_487 : i32 to vector<16xi32>
        %parallel_loop3A_489 = tpu.vector_load_idx %arg17[%parallel_loop3A_404, %parallel_loop3A_488] : memref<32x16xf32, #tpu.memory_space<vmem>>[vector<16xi32>, vector<16xi32>], vector<16xf32>,
        %parallel_loop3A_490 = arith.addf %parallel_loop3A_484, %parallel_loop3A_489 : vector<16xf32>
        %parallel_loop3A_491 = tpu.vector_load_idx %arg18[%parallel_loop3A_404, %parallel_loop3A_488] : memref<32x16xf32, #tpu.memory_space<vmem>>[vector<16xi32>, vector<16xi32>], vector<16xf32>,
        %parallel_loop3A_492 = arith.addf %parallel_loop3A_486, %parallel_loop3A_491 : vector<16xf32>
        %parallel_loop3A_493 = arith.constant 14 : i32
        %parallel_loop3A_494 = vector.broadcast %parallel_loop3A_493 : i32 to vector<16xi32>
        %parallel_loop3A_495 = tpu.vector_load_idx %arg17[%parallel_loop3A_404, %parallel_loop3A_494] : memref<32x16xf32, #tpu.memory_space<vmem>>[vector<16xi32>, vector<16xi32>], vector<16xf32>,
        %parallel_loop3A_496 = arith.addf %parallel_loop3A_490, %parallel_loop3A_495 : vector<16xf32>
        %parallel_loop3A_497 = tpu.vector_load_idx %arg18[%parallel_loop3A_404, %parallel_loop3A_494] : memref<32x16xf32, #tpu.memory_space<vmem>>[vector<16xi32>, vector<16xi32>], vector<16xf32>,
        %parallel_loop3A_498 = arith.addf %parallel_loop3A_492, %parallel_loop3A_497 : vector<16xf32>
        %parallel_loop3A_499 = arith.constant 15 : i32
        %parallel_loop3A_500 = vector.broadcast %parallel_loop3A_499 : i32 to vector<16xi32>
        %parallel_loop3A_501 = tpu.vector_load_idx %arg17[%parallel_loop3A_404, %parallel_loop3A_500] : memref<32x16xf32, #tpu.memory_space<vmem>>[vector<16xi32>, vector<16xi32>], vector<16xf32>,
        %parallel_loop3A_502 = arith.addf %parallel_loop3A_496, %parallel_loop3A_501 : vector<16xf32>
        %parallel_loop3A_503 = tpu.vector_load_idx %arg18[%parallel_loop3A_404, %parallel_loop3A_500] : memref<32x16xf32, #tpu.memory_space<vmem>>[vector<16xi32>, vector<16xi32>], vector<16xf32>,
        %parallel_loop3A_504 = arith.addf %parallel_loop3A_498, %parallel_loop3A_503 : vector<16xf32>
        %parallel_loop3A_505 = arith.constant 0.00130208337 : f32
        %parallel_loop3A_506 = vector.broadcast %parallel_loop3A_505 : f32 to vector<16xf32>
        %parallel_loop3A_507 = arith.mulf %parallel_loop3A_502, %parallel_loop3A_506 : vector<16xf32>
        %parallel_loop3A_508 = arith.constant 0.00130208337 : f32
        %parallel_loop3A_509 = vector.broadcast %parallel_loop3A_508 : f32 to vector<16xf32>
        %parallel_loop3A_510 = arith.mulf %parallel_loop3A_504, %parallel_loop3A_509 : vector<16xf32>
        %parallel_loop3A_511 = arith.mulf %parallel_loop3A_507, %parallel_loop3A_507 : vector<16xf32>
        %parallel_loop3A_512 = arith.subf %parallel_loop3A_510, %parallel_loop3A_511 : vector<16xf32>
        %parallel_loop3A_513 = arith.constant 9.99999996E-13 : f32
        %parallel_loop3A_514 = vector.broadcast %parallel_loop3A_513 : f32 to vector<16xf32>
        %parallel_loop3A_515 = arith.addf %parallel_loop3A_512, %parallel_loop3A_514 : vector<16xf32>
        %parallel_loop3A_516 = tpu.bitcast %parallel_loop3A_515 : vector<16xf32> -> vector<16xi32>
        %parallel_loop3A_517 = arith.constant 1 : i32
        %parallel_loop3A_518 = vector.broadcast %parallel_loop3A_517 : i32 to vector<16xi32>
        %parallel_loop3A_519 = arith.shrui %parallel_loop3A_516, %parallel_loop3A_518 : vector<16xi32>
        %parallel_loop3A_520 = arith.constant 1597463007 : i32
        %parallel_loop3A_521 = vector.broadcast %parallel_loop3A_520 : i32 to vector<16xi32>
        %parallel_loop3A_522 = arith.subi %parallel_loop3A_521, %parallel_loop3A_519 : vector<16xi32>
        %parallel_loop3A_523 = tpu.bitcast %parallel_loop3A_522 : vector<16xi32> -> vector<16xf32>
        %parallel_loop3A_524 = arith.constant 5.000000e-01 : f32
        %parallel_loop3A_525 = vector.broadcast %parallel_loop3A_524 : f32 to vector<16xf32>
        %parallel_loop3A_526 = arith.mulf %parallel_loop3A_525, %parallel_loop3A_515 : vector<16xf32>
        %parallel_loop3A_527 = arith.mulf %parallel_loop3A_526, %parallel_loop3A_523 : vector<16xf32>
        %parallel_loop3A_528 = arith.mulf %parallel_loop3A_527, %parallel_loop3A_523 : vector<16xf32>
        %parallel_loop3A_529 = arith.constant 1.500000e+00 : f32
        %parallel_loop3A_530 = vector.broadcast %parallel_loop3A_529 : f32 to vector<16xf32>
        %parallel_loop3A_531 = arith.subf %parallel_loop3A_530, %parallel_loop3A_528 : vector<16xf32>
        %parallel_loop3A_532 = arith.mulf %parallel_loop3A_523, %parallel_loop3A_531 : vector<16xf32>
        %parallel_loop3A_533 = arith.constant 5.000000e-01 : f32
        %parallel_loop3A_534 = vector.broadcast %parallel_loop3A_533 : f32 to vector<16xf32>
        %parallel_loop3A_535 = arith.mulf %parallel_loop3A_534, %parallel_loop3A_515 : vector<16xf32>
        %parallel_loop3A_536 = arith.mulf %parallel_loop3A_535, %parallel_loop3A_532 : vector<16xf32>
        %parallel_loop3A_537 = arith.mulf %parallel_loop3A_536, %parallel_loop3A_532 : vector<16xf32>
        %parallel_loop3A_538 = arith.constant 1.500000e+00 : f32
        %parallel_loop3A_539 = vector.broadcast %parallel_loop3A_538 : f32 to vector<16xf32>
        %parallel_loop3A_540 = arith.subf %parallel_loop3A_539, %parallel_loop3A_537 : vector<16xf32>
        %parallel_loop3A_541 = arith.mulf %parallel_loop3A_532, %parallel_loop3A_540 : vector<16xf32>
        %parallel_loop3A_542 = arith.constant 5.000000e-01 : f32
        %parallel_loop3A_543 = vector.broadcast %parallel_loop3A_542 : f32 to vector<16xf32>
        %parallel_loop3A_544 = arith.mulf %parallel_loop3A_543, %parallel_loop3A_515 : vector<16xf32>
        %parallel_loop3A_545 = arith.mulf %parallel_loop3A_544, %parallel_loop3A_541 : vector<16xf32>
        %parallel_loop3A_546 = arith.mulf %parallel_loop3A_545, %parallel_loop3A_541 : vector<16xf32>
        %parallel_loop3A_547 = arith.constant 1.500000e+00 : f32
        %parallel_loop3A_548 = vector.broadcast %parallel_loop3A_547 : f32 to vector<16xf32>
        %parallel_loop3A_549 = arith.subf %parallel_loop3A_548, %parallel_loop3A_546 : vector<16xf32>
        %parallel_loop3A_550 = arith.mulf %parallel_loop3A_541, %parallel_loop3A_549 : vector<16xf32>
        %parallel_loop3A_551 = arith.mulf %parallel_loop3A_507, %parallel_loop3A_550 : vector<16xf32>
        %parallel_loop3A_552 = arith.constant 0.000000e+00 : f32
        %parallel_loop3A_553 = vector.broadcast %parallel_loop3A_552 : f32 to vector<16xf32>
        %parallel_loop3A_554 = arith.subf %parallel_loop3A_553, %parallel_loop3A_551 : vector<16xf32>
        %parallel_loop3A_555 = vector.extract_strided_slice %parallel_loop3A_550 {offsets = [0], sizes = [1], strides = [1]} : vector<16xf32> to vector<1xf32>
        %parallel_loop3A_556 = vector.extract %parallel_loop3A_555[0] : f32 from vector<1xf32>
        %parallel_loop3A_557 = arith.constant 0 : i32
        %parallel_loop3A_558 = arith.addi %parallel_loop3A_402, %parallel_loop3A_557 : i32
        %parallel_loop3A_559 = arith.index_cast %parallel_loop3A_558 : i32 to index
        %parallel_loop3A_560 = memref.load %arg19[%parallel_loop3A_559] : memref<32xf32, #tpu.memory_space<smem>>
        memref.store %parallel_loop3A_556, %arg19[%parallel_loop3A_559] : memref<32xf32, #tpu.memory_space<smem>>
        %parallel_loop3A_561 = vector.extract_strided_slice %parallel_loop3A_554 {offsets = [0], sizes = [1], strides = [1]} : vector<16xf32> to vector<1xf32>
        %parallel_loop3A_562 = vector.extract %parallel_loop3A_561[0] : f32 from vector<1xf32>
        %parallel_loop3A_563 = arith.constant 0 : i32
        %parallel_loop3A_564 = arith.addi %parallel_loop3A_402, %parallel_loop3A_563 : i32
        %parallel_loop3A_565 = arith.index_cast %parallel_loop3A_564 : i32 to index
        %parallel_loop3A_566 = memref.load %arg20[%parallel_loop3A_565] : memref<32xf32, #tpu.memory_space<smem>>
        memref.store %parallel_loop3A_562, %arg20[%parallel_loop3A_565] : memref<32xf32, #tpu.memory_space<smem>>
        %parallel_loop3A_567 = vector.extract_strided_slice %parallel_loop3A_550 {offsets = [1], sizes = [1], strides = [1]} : vector<16xf32> to vector<1xf32>
        %parallel_loop3A_568 = vector.extract %parallel_loop3A_567[0] : f32 from vector<1xf32>
        %parallel_loop3A_569 = arith.constant 1 : i32
        %parallel_loop3A_570 = arith.addi %parallel_loop3A_402, %parallel_loop3A_569 : i32
        %parallel_loop3A_571 = arith.index_cast %parallel_loop3A_570 : i32 to index
        %parallel_loop3A_572 = memref.load %arg19[%parallel_loop3A_571] : memref<32xf32, #tpu.memory_space<smem>>
        memref.store %parallel_loop3A_568, %arg19[%parallel_loop3A_571] : memref<32xf32, #tpu.memory_space<smem>>
        %parallel_loop3A_573 = vector.extract_strided_slice %parallel_loop3A_554 {offsets = [1], sizes = [1], strides = [1]} : vector<16xf32> to vector<1xf32>
        %parallel_loop3A_574 = vector.extract %parallel_loop3A_573[0] : f32 from vector<1xf32>
        %parallel_loop3A_575 = arith.constant 1 : i32
        %parallel_loop3A_576 = arith.addi %parallel_loop3A_402, %parallel_loop3A_575 : i32
        %parallel_loop3A_577 = arith.index_cast %parallel_loop3A_576 : i32 to index
        %parallel_loop3A_578 = memref.load %arg20[%parallel_loop3A_577] : memref<32xf32, #tpu.memory_space<smem>>
        memref.store %parallel_loop3A_574, %arg20[%parallel_loop3A_577] : memref<32xf32, #tpu.memory_space<smem>>
        %parallel_loop3A_579 = vector.extract_strided_slice %parallel_loop3A_550 {offsets = [2], sizes = [1], strides = [1]} : vector<16xf32> to vector<1xf32>
        %parallel_loop3A_580 = vector.extract %parallel_loop3A_579[0] : f32 from vector<1xf32>
        %parallel_loop3A_581 = arith.constant 2 : i32
        %parallel_loop3A_582 = arith.addi %parallel_loop3A_402, %parallel_loop3A_581 : i32
        %parallel_loop3A_583 = arith.index_cast %parallel_loop3A_582 : i32 to index
        %parallel_loop3A_584 = memref.load %arg19[%parallel_loop3A_583] : memref<32xf32, #tpu.memory_space<smem>>
        memref.store %parallel_loop3A_580, %arg19[%parallel_loop3A_583] : memref<32xf32, #tpu.memory_space<smem>>
        %parallel_loop3A_585 = vector.extract_strided_slice %parallel_loop3A_554 {offsets = [2], sizes = [1], strides = [1]} : vector<16xf32> to vector<1xf32>
        %parallel_loop3A_586 = vector.extract %parallel_loop3A_585[0] : f32 from vector<1xf32>
        %parallel_loop3A_587 = arith.constant 2 : i32
        %parallel_loop3A_588 = arith.addi %parallel_loop3A_402, %parallel_loop3A_587 : i32
        %parallel_loop3A_589 = arith.index_cast %parallel_loop3A_588 : i32 to index
        %parallel_loop3A_590 = memref.load %arg20[%parallel_loop3A_589] : memref<32xf32, #tpu.memory_space<smem>>
        memref.store %parallel_loop3A_586, %arg20[%parallel_loop3A_589] : memref<32xf32, #tpu.memory_space<smem>>
        %parallel_loop3A_591 = vector.extract_strided_slice %parallel_loop3A_550 {offsets = [3], sizes = [1], strides = [1]} : vector<16xf32> to vector<1xf32>
        %parallel_loop3A_592 = vector.extract %parallel_loop3A_591[0] : f32 from vector<1xf32>
        %parallel_loop3A_593 = arith.constant 3 : i32
        %parallel_loop3A_594 = arith.addi %parallel_loop3A_402, %parallel_loop3A_593 : i32
        %parallel_loop3A_595 = arith.index_cast %parallel_loop3A_594 : i32 to index
        %parallel_loop3A_596 = memref.load %arg19[%parallel_loop3A_595] : memref<32xf32, #tpu.memory_space<smem>>
        memref.store %parallel_loop3A_592, %arg19[%parallel_loop3A_595] : memref<32xf32, #tpu.memory_space<smem>>
        %parallel_loop3A_597 = vector.extract_strided_slice %parallel_loop3A_554 {offsets = [3], sizes = [1], strides = [1]} : vector<16xf32> to vector<1xf32>
        %parallel_loop3A_598 = vector.extract %parallel_loop3A_597[0] : f32 from vector<1xf32>
        %parallel_loop3A_599 = arith.constant 3 : i32
        %parallel_loop3A_600 = arith.addi %parallel_loop3A_402, %parallel_loop3A_599 : i32
        %parallel_loop3A_601 = arith.index_cast %parallel_loop3A_600 : i32 to index
        %parallel_loop3A_602 = memref.load %arg20[%parallel_loop3A_601] : memref<32xf32, #tpu.memory_space<smem>>
        memref.store %parallel_loop3A_598, %arg20[%parallel_loop3A_601] : memref<32xf32, #tpu.memory_space<smem>>
        %parallel_loop3A_603 = vector.extract_strided_slice %parallel_loop3A_550 {offsets = [4], sizes = [1], strides = [1]} : vector<16xf32> to vector<1xf32>
        %parallel_loop3A_604 = vector.extract %parallel_loop3A_603[0] : f32 from vector<1xf32>
        %parallel_loop3A_605 = arith.constant 4 : i32
        %parallel_loop3A_606 = arith.addi %parallel_loop3A_402, %parallel_loop3A_605 : i32
        %parallel_loop3A_607 = arith.index_cast %parallel_loop3A_606 : i32 to index
        %parallel_loop3A_608 = memref.load %arg19[%parallel_loop3A_607] : memref<32xf32, #tpu.memory_space<smem>>
        memref.store %parallel_loop3A_604, %arg19[%parallel_loop3A_607] : memref<32xf32, #tpu.memory_space<smem>>
        %parallel_loop3A_609 = vector.extract_strided_slice %parallel_loop3A_554 {offsets = [4], sizes = [1], strides = [1]} : vector<16xf32> to vector<1xf32>
        %parallel_loop3A_610 = vector.extract %parallel_loop3A_609[0] : f32 from vector<1xf32>
        %parallel_loop3A_611 = arith.constant 4 : i32
        %parallel_loop3A_612 = arith.addi %parallel_loop3A_402, %parallel_loop3A_611 : i32
        %parallel_loop3A_613 = arith.index_cast %parallel_loop3A_612 : i32 to index
        %parallel_loop3A_614 = memref.load %arg20[%parallel_loop3A_613] : memref<32xf32, #tpu.memory_space<smem>>
        memref.store %parallel_loop3A_610, %arg20[%parallel_loop3A_613] : memref<32xf32, #tpu.memory_space<smem>>
        %parallel_loop3A_615 = vector.extract_strided_slice %parallel_loop3A_550 {offsets = [5], sizes = [1], strides = [1]} : vector<16xf32> to vector<1xf32>
        %parallel_loop3A_616 = vector.extract %parallel_loop3A_615[0] : f32 from vector<1xf32>
        %parallel_loop3A_617 = arith.constant 5 : i32
        %parallel_loop3A_618 = arith.addi %parallel_loop3A_402, %parallel_loop3A_617 : i32
        %parallel_loop3A_619 = arith.index_cast %parallel_loop3A_618 : i32 to index
        %parallel_loop3A_620 = memref.load %arg19[%parallel_loop3A_619] : memref<32xf32, #tpu.memory_space<smem>>
        memref.store %parallel_loop3A_616, %arg19[%parallel_loop3A_619] : memref<32xf32, #tpu.memory_space<smem>>
        %parallel_loop3A_621 = vector.extract_strided_slice %parallel_loop3A_554 {offsets = [5], sizes = [1], strides = [1]} : vector<16xf32> to vector<1xf32>
        %parallel_loop3A_622 = vector.extract %parallel_loop3A_621[0] : f32 from vector<1xf32>
        %parallel_loop3A_623 = arith.constant 5 : i32
        %parallel_loop3A_624 = arith.addi %parallel_loop3A_402, %parallel_loop3A_623 : i32
        %parallel_loop3A_625 = arith.index_cast %parallel_loop3A_624 : i32 to index
        %parallel_loop3A_626 = memref.load %arg20[%parallel_loop3A_625] : memref<32xf32, #tpu.memory_space<smem>>
        memref.store %parallel_loop3A_622, %arg20[%parallel_loop3A_625] : memref<32xf32, #tpu.memory_space<smem>>
        %parallel_loop3A_627 = vector.extract_strided_slice %parallel_loop3A_550 {offsets = [6], sizes = [1], strides = [1]} : vector<16xf32> to vector<1xf32>
        %parallel_loop3A_628 = vector.extract %parallel_loop3A_627[0] : f32 from vector<1xf32>
        %parallel_loop3A_629 = arith.constant 6 : i32
        %parallel_loop3A_630 = arith.addi %parallel_loop3A_402, %parallel_loop3A_629 : i32
        %parallel_loop3A_631 = arith.index_cast %parallel_loop3A_630 : i32 to index
        %parallel_loop3A_632 = memref.load %arg19[%parallel_loop3A_631] : memref<32xf32, #tpu.memory_space<smem>>
        memref.store %parallel_loop3A_628, %arg19[%parallel_loop3A_631] : memref<32xf32, #tpu.memory_space<smem>>
        %parallel_loop3A_633 = vector.extract_strided_slice %parallel_loop3A_554 {offsets = [6], sizes = [1], strides = [1]} : vector<16xf32> to vector<1xf32>
        %parallel_loop3A_634 = vector.extract %parallel_loop3A_633[0] : f32 from vector<1xf32>
        %parallel_loop3A_635 = arith.constant 6 : i32
        %parallel_loop3A_636 = arith.addi %parallel_loop3A_402, %parallel_loop3A_635 : i32
        %parallel_loop3A_637 = arith.index_cast %parallel_loop3A_636 : i32 to index
        %parallel_loop3A_638 = memref.load %arg20[%parallel_loop3A_637] : memref<32xf32, #tpu.memory_space<smem>>
        memref.store %parallel_loop3A_634, %arg20[%parallel_loop3A_637] : memref<32xf32, #tpu.memory_space<smem>>
        %parallel_loop3A_639 = vector.extract_strided_slice %parallel_loop3A_550 {offsets = [7], sizes = [1], strides = [1]} : vector<16xf32> to vector<1xf32>
        %parallel_loop3A_640 = vector.extract %parallel_loop3A_639[0] : f32 from vector<1xf32>
        %parallel_loop3A_641 = arith.constant 7 : i32
        %parallel_loop3A_642 = arith.addi %parallel_loop3A_402, %parallel_loop3A_641 : i32
        %parallel_loop3A_643 = arith.index_cast %parallel_loop3A_642 : i32 to index
        %parallel_loop3A_644 = memref.load %arg19[%parallel_loop3A_643] : memref<32xf32, #tpu.memory_space<smem>>
        memref.store %parallel_loop3A_640, %arg19[%parallel_loop3A_643] : memref<32xf32, #tpu.memory_space<smem>>
        %parallel_loop3A_645 = vector.extract_strided_slice %parallel_loop3A_554 {offsets = [7], sizes = [1], strides = [1]} : vector<16xf32> to vector<1xf32>
        %parallel_loop3A_646 = vector.extract %parallel_loop3A_645[0] : f32 from vector<1xf32>
        %parallel_loop3A_647 = arith.constant 7 : i32
        %parallel_loop3A_648 = arith.addi %parallel_loop3A_402, %parallel_loop3A_647 : i32
        %parallel_loop3A_649 = arith.index_cast %parallel_loop3A_648 : i32 to index
        %parallel_loop3A_650 = memref.load %arg20[%parallel_loop3A_649] : memref<32xf32, #tpu.memory_space<smem>>
        memref.store %parallel_loop3A_646, %arg20[%parallel_loop3A_649] : memref<32xf32, #tpu.memory_space<smem>>
        %parallel_loop3A_651 = vector.extract_strided_slice %parallel_loop3A_550 {offsets = [8], sizes = [1], strides = [1]} : vector<16xf32> to vector<1xf32>
        %parallel_loop3A_652 = vector.extract %parallel_loop3A_651[0] : f32 from vector<1xf32>
        %parallel_loop3A_653 = arith.constant 8 : i32
        %parallel_loop3A_654 = arith.addi %parallel_loop3A_402, %parallel_loop3A_653 : i32
        %parallel_loop3A_655 = arith.index_cast %parallel_loop3A_654 : i32 to index
        %parallel_loop3A_656 = memref.load %arg19[%parallel_loop3A_655] : memref<32xf32, #tpu.memory_space<smem>>
        memref.store %parallel_loop3A_652, %arg19[%parallel_loop3A_655] : memref<32xf32, #tpu.memory_space<smem>>
        %parallel_loop3A_657 = vector.extract_strided_slice %parallel_loop3A_554 {offsets = [8], sizes = [1], strides = [1]} : vector<16xf32> to vector<1xf32>
        %parallel_loop3A_658 = vector.extract %parallel_loop3A_657[0] : f32 from vector<1xf32>
        %parallel_loop3A_659 = arith.constant 8 : i32
        %parallel_loop3A_660 = arith.addi %parallel_loop3A_402, %parallel_loop3A_659 : i32
        %parallel_loop3A_661 = arith.index_cast %parallel_loop3A_660 : i32 to index
        %parallel_loop3A_662 = memref.load %arg20[%parallel_loop3A_661] : memref<32xf32, #tpu.memory_space<smem>>
        memref.store %parallel_loop3A_658, %arg20[%parallel_loop3A_661] : memref<32xf32, #tpu.memory_space<smem>>
        %parallel_loop3A_663 = vector.extract_strided_slice %parallel_loop3A_550 {offsets = [9], sizes = [1], strides = [1]} : vector<16xf32> to vector<1xf32>
        %parallel_loop3A_664 = vector.extract %parallel_loop3A_663[0] : f32 from vector<1xf32>
        %parallel_loop3A_665 = arith.constant 9 : i32
        %parallel_loop3A_666 = arith.addi %parallel_loop3A_402, %parallel_loop3A_665 : i32
        %parallel_loop3A_667 = arith.index_cast %parallel_loop3A_666 : i32 to index
        %parallel_loop3A_668 = memref.load %arg19[%parallel_loop3A_667] : memref<32xf32, #tpu.memory_space<smem>>
        memref.store %parallel_loop3A_664, %arg19[%parallel_loop3A_667] : memref<32xf32, #tpu.memory_space<smem>>
        %parallel_loop3A_669 = vector.extract_strided_slice %parallel_loop3A_554 {offsets = [9], sizes = [1], strides = [1]} : vector<16xf32> to vector<1xf32>
        %parallel_loop3A_670 = vector.extract %parallel_loop3A_669[0] : f32 from vector<1xf32>
        %parallel_loop3A_671 = arith.constant 9 : i32
        %parallel_loop3A_672 = arith.addi %parallel_loop3A_402, %parallel_loop3A_671 : i32
        %parallel_loop3A_673 = arith.index_cast %parallel_loop3A_672 : i32 to index
        %parallel_loop3A_674 = memref.load %arg20[%parallel_loop3A_673] : memref<32xf32, #tpu.memory_space<smem>>
        memref.store %parallel_loop3A_670, %arg20[%parallel_loop3A_673] : memref<32xf32, #tpu.memory_space<smem>>
        %parallel_loop3A_675 = vector.extract_strided_slice %parallel_loop3A_550 {offsets = [10], sizes = [1], strides = [1]} : vector<16xf32> to vector<1xf32>
        %parallel_loop3A_676 = vector.extract %parallel_loop3A_675[0] : f32 from vector<1xf32>
        %parallel_loop3A_677 = arith.constant 10 : i32
        %parallel_loop3A_678 = arith.addi %parallel_loop3A_402, %parallel_loop3A_677 : i32
        %parallel_loop3A_679 = arith.index_cast %parallel_loop3A_678 : i32 to index
        %parallel_loop3A_680 = memref.load %arg19[%parallel_loop3A_679] : memref<32xf32, #tpu.memory_space<smem>>
        memref.store %parallel_loop3A_676, %arg19[%parallel_loop3A_679] : memref<32xf32, #tpu.memory_space<smem>>
        %parallel_loop3A_681 = vector.extract_strided_slice %parallel_loop3A_554 {offsets = [10], sizes = [1], strides = [1]} : vector<16xf32> to vector<1xf32>
        %parallel_loop3A_682 = vector.extract %parallel_loop3A_681[0] : f32 from vector<1xf32>
        %parallel_loop3A_683 = arith.constant 10 : i32
        %parallel_loop3A_684 = arith.addi %parallel_loop3A_402, %parallel_loop3A_683 : i32
        %parallel_loop3A_685 = arith.index_cast %parallel_loop3A_684 : i32 to index
        %parallel_loop3A_686 = memref.load %arg20[%parallel_loop3A_685] : memref<32xf32, #tpu.memory_space<smem>>
        memref.store %parallel_loop3A_682, %arg20[%parallel_loop3A_685] : memref<32xf32, #tpu.memory_space<smem>>
        %parallel_loop3A_687 = vector.extract_strided_slice %parallel_loop3A_550 {offsets = [11], sizes = [1], strides = [1]} : vector<16xf32> to vector<1xf32>
        %parallel_loop3A_688 = vector.extract %parallel_loop3A_687[0] : f32 from vector<1xf32>
        %parallel_loop3A_689 = arith.constant 11 : i32
        %parallel_loop3A_690 = arith.addi %parallel_loop3A_402, %parallel_loop3A_689 : i32
        %parallel_loop3A_691 = arith.index_cast %parallel_loop3A_690 : i32 to index
        %parallel_loop3A_692 = memref.load %arg19[%parallel_loop3A_691] : memref<32xf32, #tpu.memory_space<smem>>
        memref.store %parallel_loop3A_688, %arg19[%parallel_loop3A_691] : memref<32xf32, #tpu.memory_space<smem>>
        %parallel_loop3A_693 = vector.extract_strided_slice %parallel_loop3A_554 {offsets = [11], sizes = [1], strides = [1]} : vector<16xf32> to vector<1xf32>
        %parallel_loop3A_694 = vector.extract %parallel_loop3A_693[0] : f32 from vector<1xf32>
        %parallel_loop3A_695 = arith.constant 11 : i32
        %parallel_loop3A_696 = arith.addi %parallel_loop3A_402, %parallel_loop3A_695 : i32
        %parallel_loop3A_697 = arith.index_cast %parallel_loop3A_696 : i32 to index
        %parallel_loop3A_698 = memref.load %arg20[%parallel_loop3A_697] : memref<32xf32, #tpu.memory_space<smem>>
        memref.store %parallel_loop3A_694, %arg20[%parallel_loop3A_697] : memref<32xf32, #tpu.memory_space<smem>>
        %parallel_loop3A_699 = vector.extract_strided_slice %parallel_loop3A_550 {offsets = [12], sizes = [1], strides = [1]} : vector<16xf32> to vector<1xf32>
        %parallel_loop3A_700 = vector.extract %parallel_loop3A_699[0] : f32 from vector<1xf32>
        %parallel_loop3A_701 = arith.constant 12 : i32
        %parallel_loop3A_702 = arith.addi %parallel_loop3A_402, %parallel_loop3A_701 : i32
        %parallel_loop3A_703 = arith.index_cast %parallel_loop3A_702 : i32 to index
        %parallel_loop3A_704 = memref.load %arg19[%parallel_loop3A_703] : memref<32xf32, #tpu.memory_space<smem>>
        memref.store %parallel_loop3A_700, %arg19[%parallel_loop3A_703] : memref<32xf32, #tpu.memory_space<smem>>
        %parallel_loop3A_705 = vector.extract_strided_slice %parallel_loop3A_554 {offsets = [12], sizes = [1], strides = [1]} : vector<16xf32> to vector<1xf32>
        %parallel_loop3A_706 = vector.extract %parallel_loop3A_705[0] : f32 from vector<1xf32>
        %parallel_loop3A_707 = arith.constant 12 : i32
        %parallel_loop3A_708 = arith.addi %parallel_loop3A_402, %parallel_loop3A_707 : i32
        %parallel_loop3A_709 = arith.index_cast %parallel_loop3A_708 : i32 to index
        %parallel_loop3A_710 = memref.load %arg20[%parallel_loop3A_709] : memref<32xf32, #tpu.memory_space<smem>>
        memref.store %parallel_loop3A_706, %arg20[%parallel_loop3A_709] : memref<32xf32, #tpu.memory_space<smem>>
        %parallel_loop3A_711 = vector.extract_strided_slice %parallel_loop3A_550 {offsets = [13], sizes = [1], strides = [1]} : vector<16xf32> to vector<1xf32>
        %parallel_loop3A_712 = vector.extract %parallel_loop3A_711[0] : f32 from vector<1xf32>
        %parallel_loop3A_713 = arith.constant 13 : i32
        %parallel_loop3A_714 = arith.addi %parallel_loop3A_402, %parallel_loop3A_713 : i32
        %parallel_loop3A_715 = arith.index_cast %parallel_loop3A_714 : i32 to index
        %parallel_loop3A_716 = memref.load %arg19[%parallel_loop3A_715] : memref<32xf32, #tpu.memory_space<smem>>
        memref.store %parallel_loop3A_712, %arg19[%parallel_loop3A_715] : memref<32xf32, #tpu.memory_space<smem>>
        %parallel_loop3A_717 = vector.extract_strided_slice %parallel_loop3A_554 {offsets = [13], sizes = [1], strides = [1]} : vector<16xf32> to vector<1xf32>
        %parallel_loop3A_718 = vector.extract %parallel_loop3A_717[0] : f32 from vector<1xf32>
        %parallel_loop3A_719 = arith.constant 13 : i32
        %parallel_loop3A_720 = arith.addi %parallel_loop3A_402, %parallel_loop3A_719 : i32
        %parallel_loop3A_721 = arith.index_cast %parallel_loop3A_720 : i32 to index
        %parallel_loop3A_722 = memref.load %arg20[%parallel_loop3A_721] : memref<32xf32, #tpu.memory_space<smem>>
        memref.store %parallel_loop3A_718, %arg20[%parallel_loop3A_721] : memref<32xf32, #tpu.memory_space<smem>>
        %parallel_loop3A_723 = vector.extract_strided_slice %parallel_loop3A_550 {offsets = [14], sizes = [1], strides = [1]} : vector<16xf32> to vector<1xf32>
        %parallel_loop3A_724 = vector.extract %parallel_loop3A_723[0] : f32 from vector<1xf32>
        %parallel_loop3A_725 = arith.constant 14 : i32
        %parallel_loop3A_726 = arith.addi %parallel_loop3A_402, %parallel_loop3A_725 : i32
        %parallel_loop3A_727 = arith.index_cast %parallel_loop3A_726 : i32 to index
        %parallel_loop3A_728 = memref.load %arg19[%parallel_loop3A_727] : memref<32xf32, #tpu.memory_space<smem>>
        memref.store %parallel_loop3A_724, %arg19[%parallel_loop3A_727] : memref<32xf32, #tpu.memory_space<smem>>
        %parallel_loop3A_729 = vector.extract_strided_slice %parallel_loop3A_554 {offsets = [14], sizes = [1], strides = [1]} : vector<16xf32> to vector<1xf32>
        %parallel_loop3A_730 = vector.extract %parallel_loop3A_729[0] : f32 from vector<1xf32>
        %parallel_loop3A_731 = arith.constant 14 : i32
        %parallel_loop3A_732 = arith.addi %parallel_loop3A_402, %parallel_loop3A_731 : i32
        %parallel_loop3A_733 = arith.index_cast %parallel_loop3A_732 : i32 to index
        %parallel_loop3A_734 = memref.load %arg20[%parallel_loop3A_733] : memref<32xf32, #tpu.memory_space<smem>>
        memref.store %parallel_loop3A_730, %arg20[%parallel_loop3A_733] : memref<32xf32, #tpu.memory_space<smem>>
        %parallel_loop3A_735 = vector.extract_strided_slice %parallel_loop3A_550 {offsets = [15], sizes = [1], strides = [1]} : vector<16xf32> to vector<1xf32>
        %parallel_loop3A_736 = vector.extract %parallel_loop3A_735[0] : f32 from vector<1xf32>
        %parallel_loop3A_737 = arith.constant 15 : i32
        %parallel_loop3A_738 = arith.addi %parallel_loop3A_402, %parallel_loop3A_737 : i32
        %parallel_loop3A_739 = arith.index_cast %parallel_loop3A_738 : i32 to index
        %parallel_loop3A_740 = memref.load %arg19[%parallel_loop3A_739] : memref<32xf32, #tpu.memory_space<smem>>
        memref.store %parallel_loop3A_736, %arg19[%parallel_loop3A_739] : memref<32xf32, #tpu.memory_space<smem>>
        %parallel_loop3A_741 = vector.extract_strided_slice %parallel_loop3A_554 {offsets = [15], sizes = [1], strides = [1]} : vector<16xf32> to vector<1xf32>
        %parallel_loop3A_742 = vector.extract %parallel_loop3A_741[0] : f32 from vector<1xf32>
        %parallel_loop3A_743 = arith.constant 15 : i32
        %parallel_loop3A_744 = arith.addi %parallel_loop3A_402, %parallel_loop3A_743 : i32
        %parallel_loop3A_745 = arith.index_cast %parallel_loop3A_744 : i32 to index
        %parallel_loop3A_746 = memref.load %arg20[%parallel_loop3A_745] : memref<32xf32, #tpu.memory_space<smem>>
        memref.store %parallel_loop3A_742, %arg20[%parallel_loop3A_745] : memref<32xf32, #tpu.memory_space<smem>>
      } {sc.loop_unroll_factor = 1 : i64, sc.parallel_access}
      %scan3A_346 = arith.constant 0 : i32
      %scan3A_347 = arith.constant 0 : i32
      %scan3A_348 = arith.constant 48 : i32
      %scan3A_349 = arith.addi %scan3A_347, %scan3A_348 : i32
      %scan3A_350 = arith.constant 1 : i32
      scf.for %scan3A_400 = %scan3A_347 to %scan3A_349 step %scan3A_350  : i32 {
        %mul3A_401 = arith.constant 16 : i32
        %mul3A_402 = arith.muli %scan3A_400, %mul3A_401 : i32
        %multiple_of3A = tpu.assume_multiple %mul3A_402, 16 : i32
        %get3A = arith.index_cast %shift_right_arithmetic3A_336 : i32 to index
        %get3A_403 = arith.index_cast %multiple_of3A : i32 to index
        %get3A_404 = tpu.vector_load %arg14[%get3A, %get3A_403] {strides = array<i32>} : memref<4x768xf32, #tpu.memory_space<vmem>>, vector<16xf32>,
        %get3A_405 = arith.index_cast %multiple_of3A : i32 to index
        %get3A_406 = tpu.vector_load %arg15[%get3A_405] {strides = array<i32>} : memref<768xf32, #tpu.memory_space<vmem>>, vector<16xf32>,
        %get3A_407 = arith.index_cast %multiple_of3A : i32 to index
        %get3A_408 = tpu.vector_load %arg16[%get3A_407] {strides = array<i32>} : memref<768xf32, #tpu.memory_space<vmem>>, vector<16xf32>,
        %parallel_loop3A_409 = arith.constant 0 : i32
        %parallel_loop3A_410 = arith.constant 32 : i32
        %parallel_loop3A_411 = arith.constant 1 : i32
        scf.for %parallel_loop3A_412 = %parallel_loop3A_409 to %parallel_loop3A_410 step %parallel_loop3A_411  : i32 {
          %parallel_loop3A_413 = arith.index_cast %parallel_loop3A_412 : i32 to index
          %parallel_loop3A_414 = memref.load %arg19[%parallel_loop3A_413] : memref<32xf32, #tpu.memory_space<smem>>
          %parallel_loop3A_415 = arith.index_cast %parallel_loop3A_412 : i32 to index
          %parallel_loop3A_416 = memref.load %arg20[%parallel_loop3A_415] : memref<32xf32, #tpu.memory_space<smem>>
          %parallel_loop3A_417 = arith.index_cast %parallel_loop3A_412 : i32 to index
          %parallel_loop3A_418 = arith.index_cast %multiple_of3A : i32 to index
          %parallel_loop3A_419 = tpu.vector_load %arg13[%parallel_loop3A_417, %parallel_loop3A_418] {strides = array<i32>} : memref<32x768xf32, #tpu.memory_space<vmem>>, vector<16xf32>,
          %parallel_loop3A_420 = arith.addf %parallel_loop3A_419, %get3A_404 : vector<16xf32>
          %parallel_loop3A_421 = vector.broadcast %parallel_loop3A_414 : f32 to vector<16xf32>
          %parallel_loop3A_422 = arith.mulf %parallel_loop3A_420, %parallel_loop3A_421 : vector<16xf32>
          %parallel_loop3A_423 = vector.broadcast %parallel_loop3A_416 : f32 to vector<16xf32>
          %parallel_loop3A_424 = arith.addf %parallel_loop3A_422, %parallel_loop3A_423 : vector<16xf32>
          %parallel_loop3A_425 = arith.mulf %parallel_loop3A_424, %get3A_406 : vector<16xf32>
          %parallel_loop3A_426 = arith.addf %parallel_loop3A_425, %get3A_408 : vector<16xf32>
          %parallel_loop3A_427 = arith.index_cast %parallel_loop3A_412 : i32 to index
          %parallel_loop3A_428 = arith.index_cast %multiple_of3A : i32 to index
          %parallel_loop3A_429 = tpu.vector_load %arg13[%parallel_loop3A_427, %parallel_loop3A_428] {strides = array<i32>} : memref<32x768xf32, #tpu.memory_space<vmem>>, vector<16xf32>,
          tpu.vector_store %arg13[%parallel_loop3A_427, %parallel_loop3A_428], %parallel_loop3A_426 {strides = array<i32>} : memref<32x768xf32, #tpu.memory_space<vmem>>, vector<16xf32>,
        } {sc.loop_unroll_factor = 4 : i64, sc.parallel_access}
      }
      %scan3A_351 = arith.constant 48 : i32
      %shift_right_arithmetic3A_352 = arith.constant 5 : i32
      %shift_right_arithmetic3A_353 = arith.shrsi %add3A_328, %shift_right_arithmetic3A_352 : i32
      %and3A_354 = arith.constant 31 : i32
      %and3A_355 = arith.andi %add3A_328, %and3A_354 : i32
      %mul3A_356 = arith.constant 4 : i32
      %mul3A_357 = arith.muli %add3A, %mul3A_356 : i32
      %add3A_358 = arith.addi %mul3A_357, %shift_right_arithmetic3A_353 : i32
      %mul3A_359 = arith.constant 768 : i32
      %mul3A_360 = arith.muli %add3A_358, %mul3A_359 : i32
      %add3A_361 = arith.constant 128 : i32
      %add3A_362 = arith.addi %add3A_361, %mul3A_360 : i32
      %mul3A_363 = arith.constant 32 : i32
      %mul3A_364 = arith.muli %and3A_355, %mul3A_363 : i32
      %dma_start3A_365 = tpu.memref_slice %arg8[%mul3A_364, %add3A_362] : memref<1024x98432xf32, #tpu.memory_space<hbm>> -> memref<32x768xf32, #tpu.memory_space<hbm>>
      %dma_start3A_366 = tpu.memref_slice %arg8[%mul3A_364, %add3A_362] : memref<1024x98432xf32, #tpu.memory_space<hbm>> -> memref<32x768xf32, #tpu.memory_space<hbm>>
      tpu.enqueue_dma source(%arg13 : memref<32x768xf32, #tpu.memory_space<vmem>>) target(%dma_start3A_366 : memref<32x768xf32, #tpu.memory_space<hbm>>) target_semaphore(%arg30 : memref<!tpu.dma_semaphore, #tpu.memory_space<semaphore_mem>>)
      %add3A_367 = arith.constant 128 : i32
      %add3A_368 = arith.addi %add3A_328, %add3A_367 : i32
      %sub3A_369 = arith.constant 1 : i32
      %sub3A_370 = arith.subi %add3A_368, %sub3A_369 : i32
      %and3A_371 = arith.constant 127 : i32
      %and3A_372 = arith.andi %sub3A_370, %and3A_371 : i32
      %shift_right_arithmetic3A_373 = arith.constant 5 : i32
      %shift_right_arithmetic3A_374 = arith.shrsi %and3A_372, %shift_right_arithmetic3A_373 : i32
      %and3A_375 = arith.constant 31 : i32
      %and3A_376 = arith.andi %and3A_372, %and3A_375 : i32
      %mul3A_377 = arith.constant 4 : i32
      %mul3A_378 = arith.muli %add3A, %mul3A_377 : i32
      %add3A_379 = arith.addi %mul3A_378, %shift_right_arithmetic3A_374 : i32
      %mul3A_380 = arith.constant 768 : i32
      %mul3A_381 = arith.muli %add3A_379, %mul3A_380 : i32
      %add3A_382 = arith.constant 128 : i32
      %add3A_383 = arith.addi %add3A_382, %mul3A_381 : i32
      %mul3A_384 = arith.constant 32 : i32
      %mul3A_385 = arith.muli %and3A_376, %mul3A_384 : i32
      %dma_wait3A_386 = tpu.memref_slice %arg8[%mul3A_385, %add3A_383] : memref<1024x98432xf32, #tpu.memory_space<hbm>> -> memref<32x768xf32, #tpu.memory_space<hbm>>
      %dma_wait3A_387 = tpu.memref_slice %arg8[%mul3A_385, %add3A_383] : memref<1024x98432xf32, #tpu.memory_space<hbm>> -> memref<32x768xf32, #tpu.memory_space<hbm>>
      tpu.wait_dma2 semaphore(%arg29 : memref<!tpu.dma_semaphore, #tpu.memory_space<semaphore_mem>>) src(%arg12 : memref<32x768xf32, #tpu.memory_space<vmem>>) dst(%dma_wait3A_387 : memref<32x768xf32, #tpu.memory_space<hbm>>)
      %add3A_388 = arith.constant 4 : i32
      %add3A_389 = arith.addi %add3A_328, %add3A_388 : i32
      %sub3A_390 = arith.constant 1 : i32
      %sub3A_391 = arith.subi %add3A_389, %sub3A_390 : i32
      %min3A_392 = arith.constant 127 : i32
      %min3A_393 = arith.minsi %sub3A_391, %min3A_392 : i32
      %dma_start3A_394 = arith.constant 0 : i32
      %dma_start3A_395 = tpu.memref_slice %arg9[%min3A_393, %dma_start3A_394] : memref<128x32xi32, #tpu.memory_space<vmem>> -> memref<1x32xi32, #tpu.memory_space<vmem>>
      %dma_start3A_396 = tpu.memref_squeeze %dma_start3A_395 : memref<1x32xi32, #tpu.memory_space<vmem>> -> memref<32xi32, #tpu.memory_space<vmem>>
      %dma_start3A_397 = arith.constant 0 : i32
      %dma_start3A_398 = arith.constant 0 : i32
      %dma_start3A_399 = tpu.memref_slice %arg4[%dma_start3A_397, %dma_start3A_398] : memref<30522x768xf32, #tpu.memory_space<hbm>> -> memref<30522x768xf32, #tpu.memory_space<hbm>>
      tpu.enqueue_indirect_dma source(%dma_start3A_399 : memref<30522x768xf32, #tpu.memory_space<hbm>>) target(%arg12 : memref<32x768xf32, #tpu.memory_space<vmem>>) offsets(%dma_start3A_396 : memref<32xi32, #tpu.memory_space<vmem>>) semaphore(%arg25 : memref<!tpu.dma_semaphore, #tpu.memory_space<semaphore_mem>>)
    }
    %scan3A_70 = arith.constant 32 : i32
    %mul3A_71 = arith.constant 4 : i32
    %mul3A_72 = arith.muli %add3A, %mul3A_71 : i32
    %add3A_73 = arith.constant 3 : i32
    %add3A_74 = arith.addi %mul3A_72, %add3A_73 : i32
    %mul3A_75 = arith.constant 768 : i32
    %mul3A_76 = arith.muli %add3A_74, %mul3A_75 : i32
    %add3A_77 = arith.constant 128 : i32
    %add3A_78 = arith.addi %add3A_77, %mul3A_76 : i32
    %dma_wait3A = arith.constant 992 : i32
    %dma_wait3A_79 = tpu.memref_slice %arg8[%dma_wait3A, %add3A_78] : memref<1024x98432xf32, #tpu.memory_space<hbm>> -> memref<32x768xf32, #tpu.memory_space<hbm>>
    %dma_wait3A_80 = arith.constant 992 : i32
    %dma_wait3A_81 = tpu.memref_slice %arg8[%dma_wait3A_80, %add3A_78] : memref<1024x98432xf32, #tpu.memory_space<hbm>> -> memref<32x768xf32, #tpu.memory_space<hbm>>
    tpu.wait_dma2 semaphore(%arg30 : memref<!tpu.dma_semaphore, #tpu.memory_space<semaphore_mem>>) src(%arg13 : memref<32x768xf32, #tpu.memory_space<vmem>>) dst(%dma_wait3A_81 : memref<32x768xf32, #tpu.memory_space<hbm>>)
    %dma_wait3A_82 = arith.constant 127 : i32
    %dma_wait3A_83 = arith.constant 0 : i32
    %dma_wait3A_84 = tpu.memref_slice %arg9[%dma_wait3A_82, %dma_wait3A_83] : memref<128x32xi32, #tpu.memory_space<vmem>> -> memref<1x32xi32, #tpu.memory_space<vmem>>
    %dma_wait3A_85 = tpu.memref_squeeze %dma_wait3A_84 : memref<1x32xi32, #tpu.memory_space<vmem>> -> memref<32xi32, #tpu.memory_space<vmem>>
    %dma_wait3A_86 = arith.constant 0 : i32
    %dma_wait3A_87 = arith.constant 0 : i32
    %dma_wait3A_88 = tpu.memref_slice %arg4[%dma_wait3A_86, %dma_wait3A_87] : memref<30522x768xf32, #tpu.memory_space<hbm>> -> memref<30522x768xf32, #tpu.memory_space<hbm>>
    tpu.wait_indirect_dma semaphore(%arg23 : memref<!tpu.dma_semaphore, #tpu.memory_space<semaphore_mem>>) src(%dma_wait3A_88 : memref<30522x768xf32, #tpu.memory_space<hbm>>) dst(%arg10 : memref<32x768xf32, #tpu.memory_space<vmem>>)
    %dma_wait3A_89 = arith.constant 127 : i32
    %dma_wait3A_90 = arith.constant 0 : i32
    %dma_wait3A_91 = tpu.memref_slice %arg9[%dma_wait3A_89, %dma_wait3A_90] : memref<128x32xi32, #tpu.memory_space<vmem>> -> memref<1x32xi32, #tpu.memory_space<vmem>>
    %dma_wait3A_92 = tpu.memref_squeeze %dma_wait3A_91 : memref<1x32xi32, #tpu.memory_space<vmem>> -> memref<32xi32, #tpu.memory_space<vmem>>
    %dma_wait3A_93 = arith.constant 0 : i32
    %dma_wait3A_94 = arith.constant 0 : i32
    %dma_wait3A_95 = tpu.memref_slice %arg4[%dma_wait3A_93, %dma_wait3A_94] : memref<30522x768xf32, #tpu.memory_space<hbm>> -> memref<30522x768xf32, #tpu.memory_space<hbm>>
    tpu.wait_indirect_dma semaphore(%arg24 : memref<!tpu.dma_semaphore, #tpu.memory_space<semaphore_mem>>) src(%dma_wait3A_95 : memref<30522x768xf32, #tpu.memory_space<hbm>>) dst(%arg11 : memref<32x768xf32, #tpu.memory_space<vmem>>)
    %dma_wait3A_96 = arith.constant 127 : i32
    %dma_wait3A_97 = arith.constant 0 : i32
    %dma_wait3A_98 = tpu.memref_slice %arg9[%dma_wait3A_96, %dma_wait3A_97] : memref<128x32xi32, #tpu.memory_space<vmem>> -> memref<1x32xi32, #tpu.memory_space<vmem>>
    %dma_wait3A_99 = tpu.memref_squeeze %dma_wait3A_98 : memref<1x32xi32, #tpu.memory_space<vmem>> -> memref<32xi32, #tpu.memory_space<vmem>>
    %dma_wait3A_100 = arith.constant 0 : i32
    %dma_wait3A_101 = arith.constant 0 : i32
    %dma_wait3A_102 = tpu.memref_slice %arg4[%dma_wait3A_100, %dma_wait3A_101] : memref<30522x768xf32, #tpu.memory_space<hbm>> -> memref<30522x768xf32, #tpu.memory_space<hbm>>
    tpu.wait_indirect_dma semaphore(%arg25 : memref<!tpu.dma_semaphore, #tpu.memory_space<semaphore_mem>>) src(%dma_wait3A_102 : memref<30522x768xf32, #tpu.memory_space<hbm>>) dst(%arg12 : memref<32x768xf32, #tpu.memory_space<vmem>>)
    return
  }
}

</mosaic_0001>

<sc_bundles>
// kernel: kernel.3.cloned.1.call-start
scs
__scs_entry_jumppad:
0x0: {  	(pc) =	sbr.rel $0x88, $3  }
0x1: {  	(tag) =	ssettag $0x0;
	lr =	simm.s32 $0x1  }
0x2: {  	[smem:$0x3F9B] =	sst lr;
	_ =	strace $0xD0000000  }
0x3: {  	_ = 	snop  }
0x4: {  	_ = 	snop  }
0x5: {  	_ = 	snop  }
0x6: {  	_ = 	snop  }
0x7: {  	_ = 	snop  }
__scs_overlays_trampoline_lowered:
0x8: {  	[smem:$0x3FAA] =	sst s0  }
0x9: {  	[smem:$0x3FAB] =	sst s1  }
0xa: {  	[smem:$0x3FAC] =	sst s2  }
0xb: {  	[smem:$0x3FAD] =	sst s3  }
0xc: {  	[smem:$0x3FAE] =	sst s4  }
0xd: {  	[smem:$0x3FAF] =	sst s5  }
0xe: {  	[smem:$0x3FB0] =	sst s6  }
0xf: {  	[smem:$0x3FB1] =	sst s7  }
0x10: {  	[smem:$0x3FB2] =	sst s8  }
0x11: {  	[smem:$0x3FB3] =	sst s9;
	s0 =	simm.s32 @!p0 $0x0  }
0x12: {  	s1 =	sld [smem:$0x3F99];
	s0 =	simm.s32 @p0 $0x1  }
0x13: {  	[smem:$0x3FB4] =	sst s0;
	s0 =	simm.s32 @!p1 $0x0  }
0x14: {  	s2 =	sld [smem:$0x3F98];
	s0 =	simm.s32 @p1 $0x1  }
0x15: {  	[smem:$0x3FB5] =	sst s0;
	s0 =	simm.s32 @!p2 $0x0  }
0x16: {  	s3 =	sld [smem:$0x3FDB];
	s0 =	simm.s32 @p2 $0x1  }
0x17: {  	s4 =	simm.s32 $0x1BF5;
	[smem:$0x3FB7] =	sst s0  }
0x18: {  	s0 =	sld [smem:$0x3F9A];
	_ =	swait.ge [sflag:s4], $0x0  }
0x19: {  	s7 =	sld [smem:$0x3F9B]  }
0x1a: {  	s8 =	sadd.s32 $0xFFFFE003, lr  }
0x1b: {  	s9 =	sadd.s32 $0xFFFFFEF7, lr;
	s5 =	simm.s32 $0xFFFFFFFF;
	p2 =	slt.u32 s8, $0xFFFFF086  }
0x1c: {  	p1 =	slt.u32 s9, $0xF7A;
	s5 =	simm.s32 @!p2 $0x0  }
0x1d: {  	s5 =	simm.s32 @p1 $0x1;
	p0 =	seq.s32 s7, s2  }
0x1e: {  	s7 =	smul.u32 @!p0 $0xF7A, s2;
	p2 =	seq.s32 @!p0 s5, $0x0  }
0x1f: {  	s9 =	smul.u32 $0xF7A, s1;
	s8 =	simm.s32 @!p0 $0x1BF5;
	p2 =	por !p2, p0  }
0x20: {  	[sflag:s8] =	ssyncset.s32 @!p0 $0xFFFFF086;
	s6 =	sadd.s32 @!p0 s3, s7;
	s7 =	simm.s32 @!p0 $0x108  }
0x21: {  	s3 =	sadd.s32 s3, s9;
	s6 =	sadd.s32 @!p0 $0x88, s6;
	s7 =	simm.s32 @p2 $0x1082  }
0x22: {  	[simem:s7], [sflag:s8] =	dma.local @!p0 [hbm:s6], $0xF7A  }
0x23: {  	s9 =	sor.u32 $0xD0000000, s2;
	s6 =	simm.s32 $0x108;
	_ =	swait.ge @!p0 [sflag:s8], $0x0  }
0x24: {  	s3 =	sadd.s32 $0x88, s3;
	s6 =	simm.s32 @!p1 $0x1082;
	[sflag:s4] =	ssyncset.s32 $0xFFFFF086  }
0x25: {  	[simem:s6], [sflag:s4] =	dma.local [hbm:s3], $0xF7A  }
0x26: {  	[smem:$0x3F9B] =	sst s1;
	(tag) =	ssettag s2;
	_ =	strace s9  }
0x27: {  	s1 =	sld [smem:$0x3FAB]  }
0x28: {  	s2 =	sld [smem:$0x3FAC]  }
0x29: {  	s4 =	sld [smem:$0x3FAE]  }
0x2a: {  	p0 =	seq.s32 s5, $0x0;
	s5 =	sld [smem:$0x3FAF]  }
0x2b: {  	s6 =	sld [smem:$0x3FB0]  }
0x2c: {  	s7 =	sld [smem:$0x3FB1]  }
0x2d: {  	s3 =	simm.s32 $0x108;
	s8 =	sld [smem:$0x3FB2]  }
0x2e: {  	s3 =	simm.s32 @!p0 $0x1082;
	s9 =	sld [smem:$0x3FB3]  }
0x2f: {  	lr =	sadd.s32 s0, s3;
	s0 =	sld [smem:$0x3FAA]  }
0x30: {  	s3 =	sld [smem:$0x3FAD]  }
0x31: {  	[smem:$0x3FB6] =	sst s10  }
0x32: {  	s10 =	sld [smem:$0x3FB4];
	_ =	sdelay $0x3  }
0x33: {  	p0 =	seq.s32 s10, $0x1;
	s10 =	sld [smem:$0x3FB6];
	_ =	sdelay $0x3  }
0x34: {  	[smem:$0x3FB6] =	sst s10  }
0x35: {  	s10 =	sld [smem:$0x3FB5];
	_ =	sdelay $0x3  }
0x36: {  	p1 =	seq.s32 s10, $0x1;
	s10 =	sld [smem:$0x3FB6];
	_ =	sdelay $0x3  }
0x37: {  	[smem:$0x3FB6] =	sst s10  }
0x38: {  	s10 =	sld [smem:$0x3FB7]  }
0x39: {  	_ = 	snop;
	(pc) =	sbr.ind lr, $3  }
0x3a: {  	_ = 	snop  }
0x3b: {  	_ = 	snop  }
0x3c: {  	p2 =	seq.s32 s10, $0x1;
	s10 =	sld [smem:$0x3FB6]  }
0x3d: {  	_ =	shalt  }
0x3e: {  	_ =	shalt  }
0x3f: {  	_ =	shalt  }
0x40: {  	_ =	shalt  }
0x41: {  	_ =	shalt  }
0x42: {  	_ =	shalt  }
0x43: {  	_ =	shalt  }
0x44: {  	_ =	shalt  }
0x45: {  	_ =	shalt  }
0x46: {  	_ =	shalt  }
0x47: {  	_ =	shalt  }
0x48: {  	_ =	shalt  }
0x49: {  	_ =	shalt  }
0x4a: {  	_ =	shalt  }
0x4b: {  	_ =	shalt  }
0x4c: {  	_ =	shalt  }
0x4d: {  	_ =	shalt  }
0x4e: {  	_ =	shalt  }
0x4f: {  	_ =	shalt  }
0x50: {  	_ =	shalt  }
0x51: {  	_ =	shalt  }
0x52: {  	_ =	shalt  }
0x53: {  	_ =	shalt  }
0x54: {  	_ =	shalt  }
0x55: {  	_ =	shalt  }
0x56: {  	_ =	shalt  }
0x57: {  	_ =	shalt  }
0x58: {  	_ =	shalt  }
0x59: {  	_ =	shalt  }
0x5a: {  	_ =	shalt  }
0x5b: {  	_ =	shalt  }
0x5c: {  	_ =	shalt  }
0x5d: {  	_ =	shalt  }
0x5e: {  	_ =	shalt  }
0x5f: {  	_ =	shalt  }
0x60: {  	_ =	shalt  }
0x61: {  	_ =	shalt  }
0x62: {  	_ =	shalt  }
0x63: {  	_ =	shalt  }
0x64: {  	_ =	shalt  }
0x65: {  	_ =	shalt  }
0x66: {  	_ =	shalt  }
0x67: {  	_ =	shalt  }
0x68: {  	_ =	shalt  }
0x69: {  	_ =	shalt  }
0x6a: {  	_ =	shalt  }
0x6b: {  	_ =	shalt  }
0x6c: {  	_ =	shalt  }
0x6d: {  	_ =	shalt  }
0x6e: {  	_ =	shalt  }
0x6f: {  	_ =	shalt  }
0x70: {  	_ =	shalt  }
0x71: {  	_ =	shalt  }
0x72: {  	_ =	shalt  }
0x73: {  	_ =	shalt  }
0x74: {  	_ =	shalt  }
0x75: {  	_ =	shalt  }
0x76: {  	_ =	shalt  }
0x77: {  	_ =	shalt  }
0x78: {  	_ =	shalt  }
0x79: {  	_ =	shalt  }
0x7a: {  	_ =	shalt  }
0x7b: {  	_ =	shalt  }
0x7c: {  	_ =	shalt  }
0x7d: {  	_ =	shalt  }
0x7e: {  	_ =	shalt  }
0x7f: {  	_ =	shalt  }
0x80: {  	_ =	shalt  }
0x81: {  	_ =	shalt  }
0x82: {  	_ =	shalt  }
0x83: {  	_ =	shalt  }
0x84: {  	_ =	shalt  }
0x85: {  	_ =	shalt  }
0x86: {  	_ =	shalt  }
0x87: {  	_ =	shalt  }
.Lfunc_end0:
.L_simem_size_0:
called_computation_lowered:
.L_overlay_start_0:
0x88: {  	s2 =	sld [smem:$0x3FD9]  }
0x89: {  	s3 =	sld [smem:$0x3FFE];
	_ =	sdelay $0x1  }
0x8a: {  	s1 =	srdreg.scid  }
0x8b: {  	s0 =	sand.u32 $0x1, s1  }
0x8c: {  	s17 =	sshll.u32 s0, $0xA;
	s2 =	sadd.s32 s3, s2  }
0x8d: {  	s2 =	sadd.s32 s2, s17  }
0x8e: {  	[smem:$0x3FC2] =	sst s2  }
0x8f: {  	_ = 	snop  }
0x90: {  	s2 =	sld [smem:$0x3FC8]  }
0x91: {  	s18 =	sld [smem:$0x3FC5]  }
0x92: {  	s4 =	sld [smem:$0x3FC4]  }
0x93: {  	s5 =	sld [smem:$0x3FD0];
	(tm) =	ssettm $0x1  }
0x94: {  	s6 =	sld [smem:$0x3FFB];
	_ =	sdelay $0x3  }
0x95: {  	_ =	strace s6  }
0x96: {  	s6 =	sld [smem:$0x3FFC];
	_ =	sdelay $0x3  }
0x97: {  	_ =	strace s6  }
0x98: {  	s6 =	sld [smem:$0x3FFD];
	_ =	sdelay $0x3  }
0x99: {  	_ =	strace s6  }
0x9a: {  	_ =	strace $0x8FFFFFFF  }
0x9b: {  	s19 =	sld [smem:$0x3FDB];
	_ =	sdelay $0x1  }
0x9c: {  	s7 =	simm.s32 $_scs_section_size  }
0x9d: {  	s8 =	simm.s32 $_size__tile_overlayer_lowered;
	s9 =	simm.s32 $_tile_overlayer_lowered  }
0x9e: {  	s22 =	simm.s32 $0x1BFF;
	s21 =	sshll.u32 s9, $0x1;
	s6 =	sadd.s32 s7, s19  }
0x9f: {  	s10 =	simm.s32 $0x0;
	s20 =	sshll.u32 s8, $0x1;
	s8 =	sadd.s32 s21, s6  }
0xa0: {  	[timem:s10], [sflag:s22] =	dma.local [hbm:s8], s20  }
0xa1: {  	_ =	swait.ge [sflag:s22], s20  }
0xa2: {  	s7 =	ssub.s32 $0x0, s20;
	[sflag:s22] =	ssyncset.done $0x0  }
0xa3: {  	[sflag:s22] =	ssyncadd.s32 s7;
	_ =	sdelay $0x1  }
0xa4: {  	s23 =	simm.s32 $0x1B8B  }
0xa5: {  	_ =	swait.ge [sflag:s23], $0x1  }
0xa6: {  	[sflag:s23] =	ssyncset.done $0x0  }
0xa7: {  	s25 =	simm.s32 $0x1B8E;
	s24 =	sld [smem:$0x3FFE];
	[sflag:s23] =	ssyncadd.s32 $0xFFFFFFFF  }
0xa8: {  	s26 =	simm.s32 $execute0_lowered;
	[smem:$0x3FD2] =	sst s25  }
0xa9: {  	s8 =	sshll.u32 s26, $0x1;
	_ =	strace $0x80000046;
	[dreg:$0x1] =	wrdreg $0xFFFFFFFF  }
0xaa: {  	s28 =	simm.s32 $_size_execute0_lowered;
	s6 =	sadd.s32 s6, s8;
	[dreg:$0x0] =	wrdreg $0x0  }
0xab: {  	s8 =	sshll.u32 s28, $0x1;
	[dreg:$0x2] =	wrdreg s6  }
0xac: {  	[dreg:$0x3] =	wrdreg s8  }
0xad: {  	[dreg:$0x4] =	wrdreg $0xC0  }
0xae: {  	_ =	task [dreg:s10], $0x5FFFF  }
0xaf: {  	[dreg:$0x1] =	wrdreg $0xFFFFFFFF  }
0xb0: {  	[dreg:$0x0] =	wrdreg $0x60  }
0xb1: {  	[dreg:$0x2] =	wrdreg s24  }
0xb2: {  	[dreg:$0x3] =	wrdreg s2  }
0xb3: {  	[dreg:$0x4] =	wrdreg s18  }
0xb4: {  	[dreg:$0x5] =	wrdreg s4  }
0xb5: {  	[dreg:$0x6] =	wrdreg s5  }
0xb6: {  	[dreg:$0x7] =	wrdreg $0x9  }
0xb7: {  	_ =	task.clear_ibuf [dreg:s10], $0x8FFFF;
	_ =	strace $0x90000046  }
0xb8: {  	s29 =	simm.s32 $0x9;
	_ =	strace $0x80000048  }
0xb9: {  	_ =	swait.ge [sflag:s29], $0x1  }
0xba: {  	[sflag:s29] =	ssyncadd.s32 $0xFFFFFFFF  }
0xbb: {  	_ =	strace $0x90000048  }
0xbc: {  	_ =	sfence  }
0xbd: {  	s30 =	sld [smem:$0x0];
	_ =	sdelay $0x2  }
0xbe: {  	s31 =	sshll.u32 s1, $0xD;
	s1 =	sshrl.u32 s1, $0x2  }
0xbf: {  	s3 =	sand.u32 $0x4000, s31;
	s1 =	sadd.s32 s1, s30  }
0xc0: {  	s0 =	sor.u32 s3, s0;
	s1 =	sshll.u32 s1, $0x11  }
0xc1: {  	s0 =	sor.u32 s1, s0  }
0xc2: {  	s0 =	sadd.s32 $0x8F2B, s0  }
0xc3: {  	[sflag:s0] =	ssyncadd.remote.s32 $0x1  }
0xc4: {  	_ =	sfence.sel $0xFFFF  }
0xc5: {  	[dreg:$0x0] =	wrdreg $0xFFFFFFFF;
	(pc) =	sbr.abs _section_cstart, $3  }
0xc6: {  	[dreg:$0x1] =	wrdreg $0xFFFFFFFF  }
0xc7: {  	_ =	task.clear_ibuf [dreg:s10], $0x2FFFF;
	_ =	strace $0x9FFFFFFF  }
0xc8: {  	(tm) =	ssettm $0x7FFFFFFF  }
0xc9: {  	_ =	shalt  }
tec
execute0_lowered:
.L_overlay_start_1:
0x0: {  	(tag) =	ssettag $0x1  }
0x1: {  	s0 =	rddreg [dreg:$0x0]  }
0x2: {  	s1 =	rddreg [dreg:$0x1]  }
0x3: {  	s6 =	rddreg [dreg:$0x4]  }
0x4: {  	s5 =	simm.s32 $0x0;
	s2 =	srdreg.scid;
	s4 =	stileid.u32  }
0x5: {  	s11 =	simm.s32 $0x0;
	s31 =	simm.s32 $0x16000;
	s2 =	sand.u32 $0x1, s2  }
0x6: {  	s3 =	sshll.u32 s4, $0x1;
	s4 =	smul.u32 $0x1800, s4;
	[smem:$0x7FF] =	sst s5  }
0x7: {  	s15 =	sadd.s32 $0x200, s0;
	s5 =	simm.s32 $0x1F200;
	s3 =	sor.u32 s2, s3  }
0x8: {  	s13 =	sshll.u32 s2, $0x9;
	_ =	strace $0x80000047;
	s2 =	ssub.s32 $0x2, s2  }
0x9: {  	s7 =	sshll.u32 s3, $0xB;
	s4 =	sor.u32 s13, s4;
	s16 =	sshrl.u32 s2, $0x1  }
0xa: {  	s17 =	sshll.u32 s3, $0x9;
	s10 =	sshll.u32 s3, $0x2;
	s18 =	smul.u32 $0x60200, s3  }
0xb: {  	s22 =	sshllo.u32 s3, $0x2;
	s3 =	smul.u32 $0x6000, s3;
	s14 =	sadd.s32 s7, s0  }
0xc: {  	s4 =	sshrl.u32 s4, $0x3;
	s2 =	ssub.s32 s2, s16;
	s8 =	sor.u32 $0x1, s10  }
0xd: {  	[dreg:$0x6] =	wrdreg s10;
	s10 =	sor.u32 $0x2, s10;
	s24 =	smul.u32 $0x18080, s22  }
0xe: {  	s25 =	sshll.u32 s22, $0x7;
	s0 =	sadd.s32 s4, s0;
	s4 =	sadd.s32 s15, s17  }
0xf: {  	s7 =	simm.s32 $0x9;
	s28 =	sadd.s32 $0x4200, s14;
	[dreg:$0x7] =	wrdreg s4  }
0x10: {  	s22 =	simm.s32 $0x1E200;
	s30 =	smax.u32 s2, $0x1;
	[dreg:$0xf] =	wrdreg s28  }
0x11: {  	s9 =	sshll.u32 s8, $0x7;
	s4 =	sadd.s32 s6, s18;
	[dreg:$0x12] =	wrdreg s30  }
0x12: {  	s21 =	sshll.u32 s10, $0x7;
	s19 =	sadd.s32 s15, s9;
	[dreg:$0x8] =	wrdreg s4  }
0x13: {  	s8 =	smul.u32 $0x18080, s8;
	s23 =	sadd.s32 s15, s21;
	[dreg:$0x9] =	wrdreg s19  }
0x14: {  	s20 =	smul.u32 $0x18080, s10;
	s26 =	sadd.s32 s6, s24;
	[dreg:$0xb] =	wrdreg s23  }
0x15: {  	s3 =	sshrl.u32 s3, $0x3;
	s0 =	sadd.s32 $0x14200, s0;
	[dreg:$0xe] =	wrdreg s26  }
0x16: {  	s3 =	sadd.s32 s6, s3;
	s8 =	sadd.s32 s6, s8;
	[dreg:$0x10] =	wrdreg s0  }
0x17: {  	s21 =	simm.s32 $0x1D200;
	s4 =	sadd.s32 s6, s20;
	[dreg:$0xa] =	wrdreg s8  }
0x18: {  	v3 =	vlaneseq.u32;
	s29 =	sadd.s32 $0xBA4780, s3;
	s19 =	sadd.s32 $0x100, s1;
	[dreg:$0xc] =	wrdreg s4  }
0x19: {  	vm0 =	vmmov $0xffff;
	v1 =	vshrl.u32 v3, $0x3;
	v0 =	vand.u32 $0x7, v3;
	s20 =	sadd.s32 $0x200, s1;
	s4 =	sadd.s32 s15, s25;
	[dreg:$0x11] =	wrdreg s29  }
0x1a: {  	v2 =	vor.u32 $0x8, v3;
	v3 =	vmul.u32 $0x80, v3;
	v1 =	vmul.u32 $0x8, v1;
	s3 =	simm.s32 $0x0;
	s8 =	simm.s32 $0x1F600;
	[dreg:$0xd] =	wrdreg s4  }
.LBB2_1:
0x1b: {  	[dreg:$0x13] =	wrdreg s3  }
0x1c: {  	s0 =	rddreg [dreg:$0x7]  }
0x1d: {  	[tilespmem:s5], [sflag:$0x9] =	stream.linear.gather [hbm4b:s0+s11], $0x400, $0x38;
	[tilespmem:$0x1FA00] =	vst v63  }
0x1e: {  	_ =	swait.ge [sflag:s7], $0x400  }
0x1f: {  	[sflag:s7] =	ssyncset.done $0x0  }
0x20: {  	s4 =	simm.s32 $0x0;
	[sflag:s7] =	ssyncadd.s32 $0xFFFFFC00  }
0x21: {  	v5 =	vld [tilespmem:s4+$0x1F270]  }
0x22: {  	v9 =	vld [tilespmem:s4+$0x1F200]  }
0x23: {  	v10 =	vld [tilespmem:s4+$0x1F210]  }
0x24: {  	v8 =	vld [tilespmem:s4+$0x1F220]  }
0x25: {  	v7 =	vld [tilespmem:s4+$0x1F230]  }
0x26: {  	v4 =	vld [tilespmem:s4+$0x1F240];
	v11 =	vcvt.s32.f32 v5  }
0x27: {  	v5 =	vld [tilespmem:s4+$0x1F250];
	v9 =	vcvt.s32.f32 v9  }
0x28: {  	s2 =	simm.s32 $0x80;
	s3 =	simm.s32 $0x400;
	v6 =	vld [tilespmem:s4+$0x1F260];
	v10 =	vcvt.s32.f32 v10;
	[tilespmem:s4+$0x1F670] =	vst v11  }
.LBB2_2:
0x29: {  	p0 =	sne.s32 s3, $0xE00;
	v11 =	vld [tilespmem:s2+$0x1F270];
	[tilespmem:s4+$0x1F600] =	vst v9;
	v8 =	vcvt.s32.f32 v8  }
0x2a: {  	v9 =	vld [tilespmem:s2+$0x1F200];
	[tilespmem:s4+$0x1F610] =	vst v10;
	v7 =	vcvt.s32.f32 v7  }
0x2b: {  	v10 =	vld [tilespmem:s2+$0x1F210];
	[tilespmem:s4+$0x1F620] =	vst v8;
	v4 =	vcvt.s32.f32 v4  }
.Ltmp0:
0x2c: {  	v8 =	vld [tilespmem:s2+$0x1F220];
	[tilespmem:s4+$0x1F630] =	vst v7;
	v5 =	vcvt.s32.f32 v5;
	(pc) =	sbr.rel @p0 .LBB2_2-.Ltmp0, $4  }
0x2d: {  	v7 =	vld [tilespmem:s2+$0x1F230];
	[tilespmem:s4+$0x1F640] =	vst v4;
	v6 =	vcvt.s32.f32 v6  }
0x2e: {  	v4 =	vld [tilespmem:s2+$0x1F240];
	v11 =	vcvt.s32.f32 v11;
	[tilespmem:s4+$0x1F650] =	vst v5  }
0x2f: {  	v9 =	vcvt.s32.f32 v9;
	v5 =	vld [tilespmem:s2+$0x1F250];
	[tilespmem:s4+$0x1F660] =	vst v6;
	s4 =	smov.u32 s2  }
0x30: {  	s2 =	sshra.s32 s3, $0x2;
	s3 =	sadd.s32 $0x200, s3;
	v10 =	vcvt.s32.f32 v10;
	v6 =	vld [tilespmem:s4+$0x1F260];
	[tilespmem:s4+$0x1F670] =	vst v11  }
0x31: {  	v11 =	vld [tilespmem:s2+$0x1F270];
	[tilespmem:s4+$0x1F600] =	vst v9;
	v8 =	vcvt.s32.f32 v8  }
0x32: {  	v9 =	vld [tilespmem:s2+$0x1F200];
	[tilespmem:s4+$0x1F610] =	vst v10;
	v7 =	vcvt.s32.f32 v7  }
0x33: {  	v10 =	vld [tilespmem:s2+$0x1F210];
	[tilespmem:s4+$0x1F620] =	vst v8;
	v4 =	vcvt.s32.f32 v4  }
0x34: {  	v8 =	vld [tilespmem:s2+$0x1F220];
	[tilespmem:s4+$0x1F630] =	vst v7;
	v5 =	vcvt.s32.f32 v5  }
0x35: {  	v7 =	vld [tilespmem:s2+$0x1F230];
	[tilespmem:s4+$0x1F640] =	vst v4;
	v4 =	vcvt.s32.f32 v6  }
0x36: {  	v6 =	vld [tilespmem:s2+$0x1F240];
	v11 =	vcvt.s32.f32 v11;
	[tilespmem:s4+$0x1F650] =	vst v5  }
0x37: {  	v5 =	vld [tilespmem:s2+$0x1F250];
	v9 =	vcvt.s32.f32 v9;
	[tilespmem:s4+$0x1F660] =	vst v4  }
0x38: {  	v4 =	vld [tilespmem:s2+$0x1F260];
	v10 =	vcvt.s32.f32 v10;
	[tilespmem:s2+$0x1F670] =	vst v11  }
0x39: {  	[tilespmem:s2+$0x1F600] =	vst v9;
	v8 =	vcvt.s32.f32 v8  }
0x3a: {  	[tilespmem:s2+$0x1F610] =	vst v10;
	v7 =	vcvt.s32.f32 v7  }
0x3b: {  	[tilespmem:s2+$0x1F620] =	vst v8;
	v6 =	vcvt.s32.f32 v6  }
0x3c: {  	[tilespmem:s2+$0x1F630] =	vst v7;
	v5 =	vcvt.s32.f32 v5  }
0x3d: {  	[tilespmem:s2+$0x1F640] =	vst v6;
	v4 =	vcvt.s32.f32 v4  }
0x3e: {  	[tilespmem:s2+$0x1F650] =	vst v5  }
0x3f: {  	[tilespmem:s2+$0x1F660] =	vst v4  }
0x40: {  	s29 =	simm.s32 $0x0;
	s0 =	rddreg [dreg:$0x8]  }
0x41: {  	[hbm4b:s0+s29] =	stream.linear.scatter [tilespmem:s8], [sflag:$0x9], $0x400, $0x38;
	[tilespmem:$0x1FA00] =	vst v63  }
0x42: {  	_ =	swait.ge [sflag:s7], $0x400  }
0x43: {  	[sflag:s7] =	ssyncset.done $0x0  }
0x44: {  	s30 =	rddreg [dreg:$0x9];
	[sflag:s7] =	ssyncadd.s32 $0xFFFFFC00  }
0x45: {  	[tilespmem:s5], [sflag:$0x9] =	stream.linear.gather [hbm4b:s30+s29], $0x400, $0x38;
	[tilespmem:$0x1FA00] =	vst v63  }
0x46: {  	_ =	swait.ge [sflag:s7], $0x400  }
0x47: {  	[sflag:s7] =	ssyncset.done $0x0  }
0x48: {  	s4 =	simm.s32 $0x0;
	[sflag:s7] =	ssyncadd.s32 $0xFFFFFC00  }
0x49: {  	v5 =	vld [tilespmem:s4+$0x1F270]  }
0x4a: {  	v9 =	vld [tilespmem:s4+$0x1F200]  }
0x4b: {  	v10 =	vld [tilespmem:s4+$0x1F210]  }
0x4c: {  	v8 =	vld [tilespmem:s4+$0x1F220]  }
0x4d: {  	v7 =	vld [tilespmem:s4+$0x1F230]  }
0x4e: {  	v4 =	vld [tilespmem:s4+$0x1F240];
	v11 =	vcvt.s32.f32 v5  }
0x4f: {  	v5 =	vld [tilespmem:s4+$0x1F250];
	v9 =	vcvt.s32.f32 v9  }
0x50: {  	s3 =	simm.s32 $0x400;
	s2 =	simm.s32 $0x80;
	v6 =	vld [tilespmem:s4+$0x1F260];
	v10 =	vcvt.s32.f32 v10;
	[tilespmem:s4+$0x1F670] =	vst v11  }
.LBB2_4:
0x51: {  	p0 =	sne.s32 s3, $0xE00;
	v11 =	vld [tilespmem:s2+$0x1F270];
	[tilespmem:s4+$0x1F600] =	vst v9;
	v8 =	vcvt.s32.f32 v8  }
0x52: {  	v9 =	vld [tilespmem:s2+$0x1F200];
	[tilespmem:s4+$0x1F610] =	vst v10;
	v7 =	vcvt.s32.f32 v7  }
0x53: {  	v10 =	vld [tilespmem:s2+$0x1F210];
	[tilespmem:s4+$0x1F620] =	vst v8;
	v4 =	vcvt.s32.f32 v4  }
.Ltmp1:
0x54: {  	v8 =	vld [tilespmem:s2+$0x1F220];
	[tilespmem:s4+$0x1F630] =	vst v7;
	v5 =	vcvt.s32.f32 v5;
	(pc) =	sbr.rel @p0 .LBB2_4-.Ltmp1, $4  }
0x55: {  	v7 =	vld [tilespmem:s2+$0x1F230];
	[tilespmem:s4+$0x1F640] =	vst v4;
	v6 =	vcvt.s32.f32 v6  }
0x56: {  	v4 =	vld [tilespmem:s2+$0x1F240];
	v11 =	vcvt.s32.f32 v11;
	[tilespmem:s4+$0x1F650] =	vst v5  }
0x57: {  	v9 =	vcvt.s32.f32 v9;
	v5 =	vld [tilespmem:s2+$0x1F250];
	[tilespmem:s4+$0x1F660] =	vst v6;
	s4 =	smov.u32 s2  }
0x58: {  	s2 =	sshra.s32 s3, $0x2;
	s3 =	sadd.s32 $0x200, s3;
	v10 =	vcvt.s32.f32 v10;
	v6 =	vld [tilespmem:s4+$0x1F260];
	[tilespmem:s4+$0x1F670] =	vst v11  }
0x59: {  	v11 =	vld [tilespmem:s2+$0x1F270];
	[tilespmem:s4+$0x1F600] =	vst v9;
	v8 =	vcvt.s32.f32 v8  }
0x5a: {  	v9 =	vld [tilespmem:s2+$0x1F200];
	[tilespmem:s4+$0x1F610] =	vst v10;
	v7 =	vcvt.s32.f32 v7  }
0x5b: {  	v10 =	vld [tilespmem:s2+$0x1F210];
	[tilespmem:s4+$0x1F620] =	vst v8;
	v4 =	vcvt.s32.f32 v4  }
0x5c: {  	v8 =	vld [tilespmem:s2+$0x1F220];
	[tilespmem:s4+$0x1F630] =	vst v7;
	v5 =	vcvt.s32.f32 v5  }
0x5d: {  	v7 =	vld [tilespmem:s2+$0x1F230];
	[tilespmem:s4+$0x1F640] =	vst v4;
	v4 =	vcvt.s32.f32 v6  }
0x5e: {  	v6 =	vld [tilespmem:s2+$0x1F240];
	v11 =	vcvt.s32.f32 v11;
	[tilespmem:s4+$0x1F650] =	vst v5  }
0x5f: {  	v5 =	vld [tilespmem:s2+$0x1F250];
	v9 =	vcvt.s32.f32 v9;
	[tilespmem:s4+$0x1F660] =	vst v4  }
0x60: {  	v4 =	vld [tilespmem:s2+$0x1F260];
	v10 =	vcvt.s32.f32 v10;
	[tilespmem:s2+$0x1F670] =	vst v11  }
0x61: {  	[tilespmem:s2+$0x1F600] =	vst v9;
	v8 =	vcvt.s32.f32 v8  }
0x62: {  	[tilespmem:s2+$0x1F610] =	vst v10;
	v7 =	vcvt.s32.f32 v7  }
0x63: {  	[tilespmem:s2+$0x1F620] =	vst v8;
	v6 =	vcvt.s32.f32 v6  }
0x64: {  	[tilespmem:s2+$0x1F630] =	vst v7;
	v5 =	vcvt.s32.f32 v5  }
0x65: {  	[tilespmem:s2+$0x1F640] =	vst v6;
	v4 =	vcvt.s32.f32 v4  }
0x66: {  	[tilespmem:s2+$0x1F650] =	vst v5  }
0x67: {  	[tilespmem:s2+$0x1F660] =	vst v4  }
0x68: {  	s29 =	simm.s32 $0x0;
	s0 =	rddreg [dreg:$0xa]  }
0x69: {  	[hbm4b:s0+s29] =	stream.linear.scatter [tilespmem:s8], [sflag:$0x9], $0x400, $0x38;
	[tilespmem:$0x1FA00] =	vst v63  }
0x6a: {  	_ =	swait.ge [sflag:s7], $0x400  }
0x6b: {  	[sflag:s7] =	ssyncset.done $0x0  }
0x6c: {  	s30 =	rddreg [dreg:$0xb];
	[sflag:s7] =	ssyncadd.s32 $0xFFFFFC00  }
0x6d: {  	[tilespmem:s5], [sflag:$0x9] =	stream.linear.gather [hbm4b:s30+s29], $0x400, $0x38;
	[tilespmem:$0x1FA00] =	vst v63  }
0x6e: {  	_ =	swait.ge [sflag:s7], $0x400  }
0x6f: {  	[sflag:s7] =	ssyncset.done $0x0  }
0x70: {  	s4 =	simm.s32 $0x0;
	[sflag:s7] =	ssyncadd.s32 $0xFFFFFC00  }
0x71: {  	v5 =	vld [tilespmem:s4+$0x1F270]  }
0x72: {  	v9 =	vld [tilespmem:s4+$0x1F200]  }
0x73: {  	v10 =	vld [tilespmem:s4+$0x1F210]  }
0x74: {  	v8 =	vld [tilespmem:s4+$0x1F220]  }
0x75: {  	v7 =	vld [tilespmem:s4+$0x1F230]  }
0x76: {  	v4 =	vld [tilespmem:s4+$0x1F240];
	v11 =	vcvt.s32.f32 v5  }
0x77: {  	v5 =	vld [tilespmem:s4+$0x1F250];
	v9 =	vcvt.s32.f32 v9  }
0x78: {  	s3 =	simm.s32 $0x400;
	s2 =	simm.s32 $0x80;
	v6 =	vld [tilespmem:s4+$0x1F260];
	v10 =	vcvt.s32.f32 v10;
	[tilespmem:s4+$0x1F670] =	vst v11  }
.LBB2_6:
0x79: {  	p0 =	sne.s32 s3, $0xE00;
	v11 =	vld [tilespmem:s2+$0x1F270];
	[tilespmem:s4+$0x1F600] =	vst v9;
	v8 =	vcvt.s32.f32 v8  }
0x7a: {  	v9 =	vld [tilespmem:s2+$0x1F200];
	[tilespmem:s4+$0x1F610] =	vst v10;
	v7 =	vcvt.s32.f32 v7  }
0x7b: {  	v10 =	vld [tilespmem:s2+$0x1F210];
	[tilespmem:s4+$0x1F620] =	vst v8;
	v4 =	vcvt.s32.f32 v4  }
.Ltmp2:
0x7c: {  	v8 =	vld [tilespmem:s2+$0x1F220];
	[tilespmem:s4+$0x1F630] =	vst v7;
	v5 =	vcvt.s32.f32 v5;
	(pc) =	sbr.rel @p0 .LBB2_6-.Ltmp2, $4  }
0x7d: {  	v7 =	vld [tilespmem:s2+$0x1F230];
	[tilespmem:s4+$0x1F640] =	vst v4;
	v6 =	vcvt.s32.f32 v6  }
0x7e: {  	v4 =	vld [tilespmem:s2+$0x1F240];
	v11 =	vcvt.s32.f32 v11;
	[tilespmem:s4+$0x1F650] =	vst v5  }
0x7f: {  	v9 =	vcvt.s32.f32 v9;
	v5 =	vld [tilespmem:s2+$0x1F250];
	[tilespmem:s4+$0x1F660] =	vst v6;
	s4 =	smov.u32 s2  }
0x80: {  	s2 =	sshra.s32 s3, $0x2;
	s3 =	sadd.s32 $0x200, s3;
	v10 =	vcvt.s32.f32 v10;
	v6 =	vld [tilespmem:s4+$0x1F260];
	[tilespmem:s4+$0x1F670] =	vst v11  }
0x81: {  	v11 =	vld [tilespmem:s2+$0x1F270];
	[tilespmem:s4+$0x1F600] =	vst v9;
	v8 =	vcvt.s32.f32 v8  }
0x82: {  	v9 =	vld [tilespmem:s2+$0x1F200];
	[tilespmem:s4+$0x1F610] =	vst v10;
	v7 =	vcvt.s32.f32 v7  }
0x83: {  	v10 =	vld [tilespmem:s2+$0x1F210];
	[tilespmem:s4+$0x1F620] =	vst v8;
	v4 =	vcvt.s32.f32 v4  }
0x84: {  	v8 =	vld [tilespmem:s2+$0x1F220];
	[tilespmem:s4+$0x1F630] =	vst v7;
	v5 =	vcvt.s32.f32 v5  }
0x85: {  	v7 =	vld [tilespmem:s2+$0x1F230];
	[tilespmem:s4+$0x1F640] =	vst v4;
	v4 =	vcvt.s32.f32 v6  }
0x86: {  	v6 =	vld [tilespmem:s2+$0x1F240];
	v11 =	vcvt.s32.f32 v11;
	[tilespmem:s4+$0x1F650] =	vst v5  }
0x87: {  	v5 =	vld [tilespmem:s2+$0x1F250];
	v9 =	vcvt.s32.f32 v9;
	[tilespmem:s4+$0x1F660] =	vst v4  }
0x88: {  	v4 =	vld [tilespmem:s2+$0x1F260];
	v10 =	vcvt.s32.f32 v10;
	[tilespmem:s2+$0x1F670] =	vst v11  }
0x89: {  	[tilespmem:s2+$0x1F600] =	vst v9;
	v8 =	vcvt.s32.f32 v8  }
0x8a: {  	[tilespmem:s2+$0x1F610] =	vst v10;
	v7 =	vcvt.s32.f32 v7  }
0x8b: {  	[tilespmem:s2+$0x1F620] =	vst v8;
	v6 =	vcvt.s32.f32 v6  }
0x8c: {  	[tilespmem:s2+$0x1F630] =	vst v7;
	v5 =	vcvt.s32.f32 v5  }
0x8d: {  	[tilespmem:s2+$0x1F640] =	vst v6;
	v4 =	vcvt.s32.f32 v4  }
0x8e: {  	[tilespmem:s2+$0x1F650] =	vst v5  }
0x8f: {  	[tilespmem:s2+$0x1F660] =	vst v4  }
0x90: {  	s29 =	simm.s32 $0x0;
	s0 =	rddreg [dreg:$0xc]  }
0x91: {  	[hbm4b:s0+s29] =	stream.linear.scatter [tilespmem:s8], [sflag:$0x9], $0x400, $0x38;
	[tilespmem:$0x1FA00] =	vst v63  }
0x92: {  	_ =	swait.ge [sflag:s7], $0x400  }
0x93: {  	[sflag:s7] =	ssyncset.done $0x0  }
0x94: {  	s30 =	rddreg [dreg:$0xd];
	[sflag:s7] =	ssyncadd.s32 $0xFFFFFC00  }
0x95: {  	[tilespmem:s5], [sflag:$0x9] =	stream.linear.gather [hbm4b:s30+s29], $0x400, $0x38;
	[tilespmem:$0x1FA00] =	vst v63  }
0x96: {  	_ =	swait.ge [sflag:s7], $0x400  }
0x97: {  	[sflag:s7] =	ssyncset.done $0x0  }
0x98: {  	s4 =	simm.s32 $0x0;
	[sflag:s7] =	ssyncadd.s32 $0xFFFFFC00  }
0x99: {  	v5 =	vld [tilespmem:s4+$0x1F270]  }
0x9a: {  	v9 =	vld [tilespmem:s4+$0x1F200]  }
0x9b: {  	v10 =	vld [tilespmem:s4+$0x1F210]  }
0x9c: {  	v8 =	vld [tilespmem:s4+$0x1F220]  }
0x9d: {  	v7 =	vld [tilespmem:s4+$0x1F230]  }
0x9e: {  	v4 =	vld [tilespmem:s4+$0x1F240];
	v11 =	vcvt.s32.f32 v5  }
0x9f: {  	v5 =	vld [tilespmem:s4+$0x1F250];
	v9 =	vcvt.s32.f32 v9  }
0xa0: {  	s3 =	simm.s32 $0x400;
	s2 =	simm.s32 $0x80;
	v6 =	vld [tilespmem:s4+$0x1F260];
	v10 =	vcvt.s32.f32 v10;
	[tilespmem:s4+$0x1F670] =	vst v11  }
.LBB2_8:
0xa1: {  	p0 =	sne.s32 s3, $0xE00;
	v11 =	vld [tilespmem:s2+$0x1F270];
	[tilespmem:s4+$0x1F600] =	vst v9;
	v8 =	vcvt.s32.f32 v8  }
0xa2: {  	v9 =	vld [tilespmem:s2+$0x1F200];
	[tilespmem:s4+$0x1F610] =	vst v10;
	v7 =	vcvt.s32.f32 v7  }
0xa3: {  	v10 =	vld [tilespmem:s2+$0x1F210];
	[tilespmem:s4+$0x1F620] =	vst v8;
	v4 =	vcvt.s32.f32 v4  }
.Ltmp3:
0xa4: {  	v8 =	vld [tilespmem:s2+$0x1F220];
	[tilespmem:s4+$0x1F630] =	vst v7;
	v5 =	vcvt.s32.f32 v5;
	(pc) =	sbr.rel @p0 .LBB2_8-.Ltmp3, $4  }
0xa5: {  	v7 =	vld [tilespmem:s2+$0x1F230];
	[tilespmem:s4+$0x1F640] =	vst v4;
	v6 =	vcvt.s32.f32 v6  }
0xa6: {  	v4 =	vld [tilespmem:s2+$0x1F240];
	v11 =	vcvt.s32.f32 v11;
	[tilespmem:s4+$0x1F650] =	vst v5  }
0xa7: {  	v9 =	vcvt.s32.f32 v9;
	v5 =	vld [tilespmem:s2+$0x1F250];
	[tilespmem:s4+$0x1F660] =	vst v6;
	s4 =	smov.u32 s2  }
0xa8: {  	s2 =	sshra.s32 s3, $0x2;
	s3 =	sadd.s32 $0x200, s3;
	v10 =	vcvt.s32.f32 v10;
	v6 =	vld [tilespmem:s4+$0x1F260];
	[tilespmem:s4+$0x1F670] =	vst v11  }
0xa9: {  	v11 =	vld [tilespmem:s2+$0x1F270];
	[tilespmem:s4+$0x1F600] =	vst v9;
	v8 =	vcvt.s32.f32 v8  }
0xaa: {  	v58 =	vld [tilespmem:s2+$0x1F200];
	[tilespmem:s4+$0x1F610] =	vst v10;
	v7 =	vcvt.s32.f32 v7  }
0xab: {  	v59 =	vld [tilespmem:s2+$0x1F210];
	[tilespmem:s4+$0x1F620] =	vst v8;
	v4 =	vcvt.s32.f32 v4  }
0xac: {  	v60 =	vld [tilespmem:s2+$0x1F220];
	[tilespmem:s4+$0x1F630] =	vst v7;
	v5 =	vcvt.s32.f32 v5  }
0xad: {  	v61 =	vld [tilespmem:s2+$0x1F230];
	[tilespmem:s4+$0x1F640] =	vst v4;
	v4 =	vcvt.s32.f32 v6  }
0xae: {  	v62 =	vld [tilespmem:s2+$0x1F240];
	v11 =	vcvt.s32.f32 v11;
	[tilespmem:s4+$0x1F650] =	vst v5  }
0xaf: {  	v5 =	vld [tilespmem:s2+$0x1F250];
	[tilespmem:s4+$0x1F660] =	vst v4;
	v4 =	vcvt.s32.f32 v58  }
0xb0: {  	v63 =	vld [tilespmem:s2+$0x1F260];
	v10 =	vcvt.s32.f32 v59;
	[tilespmem:s2+$0x1F670] =	vst v11  }
0xb1: {  	[tilespmem:s2+$0x1F600] =	vst v4;
	v4 =	vcvt.s32.f32 v60  }
0xb2: {  	v7 =	vcvt.s32.f32 v61;
	[tilespmem:s2+$0x1F610] =	vst v10  }
0xb3: {  	[tilespmem:s2+$0x1F620] =	vst v4;
	v4 =	vcvt.s32.f32 v62  }
0xb4: {  	[tilespmem:s2+$0x1F630] =	vst v7;
	v5 =	vcvt.s32.f32 v5  }
0xb5: {  	[tilespmem:s2+$0x1F640] =	vst v4;
	v4 =	vcvt.s32.f32 v63  }
0xb6: {  	[tilespmem:s2+$0x1F650] =	vst v5  }
0xb7: {  	[tilespmem:s2+$0x1F660] =	vst v4  }
0xb8: {  	s9 =	simm.s32 $0x0;
	s0 =	rddreg [dreg:$0xe]  }
0xb9: {  	[hbm4b:s0+s9] =	stream.linear.scatter [tilespmem:s8], [sflag:$0x9], $0x400, $0x38;
	[tilespmem:$0x1FA00] =	vst v63  }
0xba: {  	_ =	swait.ge [sflag:s7], $0x400  }
0xbb: {  	[sflag:s7] =	ssyncset.done $0x0  }
0xbc: {  	[sflag:s7] =	ssyncadd.s32 $0xFFFFFC00  }
0xbd: {  	s26 =	simm.s32 $0x1CC00;
	s25 =	rddreg [dreg:$0x2]  }
0xbe: {  	[tilespmem:s26], [sflag:$0x9] =	stream.linear.gather [hbm4b:s25+s9], $0x300, $0x38;
	[tilespmem:$0x1FA00] =	vst v63  }
0xbf: {  	_ =	swait.ge [sflag:s7], $0x300  }
0xc0: {  	[sflag:s7] =	ssyncset.done $0x0  }
0xc1: {  	[sflag:s7] =	ssyncadd.s32 $0xFFFFFD00  }
0xc2: {  	s29 =	simm.s32 $0x1CF00;
	s28 =	rddreg [dreg:$0x3]  }
0xc3: {  	[tilespmem:s29], [sflag:$0x9] =	stream.linear.gather [hbm4b:s28+s9], $0x300, $0x38;
	[tilespmem:$0x1FA00] =	vst v63  }
0xc4: {  	_ =	swait.ge [sflag:s7], $0x300  }
0xc5: {  	[sflag:s7] =	ssyncset.done $0x0  }
0xc6: {  	s30 =	rddreg [dreg:$0xf];
	[sflag:s7] =	ssyncadd.s32 $0xFFFFFD00  }
0xc7: {  	[tilespmem:s9], [sflag:$0x9] =	stream.linear.gather [hbm4b:s30+s9], $0x4000, $0x38;
	[tilespmem:$0x1FA00] =	vst v63  }
0xc8: {  	_ =	swait.ge [sflag:s7], $0x4000  }
0xc9: {  	s3 =	simm.s32 $0x400;
	s5 =	simm.s32 $0x1C000;
	[sflag:s7] =	ssyncset.done $0x0  }
0xca: {  	s4 =	simm.s32 $0x200;
	s2 =	rddreg [dreg:$0x10];
	[sflag:s7] =	ssyncadd.s32 $0xFFFFC000  }
0xcb: {  	[tilespmem:s5], [sflag:$0x9] =	stream.strided.gather [hbm4b:s2+s4], $0xC00, s3, s4, $0x38;
	[tilespmem:$0x1FA00] =	vst v63  }
0xcc: {  	_ =	swait.ge [sflag:s7], $0xC00  }
0xcd: {  	s10 =	simm.s32 $0x1800;
	[sflag:s7] =	ssyncset.done $0x0  }
0xce: {  	s11 =	simm.s32 $0xC0400;
	s8 =	rddreg [dreg:$0x11];
	[sflag:s7] =	ssyncadd.s32 $0xFFFFF400  }
0xcf: {  	[hbm4b:s8+s10] =	stream.strided.scatter [tilespmem:s31], [sflag:$0x8], $0x6000, s11, s10, $0x38;
	[tilespmem:$0x1FA00] =	vst v63  }
0xd0: {  	v4 =	vld [tilespmem:$0x0];
	_ =	sdelay $0x4  }
0xd1: {  	v5 =	vshrl.u32 v4, $0x3  }
0xd2: {  	v5 =	vmul.u32 $0x30, v5  }
0xd3: {  	v4 =	vand.u32 $0x7, v4  }
0xd4: {  	v4 =	vor.u32 v4, v5  }
0xd5: {  	v5 =	vperm.xlane v4, v0;
	_ =	sdelay $0x1  }
0xd6: {  	v5 =	vadd.s32 v1, v5;
	_ =	sdelay $0x3  }
0xd7: {  	s12 =	simm.s32 $0x4000;
	v4 =	vperm.xlane v4, v2  }
0xd8: {  	[tilespmem:s12], [sflag:$0x1] =	stream.indirect_vreg.gather [hbm4b:s1+s9], $0x80, v5, vm0, $0xb8;
	[tilespmem:$0x1FA00] =	vst v63  }
0xd9: {  	s13 =	simm.s32 $0x4800;
	v4 =	vadd.s32 v1, v4  }
0xda: {  	[tilespmem:s13], [sflag:$0x1] =	stream.indirect_vreg.gather [hbm4b:s19+s9], $0x80, v5, vm0, $0xb8;
	[tilespmem:$0x1FA00] =	vst v63  }
0xdb: {  	s14 =	simm.s32 $0x5000  }
0xdc: {  	[tilespmem:s14], [sflag:$0x1] =	stream.indirect_vreg.gather [hbm4b:s20+s9], $0x80, v5, vm0, $0xb8;
	[tilespmem:$0x1FA00] =	vst v63  }
0xdd: {  	s15 =	simm.s32 $0x5800  }
0xde: {  	[tilespmem:s15], [sflag:$0x1] =	stream.indirect_vreg.gather [hbm4b:s1+s9], $0x80, v4, vm0, $0xb8;
	[tilespmem:$0x1FA00] =	vst v63  }
0xdf: {  	s16 =	simm.s32 $0x6000  }
0xe0: {  	[tilespmem:s16], [sflag:$0x1] =	stream.indirect_vreg.gather [hbm4b:s19+s9], $0x80, v4, vm0, $0xb8;
	[tilespmem:$0x1FA00] =	vst v63  }
0xe1: {  	s17 =	simm.s32 $0x6800  }
0xe2: {  	[tilespmem:s17], [sflag:$0x1] =	stream.indirect_vreg.gather [hbm4b:s20+s9], $0x80, v4, vm0, $0xb8;
	[tilespmem:$0x1FA00] =	vst v63  }
0xe3: {  	v4 =	vld [tilespmem:$0x10];
	_ =	sdelay $0x4  }
0xe4: {  	v5 =	vshrl.u32 v4, $0x3  }
0xe5: {  	v5 =	vmul.u32 $0x30, v5  }
0xe6: {  	v4 =	vand.u32 $0x7, v4  }
0xe7: {  	v4 =	vor.u32 v4, v5  }
0xe8: {  	v5 =	vperm.xlane v4, v0;
	_ =	sdelay $0x1  }
0xe9: {  	v5 =	vadd.s32 v1, v5;
	_ =	sdelay $0x3  }
0xea: {  	s18 =	simm.s32 $0x7000;
	v4 =	vperm.xlane v4, v2  }
0xeb: {  	[tilespmem:s18], [sflag:$0x1] =	stream.indirect_vreg.gather [hbm4b:s1+s9], $0x80, v5, vm0, $0xb8;
	[tilespmem:$0x1FA00] =	vst v63  }
0xec: {  	s23 =	simm.s32 $0x7800;
	v4 =	vadd.s32 v1, v4  }
0xed: {  	[tilespmem:s23], [sflag:$0x1] =	stream.indirect_vreg.gather [hbm4b:s19+s9], $0x80, v5, vm0, $0xb8;
	[tilespmem:$0x1FA00] =	vst v63  }
0xee: {  	s24 =	simm.s32 $0x8000  }
0xef: {  	[tilespmem:s24], [sflag:$0x1] =	stream.indirect_vreg.gather [hbm4b:s20+s9], $0x80, v5, vm0, $0xb8;
	[tilespmem:$0x1FA00] =	vst v63  }
0xf0: {  	s25 =	simm.s32 $0x8800  }
0xf1: {  	[tilespmem:s25], [sflag:$0x1] =	stream.indirect_vreg.gather [hbm4b:s1+s9], $0x80, v4, vm0, $0xb8;
	[tilespmem:$0x1FA00] =	vst v63  }
0xf2: {  	s26 =	simm.s32 $0x9000  }
0xf3: {  	[tilespmem:s26], [sflag:$0x1] =	stream.indirect_vreg.gather [hbm4b:s19+s9], $0x80, v4, vm0, $0xb8;
	[tilespmem:$0x1FA00] =	vst v63  }
0xf4: {  	s28 =	simm.s32 $0x9800  }
0xf5: {  	[tilespmem:s28], [sflag:$0x1] =	stream.indirect_vreg.gather [hbm4b:s20+s9], $0x80, v4, vm0, $0xb8;
	[tilespmem:$0x1FA00] =	vst v63  }
0xf6: {  	v4 =	vld [tilespmem:$0x80];
	_ =	sdelay $0x4  }
0xf7: {  	v5 =	vshrl.u32 v4, $0x3  }
0xf8: {  	v5 =	vmul.u32 $0x30, v5  }
0xf9: {  	v4 =	vand.u32 $0x7, v4  }
0xfa: {  	v4 =	vor.u32 v4, v5  }
0xfb: {  	v5 =	vperm.xlane v4, v0;
	_ =	sdelay $0x1  }
0xfc: {  	v5 =	vadd.s32 v1, v5;
	_ =	sdelay $0x3  }
0xfd: {  	s29 =	simm.s32 $0xA000;
	v4 =	vperm.xlane v4, v2  }
0xfe: {  	[tilespmem:s29], [sflag:$0x2] =	stream.indirect_vreg.gather [hbm4b:s1+s9], $0x80, v5, vm0, $0xb8;
	[tilespmem:$0x1FA00] =	vst v63  }
0xff: {  	s30 =	simm.s32 $0xA800;
	v4 =	vadd.s32 v1, v4  }
0x100: {  	[tilespmem:s30], [sflag:$0x2] =	stream.indirect_vreg.gather [hbm4b:s19+s9], $0x80, v5, vm0, $0xb8;
	[tilespmem:$0x1FA00] =	vst v63  }
0x101: {  	s2 =	simm.s32 $0xB000  }
0x102: {  	[tilespmem:s2], [sflag:$0x2] =	stream.indirect_vreg.gather [hbm4b:s20+s9], $0x80, v5, vm0, $0xb8;
	[tilespmem:$0x1FA00] =	vst v63  }
0x103: {  	s3 =	simm.s32 $0xB800  }
0x104: {  	[tilespmem:s3], [sflag:$0x2] =	stream.indirect_vreg.gather [hbm4b:s1+s9], $0x80, v4, vm0, $0xb8;
	[tilespmem:$0x1FA00] =	vst v63  }
0x105: {  	s4 =	simm.s32 $0xC000  }
0x106: {  	[tilespmem:s4], [sflag:$0x2] =	stream.indirect_vreg.gather [hbm4b:s19+s9], $0x80, v4, vm0, $0xb8;
	[tilespmem:$0x1FA00] =	vst v63  }
0x107: {  	s5 =	simm.s32 $0xC800  }
0x108: {  	[tilespmem:s5], [sflag:$0x2] =	stream.indirect_vreg.gather [hbm4b:s20+s9], $0x80, v4, vm0, $0xb8;
	[tilespmem:$0x1FA00] =	vst v63  }
0x109: {  	v4 =	vld [tilespmem:$0x90];
	_ =	sdelay $0x4  }
0x10a: {  	v5 =	vshrl.u32 v4, $0x3  }
0x10b: {  	v5 =	vmul.u32 $0x30, v5  }
0x10c: {  	v4 =	vand.u32 $0x7, v4  }
0x10d: {  	v4 =	vor.u32 v4, v5  }
0x10e: {  	v5 =	vperm.xlane v4, v0;
	_ =	sdelay $0x1  }
0x10f: {  	v5 =	vadd.s32 v1, v5;
	_ =	sdelay $0x3  }
0x110: {  	s7 =	simm.s32 $0xD000;
	v4 =	vperm.xlane v4, v2  }
0x111: {  	[tilespmem:s7], [sflag:$0x2] =	stream.indirect_vreg.gather [hbm4b:s1+s9], $0x80, v5, vm0, $0xb8;
	[tilespmem:$0x1FA00] =	vst v63  }
0x112: {  	s8 =	simm.s32 $0xD800;
	v4 =	vadd.s32 v1, v4  }
0x113: {  	[tilespmem:s8], [sflag:$0x2] =	stream.indirect_vreg.gather [hbm4b:s19+s9], $0x80, v5, vm0, $0xb8;
	[tilespmem:$0x1FA00] =	vst v63  }
0x114: {  	s10 =	simm.s32 $0xE000  }
0x115: {  	[tilespmem:s10], [sflag:$0x2] =	stream.indirect_vreg.gather [hbm4b:s20+s9], $0x80, v5, vm0, $0xb8;
	[tilespmem:$0x1FA00] =	vst v63  }
0x116: {  	s11 =	simm.s32 $0xE800  }
0x117: {  	[tilespmem:s11], [sflag:$0x2] =	stream.indirect_vreg.gather [hbm4b:s1+s9], $0x80, v4, vm0, $0xb8;
	[tilespmem:$0x1FA00] =	vst v63  }
0x118: {  	s12 =	simm.s32 $0xF000  }
0x119: {  	[tilespmem:s12], [sflag:$0x2] =	stream.indirect_vreg.gather [hbm4b:s19+s9], $0x80, v4, vm0, $0xb8;
	[tilespmem:$0x1FA00] =	vst v63  }
0x11a: {  	s13 =	simm.s32 $0xF800  }
0x11b: {  	[tilespmem:s13], [sflag:$0x2] =	stream.indirect_vreg.gather [hbm4b:s20+s9], $0x80, v4, vm0, $0xb8;
	[tilespmem:$0x1FA00] =	vst v63  }
0x11c: {  	v4 =	vld [tilespmem:$0x100];
	_ =	sdelay $0x4  }
0x11d: {  	v5 =	vshrl.u32 v4, $0x3  }
0x11e: {  	v5 =	vmul.u32 $0x30, v5  }
0x11f: {  	v4 =	vand.u32 $0x7, v4  }
0x120: {  	v4 =	vor.u32 v4, v5  }
0x121: {  	v5 =	vperm.xlane v4, v0;
	_ =	sdelay $0x1  }
0x122: {  	v5 =	vadd.s32 v1, v5;
	_ =	sdelay $0x3  }
0x123: {  	s14 =	simm.s32 $0x10000;
	v4 =	vperm.xlane v4, v2  }
0x124: {  	[tilespmem:s14], [sflag:$0x3] =	stream.indirect_vreg.gather [hbm4b:s1+s9], $0x80, v5, vm0, $0xb8;
	[tilespmem:$0x1FA00] =	vst v63  }
0x125: {  	s15 =	simm.s32 $0x10800;
	v4 =	vadd.s32 v1, v4  }
0x126: {  	[tilespmem:s15], [sflag:$0x3] =	stream.indirect_vreg.gather [hbm4b:s19+s9], $0x80, v5, vm0, $0xb8;
	[tilespmem:$0x1FA00] =	vst v63  }
0x127: {  	s16 =	simm.s32 $0x11000  }
0x128: {  	[tilespmem:s16], [sflag:$0x3] =	stream.indirect_vreg.gather [hbm4b:s20+s9], $0x80, v5, vm0, $0xb8;
	[tilespmem:$0x1FA00] =	vst v63  }
0x129: {  	s17 =	simm.s32 $0x11800  }
0x12a: {  	[tilespmem:s17], [sflag:$0x3] =	stream.indirect_vreg.gather [hbm4b:s1+s9], $0x80, v4, vm0, $0xb8;
	[tilespmem:$0x1FA00] =	vst v63  }
0x12b: {  	s18 =	simm.s32 $0x12000  }
0x12c: {  	[tilespmem:s18], [sflag:$0x3] =	stream.indirect_vreg.gather [hbm4b:s19+s9], $0x80, v4, vm0, $0xb8;
	[tilespmem:$0x1FA00] =	vst v63  }
0x12d: {  	s23 =	simm.s32 $0x12800  }
0x12e: {  	[tilespmem:s23], [sflag:$0x3] =	stream.indirect_vreg.gather [hbm4b:s20+s9], $0x80, v4, vm0, $0xb8;
	[tilespmem:$0x1FA00] =	vst v63  }
0x12f: {  	v4 =	vld [tilespmem:$0x110];
	_ =	sdelay $0x4  }
0x130: {  	v5 =	vshrl.u32 v4, $0x3  }
0x131: {  	v5 =	vmul.u32 $0x30, v5  }
0x132: {  	v4 =	vand.u32 $0x7, v4  }
0x133: {  	v4 =	vor.u32 v4, v5  }
0x134: {  	v5 =	vperm.xlane v4, v0;
	_ =	sdelay $0x1  }
0x135: {  	v5 =	vadd.s32 v1, v5;
	_ =	sdelay $0x3  }
0x136: {  	s24 =	simm.s32 $0x13000;
	v4 =	vperm.xlane v4, v2  }
0x137: {  	[tilespmem:s24], [sflag:$0x3] =	stream.indirect_vreg.gather [hbm4b:s1+s9], $0x80, v5, vm0, $0xb8;
	[tilespmem:$0x1FA00] =	vst v63  }
0x138: {  	s25 =	simm.s32 $0x13800;
	v4 =	vadd.s32 v1, v4  }
0x139: {  	[tilespmem:s25], [sflag:$0x3] =	stream.indirect_vreg.gather [hbm4b:s19+s9], $0x80, v5, vm0, $0xb8;
	[tilespmem:$0x1FA00] =	vst v63  }
0x13a: {  	s26 =	simm.s32 $0x14000  }
0x13b: {  	[tilespmem:s26], [sflag:$0x3] =	stream.indirect_vreg.gather [hbm4b:s20+s9], $0x80, v5, vm0, $0xb8;
	[tilespmem:$0x1FA00] =	vst v63  }
0x13c: {  	s28 =	simm.s32 $0x14800  }
0x13d: {  	[tilespmem:s28], [sflag:$0x3] =	stream.indirect_vreg.gather [hbm4b:s1+s9], $0x80, v4, vm0, $0xb8;
	[tilespmem:$0x1FA00] =	vst v63  }
0x13e: {  	s29 =	simm.s32 $0x15000  }
0x13f: {  	[tilespmem:s29], [sflag:$0x3] =	stream.indirect_vreg.gather [hbm4b:s19+s9], $0x80, v4, vm0, $0xb8;
	[tilespmem:$0x1FA00] =	vst v63  }
0x140: {  	s30 =	simm.s32 $0x15800  }
0x141: {  	[tilespmem:s30], [sflag:$0x3] =	stream.indirect_vreg.gather [hbm4b:s20+s9], $0x80, v4, vm0, $0xb8;
	[tilespmem:$0x1FA00] =	vst v63  }
.LBB2_10:
0x142: {  	s0 =	simm.s32 $0x1  }
0x143: {  	s11 =	sshll.u32 s9, $0x4;
	_ =	swait.ge [sflag:s0], $0x6000  }
0x144: {  	s12 =	sshrl.u32 s9, $0x3;
	s2 =	sand.u32 $0x3FFFFF80, s11;
	[sflag:s0] =	ssyncset.done $0x0  }
0x145: {  	s10 =	sadd.s32 $0x1C000, s2;
	s2 =	simm.s32 $0x0;
	[sflag:s0] =	ssyncadd.s32 $0xFFFFA000  }
.LBB2_11:
0x146: {  	s3 =	sshrl.u32 s2, $0x3  }
0x147: {  	s4 =	sshll.u32 s2, $0x7;
	s26 =	simm.s32 $0x0;
	s3 =	smul.u32 $0x6000, s3  }
0x148: {  	s7 =	simm.s32 $0x0;
	s8 =	simm.s32 $0x0;
	s5 =	sand.u32 $0x380, s4  }
0x149: {  	s7 =	sand.u32 $0x40, s7;
	s8 =	sand.u32 $0x3FFFFE00, s8;
	s3 =	sshra.s32 s3, $0x2  }
0x14a: {  	s14 =	sadd.s32 s8, s10;
	s15 =	sor.u32 $0x20, s7;
	s3 =	sor.u32 s5, s3  }
0x14b: {  	s8 =	sadd.s32 s7, s14;
	s5 =	sadd.s32 $0x4000, s3;
	s3 =	sand.u32 $0x3FFFFC00, s26  }
0x14c: {  	s17 =	sadd.s32 s15, s14;
	v5 =	vld [tilespmem:s8+$0x0];
	s3 =	sadd.s32 s3, s5  }
0x14d: {  	s28 =	sor.u32 $0x10, s7;
	v15 =	vld [tilespmem:s17+$0x0];
	s13 =	sadd.s32 s7, s3  }
0x14e: {  	s29 =	sadd.s32 s28, s3;
	v4 =	vld [tilespmem:s13+$0x0]  }
0x14f: {  	s30 =	simm.s32 $0x40;
	v8 =	vld [tilespmem:s29+$0x0];
	s13 =	sadd.s32 s28, s14  }
0x150: {  	s16 =	simm.s32 $0x200;
	s0 =	sadd.s32 s15, s3;
	s7 =	sor.u32 $0x30, s7;
	v10 =	vld [tilespmem:s13+$0x0]  }
0x151: {  	s23 =	simm.s32 $0x100;
	s18 =	sand.u32 $0x3FFFFC00, s16;
	v14 =	vld [tilespmem:s0+$0x0];
	s3 =	sadd.s32 s7, s3  }
0x152: {  	s8 =	sand.u32 $0x40, s30;
	s25 =	sadd.s32 s7, s14;
	s13 =	sadd.s32 s18, s5;
	v6 =	vld [tilespmem:s3+$0x0]  }
0x153: {  	s24 =	sand.u32 $0x3FFFFE00, s23;
	s29 =	sor.u32 $0x10, s8;
	v7 =	vld [tilespmem:s25+$0x0];
	s26 =	sadd.s32 s8, s13  }
0x154: {  	s7 =	sadd.s32 s24, s10;
	s30 =	sadd.s32 s29, s13;
	v9 =	vadd.f32 v5, v4;
	v5 =	vld [tilespmem:s26+$0x0]  }
0x155: {  	v12 =	vimm.f32 $0.0e+00;
	s15 =	simm.s32 $0x80;
	s28 =	sadd.s32 s8, s7;
	v4 =	vld [tilespmem:s30+$0x0];
	v11 =	vadd.f32 v10, v8  }
0x156: {  	s14 =	simm.s32 $0x4;
	s16 =	sadd.s32 s29, s7;
	s3 =	sor.u32 $0x20, s8;
	v8 =	vld [tilespmem:s28+$0x0];
	v10 =	vadd.f32 v15, v14;
	v14 =	vimm.f32 $0.0e+00;
	v13 =	vmul.f32 v9, v9  }
.LBB2_12:
0x157: {  	s14 =	sadd.s32 $0x4, s14;
	s17 =	sand.u32 $0x40, s15  }
0x158: {  	v15 =	vld [tilespmem:s16+$0x0];
	s16 =	sadd.s32 s3, s13;
	v9 =	vadd.f32 v9, v12;
	v12 =	vadd.f32 v13, v14;
	v13 =	vmul.f32 v11, v11;
	s3 =	sadd.s32 s3, s7;
	s18 =	sshll.u32 s14, $0x7  }
0x159: {  	s8 =	sor.u32 $0x30, s8;
	v16 =	vld [tilespmem:s16+$0x0];
	v14 =	vadd.f32 v7, v6;
	p0 =	slt.u32 s14, $0x2C;
	s16 =	sand.u32 $0x3FFFFC00, s18  }
0x15a: {  	s18 =	sshll.u32 s14, $0x6;
	v17 =	vld [tilespmem:s3+$0x0];
	s3 =	sadd.s32 s8, s13;
	v11 =	vadd.f32 v11, v9;
	v12 =	vadd.f32 v13, v12;
	v13 =	vmul.f32 v10, v10;
	s13 =	sadd.s32 s16, s5  }
.Ltmp4:
0x15b: {  	s16 =	sand.u32 $0x3FFFFE00, s18;
	v9 =	vadd.f32 v8, v5;
	v6 =	vld [tilespmem:s3+$0x0];
	s3 =	sadd.s32 s8, s7;
	(pc) =	sbr.rel @p0 .LBB2_12-.Ltmp4, $4  }
0x15c: {  	v19 =	vmul.f32 v14, v14;
	s8 =	sadd.s32 s17, s13;
	s7 =	sadd.s32 s16, s10;
	v7 =	vld [tilespmem:s3+$0x0];
	v10 =	vadd.f32 v10, v11;
	v18 =	vadd.f32 v13, v12  }
0x15d: {  	s16 =	sor.u32 $0x10, s17;
	v5 =	vld [tilespmem:s8+$0x0];
	s3 =	sadd.s32 s17, s7;
	v11 =	vadd.f32 v15, v4;
	s8 =	smov.u32 s17  }
0x15e: {  	v13 =	vmul.f32 v9, v9;
	v8 =	vld [tilespmem:s3+$0x0];
	s3 =	sadd.s32 s16, s13;
	v12 =	vadd.f32 v14, v10;
	v14 =	vadd.f32 v19, v18  }
0x15f: {  	s15 =	sadd.s32 $0x40, s15;
	s16 =	sadd.s32 s16, s7;
	v4 =	vld [tilespmem:s3+$0x0];
	s3 =	sor.u32 $0x20, s8;
	v10 =	vadd.f32 v17, v16  }
0x160: {  	v9 =	vadd.f32 v9, v12  }
0x161: {  	v48 =	vadd.f32 v13, v14;
	v49 =	vmul.f32 v11, v11  }
0x162: {  	v50 =	vld [tilespmem:s16+$0x0];
	s5 =	sadd.s32 s3, s13;
	v9 =	vadd.f32 v11, v9  }
0x163: {  	s26 =	sadd.s32 s3, s7;
	s28 =	sor.u32 $0x30, s8;
	v51 =	vld [tilespmem:s5+$0x0];
	v6 =	vadd.f32 v7, v6;
	v53 =	vmul.f32 v10, v10;
	v52 =	vadd.f32 v49, v48  }
0x164: {  	v54 =	vld [tilespmem:s26+$0x0];
	s29 =	sadd.s32 s28, s13;
	v9 =	vadd.f32 v10, v9  }
0x165: {  	s30 =	sadd.s32 s28, s7;
	v55 =	vld [tilespmem:s29+$0x0];
	v5 =	vadd.f32 v8, v5;
	v56 =	vmul.f32 v6, v6;
	v7 =	vadd.f32 v53, v52  }
0x166: {  	v57 =	vld [tilespmem:s30+$0x0];
	v6 =	vadd.f32 v6, v9  }
0x167: {  	v4 =	vadd.f32 v50, v4;
	v58 =	vmul.f32 v5, v5;
	v7 =	vadd.f32 v56, v7  }
0x168: {  	v5 =	vadd.f32 v5, v6  }
0x169: {  	v59 =	vadd.f32 v54, v51;
	v60 =	vmul.f32 v4, v4;
	v7 =	vadd.f32 v58, v7  }
0x16a: {  	v4 =	vadd.f32 v4, v5  }
0x16b: {  	s2 =	sadd.s32 $0x1, s2;
	v61 =	vmul.f32 v59, v59;
	v5 =	vadd.f32 v57, v55;
	v7 =	vadd.f32 v60, v7  }
0x16c: {  	p0 =	sne.s32 s2, $0x20;
	v4 =	vadd.f32 v59, v4  }
.Ltmp5:
0x16d: {  	v62 =	vadd.f32 v61, v7;
	v63 =	vmul.f32 v5, v5;
	(pc) =	sbr.rel @p0 .LBB2_11-.Ltmp5, $4  }
0x16e: {  	v4 =	vadd.f32 v5, v4  }
0x16f: {  	v5 =	vadd.f32 v63, v62  }
0x170: {  	[tilespmem:s4+$0x1D200] =	vst v4  }
0x171: {  	[tilespmem:s4+$0x1E200] =	vst v5  }
0x172: {  	s14 =	simm.s32 $0x0;
	p0 =	por $0x1, $0x1;
	s15 =	simm.s32 $0x0  }
.LBB2_15:
0x173: {  	v4 =	vmov s15  }
0x174: {  	v4 =	vshll.u32 v4, $0x7  }
0x175: {  	v4 =	vor.u32 v3, v4;
	_ =	sdelay $0x1  }
0x176: {  	v5 =	vor.u32 $0x1, v4;
	_ =	sdelay $0x1  }
0x177: {  	v6 =	vor.u32 $0x2, v4  }
0x178: {  	v7 =	vld.idx.msk [tilespmem:v4+s21+$0x0], $0xffff  }
0x179: {  	v9 =	vor.u32 $0x3, v4;
	v8 =	vld.idx.msk [tilespmem:v4+s22+$0x0], $0xffff  }
0x17a: {  	v10 =	vld.idx.msk [tilespmem:v5+s21+$0x0], $0xffff  }
0x17b: {  	v11 =	vor.u32 $0x4, v4;
	v5 =	vld.idx.msk [tilespmem:v5+s22+$0x0], $0xffff  }
0x17c: {  	v12 =	vld.idx.msk [tilespmem:v6+s21+$0x0], $0xffff  }
0x17d: {  	v13 =	vor.u32 $0x5, v4;
	v6 =	vld.idx.msk [tilespmem:v6+s22+$0x0], $0xffff;
	v7 =	vadd.f32 $0.0e+00, v7  }
0x17e: {  	v14 =	vld.idx.msk [tilespmem:v9+s21+$0x0], $0xffff  }
0x17f: {  	v30 =	vor.u32 $0x6, v4;
	v9 =	vld.idx.msk [tilespmem:v9+s22+$0x0], $0xffff;
	v8 =	vadd.f32 $0.0e+00, v8;
	v7 =	vadd.f32 v10, v7  }
0x180: {  	v15 =	vld.idx.msk [tilespmem:v11+s21+$0x0], $0xffff  }
0x181: {  	v32 =	vor.u32 $0x7, v4;
	v31 =	vld.idx.msk [tilespmem:v11+s22+$0x0], $0xffff;
	v5 =	vadd.f32 v5, v8;
	v7 =	vadd.f32 v12, v7  }
0x182: {  	v33 =	vld.idx.msk [tilespmem:v13+s21+$0x0], $0xffff  }
0x183: {  	v36 =	vor.u32 $0x8, v4;
	v35 =	vld.idx.msk [tilespmem:v13+s22+$0x0], $0xffff;
	v5 =	vadd.f32 v6, v5;
	v34 =	vadd.f32 v14, v7  }
0x184: {  	v37 =	vld.idx.msk [tilespmem:v30+s21+$0x0], $0xffff  }
0x185: {  	v39 =	vor.u32 $0x9, v4;
	v38 =	vld.idx.msk [tilespmem:v30+s22+$0x0], $0xffff;
	v5 =	vadd.f32 v9, v5;
	v6 =	vadd.f32 v15, v34  }
0x186: {  	v40 =	vld.idx.msk [tilespmem:v32+s21+$0x0], $0xffff  }
0x187: {  	v42 =	vor.u32 $0xA, v4;
	v41 =	vld.idx.msk [tilespmem:v32+s22+$0x0], $0xffff;
	v5 =	vadd.f32 v31, v5;
	v6 =	vadd.f32 v33, v6  }
0x188: {  	v43 =	vld.idx.msk [tilespmem:v36+s21+$0x0], $0xffff  }
0x189: {  	v45 =	vor.u32 $0xB, v4;
	v44 =	vld.idx.msk [tilespmem:v36+s22+$0x0], $0xffff;
	v5 =	vadd.f32 v35, v5;
	v6 =	vadd.f32 v37, v6  }
0x18a: {  	v46 =	vld.idx.msk [tilespmem:v39+s21+$0x0], $0xffff  }
0x18b: {  	v48 =	vor.u32 $0xC, v4;
	v47 =	vld.idx.msk [tilespmem:v39+s22+$0x0], $0xffff;
	v5 =	vadd.f32 v38, v5;
	v6 =	vadd.f32 v40, v6  }
0x18c: {  	v49 =	vld.idx.msk [tilespmem:v42+s21+$0x0], $0xffff  }
0x18d: {  	v51 =	vor.u32 $0xD, v4;
	v50 =	vld.idx.msk [tilespmem:v42+s22+$0x0], $0xffff;
	v5 =	vadd.f32 v41, v5;
	v6 =	vadd.f32 v43, v6  }
0x18e: {  	v52 =	vld.idx.msk [tilespmem:v45+s21+$0x0], $0xffff  }
0x18f: {  	v54 =	vor.u32 $0xE, v4;
	v53 =	vld.idx.msk [tilespmem:v45+s22+$0x0], $0xffff;
	v5 =	vadd.f32 v44, v5;
	v6 =	vadd.f32 v46, v6  }
0x190: {  	v55 =	vld.idx.msk [tilespmem:v48+s21+$0x0], $0xffff  }
0x191: {  	v4 =	vor.u32 $0xF, v4;
	v56 =	vld.idx.msk [tilespmem:v48+s22+$0x0], $0xffff;
	v5 =	vadd.f32 v47, v5;
	v6 =	vadd.f32 v49, v6  }
0x192: {  	v57 =	vld.idx.msk [tilespmem:v51+s21+$0x0], $0xffff  }
0x193: {  	v58 =	vld.idx.msk [tilespmem:v51+s22+$0x0], $0xffff;
	v5 =	vadd.f32 v50, v5;
	v6 =	vadd.f32 v52, v6  }
0x194: {  	v59 =	vld.idx.msk [tilespmem:v54+s21+$0x0], $0xffff  }
0x195: {  	v60 =	vld.idx.msk [tilespmem:v54+s22+$0x0], $0xffff;
	v5 =	vadd.f32 v53, v5;
	v6 =	vadd.f32 v55, v6  }
0x196: {  	v61 =	vld.idx.msk [tilespmem:v4+s21+$0x0], $0xffff  }
0x197: {  	v5 =	vadd.f32 v56, v5;
	v6 =	vadd.f32 v57, v6  }
0x198: {  	v4 =	vld.idx.msk [tilespmem:v4+s22+$0x0], $0xffff  }
0x199: {  	v5 =	vadd.f32 v58, v5;
	v6 =	vadd.f32 v59, v6;
	_ =	sdelay $0x1  }
0x19a: {  	v5 =	vadd.f32 v60, v5;
	v6 =	vadd.f32 v61, v6;
	_ =	sdelay $0x1  }
0x19b: {  	v4 =	vadd.f32 v4, v5;
	v5 =	vmul.f32 $1.302083370e-03, v6;
	_ =	sdelay $0x1  }
0x19c: {  	v4 =	vmul.f32 $1.302083370e-03, v4;
	v6 =	vmul.f32 v5, v5;
	_ =	sdelay $0x1  }
0x19d: {  	v4 =	vsub.f32 v4, v6;
	_ =	sdelay $0x1  }
0x19e: {  	v4 =	vadd.f32 $9.999999960e-13, v4;
	_ =	sdelay $0x1  }
0x19f: {  	v62 =	vshrl.u32 v4, $0x1;
	v4 =	vmul.f32 $5.000000000e-01, v4  }
0x1a0: {  	v6 =	vsub.s32 $0x5F3759DF, v62  }
0x1a1: {  	v63 =	vmul.f32 v6, v4;
	_ =	sdelay $0x1  }
0x1a2: {  	v7 =	vmul.f32 v6, v63;
	_ =	sdelay $0x1  }
0x1a3: {  	v7 =	vsub.f32 $1.500000000e+00, v7;
	_ =	sdelay $0x1  }
0x1a4: {  	v6 =	vmul.f32 v6, v7;
	_ =	sdelay $0x1  }
0x1a5: {  	v7 =	vmul.f32 v6, v4;
	_ =	sdelay $0x1  }
0x1a6: {  	v7 =	vmul.f32 v7, v6;
	_ =	sdelay $0x1  }
0x1a7: {  	v7 =	vsub.f32 $1.500000000e+00, v7;
	_ =	sdelay $0x1  }
0x1a8: {  	v6 =	vmul.f32 v7, v6;
	_ =	sdelay $0x1  }
0x1a9: {  	v4 =	vmul.f32 v6, v4;
	_ =	sdelay $0x1  }
0x1aa: {  	v4 =	vmul.f32 v4, v6;
	_ =	sdelay $0x1  }
0x1ab: {  	v4 =	vsub.f32 $1.500000000e+00, v4;
	_ =	sdelay $0x1  }
0x1ac: {  	v4 =	vmul.f32 v4, v6;
	_ =	sdelay $0x1  }
0x1ad: {  	v5 =	vmul.f32 v4, v5;
	_ =	sdelay $0x1  }
0x1ae: {  	v5 =	vsub.f32 $0.0e+00, v5  }
0x1af: {  	(v2sf) =	vpush v4, $0x0  }
0x1b0: {  	(v2sf) =	vpush v5, $0x0  }
0x1b1: {  	(v2sf) =	vpush v4, $0x1  }
0x1b2: {  	(v2sf) =	vpush v5, $0x1  }
0x1b3: {  	(v2sf) =	vpush v4, $0x2  }
0x1b4: {  	(v2sf) =	vpush v5, $0x2  }
0x1b5: {  	(v2sf) =	vpush v4, $0x3  }
0x1b6: {  	(v2sf) =	vpush v5, $0x3  }
0x1b7: {  	(v2sf) =	vpush v4, $0x4  }
0x1b8: {  	(v2sf) =	vpush v5, $0x4  }
0x1b9: {  	(v2sf) =	vpush v4, $0x5  }
0x1ba: {  	(v2sf) =	vpush v5, $0x5  }
0x1bb: {  	(v2sf) =	vpush v4, $0x6  }
0x1bc: {  	(v2sf) =	vpush v5, $0x6  }
0x1bd: {  	(v2sf) =	vpush v4, $0x7  }
0x1be: {  	s2 =	spop (v2sf);
	(v2sf) =	vpush v5, $0x7  }
0x1bf: {  	s3 =	sadd.s32 $0x80, s15;
	[smem:s15] =	sst s2;
	s8 =	spop (v2sf);
	(v2sf) =	vpush v4, $0x8  }
0x1c0: {  	s16 =	sor.u32 $0x1, s15;
	[smem:s3] =	sst s8;
	s13 =	spop (v2sf);
	(v2sf) =	vpush v5, $0x8  }
0x1c1: {  	s18 =	sadd.s32 $0x81, s15;
	[smem:s16] =	sst s13;
	s17 =	spop (v2sf);
	(v2sf) =	vpush v4, $0x9  }
0x1c2: {  	s24 =	sor.u32 $0x2, s15;
	[smem:s18] =	sst s17;
	s23 =	spop (v2sf);
	(v2sf) =	vpush v5, $0x9  }
0x1c3: {  	s26 =	sadd.s32 $0x82, s15;
	[smem:s24] =	sst s23;
	s25 =	spop (v2sf);
	(v2sf) =	vpush v4, $0xA  }
0x1c4: {  	s29 =	sor.u32 $0x3, s15;
	[smem:s26] =	sst s25;
	s28 =	spop (v2sf);
	(v2sf) =	vpush v5, $0xA  }
0x1c5: {  	s0 =	sadd.s32 $0x83, s15;
	[smem:s29] =	sst s28;
	s30 =	spop (v2sf);
	(v2sf) =	vpush v4, $0xB  }
0x1c6: {  	s5 =	sor.u32 $0x4, s15;
	[smem:s0] =	sst s30;
	s4 =	spop (v2sf);
	(v2sf) =	vpush v5, $0xB  }
0x1c7: {  	s8 =	sadd.s32 $0x84, s15;
	[smem:s5] =	sst s4;
	s7 =	spop (v2sf);
	(v2sf) =	vpush v4, $0xC  }
0x1c8: {  	s16 =	sor.u32 $0x5, s15;
	[smem:s8] =	sst s7;
	s13 =	spop (v2sf);
	(v2sf) =	vpush v5, $0xC  }
0x1c9: {  	s18 =	sadd.s32 $0x85, s15;
	[smem:s16] =	sst s13;
	s17 =	spop (v2sf);
	(v2sf) =	vpush v4, $0xD  }
0x1ca: {  	s24 =	sor.u32 $0x6, s15;
	[smem:s18] =	sst s17;
	s23 =	spop (v2sf);
	(v2sf) =	vpush v5, $0xD  }
0x1cb: {  	s26 =	sadd.s32 $0x86, s15;
	[smem:s24] =	sst s23;
	s25 =	spop (v2sf)  }
0x1cc: {  	s29 =	sor.u32 $0x7, s15;
	(v2sf) =	vpush v4, $0xE;
	[smem:s26] =	sst s25;
	s28 =	spop (v2sf)  }
0x1cd: {  	s0 =	sadd.s32 $0x87, s15;
	(v2sf) =	vpush v5, $0xE;
	[smem:s29] =	sst s28;
	s30 =	spop (v2sf)  }
0x1ce: {  	s5 =	sor.u32 $0x8, s15;
	(v2sf) =	vpush v4, $0xF;
	[smem:s0] =	sst s30;
	s4 =	spop (v2sf)  }
0x1cf: {  	s8 =	sadd.s32 $0x88, s15;
	(v2sf) =	vpush v5, $0xF;
	[smem:s5] =	sst s4;
	s7 =	spop (v2sf)  }
0x1d0: {  	s16 =	sor.u32 $0x9, s15;
	[smem:s8] =	sst s7;
	s13 =	spop (v2sf)  }
0x1d1: {  	s18 =	sadd.s32 $0x89, s15;
	[smem:s16] =	sst s13;
	s17 =	spop (v2sf)  }
0x1d2: {  	s24 =	sor.u32 $0xA, s15;
	[smem:s18] =	sst s17;
	s23 =	spop (v2sf)  }
0x1d3: {  	s26 =	sadd.s32 $0x8A, s15;
	[smem:s24] =	sst s23;
	s25 =	spop (v2sf)  }
0x1d4: {  	s29 =	sor.u32 $0xB, s15;
	[smem:s26] =	sst s25;
	s28 =	spop (v2sf)  }
0x1d5: {  	s0 =	sadd.s32 $0x8B, s15;
	[smem:s29] =	sst s28;
	s30 =	spop (v2sf)  }
0x1d6: {  	s4 =	sor.u32 $0xC, s15;
	[smem:s0] =	sst s30;
	s3 =	spop (v2sf)  }
0x1d7: {  	s7 =	sadd.s32 $0x8C, s15;
	[smem:s4] =	sst s3;
	s5 =	spop (v2sf)  }
0x1d8: {  	s13 =	sor.u32 $0xD, s15;
	[smem:s7] =	sst s5;
	s8 =	spop (v2sf)  }
0x1d9: {  	s17 =	sadd.s32 $0x8D, s15;
	[smem:s13] =	sst s8;
	s16 =	spop (v2sf)  }
0x1da: {  	p1 =	por p0, p0;
	[smem:s17] =	sst s16  }
.Ltmp6:
0x1db: {  	s23 =	sor.u32 $0xE, s15;
	s18 =	spop (v2sf);
	(pc) =	sbr.rel @p1 .LBB2_15-.Ltmp6, $4  }
0x1dc: {  	s25 =	sadd.s32 $0x8E, s15;
	[smem:s23] =	sst s18;
	s24 =	spop (v2sf)  }
0x1dd: {  	s28 =	sor.u32 $0xF, s15;
	[smem:s25] =	sst s24;
	s26 =	spop (v2sf)  }
0x1de: {  	s30 =	sadd.s32 $0x8F, s15;
	[smem:s28] =	sst s26;
	s29 =	spop (v2sf)  }
0x1df: {  	p0 =	por $0x0, $0x0;
	s15 =	simm.s32 $0x10;
	[smem:s30] =	sst s29  }
.LBB2_16:
0x1e0: {  	s2 =	sshll.u32 s14, $0x4  }
0x1e1: {  	s3 =	sshll.u32 s14, $0x6;
	s5 =	simm.s32 $0x0;
	s4 =	sand.u32 $0x70, s2  }
0x1e2: {  	s7 =	sshll.u32 s14, $0x7;
	s3 =	sand.u32 $0x3FFFFE00, s3;
	s5 =	smul.u32 $0x6000, s5;
	v4 =	vmov s4  }
0x1e3: {  	s0 =	sand.u32 $0x3FFFFC00, s7;
	s7 =	simm.s32 $0x0;
	s3 =	sadd.s32 s3, s10  }
0x1e4: {  	s3 =	sadd.s32 s4, s3;
	s4 =	sadd.s32 $0x4000, s0;
	s5 =	sshra.s32 s5, $0x2  }
0x1e5: {  	v7 =	vld [tilespmem:s3+$0x0];
	s3 =	sand.u32 $0x200, s7;
	s5 =	sadd.s32 s5, s4  }
0x1e6: {  	v6 =	vld [tilespmem:s2+$0x1CC00];
	s28 =	sadd.s32 s3, s5  }
0x1e7: {  	s8 =	simm.s32 $0x80;
	v8 =	vld.idx.msk [tilespmem:v4+s28+$0x180 ss:$0x1], $0xffff  }
0x1e8: {  	s13 =	simm.s32 $0x100;
	v5 =	vld [tilespmem:s2+$0x1CF00];
	s2 =	sand.u32 $0x280, s8  }
0x1e9: {  	s16 =	sand.u32 $0x300, s13;
	s15 =	sadd.s32 s2, s5;
	v9 =	vld.idx.msk [tilespmem:v4+s28+$0x0 ss:$0x1], $0xffff  }
0x1ea: {  	s17 =	simm.s32 $0x0;
	s7 =	sadd.s32 s16, s5;
	v10 =	vld.idx.msk [tilespmem:v4+s15+$0x0 ss:$0x1], $0xffff  }
0x1eb: {  	s18 =	smul.u32 $0x6000, s17;
	v11 =	vld.idx.msk [tilespmem:v4+s7+$0x0 ss:$0x1], $0xffff;
	s23 =	sld [smem:$0x3]  }
0x1ec: {  	s8 =	sld [smem:$0x0];
	v8 =	vadd.f32 v8, v7  }
0x1ed: {  	s24 =	simm.s32 $0x200;
	s2 =	sshra.s32 s18, $0x2;
	s13 =	sld [smem:$0x83]  }
0x1ee: {  	s5 =	sand.u32 $0x200, s24;
	s2 =	sadd.s32 s2, s4;
	v8 =	vmul.f32 s23, v8  }
0x1ef: {  	s25 =	simm.s32 $0x280;
	s16 =	sadd.s32 s5, s2  }
0x1f0: {  	s26 =	simm.s32 $0x300;
	s5 =	sand.u32 $0x280, s25;
	v12 =	vld.idx.msk [tilespmem:v4+s16+$0x180 ss:$0x1], $0xffff;
	s18 =	sld [smem:$0x1];
	v8 =	vadd.f32 s13, v8  }
0x1f1: {  	s3 =	sand.u32 $0x300, s26;
	s17 =	sadd.s32 s5, s2;
	v13 =	vld.idx.msk [tilespmem:v4+s16+$0x0 ss:$0x1], $0xffff;
	s23 =	sld [smem:$0x2]  }
0x1f2: {  	v9 =	vadd.f32 v9, v7;
	v14 =	vld.idx.msk [tilespmem:v4+s17+$0x0 ss:$0x1], $0xffff;
	s13 =	sadd.s32 s3, s2;
	s3 =	sld [smem:$0x80];
	v8 =	vmul.f32 v8, v6  }
0x1f3: {  	s30 =	simm.s32 $0x1;
	v10 =	vadd.f32 v10, v7;
	v15 =	vld.idx.msk [tilespmem:v4+s13+$0x0 ss:$0x1], $0xffff;
	s24 =	sld [smem:$0x81]  }
0x1f4: {  	v11 =	vadd.f32 v11, v7;
	v9 =	vmul.f32 s8, v9;
	s2 =	smul.u32 $0x6000, s30;
	s25 =	sld [smem:$0x82];
	v8 =	vadd.f32 v8, v5  }
0x1f5: {  	v10 =	vmul.f32 s18, v10;
	s26 =	sld [smem:$0x7]  }
0x1f6: {  	s5 =	simm.s32 $0x400;
	v12 =	vadd.f32 v12, v7;
	v11 =	vmul.f32 s23, v11;
	s2 =	sshra.s32 s2, $0x2;
	v9 =	vadd.f32 s3, v9;
	s29 =	sld [smem:$0x4];
	[tilespmem:v4+s28+$0x180 ss:$0x1] =	vst.idx.msk $0xffff, v8  }
0x1f7: {  	s8 =	sand.u32 $0x200, s5;
	s30 =	sadd.s32 s2, s4;
	v10 =	vadd.f32 s24, v10;
	s0 =	sld [smem:$0x87]  }
0x1f8: {  	s23 =	simm.s32 $0x480;
	s2 =	sadd.s32 s8, s30;
	v16 =	vmul.f32 v9, v6;
	v17 =	vadd.f32 s25, v11;
	v12 =	vmul.f32 s26, v12  }
0x1f9: {  	s18 =	simm.s32 $0x6;
	v13 =	vadd.f32 v13, v7;
	s3 =	sand.u32 $0x280, s23;
	v11 =	vadd.f32 v14, v7;
	v14 =	vmul.f32 v10, v6;
	v8 =	vld.idx.msk [tilespmem:v4+s2+$0x180 ss:$0x1], $0xffff  }
0x1fa: {  	s25 =	sadd.s32 s3, s30;
	s26 =	simm.s32 $0x500;
	v17 =	vmul.f32 v17, v6;
	v19 =	vadd.f32 v16, v5;
	s24 =	sld [smem:$0x5];
	v9 =	vld.idx.msk [tilespmem:v4+s2+$0x0 ss:$0x1], $0xffff;
	v18 =	vadd.f32 s0, v12  }
0x1fb: {  	s8 =	simm.s32 $0x8;
	v15 =	vadd.f32 v15, v7;
	s23 =	sand.u32 $0x300, s26;
	v14 =	vadd.f32 v14, v5;
	s3 =	sld [smem:$0x6];
	v10 =	vld.idx.msk [tilespmem:v4+s25+$0x0 ss:$0x1], $0xffff  }
0x1fc: {  	s23 =	sadd.s32 s23, s30;
	s26 =	sld [smem:$0x84];
	v12 =	vmul.f32 s29, v13;
	s29 =	simm.s32 $0x86;
	v13 =	vadd.f32 v17, v5;
	[tilespmem:v4+s28+$0x0 ss:$0x1] =	vst.idx.msk $0xffff, v19;
	v16 =	vmul.f32 v18, v6  }
.LBB2_17:
0x1fd: {  	s8 =	sadd.s32 $0x4, s8;
	s28 =	sld [smem:s29+$0xFFFFFFFF]  }
0x1fe: {  	v17 =	vld.idx.msk [tilespmem:v4+s23+$0x0 ss:$0x1], $0xffff;
	v11 =	vmul.f32 s24, v11;
	[tilespmem:v4+s15+$0x0 ss:$0x1] =	vst.idx.msk $0xffff, v14;
	s15 =	smov.u32 s17;
	s17 =	smov.u32 s25;
	s18 =	sadd.s32 $0x4, s18  }
0x1ff: {  	s5 =	sadd.s32 $0x200, s5;
	s24 =	sshrl.u32 s8, $0x3;
	s25 =	sld [smem:s29+$0x0];
	v14 =	vmul.f32 s3, v15;
	v15 =	vadd.f32 v16, v5;
	[tilespmem:v4+s7+$0x0 ss:$0x1] =	vst.idx.msk $0xffff, v13  }
0x200: {  	p0 =	slt.u32 s8, $0x1C;
	s3 =	smul.u32 $0x6000, s24;
	s24 =	sld [smem:s18+$0x1];
	v12 =	vadd.f32 s26, v12  }
0x201: {  	s29 =	sadd.s32 $0x4, s29;
	s7 =	smov.u32 s13;
	v8 =	vadd.f32 v8, v7;
	s26 =	sld [smem:s18+$0xFFFFFFFE];
	v13 =	vadd.f32 s28, v11;
	[tilespmem:v4+s16+$0x180 ss:$0x1] =	vst.idx.msk $0xffff, v15  }
0x202: {  	v9 =	vadd.f32 v9, v7;
	s3 =	sshra.s32 s3, $0x2;
	s13 =	sld [smem:s29+$0x1];
	v16 =	vmul.f32 v12, v6;
	v14 =	vadd.f32 s25, v14;
	s25 =	sand.u32 $0x200, s5  }
.Ltmp7:
0x203: {  	v11 =	vadd.f32 v10, v7;
	s28 =	sadd.s32 s3, s4;
	s3 =	sadd.s32 $0x80, s5;
	v10 =	vmul.f32 s24, v8;
	v13 =	vmul.f32 v13, v6;
	(pc) =	sbr.rel @p0 .LBB2_17-.Ltmp7, $4  }
0x204: {  	s24 =	sadd.s32 $0x100, s5;
	v15 =	vadd.f32 v17, v7;
	s30 =	sadd.s32 s25, s28;
	s3 =	sand.u32 $0x280, s3;
	v12 =	vmul.f32 s26, v9;
	v17 =	vmul.f32 v14, v6  }
0x205: {  	s26 =	sand.u32 $0x300, s24;
	v19 =	vadd.f32 v16, v5;
	s25 =	sadd.s32 s3, s28;
	v8 =	vld.idx.msk [tilespmem:v4+s30+$0x180 ss:$0x1], $0xffff;
	s24 =	sld [smem:s18+$0xFFFFFFFF];
	v18 =	vadd.f32 s13, v10  }
0x206: {  	v14 =	vadd.f32 v13, v5;
	s13 =	smov.u32 s23;
	s23 =	sadd.s32 s26, s28;
	v9 =	vld.idx.msk [tilespmem:v4+s30+$0x0 ss:$0x1], $0xffff;
	s3 =	sld [smem:s18+$0x0];
	v13 =	vadd.f32 v17, v5  }
0x207: {  	v10 =	vld.idx.msk [tilespmem:v4+s25+$0x0 ss:$0x1], $0xffff;
	s26 =	sld [smem:s29+$0xFFFFFFFE];
	v16 =	vmul.f32 v18, v6;
	[tilespmem:v4+s16+$0x0 ss:$0x1] =	vst.idx.msk $0xffff, v19;
	s16 =	smov.u32 s2;
	s2 =	smov.u32 s30  }
0x208: {  	_ = 	snop  }
0x209: {  	s4 =	sld [smem:s29+$0xFFFFFFFF]  }
0x20a: {  	s5 =	sld [smem:s29+$0x0];
	s8 =	sadd.s32 $0x4, s18  }
0x20b: {  	s18 =	sld [smem:s8+$0x1]  }
0x20c: {  	v11 =	vmul.f32 s24, v11;
	v17 =	vld.idx.msk [tilespmem:v4+s23+$0x0 ss:$0x1], $0xffff;
	s30 =	sadd.s32 $0x4, s29;
	s24 =	sld [smem:s8+$0xFFFFFFFE]  }
0x20d: {  	v15 =	vmul.f32 s3, v15;
	s0 =	sld [smem:s30+$0x1];
	v16 =	vadd.f32 v16, v5;
	v12 =	vadd.f32 s26, v12  }
0x20e: {  	s28 =	sld [smem:s30+$0xFFFFFFFE];
	v8 =	vadd.f32 v8, v7;
	v11 =	vadd.f32 s4, v11  }
0x20f: {  	s26 =	sld [smem:s8+$0xFFFFFFFF];
	v15 =	vadd.f32 s5, v15;
	v9 =	vadd.f32 v9, v7  }
0x210: {  	s8 =	sld [smem:s8+$0x0];
	v12 =	vmul.f32 v12, v6;
	v10 =	vadd.f32 v10, v7;
	v8 =	vmul.f32 s18, v8  }
0x211: {  	s29 =	sld [smem:s30+$0xFFFFFFFF];
	v11 =	vmul.f32 v11, v6;
	v9 =	vmul.f32 s24, v9;
	v58 =	vadd.f32 v17, v7  }
0x212: {  	[tilespmem:v4+s15+$0x0 ss:$0x1] =	vst.idx.msk $0xffff, v14;
	s30 =	sld [smem:s30+$0x0];
	v59 =	vmul.f32 v15, v6;
	v8 =	vadd.f32 s0, v8;
	v10 =	vmul.f32 s26, v10  }
0x213: {  	[tilespmem:v4+s7+$0x0 ss:$0x1] =	vst.idx.msk $0xffff, v13;
	v12 =	vadd.f32 v12, v5;
	v7 =	vmul.f32 s8, v58;
	v9 =	vadd.f32 s28, v9  }
0x214: {  	[tilespmem:v4+s16+$0x180 ss:$0x1] =	vst.idx.msk $0xffff, v16;
	v11 =	vadd.f32 v11, v5;
	v8 =	vmul.f32 v8, v6;
	v10 =	vadd.f32 s29, v10  }
0x215: {  	s14 =	sadd.s32 $0x1, s14;
	v60 =	vadd.f32 v59, v5;
	[tilespmem:v4+s16+$0x0 ss:$0x1] =	vst.idx.msk $0xffff, v12;
	v9 =	vmul.f32 v9, v6;
	v7 =	vadd.f32 s30, v7  }
0x216: {  	p0 =	sne.s32 s14, $0x30;
	[tilespmem:v4+s17+$0x0 ss:$0x1] =	vst.idx.msk $0xffff, v11;
	v8 =	vadd.f32 v8, v5;
	v10 =	vmul.f32 v10, v6  }
.Ltmp8:
0x217: {  	[tilespmem:v4+s13+$0x0 ss:$0x1] =	vst.idx.msk $0xffff, v60;
	v61 =	vmul.f32 v7, v6;
	v62 =	vadd.f32 v9, v5;
	(pc) =	sbr.rel @p0 .LBB2_16-.Ltmp8, $4  }
0x218: {  	[tilespmem:v4+s2+$0x180 ss:$0x1] =	vst.idx.msk $0xffff, v8;
	v63 =	vadd.f32 v10, v5  }
0x219: {  	v5 =	vadd.f32 v61, v5;
	[tilespmem:v4+s2+$0x0 ss:$0x1] =	vst.idx.msk $0xffff, v62  }
0x21a: {  	[tilespmem:v4+s25+$0x0 ss:$0x1] =	vst.idx.msk $0xffff, v63  }
0x21b: {  	[tilespmem:v4+s23+$0x0 ss:$0x1] =	vst.idx.msk $0xffff, v5  }
0x21c: {  	s0 =	rddreg [dreg:$0x6]  }
0x21d: {  	s2 =	sadd.s32 s0, s12  }
0x21e: {  	s3 =	sand.u32 $0x70, s11;
	s2 =	smul.u32 $0x1800, s2  }
0x21f: {  	s15 =	smul.u32 $0xC0400, s3  }
0x220: {  	s11 =	sor.u32 $0x400, s2  }
0x221: {  	s2 =	sadd.s32 s15, s11  }
0x222: {  	s5 =	simm.s32 $0x1800;
	s7 =	simm.s32 $0xC0400;
	s2 =	sshrl.u32 s2, $0x3  }
0x223: {  	s4 =	simm.s32 $0x4000;
	s8 =	simm.s32 $0x8;
	s2 =	sadd.s32 s6, s2  }
0x224: {  	[hbm4b:s2+s5] =	stream.strided.scatter [tilespmem:s4], [sflag:$0x5], $0x6000, s7, s5, $0x38;
	[tilespmem:$0x1FA00] =	vst v63  }
0x225: {  	s12 =	sshllo.u32 s9, $0x2;
	_ =	swait.ge [sflag:s8], $0x6000  }
0x226: {  	s2 =	sshll.u32 s12, $0x7;
	[sflag:s8] =	ssyncset.done $0x0  }
0x227: {  	s2 =	sand.u32 $0x3FFFFF80, s2;
	[sflag:s8] =	ssyncadd.s32 $0xFFFFA000  }
0x228: {  	v4 =	vld [tilespmem:s2+$0x0];
	_ =	sdelay $0x4  }
0x229: {  	v5 =	vshrl.u32 v4, $0x3  }
0x22a: {  	v5 =	vmul.u32 $0x30, v5  }
0x22b: {  	v4 =	vand.u32 $0x7, v4  }
0x22c: {  	v4 =	vor.u32 v4, v5  }
0x22d: {  	v5 =	vperm.xlane v4, v0;
	_ =	sdelay $0x1  }
0x22e: {  	v5 =	vadd.s32 v1, v5;
	_ =	sdelay $0x3  }
0x22f: {  	s16 =	simm.s32 $0x0;
	v4 =	vperm.xlane v4, v2  }
0x230: {  	[tilespmem:s31], [sflag:$0x4] =	stream.indirect_vreg.gather [hbm4b:s1+s16], $0x80, v5, vm0, $0xb8;
	[tilespmem:$0x1FA00] =	vst v63  }
0x231: {  	s13 =	simm.s32 $0x16800;
	v4 =	vadd.s32 v1, v4  }
0x232: {  	[tilespmem:s13], [sflag:$0x4] =	stream.indirect_vreg.gather [hbm4b:s19+s16], $0x80, v5, vm0, $0xb8;
	[tilespmem:$0x1FA00] =	vst v63  }
0x233: {  	s14 =	simm.s32 $0x17000  }
0x234: {  	[tilespmem:s14], [sflag:$0x4] =	stream.indirect_vreg.gather [hbm4b:s20+s16], $0x80, v5, vm0, $0xb8;
	[tilespmem:$0x1FA00] =	vst v63  }
0x235: {  	s17 =	simm.s32 $0x17800  }
0x236: {  	[tilespmem:s17], [sflag:$0x4] =	stream.indirect_vreg.gather [hbm4b:s1+s16], $0x80, v4, vm0, $0xb8;
	[tilespmem:$0x1FA00] =	vst v63  }
0x237: {  	s18 =	simm.s32 $0x18000  }
0x238: {  	[tilespmem:s18], [sflag:$0x4] =	stream.indirect_vreg.gather [hbm4b:s19+s16], $0x80, v4, vm0, $0xb8;
	[tilespmem:$0x1FA00] =	vst v63  }
0x239: {  	s23 =	simm.s32 $0x18800  }
0x23a: {  	[tilespmem:s23], [sflag:$0x4] =	stream.indirect_vreg.gather [hbm4b:s20+s16], $0x80, v4, vm0, $0xb8;
	[tilespmem:$0x1FA00] =	vst v63  }
0x23b: {  	v4 =	vld [tilespmem:s2+$0x10];
	_ =	sdelay $0x4  }
0x23c: {  	v5 =	vshrl.u32 v4, $0x3  }
0x23d: {  	v5 =	vmul.u32 $0x30, v5  }
0x23e: {  	v4 =	vand.u32 $0x7, v4  }
0x23f: {  	v4 =	vor.u32 v4, v5  }
0x240: {  	v5 =	vperm.xlane v4, v0;
	_ =	sdelay $0x1  }
0x241: {  	v5 =	vadd.s32 v1, v5;
	_ =	sdelay $0x3  }
0x242: {  	s24 =	simm.s32 $0x19000;
	v4 =	vperm.xlane v4, v2  }
0x243: {  	[tilespmem:s24], [sflag:$0x4] =	stream.indirect_vreg.gather [hbm4b:s1+s16], $0x80, v5, vm0, $0xb8;
	[tilespmem:$0x1FA00] =	vst v63  }
0x244: {  	s25 =	simm.s32 $0x19800;
	v4 =	vadd.s32 v1, v4  }
0x245: {  	[tilespmem:s25], [sflag:$0x4] =	stream.indirect_vreg.gather [hbm4b:s19+s16], $0x80, v5, vm0, $0xb8;
	[tilespmem:$0x1FA00] =	vst v63  }
0x246: {  	s26 =	simm.s32 $0x1A000  }
0x247: {  	[tilespmem:s26], [sflag:$0x4] =	stream.indirect_vreg.gather [hbm4b:s20+s16], $0x80, v5, vm0, $0xb8;
	[tilespmem:$0x1FA00] =	vst v63  }
0x248: {  	s28 =	simm.s32 $0x1A800  }
0x249: {  	[tilespmem:s28], [sflag:$0x4] =	stream.indirect_vreg.gather [hbm4b:s1+s16], $0x80, v4, vm0, $0xb8;
	[tilespmem:$0x1FA00] =	vst v63  }
0x24a: {  	s29 =	simm.s32 $0x1B000  }
0x24b: {  	[tilespmem:s29], [sflag:$0x4] =	stream.indirect_vreg.gather [hbm4b:s19+s16], $0x80, v4, vm0, $0xb8;
	[tilespmem:$0x1FA00] =	vst v63  }
0x24c: {  	s30 =	simm.s32 $0x1B800;
	[dreg:$0x14] =	wrdreg s12;
	s31 =	simm.s32 $0x2  }
0x24d: {  	[tilespmem:s30], [sflag:$0x4] =	stream.indirect_vreg.gather [hbm4b:s20+s16], $0x80, v4, vm0, $0xb8;
	[tilespmem:$0x1FA00] =	vst v63  }
0x24e: {  	_ =	swait.ge [sflag:s31], $0x6000  }
0x24f: {  	[sflag:s31] =	ssyncset.done $0x0  }
0x250: {  	s14 =	sshll.u32 s9, $0x2;
	s2 =	simm.s32 $0x0;
	[sflag:s31] =	ssyncadd.s32 $0xFFFFA000  }
.LBB2_20:
0x251: {  	s3 =	sshrl.u32 s2, $0x3  }
0x252: {  	s4 =	sshll.u32 s2, $0x7;
	s3 =	smul.u32 $0x6000, s3  }
0x253: {  	s7 =	simm.s32 $0x0;
	s26 =	simm.s32 $0x0;
	s5 =	sand.u32 $0x380, s4  }
0x254: {  	s25 =	sand.u32 $0x3FFFFC00, s7;
	s7 =	sand.u32 $0x3FFFFE00, s26;
	s3 =	sshra.s32 s3, $0x2  }
0x255: {  	s13 =	sand.u32 $0x40, s16;
	s7 =	sadd.s32 s7, s10;
	s3 =	sor.u32 s5, s3  }
0x256: {  	s18 =	sor.u32 $0x20, s13;
	s28 =	sadd.s32 s13, s7;
	s5 =	sadd.s32 $0xA000, s3  }
0x257: {  	s0 =	sadd.s32 s18, s7;
	v5 =	vld [tilespmem:s28+$0x0];
	s3 =	sadd.s32 s25, s5  }
0x258: {  	s17 =	sor.u32 $0x10, s13;
	v15 =	vld [tilespmem:s0+$0x0];
	s8 =	sadd.s32 s13, s3  }
0x259: {  	s29 =	sadd.s32 s17, s3;
	v4 =	vld [tilespmem:s8+$0x0]  }
0x25a: {  	s30 =	simm.s32 $0x40;
	s23 =	simm.s32 $0x200;
	s17 =	sadd.s32 s17, s7;
	v8 =	vld [tilespmem:s29+$0x0]  }
0x25b: {  	s24 =	simm.s32 $0x100;
	s12 =	sor.u32 $0x30, s13;
	s31 =	sadd.s32 s18, s3;
	v10 =	vld [tilespmem:s17+$0x0]  }
0x25c: {  	s23 =	sand.u32 $0x3FFFFC00, s23;
	s26 =	sadd.s32 s12, s7;
	s25 =	sand.u32 $0x3FFFFE00, s24;
	v14 =	vld [tilespmem:s31+$0x0]  }
0x25d: {  	v7 =	vld [tilespmem:s26+$0x0];
	s3 =	sadd.s32 s12, s3;
	s13 =	sadd.s32 s23, s5;
	s8 =	sand.u32 $0x40, s30  }
0x25e: {  	s7 =	sadd.s32 s25, s10;
	v6 =	vld [tilespmem:s3+$0x0];
	s28 =	sadd.s32 s8, s13  }
0x25f: {  	s29 =	sadd.s32 s8, s7;
	s30 =	sor.u32 $0x10, s8;
	v9 =	vadd.f32 v5, v4;
	v5 =	vld [tilespmem:s28+$0x0]  }
0x260: {  	v12 =	vimm.f32 $0.0e+00;
	s18 =	simm.s32 $0x80;
	s31 =	sadd.s32 s30, s13;
	v11 =	vadd.f32 v10, v8;
	v8 =	vld [tilespmem:s29+$0x0]  }
0x261: {  	s17 =	simm.s32 $0x4;
	s3 =	sor.u32 $0x20, s8;
	s23 =	sadd.s32 s30, s7;
	v4 =	vld [tilespmem:s31+$0x0];
	v10 =	vadd.f32 v15, v14;
	v14 =	vimm.f32 $0.0e+00;
	v13 =	vmul.f32 v9, v9  }
.LBB2_21:
0x262: {  	s17 =	sadd.s32 $0x4, s17;
	s24 =	sand.u32 $0x40, s18  }
0x263: {  	v15 =	vld [tilespmem:s23+$0x0];
	s23 =	sadd.s32 s3, s13;
	v9 =	vadd.f32 v9, v12;
	v12 =	vadd.f32 v13, v14;
	v13 =	vmul.f32 v11, v11;
	s3 =	sadd.s32 s3, s7;
	s25 =	sshll.u32 s17, $0x7  }
0x264: {  	s8 =	sor.u32 $0x30, s8;
	v16 =	vld [tilespmem:s23+$0x0];
	v14 =	vadd.f32 v7, v6;
	p0 =	slt.u32 s17, $0x2C;
	s23 =	sand.u32 $0x3FFFFC00, s25  }
0x265: {  	s25 =	sshll.u32 s17, $0x6;
	v17 =	vld [tilespmem:s3+$0x0];
	s3 =	sadd.s32 s8, s13;
	v11 =	vadd.f32 v11, v9;
	v12 =	vadd.f32 v13, v12;
	v13 =	vmul.f32 v10, v10;
	s13 =	sadd.s32 s23, s5  }
.Ltmp9:
0x266: {  	s23 =	sand.u32 $0x3FFFFE00, s25;
	v9 =	vadd.f32 v8, v5;
	v6 =	vld [tilespmem:s3+$0x0];
	s3 =	sadd.s32 s8, s7;
	(pc) =	sbr.rel @p0 .LBB2_21-.Ltmp9, $4  }
0x267: {  	v19 =	vmul.f32 v14, v14;
	s8 =	sadd.s32 s24, s13;
	s7 =	sadd.s32 s23, s10;
	v7 =	vld [tilespmem:s3+$0x0];
	v10 =	vadd.f32 v10, v11;
	v18 =	vadd.f32 v13, v12  }
0x268: {  	s23 =	sor.u32 $0x10, s24;
	v5 =	vld [tilespmem:s8+$0x0];
	s3 =	sadd.s32 s24, s7;
	v11 =	vadd.f32 v15, v4;
	s8 =	smov.u32 s24  }
0x269: {  	v13 =	vmul.f32 v9, v9;
	v8 =	vld [tilespmem:s3+$0x0];
	s3 =	sadd.s32 s23, s13;
	v12 =	vadd.f32 v14, v10;
	v14 =	vadd.f32 v19, v18  }
0x26a: {  	s18 =	sadd.s32 $0x40, s18;
	s23 =	sadd.s32 s23, s7;
	v4 =	vld [tilespmem:s3+$0x0];
	s3 =	sor.u32 $0x20, s8;
	v10 =	vadd.f32 v17, v16  }
0x26b: {  	v9 =	vadd.f32 v9, v12  }
0x26c: {  	v48 =	vadd.f32 v13, v14;
	v49 =	vmul.f32 v11, v11  }
0x26d: {  	v50 =	vld [tilespmem:s23+$0x0];
	s5 =	sadd.s32 s3, s13;
	v9 =	vadd.f32 v11, v9  }
0x26e: {  	s28 =	sadd.s32 s3, s7;
	s29 =	sor.u32 $0x30, s8;
	v51 =	vld [tilespmem:s5+$0x0];
	v6 =	vadd.f32 v7, v6;
	v53 =	vmul.f32 v10, v10;
	v52 =	vadd.f32 v49, v48  }
0x26f: {  	v54 =	vld [tilespmem:s28+$0x0];
	s30 =	sadd.s32 s29, s13;
	v9 =	vadd.f32 v10, v9  }
0x270: {  	s31 =	sadd.s32 s29, s7;
	v55 =	vld [tilespmem:s30+$0x0];
	v5 =	vadd.f32 v8, v5;
	v56 =	vmul.f32 v6, v6;
	v7 =	vadd.f32 v53, v52  }
0x271: {  	v57 =	vld [tilespmem:s31+$0x0];
	v6 =	vadd.f32 v6, v9  }
0x272: {  	v4 =	vadd.f32 v50, v4;
	v58 =	vmul.f32 v5, v5;
	v7 =	vadd.f32 v56, v7  }
0x273: {  	v5 =	vadd.f32 v5, v6  }
0x274: {  	v59 =	vadd.f32 v54, v51;
	v60 =	vmul.f32 v4, v4;
	v7 =	vadd.f32 v58, v7  }
0x275: {  	v4 =	vadd.f32 v4, v5  }
0x276: {  	s2 =	sadd.s32 $0x1, s2;
	v61 =	vmul.f32 v59, v59;
	v5 =	vadd.f32 v57, v55;
	v7 =	vadd.f32 v60, v7  }
0x277: {  	p0 =	sne.s32 s2, $0x20;
	v4 =	vadd.f32 v59, v4  }
.Ltmp10:
0x278: {  	v62 =	vadd.f32 v61, v7;
	v63 =	vmul.f32 v5, v5;
	(pc) =	sbr.rel @p0 .LBB2_20-.Ltmp10, $4  }
0x279: {  	v4 =	vadd.f32 v5, v4  }
0x27a: {  	v5 =	vadd.f32 v63, v62  }
0x27b: {  	[tilespmem:s4+$0x1D200] =	vst v4  }
0x27c: {  	[tilespmem:s4+$0x1E200] =	vst v5  }
0x27d: {  	s16 =	simm.s32 $0x0;
	p0 =	por $0x1, $0x1;
	s17 =	simm.s32 $0x0  }
.LBB2_24:
0x27e: {  	v4 =	vmov s17  }
0x27f: {  	v4 =	vshll.u32 v4, $0x7  }
0x280: {  	v4 =	vor.u32 v3, v4;
	_ =	sdelay $0x1  }
0x281: {  	v5 =	vor.u32 $0x1, v4;
	_ =	sdelay $0x1  }
0x282: {  	v6 =	vor.u32 $0x2, v4  }
0x283: {  	v7 =	vld.idx.msk [tilespmem:v4+s21+$0x0], $0xffff  }
0x284: {  	v9 =	vor.u32 $0x3, v4;
	v8 =	vld.idx.msk [tilespmem:v4+s22+$0x0], $0xffff  }
0x285: {  	v10 =	vld.idx.msk [tilespmem:v5+s21+$0x0], $0xffff  }
0x286: {  	v11 =	vor.u32 $0x4, v4;
	v5 =	vld.idx.msk [tilespmem:v5+s22+$0x0], $0xffff  }
0x287: {  	v12 =	vld.idx.msk [tilespmem:v6+s21+$0x0], $0xffff  }
0x288: {  	v13 =	vor.u32 $0x5, v4;
	v6 =	vld.idx.msk [tilespmem:v6+s22+$0x0], $0xffff;
	v7 =	vadd.f32 $0.0e+00, v7  }
0x289: {  	v14 =	vld.idx.msk [tilespmem:v9+s21+$0x0], $0xffff  }
0x28a: {  	v30 =	vor.u32 $0x6, v4;
	v9 =	vld.idx.msk [tilespmem:v9+s22+$0x0], $0xffff;
	v8 =	vadd.f32 $0.0e+00, v8;
	v7 =	vadd.f32 v10, v7  }
0x28b: {  	v15 =	vld.idx.msk [tilespmem:v11+s21+$0x0], $0xffff  }
0x28c: {  	v32 =	vor.u32 $0x7, v4;
	v31 =	vld.idx.msk [tilespmem:v11+s22+$0x0], $0xffff;
	v5 =	vadd.f32 v5, v8;
	v7 =	vadd.f32 v12, v7  }
0x28d: {  	v33 =	vld.idx.msk [tilespmem:v13+s21+$0x0], $0xffff  }
0x28e: {  	v36 =	vor.u32 $0x8, v4;
	v35 =	vld.idx.msk [tilespmem:v13+s22+$0x0], $0xffff;
	v5 =	vadd.f32 v6, v5;
	v34 =	vadd.f32 v14, v7  }
0x28f: {  	v37 =	vld.idx.msk [tilespmem:v30+s21+$0x0], $0xffff  }
0x290: {  	v39 =	vor.u32 $0x9, v4;
	v38 =	vld.idx.msk [tilespmem:v30+s22+$0x0], $0xffff;
	v5 =	vadd.f32 v9, v5;
	v6 =	vadd.f32 v15, v34  }
0x291: {  	v40 =	vld.idx.msk [tilespmem:v32+s21+$0x0], $0xffff  }
0x292: {  	v42 =	vor.u32 $0xA, v4;
	v41 =	vld.idx.msk [tilespmem:v32+s22+$0x0], $0xffff;
	v5 =	vadd.f32 v31, v5;
	v6 =	vadd.f32 v33, v6  }
0x293: {  	v43 =	vld.idx.msk [tilespmem:v36+s21+$0x0], $0xffff  }
0x294: {  	v45 =	vor.u32 $0xB, v4;
	v44 =	vld.idx.msk [tilespmem:v36+s22+$0x0], $0xffff;
	v5 =	vadd.f32 v35, v5;
	v6 =	vadd.f32 v37, v6  }
0x295: {  	v46 =	vld.idx.msk [tilespmem:v39+s21+$0x0], $0xffff  }
0x296: {  	v48 =	vor.u32 $0xC, v4;
	v47 =	vld.idx.msk [tilespmem:v39+s22+$0x0], $0xffff;
	v5 =	vadd.f32 v38, v5;
	v6 =	vadd.f32 v40, v6  }
0x297: {  	v49 =	vld.idx.msk [tilespmem:v42+s21+$0x0], $0xffff  }
0x298: {  	v51 =	vor.u32 $0xD, v4;
	v50 =	vld.idx.msk [tilespmem:v42+s22+$0x0], $0xffff;
	v5 =	vadd.f32 v41, v5;
	v6 =	vadd.f32 v43, v6  }
0x299: {  	v52 =	vld.idx.msk [tilespmem:v45+s21+$0x0], $0xffff  }
0x29a: {  	v54 =	vor.u32 $0xE, v4;
	v53 =	vld.idx.msk [tilespmem:v45+s22+$0x0], $0xffff;
	v5 =	vadd.f32 v44, v5;
	v6 =	vadd.f32 v46, v6  }
0x29b: {  	v55 =	vld.idx.msk [tilespmem:v48+s21+$0x0], $0xffff  }
0x29c: {  	v4 =	vor.u32 $0xF, v4;
	v56 =	vld.idx.msk [tilespmem:v48+s22+$0x0], $0xffff;
	v5 =	vadd.f32 v47, v5;
	v6 =	vadd.f32 v49, v6  }
0x29d: {  	v57 =	vld.idx.msk [tilespmem:v51+s21+$0x0], $0xffff  }
0x29e: {  	v58 =	vld.idx.msk [tilespmem:v51+s22+$0x0], $0xffff;
	v5 =	vadd.f32 v50, v5;
	v6 =	vadd.f32 v52, v6  }
0x29f: {  	v59 =	vld.idx.msk [tilespmem:v54+s21+$0x0], $0xffff  }
0x2a0: {  	v60 =	vld.idx.msk [tilespmem:v54+s22+$0x0], $0xffff;
	v5 =	vadd.f32 v53, v5;
	v6 =	vadd.f32 v55, v6  }
0x2a1: {  	v61 =	vld.idx.msk [tilespmem:v4+s21+$0x0], $0xffff  }
0x2a2: {  	v5 =	vadd.f32 v56, v5;
	v6 =	vadd.f32 v57, v6  }
0x2a3: {  	v4 =	vld.idx.msk [tilespmem:v4+s22+$0x0], $0xffff  }
0x2a4: {  	v5 =	vadd.f32 v58, v5;
	v6 =	vadd.f32 v59, v6;
	_ =	sdelay $0x1  }
0x2a5: {  	v5 =	vadd.f32 v60, v5;
	v6 =	vadd.f32 v61, v6;
	_ =	sdelay $0x1  }
0x2a6: {  	v4 =	vadd.f32 v4, v5;
	v5 =	vmul.f32 $1.302083370e-03, v6;
	_ =	sdelay $0x1  }
0x2a7: {  	v4 =	vmul.f32 $1.302083370e-03, v4;
	v6 =	vmul.f32 v5, v5;
	_ =	sdelay $0x1  }
0x2a8: {  	v4 =	vsub.f32 v4, v6;
	_ =	sdelay $0x1  }
0x2a9: {  	v4 =	vadd.f32 $9.999999960e-13, v4;
	_ =	sdelay $0x1  }
0x2aa: {  	v62 =	vshrl.u32 v4, $0x1;
	v4 =	vmul.f32 $5.000000000e-01, v4  }
0x2ab: {  	v6 =	vsub.s32 $0x5F3759DF, v62  }
0x2ac: {  	v63 =	vmul.f32 v6, v4;
	_ =	sdelay $0x1  }
0x2ad: {  	v7 =	vmul.f32 v6, v63;
	_ =	sdelay $0x1  }
0x2ae: {  	v7 =	vsub.f32 $1.500000000e+00, v7;
	_ =	sdelay $0x1  }
0x2af: {  	v6 =	vmul.f32 v6, v7;
	_ =	sdelay $0x1  }
0x2b0: {  	v7 =	vmul.f32 v6, v4;
	_ =	sdelay $0x1  }
0x2b1: {  	v7 =	vmul.f32 v7, v6;
	_ =	sdelay $0x1  }
0x2b2: {  	v7 =	vsub.f32 $1.500000000e+00, v7;
	_ =	sdelay $0x1  }
0x2b3: {  	v6 =	vmul.f32 v7, v6;
	_ =	sdelay $0x1  }
0x2b4: {  	v4 =	vmul.f32 v6, v4;
	_ =	sdelay $0x1  }
0x2b5: {  	v4 =	vmul.f32 v4, v6;
	_ =	sdelay $0x1  }
0x2b6: {  	v4 =	vsub.f32 $1.500000000e+00, v4;
	_ =	sdelay $0x1  }
0x2b7: {  	v4 =	vmul.f32 v4, v6;
	_ =	sdelay $0x1  }
0x2b8: {  	v5 =	vmul.f32 v4, v5;
	_ =	sdelay $0x1  }
0x2b9: {  	v5 =	vsub.f32 $0.0e+00, v5  }
0x2ba: {  	(v2sf) =	vpush v4, $0x0  }
0x2bb: {  	(v2sf) =	vpush v5, $0x0  }
0x2bc: {  	(v2sf) =	vpush v4, $0x1  }
0x2bd: {  	(v2sf) =	vpush v5, $0x1  }
0x2be: {  	(v2sf) =	vpush v4, $0x2  }
0x2bf: {  	(v2sf) =	vpush v5, $0x2  }
0x2c0: {  	(v2sf) =	vpush v4, $0x3  }
0x2c1: {  	(v2sf) =	vpush v5, $0x3  }
0x2c2: {  	(v2sf) =	vpush v4, $0x4  }
0x2c3: {  	(v2sf) =	vpush v5, $0x4  }
0x2c4: {  	(v2sf) =	vpush v4, $0x5  }
0x2c5: {  	(v2sf) =	vpush v5, $0x5  }
0x2c6: {  	(v2sf) =	vpush v4, $0x6  }
0x2c7: {  	(v2sf) =	vpush v5, $0x6  }
0x2c8: {  	(v2sf) =	vpush v4, $0x7  }
0x2c9: {  	s2 =	spop (v2sf);
	(v2sf) =	vpush v5, $0x7  }
0x2ca: {  	s3 =	sadd.s32 $0x80, s17;
	[smem:s17] =	sst s2;
	s8 =	spop (v2sf);
	(v2sf) =	vpush v4, $0x8  }
0x2cb: {  	s13 =	sor.u32 $0x1, s17;
	[smem:s3] =	sst s8;
	s12 =	spop (v2sf);
	(v2sf) =	vpush v5, $0x8  }
0x2cc: {  	s23 =	sadd.s32 $0x81, s17;
	[smem:s13] =	sst s12;
	s18 =	spop (v2sf);
	(v2sf) =	vpush v4, $0x9  }
0x2cd: {  	s25 =	sor.u32 $0x2, s17;
	[smem:s23] =	sst s18;
	s24 =	spop (v2sf);
	(v2sf) =	vpush v5, $0x9  }
0x2ce: {  	s28 =	sadd.s32 $0x82, s17;
	[smem:s25] =	sst s24;
	s26 =	spop (v2sf);
	(v2sf) =	vpush v4, $0xA  }
0x2cf: {  	s30 =	sor.u32 $0x3, s17;
	[smem:s28] =	sst s26;
	s29 =	spop (v2sf);
	(v2sf) =	vpush v5, $0xA  }
0x2d0: {  	s0 =	sadd.s32 $0x83, s17;
	[smem:s30] =	sst s29;
	s31 =	spop (v2sf);
	(v2sf) =	vpush v4, $0xB  }
0x2d1: {  	s5 =	sor.u32 $0x4, s17;
	[smem:s0] =	sst s31;
	s4 =	spop (v2sf);
	(v2sf) =	vpush v5, $0xB  }
0x2d2: {  	s8 =	sadd.s32 $0x84, s17;
	[smem:s5] =	sst s4;
	s7 =	spop (v2sf);
	(v2sf) =	vpush v4, $0xC  }
0x2d3: {  	s13 =	sor.u32 $0x5, s17;
	[smem:s8] =	sst s7;
	s12 =	spop (v2sf);
	(v2sf) =	vpush v5, $0xC  }
0x2d4: {  	s23 =	sadd.s32 $0x85, s17;
	[smem:s13] =	sst s12;
	s18 =	spop (v2sf);
	(v2sf) =	vpush v4, $0xD  }
0x2d5: {  	s25 =	sor.u32 $0x6, s17;
	[smem:s23] =	sst s18;
	s24 =	spop (v2sf);
	(v2sf) =	vpush v5, $0xD  }
0x2d6: {  	s28 =	sadd.s32 $0x86, s17;
	[smem:s25] =	sst s24;
	s26 =	spop (v2sf)  }
0x2d7: {  	s30 =	sor.u32 $0x7, s17;
	(v2sf) =	vpush v4, $0xE;
	[smem:s28] =	sst s26;
	s29 =	spop (v2sf)  }
0x2d8: {  	s0 =	sadd.s32 $0x87, s17;
	(v2sf) =	vpush v5, $0xE;
	[smem:s30] =	sst s29;
	s31 =	spop (v2sf)  }
0x2d9: {  	s5 =	sor.u32 $0x8, s17;
	(v2sf) =	vpush v4, $0xF;
	[smem:s0] =	sst s31;
	s4 =	spop (v2sf)  }
0x2da: {  	s8 =	sadd.s32 $0x88, s17;
	(v2sf) =	vpush v5, $0xF;
	[smem:s5] =	sst s4;
	s7 =	spop (v2sf)  }
0x2db: {  	s13 =	sor.u32 $0x9, s17;
	[smem:s8] =	sst s7;
	s12 =	spop (v2sf)  }
0x2dc: {  	s23 =	sadd.s32 $0x89, s17;
	[smem:s13] =	sst s12;
	s18 =	spop (v2sf)  }
0x2dd: {  	s25 =	sor.u32 $0xA, s17;
	[smem:s23] =	sst s18;
	s24 =	spop (v2sf)  }
0x2de: {  	s28 =	sadd.s32 $0x8A, s17;
	[smem:s25] =	sst s24;
	s26 =	spop (v2sf)  }
0x2df: {  	s30 =	sor.u32 $0xB, s17;
	[smem:s28] =	sst s26;
	s29 =	spop (v2sf)  }
0x2e0: {  	s0 =	sadd.s32 $0x8B, s17;
	[smem:s30] =	sst s29;
	s31 =	spop (v2sf)  }
0x2e1: {  	s4 =	sor.u32 $0xC, s17;
	[smem:s0] =	sst s31;
	s3 =	spop (v2sf)  }
0x2e2: {  	s7 =	sadd.s32 $0x8C, s17;
	[smem:s4] =	sst s3;
	s5 =	spop (v2sf)  }
0x2e3: {  	s12 =	sor.u32 $0xD, s17;
	[smem:s7] =	sst s5;
	s8 =	spop (v2sf)  }
0x2e4: {  	s18 =	sadd.s32 $0x8D, s17;
	[smem:s12] =	sst s8;
	s13 =	spop (v2sf)  }
0x2e5: {  	p1 =	por p0, p0;
	[smem:s18] =	sst s13  }
.Ltmp11:
0x2e6: {  	s24 =	sor.u32 $0xE, s17;
	s23 =	spop (v2sf);
	(pc) =	sbr.rel @p1 .LBB2_24-.Ltmp11, $4  }
0x2e7: {  	s26 =	sadd.s32 $0x8E, s17;
	[smem:s24] =	sst s23;
	s25 =	spop (v2sf)  }
0x2e8: {  	s29 =	sor.u32 $0xF, s17;
	[smem:s26] =	sst s25;
	s28 =	spop (v2sf)  }
0x2e9: {  	s31 =	sadd.s32 $0x8F, s17;
	[smem:s29] =	sst s28;
	s30 =	spop (v2sf)  }
0x2ea: {  	p0 =	por $0x0, $0x0;
	s17 =	simm.s32 $0x10;
	[smem:s31] =	sst s30  }
.LBB2_25:
0x2eb: {  	s3 =	sshll.u32 s16, $0x4;
	s2 =	sshll.u32 s16, $0x6  }
0x2ec: {  	s5 =	simm.s32 $0x0;
	s4 =	sand.u32 $0x70, s3;
	s2 =	sand.u32 $0x3FFFFE00, s2  }
0x2ed: {  	s7 =	sshll.u32 s16, $0x7;
	s5 =	smul.u32 $0x6000, s5;
	s2 =	sadd.s32 s2, s10;
	v4 =	vmov s4  }
0x2ee: {  	s18 =	sand.u32 $0x3FFFFC00, s7;
	s2 =	sadd.s32 s4, s2  }
0x2ef: {  	s23 =	simm.s32 $0x0;
	s5 =	sshra.s32 s5, $0x2;
	v7 =	vld [tilespmem:s2+$0x0];
	s2 =	sadd.s32 $0xA000, s18  }
0x2f0: {  	s4 =	sand.u32 $0x200, s23;
	s5 =	sadd.s32 s5, s2  }
0x2f1: {  	v6 =	vld [tilespmem:s3+$0x1CC00];
	s30 =	sadd.s32 s4, s5  }
0x2f2: {  	s24 =	simm.s32 $0x80;
	v8 =	vld.idx.msk [tilespmem:v4+s30+$0x180 ss:$0x1], $0xffff  }
0x2f3: {  	s25 =	simm.s32 $0x100;
	v5 =	vld [tilespmem:s3+$0x1CF00];
	s3 =	sand.u32 $0x280, s24  }
0x2f4: {  	s0 =	simm.s32 $0x0;
	s26 =	sand.u32 $0x300, s25;
	s17 =	sadd.s32 s3, s5;
	v9 =	vld.idx.msk [tilespmem:v4+s30+$0x0 ss:$0x1], $0xffff  }
0x2f5: {  	s8 =	smul.u32 $0x6000, s0;
	s4 =	sadd.s32 s26, s5;
	v10 =	vld.idx.msk [tilespmem:v4+s17+$0x0 ss:$0x1], $0xffff  }
0x2f6: {  	v11 =	vld.idx.msk [tilespmem:v4+s4+$0x0 ss:$0x1], $0xffff;
	s12 =	sld [smem:$0x3]  }
0x2f7: {  	s3 =	sshra.s32 s8, $0x2;
	s8 =	sld [smem:$0x0];
	v8 =	vadd.f32 v8, v7  }
0x2f8: {  	s24 =	simm.s32 $0x200;
	s13 =	sld [smem:$0x83]  }
0x2f9: {  	s7 =	sand.u32 $0x200, s24;
	s3 =	sadd.s32 s3, s2;
	v8 =	vmul.f32 s12, v8  }
0x2fa: {  	s25 =	simm.s32 $0x280;
	s23 =	sadd.s32 s7, s3  }
0x2fb: {  	s26 =	simm.s32 $0x300;
	s7 =	sand.u32 $0x280, s25;
	v12 =	vld.idx.msk [tilespmem:v4+s23+$0x180 ss:$0x1], $0xffff;
	s18 =	sld [smem:$0x1];
	v8 =	vadd.f32 s13, v8  }
0x2fc: {  	s5 =	sand.u32 $0x300, s26;
	s7 =	sadd.s32 s7, s3;
	v13 =	vld.idx.msk [tilespmem:v4+s23+$0x0 ss:$0x1], $0xffff;
	s24 =	sld [smem:$0x2]  }
0x2fd: {  	s28 =	sadd.s32 s5, s3;
	v14 =	vld.idx.msk [tilespmem:v4+s7+$0x0 ss:$0x1], $0xffff;
	s3 =	sld [smem:$0x80];
	v9 =	vadd.f32 v9, v7;
	v8 =	vmul.f32 v8, v6  }
0x2fe: {  	s0 =	simm.s32 $0x1;
	v15 =	vld.idx.msk [tilespmem:v4+s28+$0x0 ss:$0x1], $0xffff;
	v10 =	vadd.f32 v10, v7;
	s5 =	sld [smem:$0x81]  }
0x2ff: {  	v11 =	vadd.f32 v11, v7;
	s26 =	sld [smem:$0x82];
	v9 =	vmul.f32 s8, v9;
	s13 =	smul.u32 $0x6000, s0;
	v8 =	vadd.f32 v8, v5  }
0x300: {  	v10 =	vmul.f32 s18, v10;
	s29 =	sld [smem:$0x7]  }
0x301: {  	s25 =	simm.s32 $0x400;
	v11 =	vmul.f32 s24, v11;
	v12 =	vadd.f32 v12, v7;
	s0 =	sld [smem:$0x4];
	v9 =	vadd.f32 s3, v9;
	s13 =	sshra.s32 s13, $0x2;
	[tilespmem:v4+s30+$0x180 ss:$0x1] =	vst.idx.msk $0xffff, v8  }
0x302: {  	s8 =	sand.u32 $0x200, s25;
	v10 =	vadd.f32 s5, v10;
	s12 =	sadd.s32 s13, s2;
	s18 =	sld [smem:$0x87]  }
0x303: {  	v17 =	vadd.f32 s26, v11;
	v16 =	vmul.f32 v9, v6;
	v12 =	vmul.f32 s29, v12;
	s13 =	sadd.s32 s8, s12;
	s8 =	simm.s32 $0x480  }
0x304: {  	s24 =	simm.s32 $0x500;
	v13 =	vadd.f32 v13, v7;
	v11 =	vadd.f32 v14, v7;
	v14 =	vmul.f32 v10, v6;
	s5 =	sand.u32 $0x280, s8;
	v8 =	vld.idx.msk [tilespmem:v4+s13+$0x180 ss:$0x1], $0xffff  }
0x305: {  	v17 =	vmul.f32 v17, v6;
	v19 =	vadd.f32 v16, v5;
	s8 =	simm.s32 $0x86;
	s29 =	sadd.s32 s5, s12;
	s3 =	sld [smem:$0x5];
	v9 =	vld.idx.msk [tilespmem:v4+s13+$0x0 ss:$0x1], $0xffff;
	v18 =	vadd.f32 s18, v12  }
0x306: {  	v15 =	vadd.f32 v15, v7;
	v14 =	vadd.f32 v14, v5;
	s5 =	sand.u32 $0x300, s24;
	s24 =	simm.s32 $0x6;
	s26 =	sld [smem:$0x6];
	v10 =	vld.idx.msk [tilespmem:v4+s29+$0x0 ss:$0x1], $0xffff  }
0x307: {  	s5 =	sadd.s32 s5, s12;
	s18 =	simm.s32 $0x8;
	s31 =	sld [smem:$0x84];
	v12 =	vmul.f32 s0, v13;
	v13 =	vadd.f32 v17, v5;
	[tilespmem:v4+s30+$0x0 ss:$0x1] =	vst.idx.msk $0xffff, v19;
	v16 =	vmul.f32 v18, v6  }
.LBB2_26:
0x308: {  	s18 =	sadd.s32 $0x4, s18;
	s0 =	sld [smem:s8+$0xFFFFFFFF]  }
0x309: {  	v17 =	vld.idx.msk [tilespmem:v4+s5+$0x0 ss:$0x1], $0xffff;
	v11 =	vmul.f32 s3, v11;
	[tilespmem:v4+s17+$0x0 ss:$0x1] =	vst.idx.msk $0xffff, v14;
	s17 =	smov.u32 s7;
	s7 =	smov.u32 s29;
	s24 =	sadd.s32 $0x4, s24  }
0x30a: {  	s25 =	sadd.s32 $0x200, s25;
	s3 =	sshrl.u32 s18, $0x3;
	s12 =	sld [smem:s8+$0x0];
	v14 =	vmul.f32 s26, v15;
	v15 =	vadd.f32 v16, v5;
	[tilespmem:v4+s4+$0x0 ss:$0x1] =	vst.idx.msk $0xffff, v13  }
0x30b: {  	p0 =	slt.u32 s18, $0x1C;
	s3 =	smul.u32 $0x6000, s3;
	s26 =	sld [smem:s24+$0x1];
	v12 =	vadd.f32 s31, v12  }
0x30c: {  	s8 =	sadd.s32 $0x4, s8;
	s4 =	smov.u32 s28;
	v8 =	vadd.f32 v8, v7;
	s29 =	sld [smem:s24+$0xFFFFFFFE];
	v13 =	vadd.f32 s0, v11;
	[tilespmem:v4+s23+$0x180 ss:$0x1] =	vst.idx.msk $0xffff, v15  }
0x30d: {  	v9 =	vadd.f32 v9, v7;
	s0 =	sshra.s32 s3, $0x2;
	s28 =	sld [smem:s8+$0x1];
	v16 =	vmul.f32 v12, v6;
	v14 =	vadd.f32 s12, v14;
	s3 =	sand.u32 $0x200, s25  }
.Ltmp12:
0x30e: {  	s12 =	sadd.s32 $0x80, s25;
	v11 =	vadd.f32 v10, v7;
	s0 =	sadd.s32 s0, s2;
	v10 =	vmul.f32 s26, v8;
	v13 =	vmul.f32 v13, v6;
	(pc) =	sbr.rel @p0 .LBB2_26-.Ltmp12, $4  }
0x30f: {  	v15 =	vadd.f32 v17, v7;
	s30 =	sadd.s32 s3, s0;
	s3 =	sand.u32 $0x280, s12;
	s12 =	sadd.s32 $0x100, s25;
	v12 =	vmul.f32 s29, v9;
	v17 =	vmul.f32 v14, v6  }
0x310: {  	v19 =	vadd.f32 v16, v5;
	s29 =	sadd.s32 s3, s0;
	s12 =	sand.u32 $0x300, s12;
	v8 =	vld.idx.msk [tilespmem:v4+s30+$0x180 ss:$0x1], $0xffff;
	s3 =	sld [smem:s24+$0xFFFFFFFF];
	v18 =	vadd.f32 s28, v10  }
0x311: {  	v14 =	vadd.f32 v13, v5;
	s28 =	smov.u32 s5;
	v9 =	vld.idx.msk [tilespmem:v4+s30+$0x0 ss:$0x1], $0xffff;
	s26 =	sld [smem:s24+$0x0];
	v13 =	vadd.f32 v17, v5;
	s5 =	sadd.s32 s12, s0  }
0x312: {  	v10 =	vld.idx.msk [tilespmem:v4+s29+$0x0 ss:$0x1], $0xffff;
	s31 =	sld [smem:s8+$0xFFFFFFFE];
	v16 =	vmul.f32 v18, v6;
	[tilespmem:v4+s23+$0x0 ss:$0x1] =	vst.idx.msk $0xffff, v19;
	s23 =	smov.u32 s13;
	s13 =	smov.u32 s30  }
0x313: {  	_ = 	snop  }
0x314: {  	s0 =	sld [smem:s8+$0xFFFFFFFF]  }
0x315: {  	s2 =	sld [smem:s8+$0x0];
	s12 =	sadd.s32 $0x4, s24  }
0x316: {  	s30 =	sld [smem:s12+$0x1]  }
0x317: {  	v11 =	vmul.f32 s3, v11;
	v17 =	vld.idx.msk [tilespmem:v4+s5+$0x0 ss:$0x1], $0xffff;
	s8 =	sadd.s32 $0x4, s8;
	s18 =	sld [smem:s12+$0xFFFFFFFE]  }
0x318: {  	v15 =	vmul.f32 s26, v15;
	s24 =	sld [smem:s8+$0x1];
	v16 =	vadd.f32 v16, v5;
	v12 =	vadd.f32 s31, v12  }
0x319: {  	s25 =	sld [smem:s12+$0xFFFFFFFF];
	v8 =	vadd.f32 v8, v7;
	v11 =	vadd.f32 s0, v11  }
0x31a: {  	s12 =	sld [smem:s12+$0x0];
	v15 =	vadd.f32 s2, v15;
	v9 =	vadd.f32 v9, v7  }
0x31b: {  	s26 =	sld [smem:s8+$0xFFFFFFFE];
	v12 =	vmul.f32 v12, v6;
	v10 =	vadd.f32 v10, v7;
	v8 =	vmul.f32 s30, v8  }
0x31c: {  	s30 =	sld [smem:s8+$0xFFFFFFFF];
	v11 =	vmul.f32 v11, v6;
	v9 =	vmul.f32 s18, v9;
	v58 =	vadd.f32 v17, v7  }
0x31d: {  	[tilespmem:v4+s17+$0x0 ss:$0x1] =	vst.idx.msk $0xffff, v14;
	s31 =	sld [smem:s8+$0x0];
	v59 =	vmul.f32 v15, v6;
	v8 =	vadd.f32 s24, v8;
	v10 =	vmul.f32 s25, v10  }
0x31e: {  	[tilespmem:v4+s4+$0x0 ss:$0x1] =	vst.idx.msk $0xffff, v13;
	v12 =	vadd.f32 v12, v5;
	v7 =	vmul.f32 s12, v58;
	v9 =	vadd.f32 s26, v9  }
0x31f: {  	[tilespmem:v4+s23+$0x180 ss:$0x1] =	vst.idx.msk $0xffff, v16;
	v11 =	vadd.f32 v11, v5;
	v8 =	vmul.f32 v8, v6;
	v10 =	vadd.f32 s30, v10  }
0x320: {  	s16 =	sadd.s32 $0x1, s16;
	v60 =	vadd.f32 v59, v5;
	[tilespmem:v4+s23+$0x0 ss:$0x1] =	vst.idx.msk $0xffff, v12;
	v9 =	vmul.f32 v9, v6;
	v7 =	vadd.f32 s31, v7  }
0x321: {  	p0 =	sne.s32 s16, $0x30;
	[tilespmem:v4+s7+$0x0 ss:$0x1] =	vst.idx.msk $0xffff, v11;
	v8 =	vadd.f32 v8, v5;
	v10 =	vmul.f32 v10, v6  }
.Ltmp13:
0x322: {  	[tilespmem:v4+s28+$0x0 ss:$0x1] =	vst.idx.msk $0xffff, v60;
	v61 =	vmul.f32 v7, v6;
	v62 =	vadd.f32 v9, v5;
	(pc) =	sbr.rel @p0 .LBB2_25-.Ltmp13, $4  }
0x323: {  	[tilespmem:v4+s13+$0x180 ss:$0x1] =	vst.idx.msk $0xffff, v8;
	v63 =	vadd.f32 v10, v5  }
0x324: {  	v5 =	vadd.f32 v61, v5;
	[tilespmem:v4+s13+$0x0 ss:$0x1] =	vst.idx.msk $0xffff, v62  }
0x325: {  	[tilespmem:v4+s29+$0x0 ss:$0x1] =	vst.idx.msk $0xffff, v63  }
0x326: {  	[tilespmem:v4+s5+$0x0 ss:$0x1] =	vst.idx.msk $0xffff, v5  }
0x327: {  	s0 =	sadd.s32 s11, s15  }
0x328: {  	s0 =	sshrl.u32 s0, $0x3  }
0x329: {  	s2 =	simm.s32 $0x1800;
	s3 =	simm.s32 $0xC0400;
	s15 =	sadd.s32 s6, s0  }
0x32a: {  	s4 =	simm.s32 $0xA000;
	s6 =	simm.s32 $0x5;
	s0 =	sadd.s32 $0x60200, s15  }
0x32b: {  	[hbm4b:s0+s2] =	stream.strided.scatter [tilespmem:s4], [sflag:$0x6], $0x6000, s3, s2, $0x38;
	[tilespmem:$0x1FA00] =	vst v63  }
0x32c: {  	_ =	swait.ge [sflag:s6], $0x6000  }
0x32d: {  	s7 =	smin.u32 s14, $0x7B;
	[sflag:s6] =	ssyncset.done $0x0  }
0x32e: {  	s0 =	sshll.u32 s7, $0x7;
	[sflag:s6] =	ssyncadd.s32 $0xFFFFA000  }
0x32f: {  	v4 =	vld [tilespmem:s0+$0x200];
	_ =	sdelay $0x4  }
0x330: {  	v5 =	vshrl.u32 v4, $0x3  }
0x331: {  	v5 =	vmul.u32 $0x30, v5  }
0x332: {  	v4 =	vand.u32 $0x7, v4  }
0x333: {  	v4 =	vor.u32 v4, v5  }
0x334: {  	v5 =	vperm.xlane v4, v0;
	_ =	sdelay $0x1  }
0x335: {  	v5 =	vadd.s32 v1, v5;
	_ =	sdelay $0x3  }
0x336: {  	s16 =	simm.s32 $0x0;
	s8 =	simm.s32 $0x4000;
	v4 =	vperm.xlane v4, v2  }
0x337: {  	[tilespmem:s8], [sflag:$0x1] =	stream.indirect_vreg.gather [hbm4b:s1+s16], $0x80, v5, vm0, $0xb8;
	[tilespmem:$0x1FA00] =	vst v63  }
0x338: {  	s12 =	simm.s32 $0x4800;
	v4 =	vadd.s32 v1, v4  }
0x339: {  	[tilespmem:s12], [sflag:$0x1] =	stream.indirect_vreg.gather [hbm4b:s19+s16], $0x80, v5, vm0, $0xb8;
	[tilespmem:$0x1FA00] =	vst v63  }
0x33a: {  	s13 =	simm.s32 $0x5000  }
0x33b: {  	[tilespmem:s13], [sflag:$0x1] =	stream.indirect_vreg.gather [hbm4b:s20+s16], $0x80, v5, vm0, $0xb8;
	[tilespmem:$0x1FA00] =	vst v63  }
0x33c: {  	s17 =	simm.s32 $0x5800  }
0x33d: {  	[tilespmem:s17], [sflag:$0x1] =	stream.indirect_vreg.gather [hbm4b:s1+s16], $0x80, v4, vm0, $0xb8;
	[tilespmem:$0x1FA00] =	vst v63  }
0x33e: {  	s18 =	simm.s32 $0x6000  }
0x33f: {  	[tilespmem:s18], [sflag:$0x1] =	stream.indirect_vreg.gather [hbm4b:s19+s16], $0x80, v4, vm0, $0xb8;
	[tilespmem:$0x1FA00] =	vst v63  }
0x340: {  	s23 =	simm.s32 $0x6800  }
0x341: {  	[tilespmem:s23], [sflag:$0x1] =	stream.indirect_vreg.gather [hbm4b:s20+s16], $0x80, v4, vm0, $0xb8;
	[tilespmem:$0x1FA00] =	vst v63  }
0x342: {  	v4 =	vld [tilespmem:s0+$0x210];
	_ =	sdelay $0x4  }
0x343: {  	v5 =	vshrl.u32 v4, $0x3  }
0x344: {  	v5 =	vmul.u32 $0x30, v5  }
0x345: {  	v4 =	vand.u32 $0x7, v4  }
0x346: {  	v4 =	vor.u32 v4, v5  }
0x347: {  	v5 =	vperm.xlane v4, v0;
	_ =	sdelay $0x1  }
0x348: {  	v5 =	vadd.s32 v1, v5;
	_ =	sdelay $0x3  }
0x349: {  	s24 =	simm.s32 $0x7000;
	v4 =	vperm.xlane v4, v2  }
0x34a: {  	[tilespmem:s24], [sflag:$0x1] =	stream.indirect_vreg.gather [hbm4b:s1+s16], $0x80, v5, vm0, $0xb8;
	[tilespmem:$0x1FA00] =	vst v63  }
0x34b: {  	s25 =	simm.s32 $0x7800;
	v4 =	vadd.s32 v1, v4  }
0x34c: {  	[tilespmem:s25], [sflag:$0x1] =	stream.indirect_vreg.gather [hbm4b:s19+s16], $0x80, v5, vm0, $0xb8;
	[tilespmem:$0x1FA00] =	vst v63  }
0x34d: {  	s26 =	simm.s32 $0x8000  }
0x34e: {  	[tilespmem:s26], [sflag:$0x1] =	stream.indirect_vreg.gather [hbm4b:s20+s16], $0x80, v5, vm0, $0xb8;
	[tilespmem:$0x1FA00] =	vst v63  }
0x34f: {  	s28 =	simm.s32 $0x8800  }
0x350: {  	[tilespmem:s28], [sflag:$0x1] =	stream.indirect_vreg.gather [hbm4b:s1+s16], $0x80, v4, vm0, $0xb8;
	[tilespmem:$0x1FA00] =	vst v63  }
0x351: {  	s29 =	simm.s32 $0x9000  }
0x352: {  	[tilespmem:s29], [sflag:$0x1] =	stream.indirect_vreg.gather [hbm4b:s19+s16], $0x80, v4, vm0, $0xb8;
	[tilespmem:$0x1FA00] =	vst v63  }
0x353: {  	s30 =	simm.s32 $0x9800;
	s31 =	simm.s32 $0x3  }
0x354: {  	[tilespmem:s30], [sflag:$0x1] =	stream.indirect_vreg.gather [hbm4b:s20+s16], $0x80, v4, vm0, $0xb8;
	[tilespmem:$0x1FA00] =	vst v63  }
0x355: {  	_ =	swait.ge [sflag:s31], $0x6000  }
0x356: {  	[sflag:s31] =	ssyncset.done $0x0  }
0x357: {  	s2 =	simm.s32 $0x0;
	[sflag:s31] =	ssyncadd.s32 $0xFFFFA000  }
.LBB2_29:
0x358: {  	s0 =	sshrl.u32 s2, $0x3  }
0x359: {  	s0 =	smul.u32 $0x6000, s0  }
0x35a: {  	s4 =	sshll.u32 s2, $0x7  }
0x35b: {  	s28 =	simm.s32 $0x0;
	s3 =	sand.u32 $0x380, s4;
	s0 =	sshra.s32 s0, $0x2  }
0x35c: {  	s25 =	simm.s32 $0x0;
	s0 =	sor.u32 s3, s0;
	s3 =	sand.u32 $0x3FFFFE00, s28  }
0x35d: {  	s7 =	sand.u32 $0x40, s16;
	s26 =	sand.u32 $0x3FFFFC00, s25;
	s3 =	sadd.s32 s3, s10  }
0x35e: {  	s13 =	sor.u32 $0x20, s7;
	s5 =	sadd.s32 $0x10000, s0;
	s29 =	sadd.s32 s7, s3  }
0x35f: {  	s0 =	sadd.s32 s26, s5;
	s18 =	sadd.s32 s13, s3;
	v5 =	vld [tilespmem:s29+$0x0]  }
0x360: {  	s12 =	sor.u32 $0x10, s7;
	s8 =	sadd.s32 s7, s0;
	v15 =	vld [tilespmem:s18+$0x0]  }
0x361: {  	s30 =	sadd.s32 s12, s0;
	v4 =	vld [tilespmem:s8+$0x0]  }
0x362: {  	s31 =	simm.s32 $0x40;
	s17 =	simm.s32 $0x200;
	s12 =	sadd.s32 s12, s3;
	v8 =	vld [tilespmem:s30+$0x0]  }
0x363: {  	s24 =	simm.s32 $0x100;
	s6 =	sadd.s32 s13, s0;
	s7 =	sor.u32 $0x30, s7;
	v10 =	vld [tilespmem:s12+$0x0]  }
0x364: {  	s23 =	sand.u32 $0x3FFFFC00, s17;
	s25 =	sand.u32 $0x3FFFFE00, s24;
	v14 =	vld [tilespmem:s6+$0x0];
	s0 =	sadd.s32 s7, s0  }
0x365: {  	s13 =	sadd.s32 s23, s5;
	s8 =	sand.u32 $0x40, s31;
	s26 =	sadd.s32 s7, s3;
	v6 =	vld [tilespmem:s0+$0x0]  }
0x366: {  	s7 =	sadd.s32 s25, s10;
	s28 =	sadd.s32 s8, s13;
	v7 =	vld [tilespmem:s26+$0x0]  }
0x367: {  	s29 =	sadd.s32 s8, s7;
	s30 =	sor.u32 $0x10, s8;
	v9 =	vadd.f32 v5, v4;
	v5 =	vld [tilespmem:s28+$0x0]  }
0x368: {  	v12 =	vimm.f32 $0.0e+00;
	s17 =	simm.s32 $0x4;
	s31 =	sadd.s32 s30, s13;
	v11 =	vadd.f32 v10, v8;
	v8 =	vld [tilespmem:s29+$0x0]  }
0x369: {  	s18 =	simm.s32 $0x80;
	s3 =	sor.u32 $0x20, s8;
	s23 =	sadd.s32 s30, s7;
	v4 =	vld [tilespmem:s31+$0x0];
	v10 =	vadd.f32 v15, v14;
	v14 =	vimm.f32 $0.0e+00;
	v13 =	vmul.f32 v9, v9  }
.LBB2_30:
0x36a: {  	s17 =	sadd.s32 $0x4, s17;
	s0 =	sand.u32 $0x40, s18  }
0x36b: {  	v15 =	vld [tilespmem:s23+$0x0];
	s12 =	sadd.s32 s3, s13;
	v9 =	vadd.f32 v9, v12;
	v12 =	vadd.f32 v13, v14;
	v13 =	vmul.f32 v11, v11;
	s3 =	sadd.s32 s3, s7;
	s23 =	sshll.u32 s17, $0x7  }
0x36c: {  	s8 =	sor.u32 $0x30, s8;
	v16 =	vld [tilespmem:s12+$0x0];
	v14 =	vadd.f32 v7, v6;
	p0 =	slt.u32 s17, $0x2C;
	s12 =	sand.u32 $0x3FFFFC00, s23  }
0x36d: {  	s23 =	sshll.u32 s17, $0x6;
	v17 =	vld [tilespmem:s3+$0x0];
	s3 =	sadd.s32 s8, s13;
	v11 =	vadd.f32 v11, v9;
	v12 =	vadd.f32 v13, v12;
	v13 =	vmul.f32 v10, v10;
	s13 =	sadd.s32 s12, s5  }
.Ltmp14:
0x36e: {  	s12 =	sand.u32 $0x3FFFFE00, s23;
	v9 =	vadd.f32 v8, v5;
	v6 =	vld [tilespmem:s3+$0x0];
	s3 =	sadd.s32 s8, s7;
	(pc) =	sbr.rel @p0 .LBB2_30-.Ltmp14, $4  }
0x36f: {  	v19 =	vmul.f32 v14, v14;
	s8 =	sadd.s32 s0, s13;
	s7 =	sadd.s32 s12, s10;
	v7 =	vld [tilespmem:s3+$0x0];
	v10 =	vadd.f32 v10, v11;
	v18 =	vadd.f32 v13, v12  }
0x370: {  	s12 =	sor.u32 $0x10, s0;
	v5 =	vld [tilespmem:s8+$0x0];
	s3 =	sadd.s32 s0, s7;
	v11 =	vadd.f32 v15, v4;
	s8 =	smov.u32 s0  }
0x371: {  	s0 =	sadd.s32 s12, s13;
	v13 =	vmul.f32 v9, v9;
	v8 =	vld [tilespmem:s3+$0x0];
	v12 =	vadd.f32 v14, v10;
	v14 =	vadd.f32 v19, v18  }
0x372: {  	s18 =	sadd.s32 $0x40, s18;
	s23 =	sadd.s32 s12, s7;
	s3 =	sor.u32 $0x20, s8;
	v4 =	vld [tilespmem:s0+$0x0];
	v10 =	vadd.f32 v17, v16  }
0x373: {  	v9 =	vadd.f32 v9, v12  }
0x374: {  	v48 =	vadd.f32 v13, v14;
	v49 =	vmul.f32 v11, v11  }
0x375: {  	v50 =	vld [tilespmem:s23+$0x0];
	s0 =	sadd.s32 s3, s13;
	v9 =	vadd.f32 v11, v9  }
0x376: {  	s28 =	sadd.s32 s3, s7;
	s29 =	sor.u32 $0x30, s8;
	v51 =	vld [tilespmem:s0+$0x0];
	v6 =	vadd.f32 v7, v6;
	v53 =	vmul.f32 v10, v10;
	v52 =	vadd.f32 v49, v48  }
0x377: {  	v54 =	vld [tilespmem:s28+$0x0];
	s30 =	sadd.s32 s29, s13;
	v9 =	vadd.f32 v10, v9  }
0x378: {  	s31 =	sadd.s32 s29, s7;
	v55 =	vld [tilespmem:s30+$0x0];
	v5 =	vadd.f32 v8, v5;
	v56 =	vmul.f32 v6, v6;
	v7 =	vadd.f32 v53, v52  }
0x379: {  	v57 =	vld [tilespmem:s31+$0x0];
	v6 =	vadd.f32 v6, v9  }
0x37a: {  	v4 =	vadd.f32 v50, v4;
	v58 =	vmul.f32 v5, v5;
	v7 =	vadd.f32 v56, v7  }
0x37b: {  	v5 =	vadd.f32 v5, v6  }
0x37c: {  	v59 =	vadd.f32 v54, v51;
	v60 =	vmul.f32 v4, v4;
	v7 =	vadd.f32 v58, v7  }
0x37d: {  	v4 =	vadd.f32 v4, v5  }
0x37e: {  	s2 =	sadd.s32 $0x1, s2;
	v61 =	vmul.f32 v59, v59;
	v5 =	vadd.f32 v57, v55;
	v7 =	vadd.f32 v60, v7  }
0x37f: {  	p0 =	sne.s32 s2, $0x20;
	v4 =	vadd.f32 v59, v4  }
.Ltmp15:
0x380: {  	v62 =	vadd.f32 v61, v7;
	v63 =	vmul.f32 v5, v5;
	(pc) =	sbr.rel @p0 .LBB2_29-.Ltmp15, $4  }
0x381: {  	v4 =	vadd.f32 v5, v4  }
0x382: {  	v5 =	vadd.f32 v63, v62  }
0x383: {  	[tilespmem:s4+$0x1D200] =	vst v4  }
0x384: {  	[tilespmem:s4+$0x1E200] =	vst v5  }
0x385: {  	s16 =	simm.s32 $0x0;
	p0 =	por $0x1, $0x1;
	s17 =	simm.s32 $0x0  }
.LBB2_33:
0x386: {  	v4 =	vmov s17  }
0x387: {  	v4 =	vshll.u32 v4, $0x7  }
0x388: {  	v4 =	vor.u32 v3, v4;
	_ =	sdelay $0x1  }
0x389: {  	v5 =	vor.u32 $0x1, v4;
	_ =	sdelay $0x1  }
0x38a: {  	v6 =	vor.u32 $0x2, v4  }
0x38b: {  	v7 =	vld.idx.msk [tilespmem:v4+s21+$0x0], $0xffff  }
0x38c: {  	v9 =	vor.u32 $0x3, v4;
	v8 =	vld.idx.msk [tilespmem:v4+s22+$0x0], $0xffff  }
0x38d: {  	v10 =	vld.idx.msk [tilespmem:v5+s21+$0x0], $0xffff  }
0x38e: {  	v11 =	vor.u32 $0x4, v4;
	v5 =	vld.idx.msk [tilespmem:v5+s22+$0x0], $0xffff  }
0x38f: {  	v12 =	vld.idx.msk [tilespmem:v6+s21+$0x0], $0xffff  }
0x390: {  	v13 =	vor.u32 $0x5, v4;
	v6 =	vld.idx.msk [tilespmem:v6+s22+$0x0], $0xffff;
	v7 =	vadd.f32 $0.0e+00, v7  }
0x391: {  	v14 =	vld.idx.msk [tilespmem:v9+s21+$0x0], $0xffff  }
0x392: {  	v30 =	vor.u32 $0x6, v4;
	v9 =	vld.idx.msk [tilespmem:v9+s22+$0x0], $0xffff;
	v8 =	vadd.f32 $0.0e+00, v8;
	v7 =	vadd.f32 v10, v7  }
0x393: {  	v15 =	vld.idx.msk [tilespmem:v11+s21+$0x0], $0xffff  }
0x394: {  	v32 =	vor.u32 $0x7, v4;
	v31 =	vld.idx.msk [tilespmem:v11+s22+$0x0], $0xffff;
	v5 =	vadd.f32 v5, v8;
	v7 =	vadd.f32 v12, v7  }
0x395: {  	v33 =	vld.idx.msk [tilespmem:v13+s21+$0x0], $0xffff  }
0x396: {  	v36 =	vor.u32 $0x8, v4;
	v35 =	vld.idx.msk [tilespmem:v13+s22+$0x0], $0xffff;
	v5 =	vadd.f32 v6, v5;
	v34 =	vadd.f32 v14, v7  }
0x397: {  	v37 =	vld.idx.msk [tilespmem:v30+s21+$0x0], $0xffff  }
0x398: {  	v39 =	vor.u32 $0x9, v4;
	v38 =	vld.idx.msk [tilespmem:v30+s22+$0x0], $0xffff;
	v5 =	vadd.f32 v9, v5;
	v6 =	vadd.f32 v15, v34  }
0x399: {  	v40 =	vld.idx.msk [tilespmem:v32+s21+$0x0], $0xffff  }
0x39a: {  	v42 =	vor.u32 $0xA, v4;
	v41 =	vld.idx.msk [tilespmem:v32+s22+$0x0], $0xffff;
	v5 =	vadd.f32 v31, v5;
	v6 =	vadd.f32 v33, v6  }
0x39b: {  	v43 =	vld.idx.msk [tilespmem:v36+s21+$0x0], $0xffff  }
0x39c: {  	v45 =	vor.u32 $0xB, v4;
	v44 =	vld.idx.msk [tilespmem:v36+s22+$0x0], $0xffff;
	v5 =	vadd.f32 v35, v5;
	v6 =	vadd.f32 v37, v6  }
0x39d: {  	v46 =	vld.idx.msk [tilespmem:v39+s21+$0x0], $0xffff  }
0x39e: {  	v48 =	vor.u32 $0xC, v4;
	v47 =	vld.idx.msk [tilespmem:v39+s22+$0x0], $0xffff;
	v5 =	vadd.f32 v38, v5;
	v6 =	vadd.f32 v40, v6  }
0x39f: {  	v49 =	vld.idx.msk [tilespmem:v42+s21+$0x0], $0xffff  }
0x3a0: {  	v51 =	vor.u32 $0xD, v4;
	v50 =	vld.idx.msk [tilespmem:v42+s22+$0x0], $0xffff;
	v5 =	vadd.f32 v41, v5;
	v6 =	vadd.f32 v43, v6  }
0x3a1: {  	v52 =	vld.idx.msk [tilespmem:v45+s21+$0x0], $0xffff  }
0x3a2: {  	v54 =	vor.u32 $0xE, v4;
	v53 =	vld.idx.msk [tilespmem:v45+s22+$0x0], $0xffff;
	v5 =	vadd.f32 v44, v5;
	v6 =	vadd.f32 v46, v6  }
0x3a3: {  	v55 =	vld.idx.msk [tilespmem:v48+s21+$0x0], $0xffff  }
0x3a4: {  	v4 =	vor.u32 $0xF, v4;
	v56 =	vld.idx.msk [tilespmem:v48+s22+$0x0], $0xffff;
	v5 =	vadd.f32 v47, v5;
	v6 =	vadd.f32 v49, v6  }
0x3a5: {  	v57 =	vld.idx.msk [tilespmem:v51+s21+$0x0], $0xffff  }
0x3a6: {  	v58 =	vld.idx.msk [tilespmem:v51+s22+$0x0], $0xffff;
	v5 =	vadd.f32 v50, v5;
	v6 =	vadd.f32 v52, v6  }
0x3a7: {  	v59 =	vld.idx.msk [tilespmem:v54+s21+$0x0], $0xffff  }
0x3a8: {  	v60 =	vld.idx.msk [tilespmem:v54+s22+$0x0], $0xffff;
	v5 =	vadd.f32 v53, v5;
	v6 =	vadd.f32 v55, v6  }
0x3a9: {  	v61 =	vld.idx.msk [tilespmem:v4+s21+$0x0], $0xffff  }
0x3aa: {  	v5 =	vadd.f32 v56, v5;
	v6 =	vadd.f32 v57, v6  }
0x3ab: {  	v4 =	vld.idx.msk [tilespmem:v4+s22+$0x0], $0xffff  }
0x3ac: {  	v5 =	vadd.f32 v58, v5;
	v6 =	vadd.f32 v59, v6;
	_ =	sdelay $0x1  }
0x3ad: {  	v5 =	vadd.f32 v60, v5;
	v6 =	vadd.f32 v61, v6;
	_ =	sdelay $0x1  }
0x3ae: {  	v4 =	vadd.f32 v4, v5;
	v5 =	vmul.f32 $1.302083370e-03, v6;
	_ =	sdelay $0x1  }
0x3af: {  	v4 =	vmul.f32 $1.302083370e-03, v4;
	v6 =	vmul.f32 v5, v5;
	_ =	sdelay $0x1  }
0x3b0: {  	v4 =	vsub.f32 v4, v6;
	_ =	sdelay $0x1  }
0x3b1: {  	v4 =	vadd.f32 $9.999999960e-13, v4;
	_ =	sdelay $0x1  }
0x3b2: {  	v62 =	vshrl.u32 v4, $0x1;
	v4 =	vmul.f32 $5.000000000e-01, v4  }
0x3b3: {  	v6 =	vsub.s32 $0x5F3759DF, v62  }
0x3b4: {  	v63 =	vmul.f32 v6, v4;
	_ =	sdelay $0x1  }
0x3b5: {  	v7 =	vmul.f32 v6, v63;
	_ =	sdelay $0x1  }
0x3b6: {  	v7 =	vsub.f32 $1.500000000e+00, v7;
	_ =	sdelay $0x1  }
0x3b7: {  	v6 =	vmul.f32 v6, v7;
	_ =	sdelay $0x1  }
0x3b8: {  	v7 =	vmul.f32 v6, v4;
	_ =	sdelay $0x1  }
0x3b9: {  	v7 =	vmul.f32 v7, v6;
	_ =	sdelay $0x1  }
0x3ba: {  	v7 =	vsub.f32 $1.500000000e+00, v7;
	_ =	sdelay $0x1  }
0x3bb: {  	v6 =	vmul.f32 v7, v6;
	_ =	sdelay $0x1  }
0x3bc: {  	v4 =	vmul.f32 v6, v4;
	_ =	sdelay $0x1  }
0x3bd: {  	v4 =	vmul.f32 v4, v6;
	_ =	sdelay $0x1  }
0x3be: {  	v4 =	vsub.f32 $1.500000000e+00, v4;
	_ =	sdelay $0x1  }
0x3bf: {  	v4 =	vmul.f32 v4, v6;
	_ =	sdelay $0x1  }
0x3c0: {  	v5 =	vmul.f32 v4, v5;
	_ =	sdelay $0x1  }
0x3c1: {  	v5 =	vsub.f32 $0.0e+00, v5  }
0x3c2: {  	(v2sf) =	vpush v4, $0x0  }
0x3c3: {  	(v2sf) =	vpush v5, $0x0  }
0x3c4: {  	(v2sf) =	vpush v4, $0x1  }
0x3c5: {  	(v2sf) =	vpush v5, $0x1  }
0x3c6: {  	(v2sf) =	vpush v4, $0x2  }
0x3c7: {  	(v2sf) =	vpush v5, $0x2  }
0x3c8: {  	(v2sf) =	vpush v4, $0x3  }
0x3c9: {  	(v2sf) =	vpush v5, $0x3  }
0x3ca: {  	(v2sf) =	vpush v4, $0x4  }
0x3cb: {  	(v2sf) =	vpush v5, $0x4  }
0x3cc: {  	(v2sf) =	vpush v4, $0x5  }
0x3cd: {  	(v2sf) =	vpush v5, $0x5  }
0x3ce: {  	(v2sf) =	vpush v4, $0x6  }
0x3cf: {  	(v2sf) =	vpush v5, $0x6  }
0x3d0: {  	(v2sf) =	vpush v4, $0x7  }
0x3d1: {  	s0 =	spop (v2sf);
	(v2sf) =	vpush v5, $0x7  }
0x3d2: {  	s2 =	sadd.s32 $0x80, s17;
	[smem:s17] =	sst s0;
	s24 =	spop (v2sf);
	(v2sf) =	vpush v4, $0x8  }
0x3d3: {  	s26 =	sor.u32 $0x1, s17;
	[smem:s2] =	sst s24;
	s25 =	spop (v2sf);
	(v2sf) =	vpush v5, $0x8  }
0x3d4: {  	s29 =	sadd.s32 $0x81, s17;
	[smem:s26] =	sst s25;
	s28 =	spop (v2sf);
	(v2sf) =	vpush v4, $0x9  }
0x3d5: {  	s31 =	sor.u32 $0x2, s17;
	[smem:s29] =	sst s28;
	s30 =	spop (v2sf);
	(v2sf) =	vpush v5, $0x9  }
0x3d6: {  	s3 =	sadd.s32 $0x82, s17;
	[smem:s31] =	sst s30;
	s2 =	spop (v2sf);
	(v2sf) =	vpush v4, $0xA  }
0x3d7: {  	s5 =	sor.u32 $0x3, s17;
	[smem:s3] =	sst s2;
	s4 =	spop (v2sf);
	(v2sf) =	vpush v5, $0xA  }
0x3d8: {  	s7 =	sadd.s32 $0x83, s17;
	[smem:s5] =	sst s4;
	s6 =	spop (v2sf);
	(v2sf) =	vpush v4, $0xB  }
0x3d9: {  	s12 =	sor.u32 $0x4, s17;
	[smem:s7] =	sst s6;
	s8 =	spop (v2sf);
	(v2sf) =	vpush v5, $0xB  }
0x3da: {  	s18 =	sadd.s32 $0x84, s17;
	[smem:s12] =	sst s8;
	s13 =	spop (v2sf);
	(v2sf) =	vpush v4, $0xC  }
0x3db: {  	s24 =	sor.u32 $0x5, s17;
	[smem:s18] =	sst s13;
	s23 =	spop (v2sf);
	(v2sf) =	vpush v5, $0xC  }
0x3dc: {  	s26 =	sadd.s32 $0x85, s17;
	[smem:s24] =	sst s23;
	s25 =	spop (v2sf);
	(v2sf) =	vpush v4, $0xD  }
0x3dd: {  	s29 =	sor.u32 $0x6, s17;
	[smem:s26] =	sst s25;
	s28 =	spop (v2sf);
	(v2sf) =	vpush v5, $0xD  }
0x3de: {  	s31 =	sadd.s32 $0x86, s17;
	[smem:s29] =	sst s28;
	s30 =	spop (v2sf)  }
0x3df: {  	s3 =	sor.u32 $0x7, s17;
	(v2sf) =	vpush v4, $0xE;
	[smem:s31] =	sst s30;
	s2 =	spop (v2sf)  }
0x3e0: {  	s5 =	sadd.s32 $0x87, s17;
	(v2sf) =	vpush v5, $0xE;
	[smem:s3] =	sst s2;
	s4 =	spop (v2sf)  }
0x3e1: {  	s7 =	sor.u32 $0x8, s17;
	(v2sf) =	vpush v4, $0xF;
	[smem:s5] =	sst s4;
	s6 =	spop (v2sf)  }
0x3e2: {  	s12 =	sadd.s32 $0x88, s17;
	(v2sf) =	vpush v5, $0xF;
	[smem:s7] =	sst s6;
	s8 =	spop (v2sf)  }
0x3e3: {  	s18 =	sor.u32 $0x9, s17;
	[smem:s12] =	sst s8;
	s13 =	spop (v2sf)  }
0x3e4: {  	s24 =	sadd.s32 $0x89, s17;
	[smem:s18] =	sst s13;
	s23 =	spop (v2sf)  }
0x3e5: {  	s26 =	sor.u32 $0xA, s17;
	[smem:s24] =	sst s23;
	s25 =	spop (v2sf)  }
0x3e6: {  	s29 =	sadd.s32 $0x8A, s17;
	[smem:s26] =	sst s25;
	s28 =	spop (v2sf)  }
0x3e7: {  	s31 =	sor.u32 $0xB, s17;
	[smem:s29] =	sst s28;
	s30 =	spop (v2sf)  }
0x3e8: {  	s3 =	sadd.s32 $0x8B, s17;
	[smem:s31] =	sst s30;
	s2 =	spop (v2sf)  }
0x3e9: {  	s5 =	sor.u32 $0xC, s17;
	[smem:s3] =	sst s2;
	s4 =	spop (v2sf)  }
0x3ea: {  	s7 =	sadd.s32 $0x8C, s17;
	[smem:s5] =	sst s4;
	s6 =	spop (v2sf)  }
0x3eb: {  	s12 =	sor.u32 $0xD, s17;
	[smem:s7] =	sst s6;
	s8 =	spop (v2sf)  }
0x3ec: {  	s18 =	sadd.s32 $0x8D, s17;
	[smem:s12] =	sst s8;
	s13 =	spop (v2sf)  }
0x3ed: {  	p1 =	por p0, p0;
	[smem:s18] =	sst s13  }
.Ltmp16:
0x3ee: {  	s24 =	sor.u32 $0xE, s17;
	s23 =	spop (v2sf);
	(pc) =	sbr.rel @p1 .LBB2_33-.Ltmp16, $4  }
0x3ef: {  	s26 =	sadd.s32 $0x8E, s17;
	[smem:s24] =	sst s23;
	s25 =	spop (v2sf)  }
0x3f0: {  	s29 =	sor.u32 $0xF, s17;
	[smem:s26] =	sst s25;
	s28 =	spop (v2sf)  }
0x3f1: {  	s31 =	sadd.s32 $0x8F, s17;
	[smem:s29] =	sst s28;
	s30 =	spop (v2sf)  }
0x3f2: {  	p0 =	por $0x0, $0x0;
	s17 =	simm.s32 $0x10;
	[smem:s31] =	sst s30  }
.LBB2_34:
0x3f3: {  	s0 =	sshll.u32 s16, $0x4;
	s2 =	sshll.u32 s16, $0x6  }
0x3f4: {  	s4 =	simm.s32 $0x0;
	s3 =	sand.u32 $0x70, s0;
	s2 =	sand.u32 $0x3FFFFE00, s2  }
0x3f5: {  	s5 =	sshll.u32 s16, $0x7;
	s4 =	smul.u32 $0x6000, s4;
	s2 =	sadd.s32 s2, s10;
	v4 =	vmov s3  }
0x3f6: {  	s23 =	sand.u32 $0x3FFFFC00, s5;
	s2 =	sadd.s32 s3, s2  }
0x3f7: {  	s24 =	simm.s32 $0x0;
	s4 =	sshra.s32 s4, $0x2;
	v7 =	vld [tilespmem:s2+$0x0];
	s2 =	sadd.s32 $0x10000, s23  }
0x3f8: {  	s3 =	sand.u32 $0x200, s24;
	s4 =	sadd.s32 s4, s2  }
0x3f9: {  	v6 =	vld [tilespmem:s0+$0x1CC00];
	s30 =	sadd.s32 s3, s4  }
0x3fa: {  	s25 =	simm.s32 $0x80;
	v8 =	vld.idx.msk [tilespmem:v4+s30+$0x180 ss:$0x1], $0xffff  }
0x3fb: {  	s26 =	simm.s32 $0x100;
	v5 =	vld [tilespmem:s0+$0x1CF00];
	s0 =	sand.u32 $0x280, s25  }
0x3fc: {  	s17 =	sadd.s32 s0, s4;
	s3 =	sand.u32 $0x300, s26;
	v9 =	vld.idx.msk [tilespmem:v4+s30+$0x0 ss:$0x1], $0xffff  }
0x3fd: {  	s5 =	simm.s32 $0x0;
	s4 =	sadd.s32 s3, s4;
	v10 =	vld.idx.msk [tilespmem:v4+s17+$0x0 ss:$0x1], $0xffff  }
0x3fe: {  	s6 =	smul.u32 $0x6000, s5;
	v11 =	vld.idx.msk [tilespmem:v4+s4+$0x0 ss:$0x1], $0xffff;
	s7 =	sld [smem:$0x3]  }
0x3ff: {  	s8 =	sld [smem:$0x0];
	v8 =	vadd.f32 v8, v7  }
0x400: {  	s13 =	simm.s32 $0x200;
	s0 =	sshra.s32 s6, $0x2;
	s12 =	sld [smem:$0x83]  }
0x401: {  	s5 =	sand.u32 $0x200, s13;
	s0 =	sadd.s32 s0, s2;
	v8 =	vmul.f32 s7, v8  }
0x402: {  	s18 =	simm.s32 $0x280;
	s23 =	sadd.s32 s5, s0  }
0x403: {  	s24 =	simm.s32 $0x300;
	s5 =	sand.u32 $0x280, s18;
	v12 =	vld.idx.msk [tilespmem:v4+s23+$0x180 ss:$0x1], $0xffff;
	s13 =	sld [smem:$0x1];
	v8 =	vadd.f32 s12, v8  }
0x404: {  	s3 =	sand.u32 $0x300, s24;
	v13 =	vld.idx.msk [tilespmem:v4+s23+$0x0 ss:$0x1], $0xffff;
	s7 =	sadd.s32 s5, s0;
	s5 =	sld [smem:$0x2]  }
0x405: {  	s28 =	sadd.s32 s3, s0;
	v9 =	vadd.f32 v9, v7;
	v14 =	vld.idx.msk [tilespmem:v4+s7+$0x0 ss:$0x1], $0xffff;
	s0 =	sld [smem:$0x80];
	v8 =	vmul.f32 v8, v6  }
0x406: {  	s25 =	simm.s32 $0x1;
	v10 =	vadd.f32 v10, v7;
	v15 =	vld.idx.msk [tilespmem:v4+s28+$0x0 ss:$0x1], $0xffff;
	s3 =	sld [smem:$0x81]  }
0x407: {  	v11 =	vadd.f32 v11, v7;
	v9 =	vmul.f32 s8, v9;
	s12 =	smul.u32 $0x6000, s25;
	s18 =	sld [smem:$0x82];
	v8 =	vadd.f32 v8, v5  }
0x408: {  	v10 =	vmul.f32 s13, v10;
	s24 =	sld [smem:$0x7]  }
0x409: {  	v12 =	vadd.f32 v12, v7;
	s25 =	simm.s32 $0x400;
	v11 =	vmul.f32 s5, v11;
	s12 =	sshra.s32 s12, $0x2;
	v9 =	vadd.f32 s0, v9;
	s6 =	sld [smem:$0x4];
	[tilespmem:v4+s30+$0x180 ss:$0x1] =	vst.idx.msk $0xffff, v8  }
0x40a: {  	s26 =	sand.u32 $0x200, s25;
	s12 =	sadd.s32 s12, s2;
	v10 =	vadd.f32 s3, v10;
	s31 =	sld [smem:$0x87]  }
0x40b: {  	s8 =	simm.s32 $0x480;
	s13 =	sadd.s32 s26, s12;
	v16 =	vmul.f32 v9, v6;
	v17 =	vadd.f32 s18, v11;
	v12 =	vmul.f32 s24, v12  }
0x40c: {  	v13 =	vadd.f32 v13, v7;
	s0 =	sand.u32 $0x280, s8;
	s8 =	simm.s32 $0x86;
	v11 =	vadd.f32 v14, v7;
	v14 =	vmul.f32 v10, v6;
	v8 =	vld.idx.msk [tilespmem:v4+s13+$0x180 ss:$0x1], $0xffff  }
0x40d: {  	s29 =	sadd.s32 s0, s12;
	s24 =	simm.s32 $0x500;
	v17 =	vmul.f32 v17, v6;
	v19 =	vadd.f32 v16, v5;
	s3 =	sld [smem:$0x5];
	v9 =	vld.idx.msk [tilespmem:v4+s13+$0x0 ss:$0x1], $0xffff;
	v18 =	vadd.f32 s31, v12  }
0x40e: {  	s18 =	simm.s32 $0x8;
	v15 =	vadd.f32 v15, v7;
	s0 =	sand.u32 $0x300, s24;
	v14 =	vadd.f32 v14, v5;
	s26 =	sld [smem:$0x6];
	v10 =	vld.idx.msk [tilespmem:v4+s29+$0x0 ss:$0x1], $0xffff  }
0x40f: {  	s24 =	simm.s32 $0x6;
	s5 =	sadd.s32 s0, s12;
	s31 =	sld [smem:$0x84];
	v12 =	vmul.f32 s6, v13;
	v13 =	vadd.f32 v17, v5;
	[tilespmem:v4+s30+$0x0 ss:$0x1] =	vst.idx.msk $0xffff, v19;
	v16 =	vmul.f32 v18, v6  }
.LBB2_35:
0x410: {  	s18 =	sadd.s32 $0x4, s18;
	s0 =	sld [smem:s8+$0xFFFFFFFF]  }
0x411: {  	v17 =	vld.idx.msk [tilespmem:v4+s5+$0x0 ss:$0x1], $0xffff;
	v11 =	vmul.f32 s3, v11;
	[tilespmem:v4+s17+$0x0 ss:$0x1] =	vst.idx.msk $0xffff, v14;
	s17 =	smov.u32 s7;
	s7 =	smov.u32 s29;
	s24 =	sadd.s32 $0x4, s24  }
0x412: {  	s25 =	sadd.s32 $0x200, s25;
	s3 =	sshrl.u32 s18, $0x3;
	s6 =	sld [smem:s8+$0x0];
	v14 =	vmul.f32 s26, v15;
	v15 =	vadd.f32 v16, v5;
	[tilespmem:v4+s4+$0x0 ss:$0x1] =	vst.idx.msk $0xffff, v13  }
0x413: {  	p0 =	slt.u32 s18, $0x1C;
	s3 =	smul.u32 $0x6000, s3;
	s12 =	sld [smem:s24+$0x1];
	v12 =	vadd.f32 s31, v12  }
0x414: {  	s8 =	sadd.s32 $0x4, s8;
	s4 =	smov.u32 s28;
	v8 =	vadd.f32 v8, v7;
	s26 =	sld [smem:s24+$0xFFFFFFFE];
	v13 =	vadd.f32 s0, v11;
	[tilespmem:v4+s23+$0x180 ss:$0x1] =	vst.idx.msk $0xffff, v15  }
0x415: {  	v9 =	vadd.f32 v9, v7;
	s0 =	sshra.s32 s3, $0x2;
	s28 =	sld [smem:s8+$0x1];
	v16 =	vmul.f32 v12, v6;
	v14 =	vadd.f32 s6, v14;
	s3 =	sand.u32 $0x200, s25  }
.Ltmp17:
0x416: {  	s6 =	sadd.s32 $0x80, s25;
	v11 =	vadd.f32 v10, v7;
	s0 =	sadd.s32 s0, s2;
	v10 =	vmul.f32 s12, v8;
	v13 =	vmul.f32 v13, v6;
	(pc) =	sbr.rel @p0 .LBB2_35-.Ltmp17, $4  }
0x417: {  	v15 =	vadd.f32 v17, v7;
	s12 =	sadd.s32 s3, s0;
	s3 =	sand.u32 $0x280, s6;
	s6 =	sadd.s32 $0x100, s25;
	v12 =	vmul.f32 s26, v9;
	v17 =	vmul.f32 v14, v6  }
0x418: {  	v19 =	vadd.f32 v16, v5;
	s29 =	sadd.s32 s3, s0;
	s6 =	sand.u32 $0x300, s6;
	v8 =	vld.idx.msk [tilespmem:v4+s12+$0x180 ss:$0x1], $0xffff;
	s3 =	sld [smem:s24+$0xFFFFFFFF];
	v18 =	vadd.f32 s28, v10  }
0x419: {  	v14 =	vadd.f32 v13, v5;
	s28 =	smov.u32 s5;
	v9 =	vld.idx.msk [tilespmem:v4+s12+$0x0 ss:$0x1], $0xffff;
	s26 =	sld [smem:s24+$0x0];
	v13 =	vadd.f32 v17, v5;
	s5 =	sadd.s32 s6, s0  }
0x41a: {  	v10 =	vld.idx.msk [tilespmem:v4+s29+$0x0 ss:$0x1], $0xffff;
	s31 =	sld [smem:s8+$0xFFFFFFFE];
	v16 =	vmul.f32 v18, v6;
	[tilespmem:v4+s23+$0x0 ss:$0x1] =	vst.idx.msk $0xffff, v19;
	s23 =	smov.u32 s13;
	s13 =	smov.u32 s12  }
0x41b: {  	_ = 	snop  }
0x41c: {  	s0 =	sld [smem:s8+$0xFFFFFFFF]  }
0x41d: {  	s2 =	sld [smem:s8+$0x0];
	s6 =	sadd.s32 $0x4, s24  }
0x41e: {  	s30 =	sld [smem:s6+$0x1]  }
0x41f: {  	v11 =	vmul.f32 s3, v11;
	v17 =	vld.idx.msk [tilespmem:v4+s5+$0x0 ss:$0x1], $0xffff;
	s18 =	sadd.s32 $0x4, s8;
	s12 =	sld [smem:s6+$0xFFFFFFFE]  }
0x420: {  	v15 =	vmul.f32 s26, v15;
	s24 =	sld [smem:s18+$0x1];
	v16 =	vadd.f32 v16, v5;
	v12 =	vadd.f32 s31, v12  }
0x421: {  	s25 =	sld [smem:s6+$0xFFFFFFFF];
	v8 =	vadd.f32 v8, v7;
	v11 =	vadd.f32 s0, v11  }
0x422: {  	s6 =	sld [smem:s6+$0x0];
	v15 =	vadd.f32 s2, v15;
	v9 =	vadd.f32 v9, v7  }
0x423: {  	s26 =	sld [smem:s18+$0xFFFFFFFE];
	v12 =	vmul.f32 v12, v6;
	v10 =	vadd.f32 v10, v7;
	v8 =	vmul.f32 s30, v8  }
0x424: {  	s30 =	sld [smem:s18+$0xFFFFFFFF];
	v11 =	vmul.f32 v11, v6;
	v9 =	vmul.f32 s12, v9;
	v58 =	vadd.f32 v17, v7  }
0x425: {  	[tilespmem:v4+s17+$0x0 ss:$0x1] =	vst.idx.msk $0xffff, v14;
	s31 =	sld [smem:s18+$0x0];
	v59 =	vmul.f32 v15, v6;
	v8 =	vadd.f32 s24, v8;
	v10 =	vmul.f32 s25, v10  }
0x426: {  	[tilespmem:v4+s4+$0x0 ss:$0x1] =	vst.idx.msk $0xffff, v13;
	v12 =	vadd.f32 v12, v5;
	v7 =	vmul.f32 s6, v58;
	v9 =	vadd.f32 s26, v9  }
0x427: {  	[tilespmem:v4+s23+$0x180 ss:$0x1] =	vst.idx.msk $0xffff, v16;
	v11 =	vadd.f32 v11, v5;
	v8 =	vmul.f32 v8, v6;
	v10 =	vadd.f32 s30, v10  }
0x428: {  	s16 =	sadd.s32 $0x1, s16;
	v60 =	vadd.f32 v59, v5;
	[tilespmem:v4+s23+$0x0 ss:$0x1] =	vst.idx.msk $0xffff, v12;
	v9 =	vmul.f32 v9, v6;
	v7 =	vadd.f32 s31, v7  }
0x429: {  	p0 =	sne.s32 s16, $0x30;
	[tilespmem:v4+s7+$0x0 ss:$0x1] =	vst.idx.msk $0xffff, v11;
	v8 =	vadd.f32 v8, v5;
	v10 =	vmul.f32 v10, v6  }
.Ltmp18:
0x42a: {  	[tilespmem:v4+s28+$0x0 ss:$0x1] =	vst.idx.msk $0xffff, v60;
	v61 =	vmul.f32 v7, v6;
	v62 =	vadd.f32 v9, v5;
	(pc) =	sbr.rel @p0 .LBB2_34-.Ltmp18, $4  }
0x42b: {  	[tilespmem:v4+s13+$0x180 ss:$0x1] =	vst.idx.msk $0xffff, v8;
	v63 =	vadd.f32 v10, v5  }
0x42c: {  	v5 =	vadd.f32 v61, v5;
	[tilespmem:v4+s13+$0x0 ss:$0x1] =	vst.idx.msk $0xffff, v62  }
0x42d: {  	[tilespmem:v4+s29+$0x0 ss:$0x1] =	vst.idx.msk $0xffff, v63  }
0x42e: {  	[tilespmem:v4+s5+$0x0 ss:$0x1] =	vst.idx.msk $0xffff, v5  }
0x42f: {  	s0 =	sadd.s32 $0xC0400, s15;
	s2 =	simm.s32 $0x1800  }
0x430: {  	s3 =	simm.s32 $0xC0400;
	s4 =	simm.s32 $0x10000;
	s7 =	simm.s32 $0x6  }
0x431: {  	[hbm4b:s0+s2] =	stream.strided.scatter [tilespmem:s4], [sflag:$0x7], $0x6000, s3, s2, $0x38;
	[tilespmem:$0x1FA00] =	vst v63  }
0x432: {  	_ =	swait.ge [sflag:s7], $0x6000  }
0x433: {  	s8 =	smin.u32 s14, $0x7A;
	[sflag:s7] =	ssyncset.done $0x0  }
0x434: {  	s0 =	sshll.u32 s8, $0x7;
	[sflag:s7] =	ssyncadd.s32 $0xFFFFA000  }
0x435: {  	v4 =	vld [tilespmem:s0+$0x280];
	_ =	sdelay $0x4  }
0x436: {  	v5 =	vshrl.u32 v4, $0x3  }
0x437: {  	v5 =	vmul.u32 $0x30, v5  }
0x438: {  	v4 =	vand.u32 $0x7, v4  }
0x439: {  	v4 =	vor.u32 v4, v5  }
0x43a: {  	v5 =	vperm.xlane v4, v0;
	_ =	sdelay $0x1  }
0x43b: {  	v5 =	vadd.s32 v1, v5;
	_ =	sdelay $0x3  }
0x43c: {  	s15 =	simm.s32 $0x0;
	s12 =	simm.s32 $0xA000;
	v4 =	vperm.xlane v4, v2  }
0x43d: {  	[tilespmem:s12], [sflag:$0x2] =	stream.indirect_vreg.gather [hbm4b:s1+s15], $0x80, v5, vm0, $0xb8;
	[tilespmem:$0x1FA00] =	vst v63  }
0x43e: {  	s13 =	simm.s32 $0xA800;
	v4 =	vadd.s32 v1, v4  }
0x43f: {  	[tilespmem:s13], [sflag:$0x2] =	stream.indirect_vreg.gather [hbm4b:s19+s15], $0x80, v5, vm0, $0xb8;
	[tilespmem:$0x1FA00] =	vst v63  }
0x440: {  	s16 =	simm.s32 $0xB000  }
0x441: {  	[tilespmem:s16], [sflag:$0x2] =	stream.indirect_vreg.gather [hbm4b:s20+s15], $0x80, v5, vm0, $0xb8;
	[tilespmem:$0x1FA00] =	vst v63  }
0x442: {  	s17 =	simm.s32 $0xB800  }
0x443: {  	[tilespmem:s17], [sflag:$0x2] =	stream.indirect_vreg.gather [hbm4b:s1+s15], $0x80, v4, vm0, $0xb8;
	[tilespmem:$0x1FA00] =	vst v63  }
0x444: {  	s18 =	simm.s32 $0xC000  }
0x445: {  	[tilespmem:s18], [sflag:$0x2] =	stream.indirect_vreg.gather [hbm4b:s19+s15], $0x80, v4, vm0, $0xb8;
	[tilespmem:$0x1FA00] =	vst v63  }
0x446: {  	s23 =	simm.s32 $0xC800  }
0x447: {  	[tilespmem:s23], [sflag:$0x2] =	stream.indirect_vreg.gather [hbm4b:s20+s15], $0x80, v4, vm0, $0xb8;
	[tilespmem:$0x1FA00] =	vst v63  }
0x448: {  	v4 =	vld [tilespmem:s0+$0x290];
	_ =	sdelay $0x4  }
0x449: {  	v5 =	vshrl.u32 v4, $0x3  }
0x44a: {  	v5 =	vmul.u32 $0x30, v5  }
0x44b: {  	v4 =	vand.u32 $0x7, v4  }
0x44c: {  	v4 =	vor.u32 v4, v5  }
0x44d: {  	v5 =	vperm.xlane v4, v0;
	_ =	sdelay $0x1  }
0x44e: {  	v5 =	vadd.s32 v1, v5;
	_ =	sdelay $0x3  }
0x44f: {  	s24 =	simm.s32 $0xD000;
	v4 =	vperm.xlane v4, v2  }
0x450: {  	[tilespmem:s24], [sflag:$0x2] =	stream.indirect_vreg.gather [hbm4b:s1+s15], $0x80, v5, vm0, $0xb8;
	[tilespmem:$0x1FA00] =	vst v63  }
0x451: {  	s25 =	simm.s32 $0xD800;
	v4 =	vadd.s32 v1, v4  }
0x452: {  	[tilespmem:s25], [sflag:$0x2] =	stream.indirect_vreg.gather [hbm4b:s19+s15], $0x80, v5, vm0, $0xb8;
	[tilespmem:$0x1FA00] =	vst v63  }
0x453: {  	s26 =	simm.s32 $0xE000  }
0x454: {  	[tilespmem:s26], [sflag:$0x2] =	stream.indirect_vreg.gather [hbm4b:s20+s15], $0x80, v5, vm0, $0xb8;
	[tilespmem:$0x1FA00] =	vst v63  }
0x455: {  	s28 =	simm.s32 $0xE800  }
0x456: {  	[tilespmem:s28], [sflag:$0x2] =	stream.indirect_vreg.gather [hbm4b:s1+s15], $0x80, v4, vm0, $0xb8;
	[tilespmem:$0x1FA00] =	vst v63  }
0x457: {  	s29 =	simm.s32 $0xF000  }
0x458: {  	[tilespmem:s29], [sflag:$0x2] =	stream.indirect_vreg.gather [hbm4b:s19+s15], $0x80, v4, vm0, $0xb8;
	[tilespmem:$0x1FA00] =	vst v63  }
0x459: {  	s30 =	simm.s32 $0xF800;
	s31 =	simm.s32 $0x4  }
0x45a: {  	[tilespmem:s30], [sflag:$0x2] =	stream.indirect_vreg.gather [hbm4b:s20+s15], $0x80, v4, vm0, $0xb8;
	[tilespmem:$0x1FA00] =	vst v63  }
0x45b: {  	_ =	swait.ge [sflag:s31], $0x6000  }
0x45c: {  	[sflag:s31] =	ssyncset.done $0x0  }
0x45d: {  	s2 =	simm.s32 $0x0;
	[sflag:s31] =	ssyncadd.s32 $0xFFFFA000  }
.LBB2_38:
0x45e: {  	s0 =	sshrl.u32 s2, $0x3  }
0x45f: {  	s0 =	smul.u32 $0x6000, s0  }
0x460: {  	s4 =	sshll.u32 s2, $0x7  }
0x461: {  	s8 =	simm.s32 $0x0;
	s3 =	sand.u32 $0x380, s4;
	s0 =	sshra.s32 s0, $0x2  }
0x462: {  	s6 =	simm.s32 $0x0;
	s0 =	sor.u32 s3, s0;
	s3 =	sand.u32 $0x3FFFFE00, s8  }
0x463: {  	s7 =	sand.u32 $0x3FFFFC00, s6;
	s6 =	sand.u32 $0x40, s15;
	s3 =	sadd.s32 s3, s10  }
0x464: {  	s8 =	sor.u32 $0x10, s6;
	s5 =	sadd.s32 $0x16000, s0;
	s12 =	sadd.s32 s6, s3  }
0x465: {  	s0 =	sadd.s32 s7, s5;
	s16 =	sadd.s32 s8, s3;
	v5 =	vld [tilespmem:s12+$0x0]  }
0x466: {  	s7 =	sadd.s32 s6, s0;
	v10 =	vld [tilespmem:s16+$0x0]  }
0x467: {  	s17 =	simm.s32 $0x40;
	s13 =	sadd.s32 s8, s0;
	s12 =	sor.u32 $0x20, s6;
	v4 =	vld [tilespmem:s7+$0x0]  }
0x468: {  	s8 =	sand.u32 $0x40, s17;
	v8 =	vld [tilespmem:s13+$0x0];
	s18 =	sadd.s32 s12, s0  }
0x469: {  	s6 =	sor.u32 $0x30, s6;
	s13 =	simm.s32 $0x200;
	s23 =	sadd.s32 s12, s3;
	v14 =	vld [tilespmem:s18+$0x0]  }
0x46a: {  	s16 =	simm.s32 $0x100;
	s0 =	sadd.s32 s6, s0;
	s24 =	sand.u32 $0x3FFFFC00, s13;
	v15 =	vld [tilespmem:s23+$0x0]  }
0x46b: {  	s25 =	sand.u32 $0x3FFFFE00, s16;
	s26 =	sadd.s32 s6, s3;
	v6 =	vld [tilespmem:s0+$0x0];
	s13 =	sadd.s32 s24, s5  }
0x46c: {  	s7 =	sadd.s32 s25, s10;
	v7 =	vld [tilespmem:s26+$0x0];
	s28 =	sadd.s32 s8, s13  }
0x46d: {  	s30 =	sor.u32 $0x10, s8;
	s29 =	sadd.s32 s8, s7;
	v9 =	vadd.f32 v5, v4;
	v5 =	vld [tilespmem:s28+$0x0]  }
0x46e: {  	v12 =	vimm.f32 $0.0e+00;
	s17 =	simm.s32 $0x80;
	s31 =	sadd.s32 s30, s13;
	v11 =	vadd.f32 v10, v8;
	v8 =	vld [tilespmem:s29+$0x0]  }
0x46f: {  	s16 =	simm.s32 $0x4;
	s3 =	sor.u32 $0x20, s8;
	s18 =	sadd.s32 s30, s7;
	v4 =	vld [tilespmem:s31+$0x0];
	v10 =	vadd.f32 v15, v14;
	v14 =	vimm.f32 $0.0e+00;
	v13 =	vmul.f32 v9, v9  }
.LBB2_39:
0x470: {  	s16 =	sadd.s32 $0x4, s16;
	s0 =	sand.u32 $0x40, s17  }
0x471: {  	v15 =	vld [tilespmem:s18+$0x0];
	s6 =	sadd.s32 s3, s13;
	v9 =	vadd.f32 v9, v12;
	v12 =	vadd.f32 v13, v14;
	v13 =	vmul.f32 v11, v11;
	s3 =	sadd.s32 s3, s7;
	s12 =	sshll.u32 s16, $0x7  }
0x472: {  	v16 =	vld [tilespmem:s6+$0x0];
	s6 =	sor.u32 $0x30, s8;
	v14 =	vadd.f32 v7, v6;
	p0 =	slt.u32 s16, $0x2C;
	s8 =	sand.u32 $0x3FFFFC00, s12  }
0x473: {  	s12 =	sshll.u32 s16, $0x6;
	v17 =	vld [tilespmem:s3+$0x0];
	s3 =	sadd.s32 s6, s13;
	v11 =	vadd.f32 v11, v9;
	v12 =	vadd.f32 v13, v12;
	v13 =	vmul.f32 v10, v10;
	s13 =	sadd.s32 s8, s5  }
.Ltmp19:
0x474: {  	s8 =	sand.u32 $0x3FFFFE00, s12;
	v9 =	vadd.f32 v8, v5;
	v6 =	vld [tilespmem:s3+$0x0];
	s3 =	sadd.s32 s6, s7;
	(pc) =	sbr.rel @p0 .LBB2_39-.Ltmp19, $4  }
0x475: {  	v19 =	vmul.f32 v14, v14;
	s6 =	sadd.s32 s0, s13;
	s7 =	sadd.s32 s8, s10;
	v7 =	vld [tilespmem:s3+$0x0];
	v10 =	vadd.f32 v10, v11;
	v18 =	vadd.f32 v13, v12  }
0x476: {  	s8 =	smov.u32 s0;
	v5 =	vld [tilespmem:s6+$0x0];
	s3 =	sadd.s32 s0, s7;
	s6 =	sor.u32 $0x10, s0;
	v11 =	vadd.f32 v15, v4  }
0x477: {  	v13 =	vmul.f32 v9, v9;
	v8 =	vld [tilespmem:s3+$0x0];
	s0 =	sadd.s32 s6, s13;
	v12 =	vadd.f32 v14, v10;
	v14 =	vadd.f32 v19, v18  }
0x478: {  	s17 =	sadd.s32 $0x40, s17;
	s18 =	sadd.s32 s6, s7;
	s3 =	sor.u32 $0x20, s8;
	v4 =	vld [tilespmem:s0+$0x0];
	v10 =	vadd.f32 v17, v16  }
0x479: {  	v9 =	vadd.f32 v9, v12  }
0x47a: {  	v48 =	vadd.f32 v13, v14;
	v49 =	vmul.f32 v11, v11  }
0x47b: {  	v50 =	vld [tilespmem:s18+$0x0];
	s0 =	sadd.s32 s3, s13;
	v9 =	vadd.f32 v11, v9  }
0x47c: {  	s28 =	sadd.s32 s3, s7;
	s29 =	sor.u32 $0x30, s8;
	v51 =	vld [tilespmem:s0+$0x0];
	v6 =	vadd.f32 v7, v6;
	v53 =	vmul.f32 v10, v10;
	v52 =	vadd.f32 v49, v48  }
0x47d: {  	v54 =	vld [tilespmem:s28+$0x0];
	s30 =	sadd.s32 s29, s13;
	v9 =	vadd.f32 v10, v9  }
0x47e: {  	s31 =	sadd.s32 s29, s7;
	v55 =	vld [tilespmem:s30+$0x0];
	v5 =	vadd.f32 v8, v5;
	v56 =	vmul.f32 v6, v6;
	v7 =	vadd.f32 v53, v52  }
0x47f: {  	v57 =	vld [tilespmem:s31+$0x0];
	v6 =	vadd.f32 v6, v9  }
0x480: {  	v4 =	vadd.f32 v50, v4;
	v58 =	vmul.f32 v5, v5;
	v7 =	vadd.f32 v56, v7  }
0x481: {  	v5 =	vadd.f32 v5, v6  }
0x482: {  	v59 =	vadd.f32 v54, v51;
	v60 =	vmul.f32 v4, v4;
	v7 =	vadd.f32 v58, v7  }
0x483: {  	v4 =	vadd.f32 v4, v5  }
0x484: {  	s2 =	sadd.s32 $0x1, s2;
	v61 =	vmul.f32 v59, v59;
	v5 =	vadd.f32 v57, v55;
	v7 =	vadd.f32 v60, v7  }
0x485: {  	p0 =	sne.s32 s2, $0x20;
	v4 =	vadd.f32 v59, v4  }
.Ltmp20:
0x486: {  	v62 =	vadd.f32 v61, v7;
	v63 =	vmul.f32 v5, v5;
	(pc) =	sbr.rel @p0 .LBB2_38-.Ltmp20, $4  }
0x487: {  	v4 =	vadd.f32 v5, v4  }
0x488: {  	v5 =	vadd.f32 v63, v62  }
0x489: {  	[tilespmem:s4+$0x1D200] =	vst v4  }
0x48a: {  	[tilespmem:s4+$0x1E200] =	vst v5  }
0x48b: {  	s15 =	simm.s32 $0x0;
	p0 =	por $0x1, $0x1;
	s16 =	simm.s32 $0x0  }
.LBB2_42:
0x48c: {  	v4 =	vmov s16  }
0x48d: {  	v4 =	vshll.u32 v4, $0x7  }
0x48e: {  	v4 =	vor.u32 v3, v4;
	_ =	sdelay $0x1  }
0x48f: {  	v5 =	vor.u32 $0x1, v4;
	_ =	sdelay $0x1  }
0x490: {  	v6 =	vor.u32 $0x2, v4  }
0x491: {  	v7 =	vld.idx.msk [tilespmem:v4+s21+$0x0], $0xffff  }
0x492: {  	v9 =	vor.u32 $0x3, v4;
	v8 =	vld.idx.msk [tilespmem:v4+s22+$0x0], $0xffff  }
0x493: {  	v10 =	vld.idx.msk [tilespmem:v5+s21+$0x0], $0xffff  }
0x494: {  	v11 =	vor.u32 $0x4, v4;
	v5 =	vld.idx.msk [tilespmem:v5+s22+$0x0], $0xffff  }
0x495: {  	v12 =	vld.idx.msk [tilespmem:v6+s21+$0x0], $0xffff  }
0x496: {  	v13 =	vor.u32 $0x5, v4;
	v6 =	vld.idx.msk [tilespmem:v6+s22+$0x0], $0xffff;
	v7 =	vadd.f32 $0.0e+00, v7  }
0x497: {  	v14 =	vld.idx.msk [tilespmem:v9+s21+$0x0], $0xffff  }
0x498: {  	v30 =	vor.u32 $0x6, v4;
	v9 =	vld.idx.msk [tilespmem:v9+s22+$0x0], $0xffff;
	v8 =	vadd.f32 $0.0e+00, v8;
	v7 =	vadd.f32 v10, v7  }
0x499: {  	v15 =	vld.idx.msk [tilespmem:v11+s21+$0x0], $0xffff  }
0x49a: {  	v32 =	vor.u32 $0x7, v4;
	v31 =	vld.idx.msk [tilespmem:v11+s22+$0x0], $0xffff;
	v5 =	vadd.f32 v5, v8;
	v7 =	vadd.f32 v12, v7  }
0x49b: {  	v33 =	vld.idx.msk [tilespmem:v13+s21+$0x0], $0xffff  }
0x49c: {  	v36 =	vor.u32 $0x8, v4;
	v35 =	vld.idx.msk [tilespmem:v13+s22+$0x0], $0xffff;
	v5 =	vadd.f32 v6, v5;
	v34 =	vadd.f32 v14, v7  }
0x49d: {  	v37 =	vld.idx.msk [tilespmem:v30+s21+$0x0], $0xffff  }
0x49e: {  	v39 =	vor.u32 $0x9, v4;
	v38 =	vld.idx.msk [tilespmem:v30+s22+$0x0], $0xffff;
	v5 =	vadd.f32 v9, v5;
	v6 =	vadd.f32 v15, v34  }
0x49f: {  	v40 =	vld.idx.msk [tilespmem:v32+s21+$0x0], $0xffff  }
0x4a0: {  	v42 =	vor.u32 $0xA, v4;
	v41 =	vld.idx.msk [tilespmem:v32+s22+$0x0], $0xffff;
	v5 =	vadd.f32 v31, v5;
	v6 =	vadd.f32 v33, v6  }
0x4a1: {  	v43 =	vld.idx.msk [tilespmem:v36+s21+$0x0], $0xffff  }
0x4a2: {  	v45 =	vor.u32 $0xB, v4;
	v44 =	vld.idx.msk [tilespmem:v36+s22+$0x0], $0xffff;
	v5 =	vadd.f32 v35, v5;
	v6 =	vadd.f32 v37, v6  }
0x4a3: {  	v46 =	vld.idx.msk [tilespmem:v39+s21+$0x0], $0xffff  }
0x4a4: {  	v48 =	vor.u32 $0xC, v4;
	v47 =	vld.idx.msk [tilespmem:v39+s22+$0x0], $0xffff;
	v5 =	vadd.f32 v38, v5;
	v6 =	vadd.f32 v40, v6  }
0x4a5: {  	v49 =	vld.idx.msk [tilespmem:v42+s21+$0x0], $0xffff  }
0x4a6: {  	v51 =	vor.u32 $0xD, v4;
	v50 =	vld.idx.msk [tilespmem:v42+s22+$0x0], $0xffff;
	v5 =	vadd.f32 v41, v5;
	v6 =	vadd.f32 v43, v6  }
0x4a7: {  	v52 =	vld.idx.msk [tilespmem:v45+s21+$0x0], $0xffff  }
0x4a8: {  	v54 =	vor.u32 $0xE, v4;
	v53 =	vld.idx.msk [tilespmem:v45+s22+$0x0], $0xffff;
	v5 =	vadd.f32 v44, v5;
	v6 =	vadd.f32 v46, v6  }
0x4a9: {  	v55 =	vld.idx.msk [tilespmem:v48+s21+$0x0], $0xffff  }
0x4aa: {  	v4 =	vor.u32 $0xF, v4;
	v56 =	vld.idx.msk [tilespmem:v48+s22+$0x0], $0xffff;
	v5 =	vadd.f32 v47, v5;
	v6 =	vadd.f32 v49, v6  }
0x4ab: {  	v57 =	vld.idx.msk [tilespmem:v51+s21+$0x0], $0xffff  }
0x4ac: {  	v58 =	vld.idx.msk [tilespmem:v51+s22+$0x0], $0xffff;
	v5 =	vadd.f32 v50, v5;
	v6 =	vadd.f32 v52, v6  }
0x4ad: {  	v59 =	vld.idx.msk [tilespmem:v54+s21+$0x0], $0xffff  }
0x4ae: {  	v60 =	vld.idx.msk [tilespmem:v54+s22+$0x0], $0xffff;
	v5 =	vadd.f32 v53, v5;
	v6 =	vadd.f32 v55, v6  }
0x4af: {  	v61 =	vld.idx.msk [tilespmem:v4+s21+$0x0], $0xffff  }
0x4b0: {  	v5 =	vadd.f32 v56, v5;
	v6 =	vadd.f32 v57, v6  }
0x4b1: {  	v4 =	vld.idx.msk [tilespmem:v4+s22+$0x0], $0xffff  }
0x4b2: {  	v5 =	vadd.f32 v58, v5;
	v6 =	vadd.f32 v59, v6;
	_ =	sdelay $0x1  }
0x4b3: {  	v5 =	vadd.f32 v60, v5;
	v6 =	vadd.f32 v61, v6;
	_ =	sdelay $0x1  }
0x4b4: {  	v4 =	vadd.f32 v4, v5;
	v5 =	vmul.f32 $1.302083370e-03, v6;
	_ =	sdelay $0x1  }
0x4b5: {  	v4 =	vmul.f32 $1.302083370e-03, v4;
	v6 =	vmul.f32 v5, v5;
	_ =	sdelay $0x1  }
0x4b6: {  	v4 =	vsub.f32 v4, v6;
	_ =	sdelay $0x1  }
0x4b7: {  	v4 =	vadd.f32 $9.999999960e-13, v4;
	_ =	sdelay $0x1  }
0x4b8: {  	v62 =	vshrl.u32 v4, $0x1;
	v4 =	vmul.f32 $5.000000000e-01, v4  }
0x4b9: {  	v6 =	vsub.s32 $0x5F3759DF, v62  }
0x4ba: {  	v63 =	vmul.f32 v6, v4;
	_ =	sdelay $0x1  }
0x4bb: {  	v7 =	vmul.f32 v6, v63;
	_ =	sdelay $0x1  }
0x4bc: {  	v7 =	vsub.f32 $1.500000000e+00, v7;
	_ =	sdelay $0x1  }
0x4bd: {  	v6 =	vmul.f32 v6, v7;
	_ =	sdelay $0x1  }
0x4be: {  	v7 =	vmul.f32 v6, v4;
	_ =	sdelay $0x1  }
0x4bf: {  	v7 =	vmul.f32 v7, v6;
	_ =	sdelay $0x1  }
0x4c0: {  	v7 =	vsub.f32 $1.500000000e+00, v7;
	_ =	sdelay $0x1  }
0x4c1: {  	v6 =	vmul.f32 v7, v6;
	_ =	sdelay $0x1  }
0x4c2: {  	v4 =	vmul.f32 v6, v4;
	_ =	sdelay $0x1  }
0x4c3: {  	v4 =	vmul.f32 v4, v6;
	_ =	sdelay $0x1  }
0x4c4: {  	v4 =	vsub.f32 $1.500000000e+00, v4;
	_ =	sdelay $0x1  }
0x4c5: {  	v4 =	vmul.f32 v4, v6;
	_ =	sdelay $0x1  }
0x4c6: {  	v5 =	vmul.f32 v4, v5;
	_ =	sdelay $0x1  }
0x4c7: {  	v5 =	vsub.f32 $0.0e+00, v5  }
0x4c8: {  	(v2sf) =	vpush v4, $0x0  }
0x4c9: {  	(v2sf) =	vpush v5, $0x0  }
0x4ca: {  	(v2sf) =	vpush v4, $0x1  }
0x4cb: {  	(v2sf) =	vpush v5, $0x1  }
0x4cc: {  	(v2sf) =	vpush v4, $0x2  }
0x4cd: {  	(v2sf) =	vpush v5, $0x2  }
0x4ce: {  	(v2sf) =	vpush v4, $0x3  }
0x4cf: {  	(v2sf) =	vpush v5, $0x3  }
0x4d0: {  	(v2sf) =	vpush v4, $0x4  }
0x4d1: {  	(v2sf) =	vpush v5, $0x4  }
0x4d2: {  	(v2sf) =	vpush v4, $0x5  }
0x4d3: {  	(v2sf) =	vpush v5, $0x5  }
0x4d4: {  	(v2sf) =	vpush v4, $0x6  }
0x4d5: {  	(v2sf) =	vpush v5, $0x6  }
0x4d6: {  	(v2sf) =	vpush v4, $0x7  }
0x4d7: {  	s0 =	spop (v2sf);
	(v2sf) =	vpush v5, $0x7  }
0x4d8: {  	s2 =	sadd.s32 $0x80, s16;
	[smem:s16] =	sst s0;
	s24 =	spop (v2sf);
	(v2sf) =	vpush v4, $0x8  }
0x4d9: {  	s26 =	sor.u32 $0x1, s16;
	[smem:s2] =	sst s24;
	s25 =	spop (v2sf);
	(v2sf) =	vpush v5, $0x8  }
0x4da: {  	s29 =	sadd.s32 $0x81, s16;
	[smem:s26] =	sst s25;
	s28 =	spop (v2sf);
	(v2sf) =	vpush v4, $0x9  }
0x4db: {  	s31 =	sor.u32 $0x2, s16;
	[smem:s29] =	sst s28;
	s30 =	spop (v2sf);
	(v2sf) =	vpush v5, $0x9  }
0x4dc: {  	s4 =	sadd.s32 $0x82, s16;
	[smem:s31] =	sst s30;
	s3 =	spop (v2sf);
	(v2sf) =	vpush v4, $0xA  }
0x4dd: {  	s6 =	sor.u32 $0x3, s16;
	[smem:s4] =	sst s3;
	s5 =	spop (v2sf);
	(v2sf) =	vpush v5, $0xA  }
0x4de: {  	s8 =	sadd.s32 $0x83, s16;
	[smem:s6] =	sst s5;
	s7 =	spop (v2sf);
	(v2sf) =	vpush v4, $0xB  }
0x4df: {  	s13 =	sor.u32 $0x4, s16;
	[smem:s8] =	sst s7;
	s12 =	spop (v2sf);
	(v2sf) =	vpush v5, $0xB  }
0x4e0: {  	s18 =	sadd.s32 $0x84, s16;
	[smem:s13] =	sst s12;
	s17 =	spop (v2sf);
	(v2sf) =	vpush v4, $0xC  }
0x4e1: {  	s24 =	sor.u32 $0x5, s16;
	[smem:s18] =	sst s17;
	s23 =	spop (v2sf);
	(v2sf) =	vpush v5, $0xC  }
0x4e2: {  	s26 =	sadd.s32 $0x85, s16;
	[smem:s24] =	sst s23;
	s25 =	spop (v2sf);
	(v2sf) =	vpush v4, $0xD  }
0x4e3: {  	s29 =	sor.u32 $0x6, s16;
	[smem:s26] =	sst s25;
	s28 =	spop (v2sf);
	(v2sf) =	vpush v5, $0xD  }
0x4e4: {  	s31 =	sadd.s32 $0x86, s16;
	[smem:s29] =	sst s28;
	s30 =	spop (v2sf)  }
0x4e5: {  	s4 =	sor.u32 $0x7, s16;
	(v2sf) =	vpush v4, $0xE;
	[smem:s31] =	sst s30;
	s3 =	spop (v2sf)  }
0x4e6: {  	s6 =	sadd.s32 $0x87, s16;
	(v2sf) =	vpush v5, $0xE;
	[smem:s4] =	sst s3;
	s5 =	spop (v2sf)  }
0x4e7: {  	s8 =	sor.u32 $0x8, s16;
	(v2sf) =	vpush v4, $0xF;
	[smem:s6] =	sst s5;
	s7 =	spop (v2sf)  }
0x4e8: {  	s13 =	sadd.s32 $0x88, s16;
	(v2sf) =	vpush v5, $0xF;
	[smem:s8] =	sst s7;
	s12 =	spop (v2sf)  }
0x4e9: {  	s18 =	sor.u32 $0x9, s16;
	[smem:s13] =	sst s12;
	s17 =	spop (v2sf)  }
0x4ea: {  	s24 =	sadd.s32 $0x89, s16;
	[smem:s18] =	sst s17;
	s23 =	spop (v2sf)  }
0x4eb: {  	s26 =	sor.u32 $0xA, s16;
	[smem:s24] =	sst s23;
	s25 =	spop (v2sf)  }
0x4ec: {  	s29 =	sadd.s32 $0x8A, s16;
	[smem:s26] =	sst s25;
	s28 =	spop (v2sf)  }
0x4ed: {  	s31 =	sor.u32 $0xB, s16;
	[smem:s29] =	sst s28;
	s30 =	spop (v2sf)  }
0x4ee: {  	s4 =	sadd.s32 $0x8B, s16;
	[smem:s31] =	sst s30;
	s3 =	spop (v2sf)  }
0x4ef: {  	s6 =	sor.u32 $0xC, s16;
	[smem:s4] =	sst s3;
	s5 =	spop (v2sf)  }
0x4f0: {  	s8 =	sadd.s32 $0x8C, s16;
	[smem:s6] =	sst s5;
	s7 =	spop (v2sf)  }
0x4f1: {  	s13 =	sor.u32 $0xD, s16;
	[smem:s8] =	sst s7;
	s12 =	spop (v2sf)  }
0x4f2: {  	s18 =	sadd.s32 $0x8D, s16;
	[smem:s13] =	sst s12;
	s17 =	spop (v2sf)  }
0x4f3: {  	p1 =	por p0, p0;
	[smem:s18] =	sst s17  }
.Ltmp21:
0x4f4: {  	s24 =	sor.u32 $0xE, s16;
	s23 =	spop (v2sf);
	(pc) =	sbr.rel @p1 .LBB2_42-.Ltmp21, $4  }
0x4f5: {  	s26 =	sadd.s32 $0x8E, s16;
	[smem:s24] =	sst s23;
	s25 =	spop (v2sf)  }
0x4f6: {  	s29 =	sor.u32 $0xF, s16;
	[smem:s26] =	sst s25;
	s28 =	spop (v2sf)  }
0x4f7: {  	s31 =	sadd.s32 $0x8F, s16;
	[smem:s29] =	sst s28;
	s30 =	spop (v2sf)  }
0x4f8: {  	p0 =	por $0x0, $0x0;
	s16 =	simm.s32 $0x10;
	[smem:s31] =	sst s30  }
.LBB2_43:
0x4f9: {  	s0 =	sshll.u32 s15, $0x4;
	s2 =	sshll.u32 s15, $0x6  }
0x4fa: {  	s4 =	simm.s32 $0x0;
	s3 =	sand.u32 $0x70, s0;
	s2 =	sand.u32 $0x3FFFFE00, s2  }
0x4fb: {  	s5 =	sshll.u32 s15, $0x7;
	s4 =	smul.u32 $0x6000, s4;
	s2 =	sadd.s32 s2, s10;
	v4 =	vmov s3  }
0x4fc: {  	s29 =	sand.u32 $0x3FFFFC00, s5;
	s2 =	sadd.s32 s3, s2  }
0x4fd: {  	s31 =	simm.s32 $0x0;
	s4 =	sshra.s32 s4, $0x2;
	v7 =	vld [tilespmem:s2+$0x0];
	s2 =	sadd.s32 $0x16000, s29  }
0x4fe: {  	s3 =	sand.u32 $0x200, s31;
	s4 =	sadd.s32 s4, s2  }
0x4ff: {  	v6 =	vld [tilespmem:s0+$0x1CC00];
	s29 =	sadd.s32 s3, s4  }
0x500: {  	s5 =	simm.s32 $0x80;
	v8 =	vld.idx.msk [tilespmem:v4+s29+$0x180 ss:$0x1], $0xffff  }
0x501: {  	s6 =	simm.s32 $0x100;
	v5 =	vld [tilespmem:s0+$0x1CF00];
	s0 =	sand.u32 $0x280, s5  }
0x502: {  	s7 =	sand.u32 $0x300, s6;
	s16 =	sadd.s32 s0, s4;
	v9 =	vld.idx.msk [tilespmem:v4+s29+$0x0 ss:$0x1], $0xffff  }
0x503: {  	s8 =	simm.s32 $0x0;
	s4 =	sadd.s32 s7, s4;
	v10 =	vld.idx.msk [tilespmem:v4+s16+$0x0 ss:$0x1], $0xffff  }
0x504: {  	s12 =	smul.u32 $0x6000, s8;
	v11 =	vld.idx.msk [tilespmem:v4+s4+$0x0 ss:$0x1], $0xffff;
	s13 =	sld [smem:$0x3]  }
0x505: {  	s6 =	sld [smem:$0x0];
	v8 =	vadd.f32 v8, v7  }
0x506: {  	s18 =	simm.s32 $0x200;
	s0 =	sshra.s32 s12, $0x2;
	s8 =	sld [smem:$0x83]  }
0x507: {  	s5 =	sand.u32 $0x200, s18;
	s0 =	sadd.s32 s0, s2;
	v8 =	vmul.f32 s13, v8  }
0x508: {  	s23 =	simm.s32 $0x280;
	s17 =	sadd.s32 s5, s0  }
0x509: {  	s24 =	simm.s32 $0x300;
	s5 =	sand.u32 $0x280, s23;
	v12 =	vld.idx.msk [tilespmem:v4+s17+$0x180 ss:$0x1], $0xffff;
	s12 =	sld [smem:$0x1];
	v8 =	vadd.f32 s8, v8  }
0x50a: {  	s3 =	sand.u32 $0x300, s24;
	s7 =	sadd.s32 s5, s0;
	v13 =	vld.idx.msk [tilespmem:v4+s17+$0x0 ss:$0x1], $0xffff;
	s5 =	sld [smem:$0x2]  }
0x50b: {  	s23 =	sadd.s32 s3, s0;
	v14 =	vld.idx.msk [tilespmem:v4+s7+$0x0 ss:$0x1], $0xffff;
	s0 =	sld [smem:$0x80];
	v9 =	vadd.f32 v9, v7;
	v8 =	vmul.f32 v8, v6  }
0x50c: {  	s25 =	simm.s32 $0x1;
	v15 =	vld.idx.msk [tilespmem:v4+s23+$0x0 ss:$0x1], $0xffff;
	v10 =	vadd.f32 v10, v7;
	s3 =	sld [smem:$0x81]  }
0x50d: {  	v11 =	vadd.f32 v11, v7;
	s18 =	sld [smem:$0x82];
	v9 =	vmul.f32 s6, v9;
	s8 =	smul.u32 $0x6000, s25;
	v8 =	vadd.f32 v8, v5  }
0x50e: {  	v10 =	vmul.f32 s12, v10;
	s24 =	sld [smem:$0x7]  }
0x50f: {  	v11 =	vmul.f32 s5, v11;
	v12 =	vadd.f32 v12, v7;
	s31 =	sld [smem:$0x4];
	s25 =	simm.s32 $0x400;
	v9 =	vadd.f32 s0, v9;
	s8 =	sshra.s32 s8, $0x2;
	[tilespmem:v4+s29+$0x180 ss:$0x1] =	vst.idx.msk $0xffff, v8  }
0x510: {  	v10 =	vadd.f32 s3, v10;
	s26 =	sand.u32 $0x200, s25;
	s8 =	sadd.s32 s8, s2;
	s12 =	sld [smem:$0x87]  }
0x511: {  	s6 =	simm.s32 $0x480;
	v17 =	vadd.f32 s18, v11;
	v16 =	vmul.f32 v9, v6;
	v12 =	vmul.f32 s24, v12;
	s13 =	sadd.s32 s26, s8  }
0x512: {  	v13 =	vadd.f32 v13, v7;
	s0 =	sand.u32 $0x280, s6;
	v11 =	vadd.f32 v14, v7;
	s18 =	simm.s32 $0x8;
	v14 =	vmul.f32 v10, v6;
	v8 =	vld.idx.msk [tilespmem:v4+s13+$0x180 ss:$0x1], $0xffff  }
0x513: {  	s24 =	simm.s32 $0x500;
	v17 =	vmul.f32 v17, v6;
	s28 =	sadd.s32 s0, s8;
	v19 =	vadd.f32 v16, v5;
	s3 =	sld [smem:$0x5];
	v9 =	vld.idx.msk [tilespmem:v4+s13+$0x0 ss:$0x1], $0xffff;
	v18 =	vadd.f32 s12, v12  }
0x514: {  	v15 =	vadd.f32 v15, v7;
	s0 =	sand.u32 $0x300, s24;
	v14 =	vadd.f32 v14, v5;
	s24 =	simm.s32 $0x6;
	s26 =	sld [smem:$0x6];
	v10 =	vld.idx.msk [tilespmem:v4+s28+$0x0 ss:$0x1], $0xffff  }
0x515: {  	s5 =	sadd.s32 s0, s8;
	s8 =	simm.s32 $0x86;
	s30 =	sld [smem:$0x84];
	v12 =	vmul.f32 s31, v13;
	v13 =	vadd.f32 v17, v5;
	[tilespmem:v4+s29+$0x0 ss:$0x1] =	vst.idx.msk $0xffff, v19;
	v16 =	vmul.f32 v18, v6  }
.LBB2_44:
0x516: {  	s18 =	sadd.s32 $0x4, s18;
	s0 =	sld [smem:s8+$0xFFFFFFFF]  }
0x517: {  	v17 =	vld.idx.msk [tilespmem:v4+s5+$0x0 ss:$0x1], $0xffff;
	v11 =	vmul.f32 s3, v11;
	[tilespmem:v4+s16+$0x0 ss:$0x1] =	vst.idx.msk $0xffff, v14;
	s16 =	smov.u32 s7;
	s7 =	smov.u32 s28;
	s24 =	sadd.s32 $0x4, s24  }
0x518: {  	s25 =	sadd.s32 $0x200, s25;
	s3 =	sshrl.u32 s18, $0x3;
	s6 =	sld [smem:s8+$0x0];
	v14 =	vmul.f32 s26, v15;
	v15 =	vadd.f32 v16, v5;
	[tilespmem:v4+s4+$0x0 ss:$0x1] =	vst.idx.msk $0xffff, v13  }
0x519: {  	p0 =	slt.u32 s18, $0x1C;
	s3 =	smul.u32 $0x6000, s3;
	s12 =	sld [smem:s24+$0x1];
	v12 =	vadd.f32 s30, v12  }
0x51a: {  	s8 =	sadd.s32 $0x4, s8;
	s4 =	smov.u32 s23;
	v8 =	vadd.f32 v8, v7;
	s26 =	sld [smem:s24+$0xFFFFFFFE];
	v13 =	vadd.f32 s0, v11;
	[tilespmem:v4+s17+$0x180 ss:$0x1] =	vst.idx.msk $0xffff, v15  }
0x51b: {  	v9 =	vadd.f32 v9, v7;
	s0 =	sshra.s32 s3, $0x2;
	s23 =	sld [smem:s8+$0x1];
	v16 =	vmul.f32 v12, v6;
	v14 =	vadd.f32 s6, v14;
	s3 =	sand.u32 $0x200, s25  }
.Ltmp22:
0x51c: {  	s6 =	sadd.s32 $0x80, s25;
	v11 =	vadd.f32 v10, v7;
	s0 =	sadd.s32 s0, s2;
	v10 =	vmul.f32 s12, v8;
	v13 =	vmul.f32 v13, v6;
	(pc) =	sbr.rel @p0 .LBB2_44-.Ltmp22, $4  }
0x51d: {  	v15 =	vadd.f32 v17, v7;
	s12 =	sadd.s32 s3, s0;
	s3 =	sand.u32 $0x280, s6;
	s6 =	sadd.s32 $0x100, s25;
	v12 =	vmul.f32 s26, v9;
	v17 =	vmul.f32 v14, v6  }
0x51e: {  	v19 =	vadd.f32 v16, v5;
	s28 =	sadd.s32 s3, s0;
	s6 =	sand.u32 $0x300, s6;
	v8 =	vld.idx.msk [tilespmem:v4+s12+$0x180 ss:$0x1], $0xffff;
	s3 =	sld [smem:s24+$0xFFFFFFFF];
	v18 =	vadd.f32 s23, v10  }
0x51f: {  	v14 =	vadd.f32 v13, v5;
	s23 =	smov.u32 s5;
	v9 =	vld.idx.msk [tilespmem:v4+s12+$0x0 ss:$0x1], $0xffff;
	s26 =	sld [smem:s24+$0x0];
	v13 =	vadd.f32 v17, v5;
	s5 =	sadd.s32 s6, s0  }
0x520: {  	v10 =	vld.idx.msk [tilespmem:v4+s28+$0x0 ss:$0x1], $0xffff;
	s30 =	sld [smem:s8+$0xFFFFFFFE];
	v16 =	vmul.f32 v18, v6;
	[tilespmem:v4+s17+$0x0 ss:$0x1] =	vst.idx.msk $0xffff, v19;
	s17 =	smov.u32 s13;
	s13 =	smov.u32 s12  }
0x521: {  	_ = 	snop  }
0x522: {  	s0 =	sld [smem:s8+$0xFFFFFFFF]  }
0x523: {  	s2 =	sld [smem:s8+$0x0];
	s6 =	sadd.s32 $0x4, s24  }
0x524: {  	s18 =	sld [smem:s6+$0x1]  }
0x525: {  	v11 =	vmul.f32 s3, v11;
	v17 =	vld.idx.msk [tilespmem:v4+s5+$0x0 ss:$0x1], $0xffff;
	s24 =	sadd.s32 $0x4, s8;
	s12 =	sld [smem:s6+$0xFFFFFFFE]  }
0x526: {  	v15 =	vmul.f32 s26, v15;
	s25 =	sld [smem:s24+$0x1];
	v16 =	vadd.f32 v16, v5;
	v12 =	vadd.f32 s30, v12  }
0x527: {  	s26 =	sld [smem:s6+$0xFFFFFFFF];
	v8 =	vadd.f32 v8, v7;
	v11 =	vadd.f32 s0, v11  }
0x528: {  	s6 =	sld [smem:s6+$0x0];
	v15 =	vadd.f32 s2, v15;
	v9 =	vadd.f32 v9, v7  }
0x529: {  	s29 =	sld [smem:s24+$0xFFFFFFFE];
	v12 =	vmul.f32 v12, v6;
	v10 =	vadd.f32 v10, v7;
	v8 =	vmul.f32 s18, v8  }
0x52a: {  	s30 =	sld [smem:s24+$0xFFFFFFFF];
	v11 =	vmul.f32 v11, v6;
	v9 =	vmul.f32 s12, v9;
	v58 =	vadd.f32 v17, v7  }
0x52b: {  	[tilespmem:v4+s16+$0x0 ss:$0x1] =	vst.idx.msk $0xffff, v14;
	s31 =	sld [smem:s24+$0x0];
	v59 =	vmul.f32 v15, v6;
	v8 =	vadd.f32 s25, v8;
	v10 =	vmul.f32 s26, v10  }
0x52c: {  	[tilespmem:v4+s4+$0x0 ss:$0x1] =	vst.idx.msk $0xffff, v13;
	v12 =	vadd.f32 v12, v5;
	v7 =	vmul.f32 s6, v58;
	v9 =	vadd.f32 s29, v9  }
0x52d: {  	[tilespmem:v4+s17+$0x180 ss:$0x1] =	vst.idx.msk $0xffff, v16;
	v11 =	vadd.f32 v11, v5;
	v8 =	vmul.f32 v8, v6;
	v10 =	vadd.f32 s30, v10  }
0x52e: {  	s15 =	sadd.s32 $0x1, s15;
	v60 =	vadd.f32 v59, v5;
	[tilespmem:v4+s17+$0x0 ss:$0x1] =	vst.idx.msk $0xffff, v12;
	v9 =	vmul.f32 v9, v6;
	v7 =	vadd.f32 s31, v7  }
0x52f: {  	p0 =	sne.s32 s15, $0x30;
	[tilespmem:v4+s7+$0x0 ss:$0x1] =	vst.idx.msk $0xffff, v11;
	v8 =	vadd.f32 v8, v5;
	v10 =	vmul.f32 v10, v6  }
.Ltmp23:
0x530: {  	[tilespmem:v4+s23+$0x0 ss:$0x1] =	vst.idx.msk $0xffff, v60;
	v61 =	vmul.f32 v7, v6;
	v62 =	vadd.f32 v9, v5;
	(pc) =	sbr.rel @p0 .LBB2_43-.Ltmp23, $4  }
0x531: {  	[tilespmem:v4+s13+$0x180 ss:$0x1] =	vst.idx.msk $0xffff, v8;
	v63 =	vadd.f32 v10, v5  }
0x532: {  	v5 =	vadd.f32 v61, v5;
	[tilespmem:v4+s13+$0x0 ss:$0x1] =	vst.idx.msk $0xffff, v62  }
0x533: {  	[tilespmem:v4+s28+$0x0 ss:$0x1] =	vst.idx.msk $0xffff, v63  }
0x534: {  	[tilespmem:v4+s5+$0x0 ss:$0x1] =	vst.idx.msk $0xffff, v5  }
0x535: {  	s0 =	rddreg [dreg:$0x14]  }
0x536: {  	s0 =	sshll.u32 s0, $0x2  }
0x537: {  	s0 =	sand.u32 $0x7C, s0  }
0x538: {  	s0 =	smul.u32 $0xC0400, s0;
	_ =	sdelay $0x1  }
0x539: {  	s6 =	rddreg [dreg:$0x4];
	s0 =	sadd.s32 s11, s0  }
0x53a: {  	s2 =	simm.s32 $0x1800;
	s3 =	simm.s32 $0xC0400;
	s0 =	sshrl.u32 s0, $0x3  }
0x53b: {  	s31 =	simm.s32 $0x16000;
	s11 =	simm.s32 $0x7;
	s0 =	sadd.s32 s6, s0  }
0x53c: {  	[hbm4b:s0+s2] =	stream.strided.scatter [tilespmem:s31], [sflag:$0x8], $0x6000, s3, s2, $0x38;
	[tilespmem:$0x1FA00] =	vst v63  }
0x53d: {  	_ =	swait.ge [sflag:s11], $0x6000  }
0x53e: {  	s12 =	smin.u32 s14, $0x79;
	[sflag:s11] =	ssyncset.done $0x0  }
0x53f: {  	s0 =	sshll.u32 s12, $0x7;
	[sflag:s11] =	ssyncadd.s32 $0xFFFFA000  }
0x540: {  	v4 =	vld [tilespmem:s0+$0x300];
	_ =	sdelay $0x4  }
0x541: {  	v5 =	vshrl.u32 v4, $0x3  }
0x542: {  	v5 =	vmul.u32 $0x30, v5  }
0x543: {  	v4 =	vand.u32 $0x7, v4  }
0x544: {  	v4 =	vor.u32 v4, v5  }
0x545: {  	v5 =	vperm.xlane v4, v0;
	_ =	sdelay $0x1  }
0x546: {  	v5 =	vadd.s32 v1, v5;
	_ =	sdelay $0x3  }
0x547: {  	s13 =	simm.s32 $0x0;
	s14 =	simm.s32 $0x10000;
	v4 =	vperm.xlane v4, v2  }
0x548: {  	[tilespmem:s14], [sflag:$0x3] =	stream.indirect_vreg.gather [hbm4b:s1+s13], $0x80, v5, vm0, $0xb8;
	[tilespmem:$0x1FA00] =	vst v63  }
0x549: {  	s15 =	simm.s32 $0x10800;
	v4 =	vadd.s32 v1, v4  }
0x54a: {  	[tilespmem:s15], [sflag:$0x3] =	stream.indirect_vreg.gather [hbm4b:s19+s13], $0x80, v5, vm0, $0xb8;
	[tilespmem:$0x1FA00] =	vst v63  }
0x54b: {  	s16 =	simm.s32 $0x11000  }
0x54c: {  	[tilespmem:s16], [sflag:$0x3] =	stream.indirect_vreg.gather [hbm4b:s20+s13], $0x80, v5, vm0, $0xb8;
	[tilespmem:$0x1FA00] =	vst v63  }
0x54d: {  	s17 =	simm.s32 $0x11800  }
0x54e: {  	[tilespmem:s17], [sflag:$0x3] =	stream.indirect_vreg.gather [hbm4b:s1+s13], $0x80, v4, vm0, $0xb8;
	[tilespmem:$0x1FA00] =	vst v63  }
0x54f: {  	s18 =	simm.s32 $0x12000  }
0x550: {  	[tilespmem:s18], [sflag:$0x3] =	stream.indirect_vreg.gather [hbm4b:s19+s13], $0x80, v4, vm0, $0xb8;
	[tilespmem:$0x1FA00] =	vst v63  }
0x551: {  	s23 =	simm.s32 $0x12800  }
0x552: {  	[tilespmem:s23], [sflag:$0x3] =	stream.indirect_vreg.gather [hbm4b:s20+s13], $0x80, v4, vm0, $0xb8;
	[tilespmem:$0x1FA00] =	vst v63  }
0x553: {  	v4 =	vld [tilespmem:s0+$0x310];
	_ =	sdelay $0x4  }
0x554: {  	v5 =	vshrl.u32 v4, $0x3  }
0x555: {  	v5 =	vmul.u32 $0x30, v5  }
0x556: {  	v4 =	vand.u32 $0x7, v4  }
0x557: {  	v4 =	vor.u32 v4, v5  }
0x558: {  	v5 =	vperm.xlane v4, v0;
	_ =	sdelay $0x1  }
0x559: {  	v5 =	vadd.s32 v1, v5;
	_ =	sdelay $0x3  }
0x55a: {  	s24 =	simm.s32 $0x13000;
	v4 =	vperm.xlane v4, v2  }
0x55b: {  	[tilespmem:s24], [sflag:$0x3] =	stream.indirect_vreg.gather [hbm4b:s1+s13], $0x80, v5, vm0, $0xb8;
	[tilespmem:$0x1FA00] =	vst v63  }
0x55c: {  	s25 =	simm.s32 $0x13800;
	v4 =	vadd.s32 v1, v4  }
0x55d: {  	[tilespmem:s25], [sflag:$0x3] =	stream.indirect_vreg.gather [hbm4b:s19+s13], $0x80, v5, vm0, $0xb8;
	[tilespmem:$0x1FA00] =	vst v63  }
0x55e: {  	s26 =	simm.s32 $0x14000;
	s9 =	sadd.s32 $0x1, s9  }
0x55f: {  	[tilespmem:s26], [sflag:$0x3] =	stream.indirect_vreg.gather [hbm4b:s20+s13], $0x80, v5, vm0, $0xb8;
	[tilespmem:$0x1FA00] =	vst v63  }
0x560: {  	s28 =	simm.s32 $0x14800;
	p0 =	sne.s32 s9, $0x20  }
0x561: {  	[tilespmem:s28], [sflag:$0x3] =	stream.indirect_vreg.gather [hbm4b:s1+s13], $0x80, v4, vm0, $0xb8;
	[tilespmem:$0x1FA00] =	vst v63  }
.Ltmp24:
0x562: {  	_ = 	snop;
	(pc) =	sbr.rel @p0 .LBB2_10-.Ltmp24, $4  }
0x563: {  	s29 =	simm.s32 $0x15000  }
0x564: {  	[tilespmem:s29], [sflag:$0x3] =	stream.indirect_vreg.gather [hbm4b:s19+s13], $0x80, v4, vm0, $0xb8;
	[tilespmem:$0x1FA00] =	vst v63  }
0x565: {  	s30 =	simm.s32 $0x15800;
	s11 =	simm.s32 $0x0  }
0x566: {  	[tilespmem:s30], [sflag:$0x3] =	stream.indirect_vreg.gather [hbm4b:s20+s13], $0x80, v4, vm0, $0xb8;
	[tilespmem:$0x1FA00] =	vst v63  }
0x567: {  	s0 =	simm.s32 $0x8  }
0x568: {  	_ =	swait.ge [sflag:s0], $0x6000  }
0x569: {  	[sflag:s0] =	ssyncset.done $0x0  }
0x56a: {  	s28 =	simm.s32 $0x1;
	[sflag:s0] =	ssyncadd.s32 $0xFFFFA000  }
0x56b: {  	_ =	swait.ge [sflag:s28], $0x6000  }
0x56c: {  	[sflag:s28] =	ssyncset.done $0x0  }
0x56d: {  	s29 =	simm.s32 $0x2;
	[sflag:s28] =	ssyncadd.s32 $0xFFFFA000  }
0x56e: {  	_ =	swait.ge [sflag:s29], $0x6000  }
0x56f: {  	[sflag:s29] =	ssyncset.done $0x0  }
0x570: {  	s2 =	simm.s32 $0x3;
	[sflag:s29] =	ssyncadd.s32 $0xFFFFA000  }
0x571: {  	_ =	swait.ge [sflag:s2], $0x6000  }
0x572: {  	s3 =	rddreg [dreg:$0x13]  }
0x573: {  	s30 =	rddreg [dreg:$0x12];
	s3 =	sadd.s32 $0x1, s3  }
0x574: {  	p0 =	sne.s32 s3, s30  }
.Ltmp25:
0x575: {  	_ = 	snop;
	(pc) =	sbr.rel @p0 .LBB2_1-.Ltmp25, $3  }
0x576: {  	_ =	sdelay $0x1  }
0x577: {  	s5 =	simm.s32 $0x1F200;
	[sflag:s2] =	ssyncset.done $0x0  }
0x578: {  	s7 =	simm.s32 $0x9;
	s8 =	simm.s32 $0x1F600;
	[sflag:s2] =	ssyncadd.s32 $0xFFFFA000  }
0x579: {  	_ =	sfence.sel $0x180000  }
0x57a: {  	[bflag:$0x0] =	sbarrier.arrive $0xFFFF  }
0x57b: {  	_ =	strace $0x90000047  }
0x57c: {  	s0 =	stileid.u32;
	[bflag:$0x2] =	sbarrier.arrive $0xFFFF  }
0x57d: {  	p0 =	sne.s32 s0, $0x0;
	s0 =	rddreg [dreg:$0x5]  }
0x57e: {  	s0 =	sadd.s32 @!p0 $0x100000, s0  }
0x57f: {  	[sflag:s0] =	ssyncadd.tile.s32 @!p0 $0x1;
	_ =	shalt  }
.Lfunc_end2:
_tile_overlayer_lowered:
.L_overlay_start_2:
0x580: {  	(tag) =	ssettag $0x2  }
0x581: {  	s0 =	rddreg [dreg:$0x0];
	s2 =	stileid.u32  }
0x582: {  	s1 =	rddreg [dreg:$0x1];
	p0 =	sne.s32 s2, $0x0  }
0x583: {  	s3 =	rddreg [dreg:$0x2];
	[bflag:$0x3] =	sbarrier.arrive $0xFFFF;
	s2 =	simm.s32 @!p0 $0x1C09  }
0x584: {  	[timem:s3], [sflag:s2] =	dma.local @!p0 [hbm:s0], s1  }
0x585: {  	s0 =	simm.s32 @!p0 $0x9  }
0x586: {  	_ =	swait.ge @!p0 [sflag:s0], s1  }
0x587: {  	s1 =	ssub.s32 @!p0 $0x0, s1;
	[sflag:s0] =	ssyncset.done @!p0 $0x0  }
0x588: {  	[sflag:s0] =	ssyncadd.s32 @!p0 s1  }
0x589: {  	[bflag:$0x3] =	sbarrier.arrive $0xFFFF  }
0x58a: {  	_ =	shalt  }

</sc_bundles>
